<compile_context>
chip_gen: v7x
topology: tpu7x:2x2x1
jax: 0.10.2.dev20260603
libtpu: 0.0.44.dev20260713+nightly
codegen_flags: <defaults>
</compile_context>

<pallas_src>
import jax
import jax.numpy as jnp
from jax.experimental import pallas as pl
from jax.experimental.pallas import tpu as pltpu
from jax.experimental.pallas import tpu_sc as plsc

_EMBED = 16
_LANES = 128
_NUM_WORKERS = 32
_GROUP = 128
_BLK = 4096


def _sc_gather(table, idx):
    n = idx.shape[0]
    per = n // _NUM_WORKERS
    num_groups = per // _GROUP
    mesh = plsc.VectorSubcoreMesh(core_axis_name="core", subcore_axis_name="subcore")

    @pl.kernel(
        out_type=jax.ShapeDtypeStruct((n, _LANES), table.dtype),
        mesh=mesh,
        scratch_types=[
            pltpu.VMEM((per,), jnp.int32),
            pltpu.VMEM((_GROUP, _LANES), table.dtype),
            pltpu.SemaphoreType.DMA,
            pltpu.SemaphoreType.DMA,
        ],
    )
    def gather_kernel(x_hbm, i_hbm, o_hbm, idx_vmem, buf, sem_idx, sem_row):
        core = jax.lax.axis_index("core")
        sub = jax.lax.axis_index("subcore")
        base = (core * 16 + sub) * per
        pltpu.async_copy(i_hbm.at[pl.ds(base, per)], idx_vmem, sem_idx).wait()

        for g in range(num_groups):

            @pl.loop(0, _GROUP // 16)
            def _issue(c):
                v = idx_vmem[pl.ds(g * _GROUP + c * 16, 16)]
                for k in range(16):
                    pltpu.async_copy(
                        x_hbm.at[v[k]],
                        buf.at[c * 16 + k, pl.ds(0, _EMBED)],
                        sem_row,
                    )

            @pl.loop(0, _GROUP)
            def _drain(j):
                pltpu.make_async_copy(
                    x_hbm.at[0], buf.at[j, pl.ds(0, _EMBED)], sem_row
                ).wait()

            pltpu.async_copy(
                buf, o_hbm.at[pl.ds(base + g * _GROUP, _GROUP), :], sem_idx
            ).wait()

    return gather_kernel(table, idx)


def _tc_mlp(gh, ga, W1a, W1b, b1, W2, b2, W3, b3):
    batch = gh.shape[0]

    def body(gh_ref, ga_ref, w1a_ref, w1b_ref, b1_ref, w2_ref, b2_ref, w3_ref,
             b3_ref, o_ref):
        eh = gh_ref[:, : _EMBED]
        ea = ga_ref[:, : _EMBED]
        d = jnp.abs(eh - ea)
        p = eh * ea
        h = (
            jnp.dot(d, w1a_ref[...], preferred_element_type=jnp.float32)
            + jnp.dot(p, w1b_ref[...], preferred_element_type=jnp.float32)
            + b1_ref[...]
        )
        h = jnp.maximum(h, 0.0)
        h = jnp.dot(h, w2_ref[...], preferred_element_type=jnp.float32) + b2_ref[...]
        h = jnp.maximum(h, 0.0)
        o_ref[...] = (
            jnp.dot(h, w3_ref[...], preferred_element_type=jnp.float32) + b3_ref[...]
        )

    grid = (batch // _BLK,)
    row_spec = lambda w: pl.BlockSpec((_BLK, w), lambda i: (i, 0))
    full = lambda a: pl.BlockSpec(a.shape, lambda i: (0,) * a.ndim)
    return pl.pallas_call(
        body,
        grid=grid,
        in_specs=[
            row_spec(_LANES), row_spec(_LANES),
            full(W1a), full(W1b), full(b1), full(W2), full(b2), full(W3), full(b3),
        ],
        out_specs=pl.BlockSpec((_BLK, 3), lambda i: (i, 0)),
        out_shape=jax.ShapeDtypeStruct((batch, 3), jnp.float32),
    )(gh, ga, W1a, W1b, b1, W2, b2, W3, b3)


def kernel(home_ids, away_ids, table, W1, b1, W2, b2, W3, b3):
    batch = home_ids.shape[0]
    ids = jnp.concatenate([home_ids, away_ids], axis=0).astype(jnp.int32)
    g = _sc_gather(table, ids)
    return _tc_mlp(
        g[:batch], g[batch:],
        W1[:_EMBED], W1[_EMBED:],
        b1.reshape(1, -1), W2, b2.reshape(1, -1), W3, b3.reshape(1, -1),
    )

# --- scband reference (transcript-rebuilt; emitter-appended) ---
"""Pipeline reference for scband-team-embedding-net-14654428413981 (READ-ONLY COPY).

The authoritative reference and input builder live on the scoring server;
editing this copy changes nothing except your own understanding.
"""

import jax, jax.numpy as jnp
import numpy as np

NUM_TEAMS = 1000000
EMBED_DIM = 16
HIDDEN_DIM = 32
BATCH = 16384

def setup_inputs(seed: int = 0) -> dict:
    key = jax.random.key(seed)
    k1, k2, k3, k4, k5, k6 = jax.random.split(key, 6)
    home_ids = jax.random.randint(k1, (BATCH,), 0, NUM_TEAMS, dtype=jnp.int64 if jax.config.jax_enable_x64 else jnp.int32)
    away_ids = jax.random.randint(k2, (BATCH,), 0, NUM_TEAMS, dtype=jnp.int64 if jax.config.jax_enable_x64 else jnp.int32)
    # Embedding table (xavier_uniform init approximated)
    limit = np.sqrt(6.0 / (NUM_TEAMS + EMBED_DIM))
    table = jax.random.uniform(k3, (NUM_TEAMS, EMBED_DIM), minval=-limit, maxval=limit, dtype=jnp.float32)
    # Classifier params, stored as [in, out] for x @ W + b
    def linear_init(k, fan_in, fan_out):
        lim = 1.0 / np.sqrt(fan_in)
        kw, kb = jax.random.split(k)
        W = jax.random.uniform(kw, (fan_in, fan_out), minval=-lim, maxval=lim, dtype=jnp.float32)
        b = jax.random.uniform(kb, (fan_out,), minval=-lim, maxval=lim, dtype=jnp.float32)
        return W, b
    W1, b1 = linear_init(k4, EMBED_DIM * 2, HIDDEN_DIM)
    W2, b2 = linear_init(k5, HIDDEN_DIM, HIDDEN_DIM // 2)
    W3, b3 = linear_init(k6, HIDDEN_DIM // 2, 3)
    return {"home_ids": home_ids, "away_ids": away_ids, "table": table,
            "W1": W1, "b1": b1, "W2": W2, "b2": b2, "W3": W3, "b3": b3}

def reference(home_ids, away_ids, table, W1, b1, W2, b2, W3, b3):
    # Embedding lookups (gather)
    eh = jnp.take(table, home_ids, axis=0)
    ea = jnp.take(table, away_ids, axis=0)
    x = jnp.concatenate([jnp.abs(eh - ea), eh * ea], axis=1)
    # Classifier MLP (dropout is identity in eval mode)
    h = jax.nn.relu(x @ W1 + b1)
    h = jax.nn.relu(h @ W2 + b2)
    out = h @ W3 + b3
    return out

if __name__ == "__main__":
    import jax
    _d = setup_inputs()
    print(jax.jit(kernel)(*tuple(_d.values())))

</pallas_src>

<mosaic_0001>
#map = affine_map<(d0, d1) -> (0, 0)>
#map1 = affine_map<(d0, d1) -> (0)>
module attributes {stable_mosaic.version = 14 : i64} {
  func.func @gather_kernel(%arg0: i32, %arg1: i32, %arg2: memref<1000000x16xf32, #tpu.memory_space<hbm>>, %arg3: memref<32768xi32, #tpu.memory_space<hbm>>, %arg4: memref<32768x128xf32, #tpu.memory_space<hbm>>, %arg5: memref<1024xi32, #tpu.memory_space<vmem>>, %arg6: memref<128x128xf32, #tpu.memory_space<vmem>>, %arg7: memref<!tpu.dma_semaphore, #tpu.memory_space<semaphore_mem>>, %arg8: memref<!tpu.dma_semaphore, #tpu.memory_space<semaphore_mem>>) attributes {dimension_semantics = [#tpu.dimension_semantics<core_parallel>, #tpu.dimension_semantics<subcore_parallel>], iteration_bounds = array<i64: 2, 16>, scalar_prefetch = 0 : i64, scratch_operands = 4 : i64, tpu.core_type = #tpu.core_type<sc_vector_subcore>, window_params = [{transform_indices = #map}, {transform_indices = #map1}, {transform_indices = #map}]} {
    %mul3A = arith.constant 16 : i32
    %mul3A_0 = arith.muli %arg0, %mul3A : i32
    %add3A = arith.addi %mul3A_0, %arg1 : i32
    %mul3A_1 = arith.constant 1024 : i32
    %mul3A_2 = arith.muli %add3A, %mul3A_1 : i32
    %dma_start3A = tpu.memref_slice %arg3[%mul3A_2] : memref<32768xi32, #tpu.memory_space<hbm>> -> memref<1024xi32, #tpu.memory_space<hbm>>
    %dma_start3A_3 = tpu.memref_slice %arg3[%mul3A_2] : memref<32768xi32, #tpu.memory_space<hbm>> -> memref<1024xi32, #tpu.memory_space<hbm>>
    tpu.enqueue_dma source(%dma_start3A_3 : memref<1024xi32, #tpu.memory_space<hbm>>) target(%arg5 : memref<1024xi32, #tpu.memory_space<vmem>>) target_semaphore(%arg7 : memref<!tpu.dma_semaphore, #tpu.memory_space<semaphore_mem>>)
    %dma_wait3A = tpu.memref_slice %arg3[%mul3A_2] : memref<32768xi32, #tpu.memory_space<hbm>> -> memref<1024xi32, #tpu.memory_space<hbm>>
    %dma_wait3A_4 = tpu.memref_slice %arg3[%mul3A_2] : memref<32768xi32, #tpu.memory_space<hbm>> -> memref<1024xi32, #tpu.memory_space<hbm>>
    tpu.wait_dma2 semaphore(%arg7 : memref<!tpu.dma_semaphore, #tpu.memory_space<semaphore_mem>>) src(%dma_wait3A_4 : memref<1024xi32, #tpu.memory_space<hbm>>) dst(%arg5 : memref<1024xi32, #tpu.memory_space<vmem>>)
    %scan3A = arith.constant 0 : i32
    %scan3A_5 = arith.constant 8 : i32
    %scan3A_6 = arith.addi %scan3A, %scan3A_5 : i32
    %scan3A_7 = arith.constant 1 : i32
    scf.for %scan3A_164 = %scan3A to %scan3A_6 step %scan3A_7  : i32 {
      %mul3A_165 = arith.constant 1 : i32
      %mul3A_166 = arith.muli %scan3A_164, %mul3A_165 : i32
      %add3A_167 = arith.constant 0 : i32
      %add3A_168 = arith.addi %add3A_167, %mul3A_166 : i32
      %mul3A_169 = arith.constant 16 : i32
      %mul3A_170 = arith.muli %add3A_168, %mul3A_169 : i32
      %add3A_171 = arith.constant 0 : i32
      %add3A_172 = arith.addi %add3A_171, %mul3A_170 : i32
      %get3A = arith.index_cast %add3A_172 : i32 to index
      %get3A_173 = tpu.vector_load %arg5[%get3A] {strides = array<i32>} : memref<1024xi32, #tpu.memory_space<vmem>>, vector<16xi32>,
      %get3A_174 = vector.shape_cast %get3A_173 : vector<16xi32> to vector<16xi32>
      %slice3A = vector.extract_strided_slice %get3A_174 {offsets = [0], sizes = [1], strides = [1]} : vector<16xi32> to vector<1xi32>
      %squeeze3A = vector.extract %slice3A[0] : i32 from vector<1xi32>
      %mul3A_175 = arith.constant 16 : i32
      %mul3A_176 = arith.muli %add3A_168, %mul3A_175 : i32
      %add3A_177 = arith.constant 0 : i32
      %add3A_178 = arith.addi %mul3A_176, %add3A_177 : i32
      %dma_start3A_179 = arith.constant 0 : i32
      %dma_start3A_180 = tpu.memref_slice %arg6[%add3A_178, %dma_start3A_179] : memref<128x128xf32, #tpu.memory_space<vmem>> -> memref<1x16xf32, #tpu.memory_space<vmem>>
      %dma_start3A_181 = tpu.memref_squeeze %dma_start3A_180 : memref<1x16xf32, #tpu.memory_space<vmem>> -> memref<16xf32, #tpu.memory_space<vmem>>
      %dma_start3A_182 = arith.constant 0 : i32
      %dma_start3A_183 = tpu.memref_slice %arg2[%squeeze3A, %dma_start3A_182] : memref<1000000x16xf32, #tpu.memory_space<hbm>> -> memref<1x16xf32, #tpu.memory_space<hbm>>
      %dma_start3A_184 = tpu.memref_squeeze %dma_start3A_183 : memref<1x16xf32, #tpu.memory_space<hbm>> -> memref<16xf32, #tpu.memory_space<hbm>>
      %dma_start3A_185 = arith.constant 0 : i32
      %dma_start3A_186 = tpu.memref_slice %arg6[%add3A_178, %dma_start3A_185] : memref<128x128xf32, #tpu.memory_space<vmem>> -> memref<1x16xf32, #tpu.memory_space<vmem>>
      %dma_start3A_187 = tpu.memref_squeeze %dma_start3A_186 : memref<1x16xf32, #tpu.memory_space<vmem>> -> memref<16xf32, #tpu.memory_space<vmem>>
      %dma_start3A_188 = arith.constant 0 : i32
      %dma_start3A_189 = tpu.memref_slice %arg2[%squeeze3A, %dma_start3A_188] : memref<1000000x16xf32, #tpu.memory_space<hbm>> -> memref<1x16xf32, #tpu.memory_space<hbm>>
      %dma_start3A_190 = tpu.memref_squeeze %dma_start3A_189 : memref<1x16xf32, #tpu.memory_space<hbm>> -> memref<16xf32, #tpu.memory_space<hbm>>
      tpu.enqueue_dma source(%dma_start3A_190 : memref<16xf32, #tpu.memory_space<hbm>>) target(%dma_start3A_187 : memref<16xf32, #tpu.memory_space<vmem>>) target_semaphore(%arg8 : memref<!tpu.dma_semaphore, #tpu.memory_space<semaphore_mem>>)
      %slice3A_191 = vector.extract_strided_slice %get3A_174 {offsets = [1], sizes = [1], strides = [1]} : vector<16xi32> to vector<1xi32>
      %squeeze3A_192 = vector.extract %slice3A_191[0] : i32 from vector<1xi32>
      %mul3A_193 = arith.constant 16 : i32
      %mul3A_194 = arith.muli %add3A_168, %mul3A_193 : i32
      %add3A_195 = arith.constant 1 : i32
      %add3A_196 = arith.addi %mul3A_194, %add3A_195 : i32
      %dma_start3A_197 = arith.constant 0 : i32
      %dma_start3A_198 = tpu.memref_slice %arg6[%add3A_196, %dma_start3A_197] : memref<128x128xf32, #tpu.memory_space<vmem>> -> memref<1x16xf32, #tpu.memory_space<vmem>>
      %dma_start3A_199 = tpu.memref_squeeze %dma_start3A_198 : memref<1x16xf32, #tpu.memory_space<vmem>> -> memref<16xf32, #tpu.memory_space<vmem>>
      %dma_start3A_200 = arith.constant 0 : i32
      %dma_start3A_201 = tpu.memref_slice %arg2[%squeeze3A_192, %dma_start3A_200] : memref<1000000x16xf32, #tpu.memory_space<hbm>> -> memref<1x16xf32, #tpu.memory_space<hbm>>
      %dma_start3A_202 = tpu.memref_squeeze %dma_start3A_201 : memref<1x16xf32, #tpu.memory_space<hbm>> -> memref<16xf32, #tpu.memory_space<hbm>>
      %dma_start3A_203 = arith.constant 0 : i32
      %dma_start3A_204 = tpu.memref_slice %arg6[%add3A_196, %dma_start3A_203] : memref<128x128xf32, #tpu.memory_space<vmem>> -> memref<1x16xf32, #tpu.memory_space<vmem>>
      %dma_start3A_205 = tpu.memref_squeeze %dma_start3A_204 : memref<1x16xf32, #tpu.memory_space<vmem>> -> memref<16xf32, #tpu.memory_space<vmem>>
      %dma_start3A_206 = arith.constant 0 : i32
      %dma_start3A_207 = tpu.memref_slice %arg2[%squeeze3A_192, %dma_start3A_206] : memref<1000000x16xf32, #tpu.memory_space<hbm>> -> memref<1x16xf32, #tpu.memory_space<hbm>>
      %dma_start3A_208 = tpu.memref_squeeze %dma_start3A_207 : memref<1x16xf32, #tpu.memory_space<hbm>> -> memref<16xf32, #tpu.memory_space<hbm>>
      tpu.enqueue_dma source(%dma_start3A_208 : memref<16xf32, #tpu.memory_space<hbm>>) target(%dma_start3A_205 : memref<16xf32, #tpu.memory_space<vmem>>) target_semaphore(%arg8 : memref<!tpu.dma_semaphore, #tpu.memory_space<semaphore_mem>>)
      %slice3A_209 = vector.extract_strided_slice %get3A_174 {offsets = [2], sizes = [1], strides = [1]} : vector<16xi32> to vector<1xi32>
      %squeeze3A_210 = vector.extract %slice3A_209[0] : i32 from vector<1xi32>
      %mul3A_211 = arith.constant 16 : i32
      %mul3A_212 = arith.muli %add3A_168, %mul3A_211 : i32
      %add3A_213 = arith.constant 2 : i32
      %add3A_214 = arith.addi %mul3A_212, %add3A_213 : i32
      %dma_start3A_215 = arith.constant 0 : i32
      %dma_start3A_216 = tpu.memref_slice %arg6[%add3A_214, %dma_start3A_215] : memref<128x128xf32, #tpu.memory_space<vmem>> -> memref<1x16xf32, #tpu.memory_space<vmem>>
      %dma_start3A_217 = tpu.memref_squeeze %dma_start3A_216 : memref<1x16xf32, #tpu.memory_space<vmem>> -> memref<16xf32, #tpu.memory_space<vmem>>
      %dma_start3A_218 = arith.constant 0 : i32
      %dma_start3A_219 = tpu.memref_slice %arg2[%squeeze3A_210, %dma_start3A_218] : memref<1000000x16xf32, #tpu.memory_space<hbm>> -> memref<1x16xf32, #tpu.memory_space<hbm>>
      %dma_start3A_220 = tpu.memref_squeeze %dma_start3A_219 : memref<1x16xf32, #tpu.memory_space<hbm>> -> memref<16xf32, #tpu.memory_space<hbm>>
      %dma_start3A_221 = arith.constant 0 : i32
      %dma_start3A_222 = tpu.memref_slice %arg6[%add3A_214, %dma_start3A_221] : memref<128x128xf32, #tpu.memory_space<vmem>> -> memref<1x16xf32, #tpu.memory_space<vmem>>
      %dma_start3A_223 = tpu.memref_squeeze %dma_start3A_222 : memref<1x16xf32, #tpu.memory_space<vmem>> -> memref<16xf32, #tpu.memory_space<vmem>>
      %dma_start3A_224 = arith.constant 0 : i32
      %dma_start3A_225 = tpu.memref_slice %arg2[%squeeze3A_210, %dma_start3A_224] : memref<1000000x16xf32, #tpu.memory_space<hbm>> -> memref<1x16xf32, #tpu.memory_space<hbm>>
      %dma_start3A_226 = tpu.memref_squeeze %dma_start3A_225 : memref<1x16xf32, #tpu.memory_space<hbm>> -> memref<16xf32, #tpu.memory_space<hbm>>
      tpu.enqueue_dma source(%dma_start3A_226 : memref<16xf32, #tpu.memory_space<hbm>>) target(%dma_start3A_223 : memref<16xf32, #tpu.memory_space<vmem>>) target_semaphore(%arg8 : memref<!tpu.dma_semaphore, #tpu.memory_space<semaphore_mem>>)
      %slice3A_227 = vector.extract_strided_slice %get3A_174 {offsets = [3], sizes = [1], strides = [1]} : vector<16xi32> to vector<1xi32>
      %squeeze3A_228 = vector.extract %slice3A_227[0] : i32 from vector<1xi32>
      %mul3A_229 = arith.constant 16 : i32
      %mul3A_230 = arith.muli %add3A_168, %mul3A_229 : i32
      %add3A_231 = arith.constant 3 : i32
      %add3A_232 = arith.addi %mul3A_230, %add3A_231 : i32
      %dma_start3A_233 = arith.constant 0 : i32
      %dma_start3A_234 = tpu.memref_slice %arg6[%add3A_232, %dma_start3A_233] : memref<128x128xf32, #tpu.memory_space<vmem>> -> memref<1x16xf32, #tpu.memory_space<vmem>>
      %dma_start3A_235 = tpu.memref_squeeze %dma_start3A_234 : memref<1x16xf32, #tpu.memory_space<vmem>> -> memref<16xf32, #tpu.memory_space<vmem>>
      %dma_start3A_236 = arith.constant 0 : i32
      %dma_start3A_237 = tpu.memref_slice %arg2[%squeeze3A_228, %dma_start3A_236] : memref<1000000x16xf32, #tpu.memory_space<hbm>> -> memref<1x16xf32, #tpu.memory_space<hbm>>
      %dma_start3A_238 = tpu.memref_squeeze %dma_start3A_237 : memref<1x16xf32, #tpu.memory_space<hbm>> -> memref<16xf32, #tpu.memory_space<hbm>>
      %dma_start3A_239 = arith.constant 0 : i32
      %dma_start3A_240 = tpu.memref_slice %arg6[%add3A_232, %dma_start3A_239] : memref<128x128xf32, #tpu.memory_space<vmem>> -> memref<1x16xf32, #tpu.memory_space<vmem>>
      %dma_start3A_241 = tpu.memref_squeeze %dma_start3A_240 : memref<1x16xf32, #tpu.memory_space<vmem>> -> memref<16xf32, #tpu.memory_space<vmem>>
      %dma_start3A_242 = arith.constant 0 : i32
      %dma_start3A_243 = tpu.memref_slice %arg2[%squeeze3A_228, %dma_start3A_242] : memref<1000000x16xf32, #tpu.memory_space<hbm>> -> memref<1x16xf32, #tpu.memory_space<hbm>>
      %dma_start3A_244 = tpu.memref_squeeze %dma_start3A_243 : memref<1x16xf32, #tpu.memory_space<hbm>> -> memref<16xf32, #tpu.memory_space<hbm>>
      tpu.enqueue_dma source(%dma_start3A_244 : memref<16xf32, #tpu.memory_space<hbm>>) target(%dma_start3A_241 : memref<16xf32, #tpu.memory_space<vmem>>) target_semaphore(%arg8 : memref<!tpu.dma_semaphore, #tpu.memory_space<semaphore_mem>>)
      %slice3A_245 = vector.extract_strided_slice %get3A_174 {offsets = [4], sizes = [1], strides = [1]} : vector<16xi32> to vector<1xi32>
      %squeeze3A_246 = vector.extract %slice3A_245[0] : i32 from vector<1xi32>
      %mul3A_247 = arith.constant 16 : i32
      %mul3A_248 = arith.muli %add3A_168, %mul3A_247 : i32
      %add3A_249 = arith.constant 4 : i32
      %add3A_250 = arith.addi %mul3A_248, %add3A_249 : i32
      %dma_start3A_251 = arith.constant 0 : i32
      %dma_start3A_252 = tpu.memref_slice %arg6[%add3A_250, %dma_start3A_251] : memref<128x128xf32, #tpu.memory_space<vmem>> -> memref<1x16xf32, #tpu.memory_space<vmem>>
      %dma_start3A_253 = tpu.memref_squeeze %dma_start3A_252 : memref<1x16xf32, #tpu.memory_space<vmem>> -> memref<16xf32, #tpu.memory_space<vmem>>
      %dma_start3A_254 = arith.constant 0 : i32
      %dma_start3A_255 = tpu.memref_slice %arg2[%squeeze3A_246, %dma_start3A_254] : memref<1000000x16xf32, #tpu.memory_space<hbm>> -> memref<1x16xf32, #tpu.memory_space<hbm>>
      %dma_start3A_256 = tpu.memref_squeeze %dma_start3A_255 : memref<1x16xf32, #tpu.memory_space<hbm>> -> memref<16xf32, #tpu.memory_space<hbm>>
      %dma_start3A_257 = arith.constant 0 : i32
      %dma_start3A_258 = tpu.memref_slice %arg6[%add3A_250, %dma_start3A_257] : memref<128x128xf32, #tpu.memory_space<vmem>> -> memref<1x16xf32, #tpu.memory_space<vmem>>
      %dma_start3A_259 = tpu.memref_squeeze %dma_start3A_258 : memref<1x16xf32, #tpu.memory_space<vmem>> -> memref<16xf32, #tpu.memory_space<vmem>>
      %dma_start3A_260 = arith.constant 0 : i32
      %dma_start3A_261 = tpu.memref_slice %arg2[%squeeze3A_246, %dma_start3A_260] : memref<1000000x16xf32, #tpu.memory_space<hbm>> -> memref<1x16xf32, #tpu.memory_space<hbm>>
      %dma_start3A_262 = tpu.memref_squeeze %dma_start3A_261 : memref<1x16xf32, #tpu.memory_space<hbm>> -> memref<16xf32, #tpu.memory_space<hbm>>
      tpu.enqueue_dma source(%dma_start3A_262 : memref<16xf32, #tpu.memory_space<hbm>>) target(%dma_start3A_259 : memref<16xf32, #tpu.memory_space<vmem>>) target_semaphore(%arg8 : memref<!tpu.dma_semaphore, #tpu.memory_space<semaphore_mem>>)
      %slice3A_263 = vector.extract_strided_slice %get3A_174 {offsets = [5], sizes = [1], strides = [1]} : vector<16xi32> to vector<1xi32>
      %squeeze3A_264 = vector.extract %slice3A_263[0] : i32 from vector<1xi32>
      %mul3A_265 = arith.constant 16 : i32
      %mul3A_266 = arith.muli %add3A_168, %mul3A_265 : i32
      %add3A_267 = arith.constant 5 : i32
      %add3A_268 = arith.addi %mul3A_266, %add3A_267 : i32
      %dma_start3A_269 = arith.constant 0 : i32
      %dma_start3A_270 = tpu.memref_slice %arg6[%add3A_268, %dma_start3A_269] : memref<128x128xf32, #tpu.memory_space<vmem>> -> memref<1x16xf32, #tpu.memory_space<vmem>>
      %dma_start3A_271 = tpu.memref_squeeze %dma_start3A_270 : memref<1x16xf32, #tpu.memory_space<vmem>> -> memref<16xf32, #tpu.memory_space<vmem>>
      %dma_start3A_272 = arith.constant 0 : i32
      %dma_start3A_273 = tpu.memref_slice %arg2[%squeeze3A_264, %dma_start3A_272] : memref<1000000x16xf32, #tpu.memory_space<hbm>> -> memref<1x16xf32, #tpu.memory_space<hbm>>
      %dma_start3A_274 = tpu.memref_squeeze %dma_start3A_273 : memref<1x16xf32, #tpu.memory_space<hbm>> -> memref<16xf32, #tpu.memory_space<hbm>>
      %dma_start3A_275 = arith.constant 0 : i32
      %dma_start3A_276 = tpu.memref_slice %arg6[%add3A_268, %dma_start3A_275] : memref<128x128xf32, #tpu.memory_space<vmem>> -> memref<1x16xf32, #tpu.memory_space<vmem>>
      %dma_start3A_277 = tpu.memref_squeeze %dma_start3A_276 : memref<1x16xf32, #tpu.memory_space<vmem>> -> memref<16xf32, #tpu.memory_space<vmem>>
      %dma_start3A_278 = arith.constant 0 : i32
      %dma_start3A_279 = tpu.memref_slice %arg2[%squeeze3A_264, %dma_start3A_278] : memref<1000000x16xf32, #tpu.memory_space<hbm>> -> memref<1x16xf32, #tpu.memory_space<hbm>>
      %dma_start3A_280 = tpu.memref_squeeze %dma_start3A_279 : memref<1x16xf32, #tpu.memory_space<hbm>> -> memref<16xf32, #tpu.memory_space<hbm>>
      tpu.enqueue_dma source(%dma_start3A_280 : memref<16xf32, #tpu.memory_space<hbm>>) target(%dma_start3A_277 : memref<16xf32, #tpu.memory_space<vmem>>) target_semaphore(%arg8 : memref<!tpu.dma_semaphore, #tpu.memory_space<semaphore_mem>>)
      %slice3A_281 = vector.extract_strided_slice %get3A_174 {offsets = [6], sizes = [1], strides = [1]} : vector<16xi32> to vector<1xi32>
      %squeeze3A_282 = vector.extract %slice3A_281[0] : i32 from vector<1xi32>
      %mul3A_283 = arith.constant 16 : i32
      %mul3A_284 = arith.muli %add3A_168, %mul3A_283 : i32
      %add3A_285 = arith.constant 6 : i32
      %add3A_286 = arith.addi %mul3A_284, %add3A_285 : i32
      %dma_start3A_287 = arith.constant 0 : i32
      %dma_start3A_288 = tpu.memref_slice %arg6[%add3A_286, %dma_start3A_287] : memref<128x128xf32, #tpu.memory_space<vmem>> -> memref<1x16xf32, #tpu.memory_space<vmem>>
      %dma_start3A_289 = tpu.memref_squeeze %dma_start3A_288 : memref<1x16xf32, #tpu.memory_space<vmem>> -> memref<16xf32, #tpu.memory_space<vmem>>
      %dma_start3A_290 = arith.constant 0 : i32
      %dma_start3A_291 = tpu.memref_slice %arg2[%squeeze3A_282, %dma_start3A_290] : memref<1000000x16xf32, #tpu.memory_space<hbm>> -> memref<1x16xf32, #tpu.memory_space<hbm>>
      %dma_start3A_292 = tpu.memref_squeeze %dma_start3A_291 : memref<1x16xf32, #tpu.memory_space<hbm>> -> memref<16xf32, #tpu.memory_space<hbm>>
      %dma_start3A_293 = arith.constant 0 : i32
      %dma_start3A_294 = tpu.memref_slice %arg6[%add3A_286, %dma_start3A_293] : memref<128x128xf32, #tpu.memory_space<vmem>> -> memref<1x16xf32, #tpu.memory_space<vmem>>
      %dma_start3A_295 = tpu.memref_squeeze %dma_start3A_294 : memref<1x16xf32, #tpu.memory_space<vmem>> -> memref<16xf32, #tpu.memory_space<vmem>>
      %dma_start3A_296 = arith.constant 0 : i32
      %dma_start3A_297 = tpu.memref_slice %arg2[%squeeze3A_282, %dma_start3A_296] : memref<1000000x16xf32, #tpu.memory_space<hbm>> -> memref<1x16xf32, #tpu.memory_space<hbm>>
      %dma_start3A_298 = tpu.memref_squeeze %dma_start3A_297 : memref<1x16xf32, #tpu.memory_space<hbm>> -> memref<16xf32, #tpu.memory_space<hbm>>
      tpu.enqueue_dma source(%dma_start3A_298 : memref<16xf32, #tpu.memory_space<hbm>>) target(%dma_start3A_295 : memref<16xf32, #tpu.memory_space<vmem>>) target_semaphore(%arg8 : memref<!tpu.dma_semaphore, #tpu.memory_space<semaphore_mem>>)
      %slice3A_299 = vector.extract_strided_slice %get3A_174 {offsets = [7], sizes = [1], strides = [1]} : vector<16xi32> to vector<1xi32>
      %squeeze3A_300 = vector.extract %slice3A_299[0] : i32 from vector<1xi32>
      %mul3A_301 = arith.constant 16 : i32
      %mul3A_302 = arith.muli %add3A_168, %mul3A_301 : i32
      %add3A_303 = arith.constant 7 : i32
      %add3A_304 = arith.addi %mul3A_302, %add3A_303 : i32
      %dma_start3A_305 = arith.constant 0 : i32
      %dma_start3A_306 = tpu.memref_slice %arg6[%add3A_304, %dma_start3A_305] : memref<128x128xf32, #tpu.memory_space<vmem>> -> memref<1x16xf32, #tpu.memory_space<vmem>>
      %dma_start3A_307 = tpu.memref_squeeze %dma_start3A_306 : memref<1x16xf32, #tpu.memory_space<vmem>> -> memref<16xf32, #tpu.memory_space<vmem>>
      %dma_start3A_308 = arith.constant 0 : i32
      %dma_start3A_309 = tpu.memref_slice %arg2[%squeeze3A_300, %dma_start3A_308] : memref<1000000x16xf32, #tpu.memory_space<hbm>> -> memref<1x16xf32, #tpu.memory_space<hbm>>
      %dma_start3A_310 = tpu.memref_squeeze %dma_start3A_309 : memref<1x16xf32, #tpu.memory_space<hbm>> -> memref<16xf32, #tpu.memory_space<hbm>>
      %dma_start3A_311 = arith.constant 0 : i32
      %dma_start3A_312 = tpu.memref_slice %arg6[%add3A_304, %dma_start3A_311] : memref<128x128xf32, #tpu.memory_space<vmem>> -> memref<1x16xf32, #tpu.memory_space<vmem>>
      %dma_start3A_313 = tpu.memref_squeeze %dma_start3A_312 : memref<1x16xf32, #tpu.memory_space<vmem>> -> memref<16xf32, #tpu.memory_space<vmem>>
      %dma_start3A_314 = arith.constant 0 : i32
      %dma_start3A_315 = tpu.memref_slice %arg2[%squeeze3A_300, %dma_start3A_314] : memref<1000000x16xf32, #tpu.memory_space<hbm>> -> memref<1x16xf32, #tpu.memory_space<hbm>>
      %dma_start3A_316 = tpu.memref_squeeze %dma_start3A_315 : memref<1x16xf32, #tpu.memory_space<hbm>> -> memref<16xf32, #tpu.memory_space<hbm>>
      tpu.enqueue_dma source(%dma_start3A_316 : memref<16xf32, #tpu.memory_space<hbm>>) target(%dma_start3A_313 : memref<16xf32, #tpu.memory_space<vmem>>) target_semaphore(%arg8 : memref<!tpu.dma_semaphore, #tpu.memory_space<semaphore_mem>>)
      %slice3A_317 = vector.extract_strided_slice %get3A_174 {offsets = [8], sizes = [1], strides = [1]} : vector<16xi32> to vector<1xi32>
      %squeeze3A_318 = vector.extract %slice3A_317[0] : i32 from vector<1xi32>
      %mul3A_319 = arith.constant 16 : i32
      %mul3A_320 = arith.muli %add3A_168, %mul3A_319 : i32
      %add3A_321 = arith.constant 8 : i32
      %add3A_322 = arith.addi %mul3A_320, %add3A_321 : i32
      %dma_start3A_323 = arith.constant 0 : i32
      %dma_start3A_324 = tpu.memref_slice %arg6[%add3A_322, %dma_start3A_323] : memref<128x128xf32, #tpu.memory_space<vmem>> -> memref<1x16xf32, #tpu.memory_space<vmem>>
      %dma_start3A_325 = tpu.memref_squeeze %dma_start3A_324 : memref<1x16xf32, #tpu.memory_space<vmem>> -> memref<16xf32, #tpu.memory_space<vmem>>
      %dma_start3A_326 = arith.constant 0 : i32
      %dma_start3A_327 = tpu.memref_slice %arg2[%squeeze3A_318, %dma_start3A_326] : memref<1000000x16xf32, #tpu.memory_space<hbm>> -> memref<1x16xf32, #tpu.memory_space<hbm>>
      %dma_start3A_328 = tpu.memref_squeeze %dma_start3A_327 : memref<1x16xf32, #tpu.memory_space<hbm>> -> memref<16xf32, #tpu.memory_space<hbm>>
      %dma_start3A_329 = arith.constant 0 : i32
      %dma_start3A_330 = tpu.memref_slice %arg6[%add3A_322, %dma_start3A_329] : memref<128x128xf32, #tpu.memory_space<vmem>> -> memref<1x16xf32, #tpu.memory_space<vmem>>
      %dma_start3A_331 = tpu.memref_squeeze %dma_start3A_330 : memref<1x16xf32, #tpu.memory_space<vmem>> -> memref<16xf32, #tpu.memory_space<vmem>>
      %dma_start3A_332 = arith.constant 0 : i32
      %dma_start3A_333 = tpu.memref_slice %arg2[%squeeze3A_318, %dma_start3A_332] : memref<1000000x16xf32, #tpu.memory_space<hbm>> -> memref<1x16xf32, #tpu.memory_space<hbm>>
      %dma_start3A_334 = tpu.memref_squeeze %dma_start3A_333 : memref<1x16xf32, #tpu.memory_space<hbm>> -> memref<16xf32, #tpu.memory_space<hbm>>
      tpu.enqueue_dma source(%dma_start3A_334 : memref<16xf32, #tpu.memory_space<hbm>>) target(%dma_start3A_331 : memref<16xf32, #tpu.memory_space<vmem>>) target_semaphore(%arg8 : memref<!tpu.dma_semaphore, #tpu.memory_space<semaphore_mem>>)
      %slice3A_335 = vector.extract_strided_slice %get3A_174 {offsets = [9], sizes = [1], strides = [1]} : vector<16xi32> to vector<1xi32>
      %squeeze3A_336 = vector.extract %slice3A_335[0] : i32 from vector<1xi32>
      %mul3A_337 = arith.constant 16 : i32
      %mul3A_338 = arith.muli %add3A_168, %mul3A_337 : i32
      %add3A_339 = arith.constant 9 : i32
      %add3A_340 = arith.addi %mul3A_338, %add3A_339 : i32
      %dma_start3A_341 = arith.constant 0 : i32
      %dma_start3A_342 = tpu.memref_slice %arg6[%add3A_340, %dma_start3A_341] : memref<128x128xf32, #tpu.memory_space<vmem>> -> memref<1x16xf32, #tpu.memory_space<vmem>>
      %dma_start3A_343 = tpu.memref_squeeze %dma_start3A_342 : memref<1x16xf32, #tpu.memory_space<vmem>> -> memref<16xf32, #tpu.memory_space<vmem>>
      %dma_start3A_344 = arith.constant 0 : i32
      %dma_start3A_345 = tpu.memref_slice %arg2[%squeeze3A_336, %dma_start3A_344] : memref<1000000x16xf32, #tpu.memory_space<hbm>> -> memref<1x16xf32, #tpu.memory_space<hbm>>
      %dma_start3A_346 = tpu.memref_squeeze %dma_start3A_345 : memref<1x16xf32, #tpu.memory_space<hbm>> -> memref<16xf32, #tpu.memory_space<hbm>>
      %dma_start3A_347 = arith.constant 0 : i32
      %dma_start3A_348 = tpu.memref_slice %arg6[%add3A_340, %dma_start3A_347] : memref<128x128xf32, #tpu.memory_space<vmem>> -> memref<1x16xf32, #tpu.memory_space<vmem>>
      %dma_start3A_349 = tpu.memref_squeeze %dma_start3A_348 : memref<1x16xf32, #tpu.memory_space<vmem>> -> memref<16xf32, #tpu.memory_space<vmem>>
      %dma_start3A_350 = arith.constant 0 : i32
      %dma_start3A_351 = tpu.memref_slice %arg2[%squeeze3A_336, %dma_start3A_350] : memref<1000000x16xf32, #tpu.memory_space<hbm>> -> memref<1x16xf32, #tpu.memory_space<hbm>>
      %dma_start3A_352 = tpu.memref_squeeze %dma_start3A_351 : memref<1x16xf32, #tpu.memory_space<hbm>> -> memref<16xf32, #tpu.memory_space<hbm>>
      tpu.enqueue_dma source(%dma_start3A_352 : memref<16xf32, #tpu.memory_space<hbm>>) target(%dma_start3A_349 : memref<16xf32, #tpu.memory_space<vmem>>) target_semaphore(%arg8 : memref<!tpu.dma_semaphore, #tpu.memory_space<semaphore_mem>>)
      %slice3A_353 = vector.extract_strided_slice %get3A_174 {offsets = [10], sizes = [1], strides = [1]} : vector<16xi32> to vector<1xi32>
      %squeeze3A_354 = vector.extract %slice3A_353[0] : i32 from vector<1xi32>
      %mul3A_355 = arith.constant 16 : i32
      %mul3A_356 = arith.muli %add3A_168, %mul3A_355 : i32
      %add3A_357 = arith.constant 10 : i32
      %add3A_358 = arith.addi %mul3A_356, %add3A_357 : i32
      %dma_start3A_359 = arith.constant 0 : i32
      %dma_start3A_360 = tpu.memref_slice %arg6[%add3A_358, %dma_start3A_359] : memref<128x128xf32, #tpu.memory_space<vmem>> -> memref<1x16xf32, #tpu.memory_space<vmem>>
      %dma_start3A_361 = tpu.memref_squeeze %dma_start3A_360 : memref<1x16xf32, #tpu.memory_space<vmem>> -> memref<16xf32, #tpu.memory_space<vmem>>
      %dma_start3A_362 = arith.constant 0 : i32
      %dma_start3A_363 = tpu.memref_slice %arg2[%squeeze3A_354, %dma_start3A_362] : memref<1000000x16xf32, #tpu.memory_space<hbm>> -> memref<1x16xf32, #tpu.memory_space<hbm>>
      %dma_start3A_364 = tpu.memref_squeeze %dma_start3A_363 : memref<1x16xf32, #tpu.memory_space<hbm>> -> memref<16xf32, #tpu.memory_space<hbm>>
      %dma_start3A_365 = arith.constant 0 : i32
      %dma_start3A_366 = tpu.memref_slice %arg6[%add3A_358, %dma_start3A_365] : memref<128x128xf32, #tpu.memory_space<vmem>> -> memref<1x16xf32, #tpu.memory_space<vmem>>
      %dma_start3A_367 = tpu.memref_squeeze %dma_start3A_366 : memref<1x16xf32, #tpu.memory_space<vmem>> -> memref<16xf32, #tpu.memory_space<vmem>>
      %dma_start3A_368 = arith.constant 0 : i32
      %dma_start3A_369 = tpu.memref_slice %arg2[%squeeze3A_354, %dma_start3A_368] : memref<1000000x16xf32, #tpu.memory_space<hbm>> -> memref<1x16xf32, #tpu.memory_space<hbm>>
      %dma_start3A_370 = tpu.memref_squeeze %dma_start3A_369 : memref<1x16xf32, #tpu.memory_space<hbm>> -> memref<16xf32, #tpu.memory_space<hbm>>
      tpu.enqueue_dma source(%dma_start3A_370 : memref<16xf32, #tpu.memory_space<hbm>>) target(%dma_start3A_367 : memref<16xf32, #tpu.memory_space<vmem>>) target_semaphore(%arg8 : memref<!tpu.dma_semaphore, #tpu.memory_space<semaphore_mem>>)
      %slice3A_371 = vector.extract_strided_slice %get3A_174 {offsets = [11], sizes = [1], strides = [1]} : vector<16xi32> to vector<1xi32>
      %squeeze3A_372 = vector.extract %slice3A_371[0] : i32 from vector<1xi32>
      %mul3A_373 = arith.constant 16 : i32
      %mul3A_374 = arith.muli %add3A_168, %mul3A_373 : i32
      %add3A_375 = arith.constant 11 : i32
      %add3A_376 = arith.addi %mul3A_374, %add3A_375 : i32
      %dma_start3A_377 = arith.constant 0 : i32
      %dma_start3A_378 = tpu.memref_slice %arg6[%add3A_376, %dma_start3A_377] : memref<128x128xf32, #tpu.memory_space<vmem>> -> memref<1x16xf32, #tpu.memory_space<vmem>>
      %dma_start3A_379 = tpu.memref_squeeze %dma_start3A_378 : memref<1x16xf32, #tpu.memory_space<vmem>> -> memref<16xf32, #tpu.memory_space<vmem>>
      %dma_start3A_380 = arith.constant 0 : i32
      %dma_start3A_381 = tpu.memref_slice %arg2[%squeeze3A_372, %dma_start3A_380] : memref<1000000x16xf32, #tpu.memory_space<hbm>> -> memref<1x16xf32, #tpu.memory_space<hbm>>
      %dma_start3A_382 = tpu.memref_squeeze %dma_start3A_381 : memref<1x16xf32, #tpu.memory_space<hbm>> -> memref<16xf32, #tpu.memory_space<hbm>>
      %dma_start3A_383 = arith.constant 0 : i32
      %dma_start3A_384 = tpu.memref_slice %arg6[%add3A_376, %dma_start3A_383] : memref<128x128xf32, #tpu.memory_space<vmem>> -> memref<1x16xf32, #tpu.memory_space<vmem>>
      %dma_start3A_385 = tpu.memref_squeeze %dma_start3A_384 : memref<1x16xf32, #tpu.memory_space<vmem>> -> memref<16xf32, #tpu.memory_space<vmem>>
      %dma_start3A_386 = arith.constant 0 : i32
      %dma_start3A_387 = tpu.memref_slice %arg2[%squeeze3A_372, %dma_start3A_386] : memref<1000000x16xf32, #tpu.memory_space<hbm>> -> memref<1x16xf32, #tpu.memory_space<hbm>>
      %dma_start3A_388 = tpu.memref_squeeze %dma_start3A_387 : memref<1x16xf32, #tpu.memory_space<hbm>> -> memref<16xf32, #tpu.memory_space<hbm>>
      tpu.enqueue_dma source(%dma_start3A_388 : memref<16xf32, #tpu.memory_space<hbm>>) target(%dma_start3A_385 : memref<16xf32, #tpu.memory_space<vmem>>) target_semaphore(%arg8 : memref<!tpu.dma_semaphore, #tpu.memory_space<semaphore_mem>>)
      %slice3A_389 = vector.extract_strided_slice %get3A_174 {offsets = [12], sizes = [1], strides = [1]} : vector<16xi32> to vector<1xi32>
      %squeeze3A_390 = vector.extract %slice3A_389[0] : i32 from vector<1xi32>
      %mul3A_391 = arith.constant 16 : i32
      %mul3A_392 = arith.muli %add3A_168, %mul3A_391 : i32
      %add3A_393 = arith.constant 12 : i32
      %add3A_394 = arith.addi %mul3A_392, %add3A_393 : i32
      %dma_start3A_395 = arith.constant 0 : i32
      %dma_start3A_396 = tpu.memref_slice %arg6[%add3A_394, %dma_start3A_395] : memref<128x128xf32, #tpu.memory_space<vmem>> -> memref<1x16xf32, #tpu.memory_space<vmem>>
      %dma_start3A_397 = tpu.memref_squeeze %dma_start3A_396 : memref<1x16xf32, #tpu.memory_space<vmem>> -> memref<16xf32, #tpu.memory_space<vmem>>
      %dma_start3A_398 = arith.constant 0 : i32
      %dma_start3A_399 = tpu.memref_slice %arg2[%squeeze3A_390, %dma_start3A_398] : memref<1000000x16xf32, #tpu.memory_space<hbm>> -> memref<1x16xf32, #tpu.memory_space<hbm>>
      %dma_start3A_400 = tpu.memref_squeeze %dma_start3A_399 : memref<1x16xf32, #tpu.memory_space<hbm>> -> memref<16xf32, #tpu.memory_space<hbm>>
      %dma_start3A_401 = arith.constant 0 : i32
      %dma_start3A_402 = tpu.memref_slice %arg6[%add3A_394, %dma_start3A_401] : memref<128x128xf32, #tpu.memory_space<vmem>> -> memref<1x16xf32, #tpu.memory_space<vmem>>
      %dma_start3A_403 = tpu.memref_squeeze %dma_start3A_402 : memref<1x16xf32, #tpu.memory_space<vmem>> -> memref<16xf32, #tpu.memory_space<vmem>>
      %dma_start3A_404 = arith.constant 0 : i32
      %dma_start3A_405 = tpu.memref_slice %arg2[%squeeze3A_390, %dma_start3A_404] : memref<1000000x16xf32, #tpu.memory_space<hbm>> -> memref<1x16xf32, #tpu.memory_space<hbm>>
      %dma_start3A_406 = tpu.memref_squeeze %dma_start3A_405 : memref<1x16xf32, #tpu.memory_space<hbm>> -> memref<16xf32, #tpu.memory_space<hbm>>
      tpu.enqueue_dma source(%dma_start3A_406 : memref<16xf32, #tpu.memory_space<hbm>>) target(%dma_start3A_403 : memref<16xf32, #tpu.memory_space<vmem>>) target_semaphore(%arg8 : memref<!tpu.dma_semaphore, #tpu.memory_space<semaphore_mem>>)
      %slice3A_407 = vector.extract_strided_slice %get3A_174 {offsets = [13], sizes = [1], strides = [1]} : vector<16xi32> to vector<1xi32>
      %squeeze3A_408 = vector.extract %slice3A_407[0] : i32 from vector<1xi32>
      %mul3A_409 = arith.constant 16 : i32
      %mul3A_410 = arith.muli %add3A_168, %mul3A_409 : i32
      %add3A_411 = arith.constant 13 : i32
      %add3A_412 = arith.addi %mul3A_410, %add3A_411 : i32
      %dma_start3A_413 = arith.constant 0 : i32
      %dma_start3A_414 = tpu.memref_slice %arg6[%add3A_412, %dma_start3A_413] : memref<128x128xf32, #tpu.memory_space<vmem>> -> memref<1x16xf32, #tpu.memory_space<vmem>>
      %dma_start3A_415 = tpu.memref_squeeze %dma_start3A_414 : memref<1x16xf32, #tpu.memory_space<vmem>> -> memref<16xf32, #tpu.memory_space<vmem>>
      %dma_start3A_416 = arith.constant 0 : i32
      %dma_start3A_417 = tpu.memref_slice %arg2[%squeeze3A_408, %dma_start3A_416] : memref<1000000x16xf32, #tpu.memory_space<hbm>> -> memref<1x16xf32, #tpu.memory_space<hbm>>
      %dma_start3A_418 = tpu.memref_squeeze %dma_start3A_417 : memref<1x16xf32, #tpu.memory_space<hbm>> -> memref<16xf32, #tpu.memory_space<hbm>>
      %dma_start3A_419 = arith.constant 0 : i32
      %dma_start3A_420 = tpu.memref_slice %arg6[%add3A_412, %dma_start3A_419] : memref<128x128xf32, #tpu.memory_space<vmem>> -> memref<1x16xf32, #tpu.memory_space<vmem>>
      %dma_start3A_421 = tpu.memref_squeeze %dma_start3A_420 : memref<1x16xf32, #tpu.memory_space<vmem>> -> memref<16xf32, #tpu.memory_space<vmem>>
      %dma_start3A_422 = arith.constant 0 : i32
      %dma_start3A_423 = tpu.memref_slice %arg2[%squeeze3A_408, %dma_start3A_422] : memref<1000000x16xf32, #tpu.memory_space<hbm>> -> memref<1x16xf32, #tpu.memory_space<hbm>>
      %dma_start3A_424 = tpu.memref_squeeze %dma_start3A_423 : memref<1x16xf32, #tpu.memory_space<hbm>> -> memref<16xf32, #tpu.memory_space<hbm>>
      tpu.enqueue_dma source(%dma_start3A_424 : memref<16xf32, #tpu.memory_space<hbm>>) target(%dma_start3A_421 : memref<16xf32, #tpu.memory_space<vmem>>) target_semaphore(%arg8 : memref<!tpu.dma_semaphore, #tpu.memory_space<semaphore_mem>>)
      %slice3A_425 = vector.extract_strided_slice %get3A_174 {offsets = [14], sizes = [1], strides = [1]} : vector<16xi32> to vector<1xi32>
      %squeeze3A_426 = vector.extract %slice3A_425[0] : i32 from vector<1xi32>
      %mul3A_427 = arith.constant 16 : i32
      %mul3A_428 = arith.muli %add3A_168, %mul3A_427 : i32
      %add3A_429 = arith.constant 14 : i32
      %add3A_430 = arith.addi %mul3A_428, %add3A_429 : i32
      %dma_start3A_431 = arith.constant 0 : i32
      %dma_start3A_432 = tpu.memref_slice %arg6[%add3A_430, %dma_start3A_431] : memref<128x128xf32, #tpu.memory_space<vmem>> -> memref<1x16xf32, #tpu.memory_space<vmem>>
      %dma_start3A_433 = tpu.memref_squeeze %dma_start3A_432 : memref<1x16xf32, #tpu.memory_space<vmem>> -> memref<16xf32, #tpu.memory_space<vmem>>
      %dma_start3A_434 = arith.constant 0 : i32
      %dma_start3A_435 = tpu.memref_slice %arg2[%squeeze3A_426, %dma_start3A_434] : memref<1000000x16xf32, #tpu.memory_space<hbm>> -> memref<1x16xf32, #tpu.memory_space<hbm>>
      %dma_start3A_436 = tpu.memref_squeeze %dma_start3A_435 : memref<1x16xf32, #tpu.memory_space<hbm>> -> memref<16xf32, #tpu.memory_space<hbm>>
      %dma_start3A_437 = arith.constant 0 : i32
      %dma_start3A_438 = tpu.memref_slice %arg6[%add3A_430, %dma_start3A_437] : memref<128x128xf32, #tpu.memory_space<vmem>> -> memref<1x16xf32, #tpu.memory_space<vmem>>
      %dma_start3A_439 = tpu.memref_squeeze %dma_start3A_438 : memref<1x16xf32, #tpu.memory_space<vmem>> -> memref<16xf32, #tpu.memory_space<vmem>>
      %dma_start3A_440 = arith.constant 0 : i32
      %dma_start3A_441 = tpu.memref_slice %arg2[%squeeze3A_426, %dma_start3A_440] : memref<1000000x16xf32, #tpu.memory_space<hbm>> -> memref<1x16xf32, #tpu.memory_space<hbm>>
      %dma_start3A_442 = tpu.memref_squeeze %dma_start3A_441 : memref<1x16xf32, #tpu.memory_space<hbm>> -> memref<16xf32, #tpu.memory_space<hbm>>
      tpu.enqueue_dma source(%dma_start3A_442 : memref<16xf32, #tpu.memory_space<hbm>>) target(%dma_start3A_439 : memref<16xf32, #tpu.memory_space<vmem>>) target_semaphore(%arg8 : memref<!tpu.dma_semaphore, #tpu.memory_space<semaphore_mem>>)
      %slice3A_443 = vector.extract_strided_slice %get3A_174 {offsets = [15], sizes = [1], strides = [1]} : vector<16xi32> to vector<1xi32>
      %squeeze3A_444 = vector.extract %slice3A_443[0] : i32 from vector<1xi32>
      %mul3A_445 = arith.constant 16 : i32
      %mul3A_446 = arith.muli %add3A_168, %mul3A_445 : i32
      %add3A_447 = arith.constant 15 : i32
      %add3A_448 = arith.addi %mul3A_446, %add3A_447 : i32
      %dma_start3A_449 = arith.constant 0 : i32
      %dma_start3A_450 = tpu.memref_slice %arg6[%add3A_448, %dma_start3A_449] : memref<128x128xf32, #tpu.memory_space<vmem>> -> memref<1x16xf32, #tpu.memory_space<vmem>>
      %dma_start3A_451 = tpu.memref_squeeze %dma_start3A_450 : memref<1x16xf32, #tpu.memory_space<vmem>> -> memref<16xf32, #tpu.memory_space<vmem>>
      %dma_start3A_452 = arith.constant 0 : i32
      %dma_start3A_453 = tpu.memref_slice %arg2[%squeeze3A_444, %dma_start3A_452] : memref<1000000x16xf32, #tpu.memory_space<hbm>> -> memref<1x16xf32, #tpu.memory_space<hbm>>
      %dma_start3A_454 = tpu.memref_squeeze %dma_start3A_453 : memref<1x16xf32, #tpu.memory_space<hbm>> -> memref<16xf32, #tpu.memory_space<hbm>>
      %dma_start3A_455 = arith.constant 0 : i32
      %dma_start3A_456 = tpu.memref_slice %arg6[%add3A_448, %dma_start3A_455] : memref<128x128xf32, #tpu.memory_space<vmem>> -> memref<1x16xf32, #tpu.memory_space<vmem>>
      %dma_start3A_457 = tpu.memref_squeeze %dma_start3A_456 : memref<1x16xf32, #tpu.memory_space<vmem>> -> memref<16xf32, #tpu.memory_space<vmem>>
      %dma_start3A_458 = arith.constant 0 : i32
      %dma_start3A_459 = tpu.memref_slice %arg2[%squeeze3A_444, %dma_start3A_458] : memref<1000000x16xf32, #tpu.memory_space<hbm>> -> memref<1x16xf32, #tpu.memory_space<hbm>>
      %dma_start3A_460 = tpu.memref_squeeze %dma_start3A_459 : memref<1x16xf32, #tpu.memory_space<hbm>> -> memref<16xf32, #tpu.memory_space<hbm>>
      tpu.enqueue_dma source(%dma_start3A_460 : memref<16xf32, #tpu.memory_space<hbm>>) target(%dma_start3A_457 : memref<16xf32, #tpu.memory_space<vmem>>) target_semaphore(%arg8 : memref<!tpu.dma_semaphore, #tpu.memory_space<semaphore_mem>>)
    }
    %scan3A_8 = arith.constant 8 : i32
    %scan3A_9 = arith.constant 0 : i32
    %scan3A_10 = arith.constant 128 : i32
    %scan3A_11 = arith.addi %scan3A_9, %scan3A_10 : i32
    %scan3A_12 = arith.constant 1 : i32
    scf.for %scan3A_164 = %scan3A_9 to %scan3A_11 step %scan3A_12  : i32 {
      %mul3A_165 = arith.constant 1 : i32
      %mul3A_166 = arith.muli %scan3A_164, %mul3A_165 : i32
      %add3A_167 = arith.constant 0 : i32
      %add3A_168 = arith.addi %add3A_167, %mul3A_166 : i32
      %dma_wait3A_169 = arith.constant 0 : i32
      %dma_wait3A_170 = arith.constant 0 : i32
      %dma_wait3A_171 = tpu.memref_slice %arg6[%add3A_168, %dma_wait3A_170] : memref<128x128xf32, #tpu.memory_space<vmem>> -> memref<1x16xf32, #tpu.memory_space<vmem>>
      %dma_wait3A_172 = tpu.memref_squeeze %dma_wait3A_171 : memref<1x16xf32, #tpu.memory_space<vmem>> -> memref<16xf32, #tpu.memory_space<vmem>>
      %dma_wait3A_173 = arith.constant 0 : i32
      %dma_wait3A_174 = tpu.memref_slice %arg2[%dma_wait3A_169, %dma_wait3A_173] : memref<1000000x16xf32, #tpu.memory_space<hbm>> -> memref<1x16xf32, #tpu.memory_space<hbm>>
      %dma_wait3A_175 = tpu.memref_squeeze %dma_wait3A_174 : memref<1x16xf32, #tpu.memory_space<hbm>> -> memref<16xf32, #tpu.memory_space<hbm>>
      %dma_wait3A_176 = arith.constant 0 : i32
      %dma_wait3A_177 = tpu.memref_slice %arg6[%add3A_168, %dma_wait3A_176] : memref<128x128xf32, #tpu.memory_space<vmem>> -> memref<1x16xf32, #tpu.memory_space<vmem>>
      %dma_wait3A_178 = tpu.memref_squeeze %dma_wait3A_177 : memref<1x16xf32, #tpu.memory_space<vmem>> -> memref<16xf32, #tpu.memory_space<vmem>>
      %dma_wait3A_179 = arith.constant 0 : i32
      %dma_wait3A_180 = tpu.memref_slice %arg2[%dma_wait3A_169, %dma_wait3A_179] : memref<1000000x16xf32, #tpu.memory_space<hbm>> -> memref<1x16xf32, #tpu.memory_space<hbm>>
      %dma_wait3A_181 = tpu.memref_squeeze %dma_wait3A_180 : memref<1x16xf32, #tpu.memory_space<hbm>> -> memref<16xf32, #tpu.memory_space<hbm>>
      tpu.wait_dma2 semaphore(%arg8 : memref<!tpu.dma_semaphore, #tpu.memory_space<semaphore_mem>>) src(%dma_wait3A_181 : memref<16xf32, #tpu.memory_space<hbm>>) dst(%dma_wait3A_178 : memref<16xf32, #tpu.memory_space<vmem>>)
    }
    %scan3A_13 = arith.constant 128 : i32
    %add3A_14 = arith.constant 0 : i32
    %add3A_15 = arith.addi %mul3A_2, %add3A_14 : i32
    %dma_start3A_16 = arith.constant 0 : i32
    %dma_start3A_17 = tpu.memref_slice %arg4[%add3A_15, %dma_start3A_16] : memref<32768x128xf32, #tpu.memory_space<hbm>> -> memref<128x128xf32, #tpu.memory_space<hbm>>
    %dma_start3A_18 = arith.constant 0 : i32
    %dma_start3A_19 = tpu.memref_slice %arg4[%add3A_15, %dma_start3A_18] : memref<32768x128xf32, #tpu.memory_space<hbm>> -> memref<128x128xf32, #tpu.memory_space<hbm>>
    tpu.enqueue_dma source(%arg6 : memref<128x128xf32, #tpu.memory_space<vmem>>) target(%dma_start3A_19 : memref<128x128xf32, #tpu.memory_space<hbm>>) target_semaphore(%arg7 : memref<!tpu.dma_semaphore, #tpu.memory_space<semaphore_mem>>)
    %dma_wait3A_20 = arith.constant 0 : i32
    %dma_wait3A_21 = tpu.memref_slice %arg4[%add3A_15, %dma_wait3A_20] : memref<32768x128xf32, #tpu.memory_space<hbm>> -> memref<128x128xf32, #tpu.memory_space<hbm>>
    %dma_wait3A_22 = arith.constant 0 : i32
    %dma_wait3A_23 = tpu.memref_slice %arg4[%add3A_15, %dma_wait3A_22] : memref<32768x128xf32, #tpu.memory_space<hbm>> -> memref<128x128xf32, #tpu.memory_space<hbm>>
    tpu.wait_dma2 semaphore(%arg7 : memref<!tpu.dma_semaphore, #tpu.memory_space<semaphore_mem>>) src(%arg6 : memref<128x128xf32, #tpu.memory_space<vmem>>) dst(%dma_wait3A_23 : memref<128x128xf32, #tpu.memory_space<hbm>>)
    %scan3A_24 = arith.constant 0 : i32
    %scan3A_25 = arith.constant 8 : i32
    %scan3A_26 = arith.addi %scan3A_24, %scan3A_25 : i32
    %scan3A_27 = arith.constant 1 : i32
    scf.for %scan3A_164 = %scan3A_24 to %scan3A_26 step %scan3A_27  : i32 {
      %mul3A_165 = arith.constant 1 : i32
      %mul3A_166 = arith.muli %scan3A_164, %mul3A_165 : i32
      %add3A_167 = arith.constant 0 : i32
      %add3A_168 = arith.addi %add3A_167, %mul3A_166 : i32
      %mul3A_169 = arith.constant 16 : i32
      %mul3A_170 = arith.muli %add3A_168, %mul3A_169 : i32
      %add3A_171 = arith.constant 128 : i32
      %add3A_172 = arith.addi %add3A_171, %mul3A_170 : i32
      %get3A = arith.index_cast %add3A_172 : i32 to index
      %get3A_173 = tpu.vector_load %arg5[%get3A] {strides = array<i32>} : memref<1024xi32, #tpu.memory_space<vmem>>, vector<16xi32>,
      %get3A_174 = vector.shape_cast %get3A_173 : vector<16xi32> to vector<16xi32>
      %slice3A = vector.extract_strided_slice %get3A_174 {offsets = [0], sizes = [1], strides = [1]} : vector<16xi32> to vector<1xi32>
      %squeeze3A = vector.extract %slice3A[0] : i32 from vector<1xi32>
      %mul3A_175 = arith.constant 16 : i32
      %mul3A_176 = arith.muli %add3A_168, %mul3A_175 : i32
      %add3A_177 = arith.constant 0 : i32
      %add3A_178 = arith.addi %mul3A_176, %add3A_177 : i32
      %dma_start3A_179 = arith.constant 0 : i32
      %dma_start3A_180 = tpu.memref_slice %arg6[%add3A_178, %dma_start3A_179] : memref<128x128xf32, #tpu.memory_space<vmem>> -> memref<1x16xf32, #tpu.memory_space<vmem>>
      %dma_start3A_181 = tpu.memref_squeeze %dma_start3A_180 : memref<1x16xf32, #tpu.memory_space<vmem>> -> memref<16xf32, #tpu.memory_space<vmem>>
      %dma_start3A_182 = arith.constant 0 : i32
      %dma_start3A_183 = tpu.memref_slice %arg2[%squeeze3A, %dma_start3A_182] : memref<1000000x16xf32, #tpu.memory_space<hbm>> -> memref<1x16xf32, #tpu.memory_space<hbm>>
      %dma_start3A_184 = tpu.memref_squeeze %dma_start3A_183 : memref<1x16xf32, #tpu.memory_space<hbm>> -> memref<16xf32, #tpu.memory_space<hbm>>
      %dma_start3A_185 = arith.constant 0 : i32
      %dma_start3A_186 = tpu.memref_slice %arg6[%add3A_178, %dma_start3A_185] : memref<128x128xf32, #tpu.memory_space<vmem>> -> memref<1x16xf32, #tpu.memory_space<vmem>>
      %dma_start3A_187 = tpu.memref_squeeze %dma_start3A_186 : memref<1x16xf32, #tpu.memory_space<vmem>> -> memref<16xf32, #tpu.memory_space<vmem>>
      %dma_start3A_188 = arith.constant 0 : i32
      %dma_start3A_189 = tpu.memref_slice %arg2[%squeeze3A, %dma_start3A_188] : memref<1000000x16xf32, #tpu.memory_space<hbm>> -> memref<1x16xf32, #tpu.memory_space<hbm>>
      %dma_start3A_190 = tpu.memref_squeeze %dma_start3A_189 : memref<1x16xf32, #tpu.memory_space<hbm>> -> memref<16xf32, #tpu.memory_space<hbm>>
      tpu.enqueue_dma source(%dma_start3A_190 : memref<16xf32, #tpu.memory_space<hbm>>) target(%dma_start3A_187 : memref<16xf32, #tpu.memory_space<vmem>>) target_semaphore(%arg8 : memref<!tpu.dma_semaphore, #tpu.memory_space<semaphore_mem>>)
      %slice3A_191 = vector.extract_strided_slice %get3A_174 {offsets = [1], sizes = [1], strides = [1]} : vector<16xi32> to vector<1xi32>
      %squeeze3A_192 = vector.extract %slice3A_191[0] : i32 from vector<1xi32>
      %mul3A_193 = arith.constant 16 : i32
      %mul3A_194 = arith.muli %add3A_168, %mul3A_193 : i32
      %add3A_195 = arith.constant 1 : i32
      %add3A_196 = arith.addi %mul3A_194, %add3A_195 : i32
      %dma_start3A_197 = arith.constant 0 : i32
      %dma_start3A_198 = tpu.memref_slice %arg6[%add3A_196, %dma_start3A_197] : memref<128x128xf32, #tpu.memory_space<vmem>> -> memref<1x16xf32, #tpu.memory_space<vmem>>
      %dma_start3A_199 = tpu.memref_squeeze %dma_start3A_198 : memref<1x16xf32, #tpu.memory_space<vmem>> -> memref<16xf32, #tpu.memory_space<vmem>>
      %dma_start3A_200 = arith.constant 0 : i32
      %dma_start3A_201 = tpu.memref_slice %arg2[%squeeze3A_192, %dma_start3A_200] : memref<1000000x16xf32, #tpu.memory_space<hbm>> -> memref<1x16xf32, #tpu.memory_space<hbm>>
      %dma_start3A_202 = tpu.memref_squeeze %dma_start3A_201 : memref<1x16xf32, #tpu.memory_space<hbm>> -> memref<16xf32, #tpu.memory_space<hbm>>
      %dma_start3A_203 = arith.constant 0 : i32
      %dma_start3A_204 = tpu.memref_slice %arg6[%add3A_196, %dma_start3A_203] : memref<128x128xf32, #tpu.memory_space<vmem>> -> memref<1x16xf32, #tpu.memory_space<vmem>>
      %dma_start3A_205 = tpu.memref_squeeze %dma_start3A_204 : memref<1x16xf32, #tpu.memory_space<vmem>> -> memref<16xf32, #tpu.memory_space<vmem>>
      %dma_start3A_206 = arith.constant 0 : i32
      %dma_start3A_207 = tpu.memref_slice %arg2[%squeeze3A_192, %dma_start3A_206] : memref<1000000x16xf32, #tpu.memory_space<hbm>> -> memref<1x16xf32, #tpu.memory_space<hbm>>
      %dma_start3A_208 = tpu.memref_squeeze %dma_start3A_207 : memref<1x16xf32, #tpu.memory_space<hbm>> -> memref<16xf32, #tpu.memory_space<hbm>>
      tpu.enqueue_dma source(%dma_start3A_208 : memref<16xf32, #tpu.memory_space<hbm>>) target(%dma_start3A_205 : memref<16xf32, #tpu.memory_space<vmem>>) target_semaphore(%arg8 : memref<!tpu.dma_semaphore, #tpu.memory_space<semaphore_mem>>)
      %slice3A_209 = vector.extract_strided_slice %get3A_174 {offsets = [2], sizes = [1], strides = [1]} : vector<16xi32> to vector<1xi32>
      %squeeze3A_210 = vector.extract %slice3A_209[0] : i32 from vector<1xi32>
      %mul3A_211 = arith.constant 16 : i32
      %mul3A_212 = arith.muli %add3A_168, %mul3A_211 : i32
      %add3A_213 = arith.constant 2 : i32
      %add3A_214 = arith.addi %mul3A_212, %add3A_213 : i32
      %dma_start3A_215 = arith.constant 0 : i32
      %dma_start3A_216 = tpu.memref_slice %arg6[%add3A_214, %dma_start3A_215] : memref<128x128xf32, #tpu.memory_space<vmem>> -> memref<1x16xf32, #tpu.memory_space<vmem>>
      %dma_start3A_217 = tpu.memref_squeeze %dma_start3A_216 : memref<1x16xf32, #tpu.memory_space<vmem>> -> memref<16xf32, #tpu.memory_space<vmem>>
      %dma_start3A_218 = arith.constant 0 : i32
      %dma_start3A_219 = tpu.memref_slice %arg2[%squeeze3A_210, %dma_start3A_218] : memref<1000000x16xf32, #tpu.memory_space<hbm>> -> memref<1x16xf32, #tpu.memory_space<hbm>>
      %dma_start3A_220 = tpu.memref_squeeze %dma_start3A_219 : memref<1x16xf32, #tpu.memory_space<hbm>> -> memref<16xf32, #tpu.memory_space<hbm>>
      %dma_start3A_221 = arith.constant 0 : i32
      %dma_start3A_222 = tpu.memref_slice %arg6[%add3A_214, %dma_start3A_221] : memref<128x128xf32, #tpu.memory_space<vmem>> -> memref<1x16xf32, #tpu.memory_space<vmem>>
      %dma_start3A_223 = tpu.memref_squeeze %dma_start3A_222 : memref<1x16xf32, #tpu.memory_space<vmem>> -> memref<16xf32, #tpu.memory_space<vmem>>
      %dma_start3A_224 = arith.constant 0 : i32
      %dma_start3A_225 = tpu.memref_slice %arg2[%squeeze3A_210, %dma_start3A_224] : memref<1000000x16xf32, #tpu.memory_space<hbm>> -> memref<1x16xf32, #tpu.memory_space<hbm>>
      %dma_start3A_226 = tpu.memref_squeeze %dma_start3A_225 : memref<1x16xf32, #tpu.memory_space<hbm>> -> memref<16xf32, #tpu.memory_space<hbm>>
      tpu.enqueue_dma source(%dma_start3A_226 : memref<16xf32, #tpu.memory_space<hbm>>) target(%dma_start3A_223 : memref<16xf32, #tpu.memory_space<vmem>>) target_semaphore(%arg8 : memref<!tpu.dma_semaphore, #tpu.memory_space<semaphore_mem>>)
      %slice3A_227 = vector.extract_strided_slice %get3A_174 {offsets = [3], sizes = [1], strides = [1]} : vector<16xi32> to vector<1xi32>
      %squeeze3A_228 = vector.extract %slice3A_227[0] : i32 from vector<1xi32>
      %mul3A_229 = arith.constant 16 : i32
      %mul3A_230 = arith.muli %add3A_168, %mul3A_229 : i32
      %add3A_231 = arith.constant 3 : i32
      %add3A_232 = arith.addi %mul3A_230, %add3A_231 : i32
      %dma_start3A_233 = arith.constant 0 : i32
      %dma_start3A_234 = tpu.memref_slice %arg6[%add3A_232, %dma_start3A_233] : memref<128x128xf32, #tpu.memory_space<vmem>> -> memref<1x16xf32, #tpu.memory_space<vmem>>
      %dma_start3A_235 = tpu.memref_squeeze %dma_start3A_234 : memref<1x16xf32, #tpu.memory_space<vmem>> -> memref<16xf32, #tpu.memory_space<vmem>>
      %dma_start3A_236 = arith.constant 0 : i32
      %dma_start3A_237 = tpu.memref_slice %arg2[%squeeze3A_228, %dma_start3A_236] : memref<1000000x16xf32, #tpu.memory_space<hbm>> -> memref<1x16xf32, #tpu.memory_space<hbm>>
      %dma_start3A_238 = tpu.memref_squeeze %dma_start3A_237 : memref<1x16xf32, #tpu.memory_space<hbm>> -> memref<16xf32, #tpu.memory_space<hbm>>
      %dma_start3A_239 = arith.constant 0 : i32
      %dma_start3A_240 = tpu.memref_slice %arg6[%add3A_232, %dma_start3A_239] : memref<128x128xf32, #tpu.memory_space<vmem>> -> memref<1x16xf32, #tpu.memory_space<vmem>>
      %dma_start3A_241 = tpu.memref_squeeze %dma_start3A_240 : memref<1x16xf32, #tpu.memory_space<vmem>> -> memref<16xf32, #tpu.memory_space<vmem>>
      %dma_start3A_242 = arith.constant 0 : i32
      %dma_start3A_243 = tpu.memref_slice %arg2[%squeeze3A_228, %dma_start3A_242] : memref<1000000x16xf32, #tpu.memory_space<hbm>> -> memref<1x16xf32, #tpu.memory_space<hbm>>
      %dma_start3A_244 = tpu.memref_squeeze %dma_start3A_243 : memref<1x16xf32, #tpu.memory_space<hbm>> -> memref<16xf32, #tpu.memory_space<hbm>>
      tpu.enqueue_dma source(%dma_start3A_244 : memref<16xf32, #tpu.memory_space<hbm>>) target(%dma_start3A_241 : memref<16xf32, #tpu.memory_space<vmem>>) target_semaphore(%arg8 : memref<!tpu.dma_semaphore, #tpu.memory_space<semaphore_mem>>)
      %slice3A_245 = vector.extract_strided_slice %get3A_174 {offsets = [4], sizes = [1], strides = [1]} : vector<16xi32> to vector<1xi32>
      %squeeze3A_246 = vector.extract %slice3A_245[0] : i32 from vector<1xi32>
      %mul3A_247 = arith.constant 16 : i32
      %mul3A_248 = arith.muli %add3A_168, %mul3A_247 : i32
      %add3A_249 = arith.constant 4 : i32
      %add3A_250 = arith.addi %mul3A_248, %add3A_249 : i32
      %dma_start3A_251 = arith.constant 0 : i32
      %dma_start3A_252 = tpu.memref_slice %arg6[%add3A_250, %dma_start3A_251] : memref<128x128xf32, #tpu.memory_space<vmem>> -> memref<1x16xf32, #tpu.memory_space<vmem>>
      %dma_start3A_253 = tpu.memref_squeeze %dma_start3A_252 : memref<1x16xf32, #tpu.memory_space<vmem>> -> memref<16xf32, #tpu.memory_space<vmem>>
      %dma_start3A_254 = arith.constant 0 : i32
      %dma_start3A_255 = tpu.memref_slice %arg2[%squeeze3A_246, %dma_start3A_254] : memref<1000000x16xf32, #tpu.memory_space<hbm>> -> memref<1x16xf32, #tpu.memory_space<hbm>>
      %dma_start3A_256 = tpu.memref_squeeze %dma_start3A_255 : memref<1x16xf32, #tpu.memory_space<hbm>> -> memref<16xf32, #tpu.memory_space<hbm>>
      %dma_start3A_257 = arith.constant 0 : i32
      %dma_start3A_258 = tpu.memref_slice %arg6[%add3A_250, %dma_start3A_257] : memref<128x128xf32, #tpu.memory_space<vmem>> -> memref<1x16xf32, #tpu.memory_space<vmem>>
      %dma_start3A_259 = tpu.memref_squeeze %dma_start3A_258 : memref<1x16xf32, #tpu.memory_space<vmem>> -> memref<16xf32, #tpu.memory_space<vmem>>
      %dma_start3A_260 = arith.constant 0 : i32
      %dma_start3A_261 = tpu.memref_slice %arg2[%squeeze3A_246, %dma_start3A_260] : memref<1000000x16xf32, #tpu.memory_space<hbm>> -> memref<1x16xf32, #tpu.memory_space<hbm>>
      %dma_start3A_262 = tpu.memref_squeeze %dma_start3A_261 : memref<1x16xf32, #tpu.memory_space<hbm>> -> memref<16xf32, #tpu.memory_space<hbm>>
      tpu.enqueue_dma source(%dma_start3A_262 : memref<16xf32, #tpu.memory_space<hbm>>) target(%dma_start3A_259 : memref<16xf32, #tpu.memory_space<vmem>>) target_semaphore(%arg8 : memref<!tpu.dma_semaphore, #tpu.memory_space<semaphore_mem>>)
      %slice3A_263 = vector.extract_strided_slice %get3A_174 {offsets = [5], sizes = [1], strides = [1]} : vector<16xi32> to vector<1xi32>
      %squeeze3A_264 = vector.extract %slice3A_263[0] : i32 from vector<1xi32>
      %mul3A_265 = arith.constant 16 : i32
      %mul3A_266 = arith.muli %add3A_168, %mul3A_265 : i32
      %add3A_267 = arith.constant 5 : i32
      %add3A_268 = arith.addi %mul3A_266, %add3A_267 : i32
      %dma_start3A_269 = arith.constant 0 : i32
      %dma_start3A_270 = tpu.memref_slice %arg6[%add3A_268, %dma_start3A_269] : memref<128x128xf32, #tpu.memory_space<vmem>> -> memref<1x16xf32, #tpu.memory_space<vmem>>
      %dma_start3A_271 = tpu.memref_squeeze %dma_start3A_270 : memref<1x16xf32, #tpu.memory_space<vmem>> -> memref<16xf32, #tpu.memory_space<vmem>>
      %dma_start3A_272 = arith.constant 0 : i32
      %dma_start3A_273 = tpu.memref_slice %arg2[%squeeze3A_264, %dma_start3A_272] : memref<1000000x16xf32, #tpu.memory_space<hbm>> -> memref<1x16xf32, #tpu.memory_space<hbm>>
      %dma_start3A_274 = tpu.memref_squeeze %dma_start3A_273 : memref<1x16xf32, #tpu.memory_space<hbm>> -> memref<16xf32, #tpu.memory_space<hbm>>
      %dma_start3A_275 = arith.constant 0 : i32
      %dma_start3A_276 = tpu.memref_slice %arg6[%add3A_268, %dma_start3A_275] : memref<128x128xf32, #tpu.memory_space<vmem>> -> memref<1x16xf32, #tpu.memory_space<vmem>>
      %dma_start3A_277 = tpu.memref_squeeze %dma_start3A_276 : memref<1x16xf32, #tpu.memory_space<vmem>> -> memref<16xf32, #tpu.memory_space<vmem>>
      %dma_start3A_278 = arith.constant 0 : i32
      %dma_start3A_279 = tpu.memref_slice %arg2[%squeeze3A_264, %dma_start3A_278] : memref<1000000x16xf32, #tpu.memory_space<hbm>> -> memref<1x16xf32, #tpu.memory_space<hbm>>
      %dma_start3A_280 = tpu.memref_squeeze %dma_start3A_279 : memref<1x16xf32, #tpu.memory_space<hbm>> -> memref<16xf32, #tpu.memory_space<hbm>>
      tpu.enqueue_dma source(%dma_start3A_280 : memref<16xf32, #tpu.memory_space<hbm>>) target(%dma_start3A_277 : memref<16xf32, #tpu.memory_space<vmem>>) target_semaphore(%arg8 : memref<!tpu.dma_semaphore, #tpu.memory_space<semaphore_mem>>)
      %slice3A_281 = vector.extract_strided_slice %get3A_174 {offsets = [6], sizes = [1], strides = [1]} : vector<16xi32> to vector<1xi32>
      %squeeze3A_282 = vector.extract %slice3A_281[0] : i32 from vector<1xi32>
      %mul3A_283 = arith.constant 16 : i32
      %mul3A_284 = arith.muli %add3A_168, %mul3A_283 : i32
      %add3A_285 = arith.constant 6 : i32
      %add3A_286 = arith.addi %mul3A_284, %add3A_285 : i32
      %dma_start3A_287 = arith.constant 0 : i32
      %dma_start3A_288 = tpu.memref_slice %arg6[%add3A_286, %dma_start3A_287] : memref<128x128xf32, #tpu.memory_space<vmem>> -> memref<1x16xf32, #tpu.memory_space<vmem>>
      %dma_start3A_289 = tpu.memref_squeeze %dma_start3A_288 : memref<1x16xf32, #tpu.memory_space<vmem>> -> memref<16xf32, #tpu.memory_space<vmem>>
      %dma_start3A_290 = arith.constant 0 : i32
      %dma_start3A_291 = tpu.memref_slice %arg2[%squeeze3A_282, %dma_start3A_290] : memref<1000000x16xf32, #tpu.memory_space<hbm>> -> memref<1x16xf32, #tpu.memory_space<hbm>>
      %dma_start3A_292 = tpu.memref_squeeze %dma_start3A_291 : memref<1x16xf32, #tpu.memory_space<hbm>> -> memref<16xf32, #tpu.memory_space<hbm>>
      %dma_start3A_293 = arith.constant 0 : i32
      %dma_start3A_294 = tpu.memref_slice %arg6[%add3A_286, %dma_start3A_293] : memref<128x128xf32, #tpu.memory_space<vmem>> -> memref<1x16xf32, #tpu.memory_space<vmem>>
      %dma_start3A_295 = tpu.memref_squeeze %dma_start3A_294 : memref<1x16xf32, #tpu.memory_space<vmem>> -> memref<16xf32, #tpu.memory_space<vmem>>
      %dma_start3A_296 = arith.constant 0 : i32
      %dma_start3A_297 = tpu.memref_slice %arg2[%squeeze3A_282, %dma_start3A_296] : memref<1000000x16xf32, #tpu.memory_space<hbm>> -> memref<1x16xf32, #tpu.memory_space<hbm>>
      %dma_start3A_298 = tpu.memref_squeeze %dma_start3A_297 : memref<1x16xf32, #tpu.memory_space<hbm>> -> memref<16xf32, #tpu.memory_space<hbm>>
      tpu.enqueue_dma source(%dma_start3A_298 : memref<16xf32, #tpu.memory_space<hbm>>) target(%dma_start3A_295 : memref<16xf32, #tpu.memory_space<vmem>>) target_semaphore(%arg8 : memref<!tpu.dma_semaphore, #tpu.memory_space<semaphore_mem>>)
      %slice3A_299 = vector.extract_strided_slice %get3A_174 {offsets = [7], sizes = [1], strides = [1]} : vector<16xi32> to vector<1xi32>
      %squeeze3A_300 = vector.extract %slice3A_299[0] : i32 from vector<1xi32>
      %mul3A_301 = arith.constant 16 : i32
      %mul3A_302 = arith.muli %add3A_168, %mul3A_301 : i32
      %add3A_303 = arith.constant 7 : i32
      %add3A_304 = arith.addi %mul3A_302, %add3A_303 : i32
      %dma_start3A_305 = arith.constant 0 : i32
      %dma_start3A_306 = tpu.memref_slice %arg6[%add3A_304, %dma_start3A_305] : memref<128x128xf32, #tpu.memory_space<vmem>> -> memref<1x16xf32, #tpu.memory_space<vmem>>
      %dma_start3A_307 = tpu.memref_squeeze %dma_start3A_306 : memref<1x16xf32, #tpu.memory_space<vmem>> -> memref<16xf32, #tpu.memory_space<vmem>>
      %dma_start3A_308 = arith.constant 0 : i32
      %dma_start3A_309 = tpu.memref_slice %arg2[%squeeze3A_300, %dma_start3A_308] : memref<1000000x16xf32, #tpu.memory_space<hbm>> -> memref<1x16xf32, #tpu.memory_space<hbm>>
      %dma_start3A_310 = tpu.memref_squeeze %dma_start3A_309 : memref<1x16xf32, #tpu.memory_space<hbm>> -> memref<16xf32, #tpu.memory_space<hbm>>
      %dma_start3A_311 = arith.constant 0 : i32
      %dma_start3A_312 = tpu.memref_slice %arg6[%add3A_304, %dma_start3A_311] : memref<128x128xf32, #tpu.memory_space<vmem>> -> memref<1x16xf32, #tpu.memory_space<vmem>>
      %dma_start3A_313 = tpu.memref_squeeze %dma_start3A_312 : memref<1x16xf32, #tpu.memory_space<vmem>> -> memref<16xf32, #tpu.memory_space<vmem>>
      %dma_start3A_314 = arith.constant 0 : i32
      %dma_start3A_315 = tpu.memref_slice %arg2[%squeeze3A_300, %dma_start3A_314] : memref<1000000x16xf32, #tpu.memory_space<hbm>> -> memref<1x16xf32, #tpu.memory_space<hbm>>
      %dma_start3A_316 = tpu.memref_squeeze %dma_start3A_315 : memref<1x16xf32, #tpu.memory_space<hbm>> -> memref<16xf32, #tpu.memory_space<hbm>>
      tpu.enqueue_dma source(%dma_start3A_316 : memref<16xf32, #tpu.memory_space<hbm>>) target(%dma_start3A_313 : memref<16xf32, #tpu.memory_space<vmem>>) target_semaphore(%arg8 : memref<!tpu.dma_semaphore, #tpu.memory_space<semaphore_mem>>)
      %slice3A_317 = vector.extract_strided_slice %get3A_174 {offsets = [8], sizes = [1], strides = [1]} : vector<16xi32> to vector<1xi32>
      %squeeze3A_318 = vector.extract %slice3A_317[0] : i32 from vector<1xi32>
      %mul3A_319 = arith.constant 16 : i32
      %mul3A_320 = arith.muli %add3A_168, %mul3A_319 : i32
      %add3A_321 = arith.constant 8 : i32
      %add3A_322 = arith.addi %mul3A_320, %add3A_321 : i32
      %dma_start3A_323 = arith.constant 0 : i32
      %dma_start3A_324 = tpu.memref_slice %arg6[%add3A_322, %dma_start3A_323] : memref<128x128xf32, #tpu.memory_space<vmem>> -> memref<1x16xf32, #tpu.memory_space<vmem>>
      %dma_start3A_325 = tpu.memref_squeeze %dma_start3A_324 : memref<1x16xf32, #tpu.memory_space<vmem>> -> memref<16xf32, #tpu.memory_space<vmem>>
      %dma_start3A_326 = arith.constant 0 : i32
      %dma_start3A_327 = tpu.memref_slice %arg2[%squeeze3A_318, %dma_start3A_326] : memref<1000000x16xf32, #tpu.memory_space<hbm>> -> memref<1x16xf32, #tpu.memory_space<hbm>>
      %dma_start3A_328 = tpu.memref_squeeze %dma_start3A_327 : memref<1x16xf32, #tpu.memory_space<hbm>> -> memref<16xf32, #tpu.memory_space<hbm>>
      %dma_start3A_329 = arith.constant 0 : i32
      %dma_start3A_330 = tpu.memref_slice %arg6[%add3A_322, %dma_start3A_329] : memref<128x128xf32, #tpu.memory_space<vmem>> -> memref<1x16xf32, #tpu.memory_space<vmem>>
      %dma_start3A_331 = tpu.memref_squeeze %dma_start3A_330 : memref<1x16xf32, #tpu.memory_space<vmem>> -> memref<16xf32, #tpu.memory_space<vmem>>
      %dma_start3A_332 = arith.constant 0 : i32
      %dma_start3A_333 = tpu.memref_slice %arg2[%squeeze3A_318, %dma_start3A_332] : memref<1000000x16xf32, #tpu.memory_space<hbm>> -> memref<1x16xf32, #tpu.memory_space<hbm>>
      %dma_start3A_334 = tpu.memref_squeeze %dma_start3A_333 : memref<1x16xf32, #tpu.memory_space<hbm>> -> memref<16xf32, #tpu.memory_space<hbm>>
      tpu.enqueue_dma source(%dma_start3A_334 : memref<16xf32, #tpu.memory_space<hbm>>) target(%dma_start3A_331 : memref<16xf32, #tpu.memory_space<vmem>>) target_semaphore(%arg8 : memref<!tpu.dma_semaphore, #tpu.memory_space<semaphore_mem>>)
      %slice3A_335 = vector.extract_strided_slice %get3A_174 {offsets = [9], sizes = [1], strides = [1]} : vector<16xi32> to vector<1xi32>
      %squeeze3A_336 = vector.extract %slice3A_335[0] : i32 from vector<1xi32>
      %mul3A_337 = arith.constant 16 : i32
      %mul3A_338 = arith.muli %add3A_168, %mul3A_337 : i32
      %add3A_339 = arith.constant 9 : i32
      %add3A_340 = arith.addi %mul3A_338, %add3A_339 : i32
      %dma_start3A_341 = arith.constant 0 : i32
      %dma_start3A_342 = tpu.memref_slice %arg6[%add3A_340, %dma_start3A_341] : memref<128x128xf32, #tpu.memory_space<vmem>> -> memref<1x16xf32, #tpu.memory_space<vmem>>
      %dma_start3A_343 = tpu.memref_squeeze %dma_start3A_342 : memref<1x16xf32, #tpu.memory_space<vmem>> -> memref<16xf32, #tpu.memory_space<vmem>>
      %dma_start3A_344 = arith.constant 0 : i32
      %dma_start3A_345 = tpu.memref_slice %arg2[%squeeze3A_336, %dma_start3A_344] : memref<1000000x16xf32, #tpu.memory_space<hbm>> -> memref<1x16xf32, #tpu.memory_space<hbm>>
      %dma_start3A_346 = tpu.memref_squeeze %dma_start3A_345 : memref<1x16xf32, #tpu.memory_space<hbm>> -> memref<16xf32, #tpu.memory_space<hbm>>
      %dma_start3A_347 = arith.constant 0 : i32
      %dma_start3A_348 = tpu.memref_slice %arg6[%add3A_340, %dma_start3A_347] : memref<128x128xf32, #tpu.memory_space<vmem>> -> memref<1x16xf32, #tpu.memory_space<vmem>>
      %dma_start3A_349 = tpu.memref_squeeze %dma_start3A_348 : memref<1x16xf32, #tpu.memory_space<vmem>> -> memref<16xf32, #tpu.memory_space<vmem>>
      %dma_start3A_350 = arith.constant 0 : i32
      %dma_start3A_351 = tpu.memref_slice %arg2[%squeeze3A_336, %dma_start3A_350] : memref<1000000x16xf32, #tpu.memory_space<hbm>> -> memref<1x16xf32, #tpu.memory_space<hbm>>
      %dma_start3A_352 = tpu.memref_squeeze %dma_start3A_351 : memref<1x16xf32, #tpu.memory_space<hbm>> -> memref<16xf32, #tpu.memory_space<hbm>>
      tpu.enqueue_dma source(%dma_start3A_352 : memref<16xf32, #tpu.memory_space<hbm>>) target(%dma_start3A_349 : memref<16xf32, #tpu.memory_space<vmem>>) target_semaphore(%arg8 : memref<!tpu.dma_semaphore, #tpu.memory_space<semaphore_mem>>)
      %slice3A_353 = vector.extract_strided_slice %get3A_174 {offsets = [10], sizes = [1], strides = [1]} : vector<16xi32> to vector<1xi32>
      %squeeze3A_354 = vector.extract %slice3A_353[0] : i32 from vector<1xi32>
      %mul3A_355 = arith.constant 16 : i32
      %mul3A_356 = arith.muli %add3A_168, %mul3A_355 : i32
      %add3A_357 = arith.constant 10 : i32
      %add3A_358 = arith.addi %mul3A_356, %add3A_357 : i32
      %dma_start3A_359 = arith.constant 0 : i32
      %dma_start3A_360 = tpu.memref_slice %arg6[%add3A_358, %dma_start3A_359] : memref<128x128xf32, #tpu.memory_space<vmem>> -> memref<1x16xf32, #tpu.memory_space<vmem>>
      %dma_start3A_361 = tpu.memref_squeeze %dma_start3A_360 : memref<1x16xf32, #tpu.memory_space<vmem>> -> memref<16xf32, #tpu.memory_space<vmem>>
      %dma_start3A_362 = arith.constant 0 : i32
      %dma_start3A_363 = tpu.memref_slice %arg2[%squeeze3A_354, %dma_start3A_362] : memref<1000000x16xf32, #tpu.memory_space<hbm>> -> memref<1x16xf32, #tpu.memory_space<hbm>>
      %dma_start3A_364 = tpu.memref_squeeze %dma_start3A_363 : memref<1x16xf32, #tpu.memory_space<hbm>> -> memref<16xf32, #tpu.memory_space<hbm>>
      %dma_start3A_365 = arith.constant 0 : i32
      %dma_start3A_366 = tpu.memref_slice %arg6[%add3A_358, %dma_start3A_365] : memref<128x128xf32, #tpu.memory_space<vmem>> -> memref<1x16xf32, #tpu.memory_space<vmem>>
      %dma_start3A_367 = tpu.memref_squeeze %dma_start3A_366 : memref<1x16xf32, #tpu.memory_space<vmem>> -> memref<16xf32, #tpu.memory_space<vmem>>
      %dma_start3A_368 = arith.constant 0 : i32
      %dma_start3A_369 = tpu.memref_slice %arg2[%squeeze3A_354, %dma_start3A_368] : memref<1000000x16xf32, #tpu.memory_space<hbm>> -> memref<1x16xf32, #tpu.memory_space<hbm>>
      %dma_start3A_370 = tpu.memref_squeeze %dma_start3A_369 : memref<1x16xf32, #tpu.memory_space<hbm>> -> memref<16xf32, #tpu.memory_space<hbm>>
      tpu.enqueue_dma source(%dma_start3A_370 : memref<16xf32, #tpu.memory_space<hbm>>) target(%dma_start3A_367 : memref<16xf32, #tpu.memory_space<vmem>>) target_semaphore(%arg8 : memref<!tpu.dma_semaphore, #tpu.memory_space<semaphore_mem>>)
      %slice3A_371 = vector.extract_strided_slice %get3A_174 {offsets = [11], sizes = [1], strides = [1]} : vector<16xi32> to vector<1xi32>
      %squeeze3A_372 = vector.extract %slice3A_371[0] : i32 from vector<1xi32>
      %mul3A_373 = arith.constant 16 : i32
      %mul3A_374 = arith.muli %add3A_168, %mul3A_373 : i32
      %add3A_375 = arith.constant 11 : i32
      %add3A_376 = arith.addi %mul3A_374, %add3A_375 : i32
      %dma_start3A_377 = arith.constant 0 : i32
      %dma_start3A_378 = tpu.memref_slice %arg6[%add3A_376, %dma_start3A_377] : memref<128x128xf32, #tpu.memory_space<vmem>> -> memref<1x16xf32, #tpu.memory_space<vmem>>
      %dma_start3A_379 = tpu.memref_squeeze %dma_start3A_378 : memref<1x16xf32, #tpu.memory_space<vmem>> -> memref<16xf32, #tpu.memory_space<vmem>>
      %dma_start3A_380 = arith.constant 0 : i32
      %dma_start3A_381 = tpu.memref_slice %arg2[%squeeze3A_372, %dma_start3A_380] : memref<1000000x16xf32, #tpu.memory_space<hbm>> -> memref<1x16xf32, #tpu.memory_space<hbm>>
      %dma_start3A_382 = tpu.memref_squeeze %dma_start3A_381 : memref<1x16xf32, #tpu.memory_space<hbm>> -> memref<16xf32, #tpu.memory_space<hbm>>
      %dma_start3A_383 = arith.constant 0 : i32
      %dma_start3A_384 = tpu.memref_slice %arg6[%add3A_376, %dma_start3A_383] : memref<128x128xf32, #tpu.memory_space<vmem>> -> memref<1x16xf32, #tpu.memory_space<vmem>>
      %dma_start3A_385 = tpu.memref_squeeze %dma_start3A_384 : memref<1x16xf32, #tpu.memory_space<vmem>> -> memref<16xf32, #tpu.memory_space<vmem>>
      %dma_start3A_386 = arith.constant 0 : i32
      %dma_start3A_387 = tpu.memref_slice %arg2[%squeeze3A_372, %dma_start3A_386] : memref<1000000x16xf32, #tpu.memory_space<hbm>> -> memref<1x16xf32, #tpu.memory_space<hbm>>
      %dma_start3A_388 = tpu.memref_squeeze %dma_start3A_387 : memref<1x16xf32, #tpu.memory_space<hbm>> -> memref<16xf32, #tpu.memory_space<hbm>>
      tpu.enqueue_dma source(%dma_start3A_388 : memref<16xf32, #tpu.memory_space<hbm>>) target(%dma_start3A_385 : memref<16xf32, #tpu.memory_space<vmem>>) target_semaphore(%arg8 : memref<!tpu.dma_semaphore, #tpu.memory_space<semaphore_mem>>)
      %slice3A_389 = vector.extract_strided_slice %get3A_174 {offsets = [12], sizes = [1], strides = [1]} : vector<16xi32> to vector<1xi32>
      %squeeze3A_390 = vector.extract %slice3A_389[0] : i32 from vector<1xi32>
      %mul3A_391 = arith.constant 16 : i32
      %mul3A_392 = arith.muli %add3A_168, %mul3A_391 : i32
      %add3A_393 = arith.constant 12 : i32
      %add3A_394 = arith.addi %mul3A_392, %add3A_393 : i32
      %dma_start3A_395 = arith.constant 0 : i32
      %dma_start3A_396 = tpu.memref_slice %arg6[%add3A_394, %dma_start3A_395] : memref<128x128xf32, #tpu.memory_space<vmem>> -> memref<1x16xf32, #tpu.memory_space<vmem>>
      %dma_start3A_397 = tpu.memref_squeeze %dma_start3A_396 : memref<1x16xf32, #tpu.memory_space<vmem>> -> memref<16xf32, #tpu.memory_space<vmem>>
      %dma_start3A_398 = arith.constant 0 : i32
      %dma_start3A_399 = tpu.memref_slice %arg2[%squeeze3A_390, %dma_start3A_398] : memref<1000000x16xf32, #tpu.memory_space<hbm>> -> memref<1x16xf32, #tpu.memory_space<hbm>>
      %dma_start3A_400 = tpu.memref_squeeze %dma_start3A_399 : memref<1x16xf32, #tpu.memory_space<hbm>> -> memref<16xf32, #tpu.memory_space<hbm>>
      %dma_start3A_401 = arith.constant 0 : i32
      %dma_start3A_402 = tpu.memref_slice %arg6[%add3A_394, %dma_start3A_401] : memref<128x128xf32, #tpu.memory_space<vmem>> -> memref<1x16xf32, #tpu.memory_space<vmem>>
      %dma_start3A_403 = tpu.memref_squeeze %dma_start3A_402 : memref<1x16xf32, #tpu.memory_space<vmem>> -> memref<16xf32, #tpu.memory_space<vmem>>
      %dma_start3A_404 = arith.constant 0 : i32
      %dma_start3A_405 = tpu.memref_slice %arg2[%squeeze3A_390, %dma_start3A_404] : memref<1000000x16xf32, #tpu.memory_space<hbm>> -> memref<1x16xf32, #tpu.memory_space<hbm>>
      %dma_start3A_406 = tpu.memref_squeeze %dma_start3A_405 : memref<1x16xf32, #tpu.memory_space<hbm>> -> memref<16xf32, #tpu.memory_space<hbm>>
      tpu.enqueue_dma source(%dma_start3A_406 : memref<16xf32, #tpu.memory_space<hbm>>) target(%dma_start3A_403 : memref<16xf32, #tpu.memory_space<vmem>>) target_semaphore(%arg8 : memref<!tpu.dma_semaphore, #tpu.memory_space<semaphore_mem>>)
      %slice3A_407 = vector.extract_strided_slice %get3A_174 {offsets = [13], sizes = [1], strides = [1]} : vector<16xi32> to vector<1xi32>
      %squeeze3A_408 = vector.extract %slice3A_407[0] : i32 from vector<1xi32>
      %mul3A_409 = arith.constant 16 : i32
      %mul3A_410 = arith.muli %add3A_168, %mul3A_409 : i32
      %add3A_411 = arith.constant 13 : i32
      %add3A_412 = arith.addi %mul3A_410, %add3A_411 : i32
      %dma_start3A_413 = arith.constant 0 : i32
      %dma_start3A_414 = tpu.memref_slice %arg6[%add3A_412, %dma_start3A_413] : memref<128x128xf32, #tpu.memory_space<vmem>> -> memref<1x16xf32, #tpu.memory_space<vmem>>
      %dma_start3A_415 = tpu.memref_squeeze %dma_start3A_414 : memref<1x16xf32, #tpu.memory_space<vmem>> -> memref<16xf32, #tpu.memory_space<vmem>>
      %dma_start3A_416 = arith.constant 0 : i32
      %dma_start3A_417 = tpu.memref_slice %arg2[%squeeze3A_408, %dma_start3A_416] : memref<1000000x16xf32, #tpu.memory_space<hbm>> -> memref<1x16xf32, #tpu.memory_space<hbm>>
      %dma_start3A_418 = tpu.memref_squeeze %dma_start3A_417 : memref<1x16xf32, #tpu.memory_space<hbm>> -> memref<16xf32, #tpu.memory_space<hbm>>
      %dma_start3A_419 = arith.constant 0 : i32
      %dma_start3A_420 = tpu.memref_slice %arg6[%add3A_412, %dma_start3A_419] : memref<128x128xf32, #tpu.memory_space<vmem>> -> memref<1x16xf32, #tpu.memory_space<vmem>>
      %dma_start3A_421 = tpu.memref_squeeze %dma_start3A_420 : memref<1x16xf32, #tpu.memory_space<vmem>> -> memref<16xf32, #tpu.memory_space<vmem>>
      %dma_start3A_422 = arith.constant 0 : i32
      %dma_start3A_423 = tpu.memref_slice %arg2[%squeeze3A_408, %dma_start3A_422] : memref<1000000x16xf32, #tpu.memory_space<hbm>> -> memref<1x16xf32, #tpu.memory_space<hbm>>
      %dma_start3A_424 = tpu.memref_squeeze %dma_start3A_423 : memref<1x16xf32, #tpu.memory_space<hbm>> -> memref<16xf32, #tpu.memory_space<hbm>>
      tpu.enqueue_dma source(%dma_start3A_424 : memref<16xf32, #tpu.memory_space<hbm>>) target(%dma_start3A_421 : memref<16xf32, #tpu.memory_space<vmem>>) target_semaphore(%arg8 : memref<!tpu.dma_semaphore, #tpu.memory_space<semaphore_mem>>)
      %slice3A_425 = vector.extract_strided_slice %get3A_174 {offsets = [14], sizes = [1], strides = [1]} : vector<16xi32> to vector<1xi32>
      %squeeze3A_426 = vector.extract %slice3A_425[0] : i32 from vector<1xi32>
      %mul3A_427 = arith.constant 16 : i32
      %mul3A_428 = arith.muli %add3A_168, %mul3A_427 : i32
      %add3A_429 = arith.constant 14 : i32
      %add3A_430 = arith.addi %mul3A_428, %add3A_429 : i32
      %dma_start3A_431 = arith.constant 0 : i32
      %dma_start3A_432 = tpu.memref_slice %arg6[%add3A_430, %dma_start3A_431] : memref<128x128xf32, #tpu.memory_space<vmem>> -> memref<1x16xf32, #tpu.memory_space<vmem>>
      %dma_start3A_433 = tpu.memref_squeeze %dma_start3A_432 : memref<1x16xf32, #tpu.memory_space<vmem>> -> memref<16xf32, #tpu.memory_space<vmem>>
      %dma_start3A_434 = arith.constant 0 : i32
      %dma_start3A_435 = tpu.memref_slice %arg2[%squeeze3A_426, %dma_start3A_434] : memref<1000000x16xf32, #tpu.memory_space<hbm>> -> memref<1x16xf32, #tpu.memory_space<hbm>>
      %dma_start3A_436 = tpu.memref_squeeze %dma_start3A_435 : memref<1x16xf32, #tpu.memory_space<hbm>> -> memref<16xf32, #tpu.memory_space<hbm>>
      %dma_start3A_437 = arith.constant 0 : i32
      %dma_start3A_438 = tpu.memref_slice %arg6[%add3A_430, %dma_start3A_437] : memref<128x128xf32, #tpu.memory_space<vmem>> -> memref<1x16xf32, #tpu.memory_space<vmem>>
      %dma_start3A_439 = tpu.memref_squeeze %dma_start3A_438 : memref<1x16xf32, #tpu.memory_space<vmem>> -> memref<16xf32, #tpu.memory_space<vmem>>
      %dma_start3A_440 = arith.constant 0 : i32
      %dma_start3A_441 = tpu.memref_slice %arg2[%squeeze3A_426, %dma_start3A_440] : memref<1000000x16xf32, #tpu.memory_space<hbm>> -> memref<1x16xf32, #tpu.memory_space<hbm>>
      %dma_start3A_442 = tpu.memref_squeeze %dma_start3A_441 : memref<1x16xf32, #tpu.memory_space<hbm>> -> memref<16xf32, #tpu.memory_space<hbm>>
      tpu.enqueue_dma source(%dma_start3A_442 : memref<16xf32, #tpu.memory_space<hbm>>) target(%dma_start3A_439 : memref<16xf32, #tpu.memory_space<vmem>>) target_semaphore(%arg8 : memref<!tpu.dma_semaphore, #tpu.memory_space<semaphore_mem>>)
      %slice3A_443 = vector.extract_strided_slice %get3A_174 {offsets = [15], sizes = [1], strides = [1]} : vector<16xi32> to vector<1xi32>
      %squeeze3A_444 = vector.extract %slice3A_443[0] : i32 from vector<1xi32>
      %mul3A_445 = arith.constant 16 : i32
      %mul3A_446 = arith.muli %add3A_168, %mul3A_445 : i32
      %add3A_447 = arith.constant 15 : i32
      %add3A_448 = arith.addi %mul3A_446, %add3A_447 : i32
      %dma_start3A_449 = arith.constant 0 : i32
      %dma_start3A_450 = tpu.memref_slice %arg6[%add3A_448, %dma_start3A_449] : memref<128x128xf32, #tpu.memory_space<vmem>> -> memref<1x16xf32, #tpu.memory_space<vmem>>
      %dma_start3A_451 = tpu.memref_squeeze %dma_start3A_450 : memref<1x16xf32, #tpu.memory_space<vmem>> -> memref<16xf32, #tpu.memory_space<vmem>>
      %dma_start3A_452 = arith.constant 0 : i32
      %dma_start3A_453 = tpu.memref_slice %arg2[%squeeze3A_444, %dma_start3A_452] : memref<1000000x16xf32, #tpu.memory_space<hbm>> -> memref<1x16xf32, #tpu.memory_space<hbm>>
      %dma_start3A_454 = tpu.memref_squeeze %dma_start3A_453 : memref<1x16xf32, #tpu.memory_space<hbm>> -> memref<16xf32, #tpu.memory_space<hbm>>
      %dma_start3A_455 = arith.constant 0 : i32
      %dma_start3A_456 = tpu.memref_slice %arg6[%add3A_448, %dma_start3A_455] : memref<128x128xf32, #tpu.memory_space<vmem>> -> memref<1x16xf32, #tpu.memory_space<vmem>>
      %dma_start3A_457 = tpu.memref_squeeze %dma_start3A_456 : memref<1x16xf32, #tpu.memory_space<vmem>> -> memref<16xf32, #tpu.memory_space<vmem>>
      %dma_start3A_458 = arith.constant 0 : i32
      %dma_start3A_459 = tpu.memref_slice %arg2[%squeeze3A_444, %dma_start3A_458] : memref<1000000x16xf32, #tpu.memory_space<hbm>> -> memref<1x16xf32, #tpu.memory_space<hbm>>
      %dma_start3A_460 = tpu.memref_squeeze %dma_start3A_459 : memref<1x16xf32, #tpu.memory_space<hbm>> -> memref<16xf32, #tpu.memory_space<hbm>>
      tpu.enqueue_dma source(%dma_start3A_460 : memref<16xf32, #tpu.memory_space<hbm>>) target(%dma_start3A_457 : memref<16xf32, #tpu.memory_space<vmem>>) target_semaphore(%arg8 : memref<!tpu.dma_semaphore, #tpu.memory_space<semaphore_mem>>)
    }
    %scan3A_28 = arith.constant 8 : i32
    %scan3A_29 = arith.constant 0 : i32
    %scan3A_30 = arith.constant 128 : i32
    %scan3A_31 = arith.addi %scan3A_29, %scan3A_30 : i32
    %scan3A_32 = arith.constant 1 : i32
    scf.for %scan3A_164 = %scan3A_29 to %scan3A_31 step %scan3A_32  : i32 {
      %mul3A_165 = arith.constant 1 : i32
      %mul3A_166 = arith.muli %scan3A_164, %mul3A_165 : i32
      %add3A_167 = arith.constant 0 : i32
      %add3A_168 = arith.addi %add3A_167, %mul3A_166 : i32
      %dma_wait3A_169 = arith.constant 0 : i32
      %dma_wait3A_170 = arith.constant 0 : i32
      %dma_wait3A_171 = tpu.memref_slice %arg6[%add3A_168, %dma_wait3A_170] : memref<128x128xf32, #tpu.memory_space<vmem>> -> memref<1x16xf32, #tpu.memory_space<vmem>>
      %dma_wait3A_172 = tpu.memref_squeeze %dma_wait3A_171 : memref<1x16xf32, #tpu.memory_space<vmem>> -> memref<16xf32, #tpu.memory_space<vmem>>
      %dma_wait3A_173 = arith.constant 0 : i32
      %dma_wait3A_174 = tpu.memref_slice %arg2[%dma_wait3A_169, %dma_wait3A_173] : memref<1000000x16xf32, #tpu.memory_space<hbm>> -> memref<1x16xf32, #tpu.memory_space<hbm>>
      %dma_wait3A_175 = tpu.memref_squeeze %dma_wait3A_174 : memref<1x16xf32, #tpu.memory_space<hbm>> -> memref<16xf32, #tpu.memory_space<hbm>>
      %dma_wait3A_176 = arith.constant 0 : i32
      %dma_wait3A_177 = tpu.memref_slice %arg6[%add3A_168, %dma_wait3A_176] : memref<128x128xf32, #tpu.memory_space<vmem>> -> memref<1x16xf32, #tpu.memory_space<vmem>>
      %dma_wait3A_178 = tpu.memref_squeeze %dma_wait3A_177 : memref<1x16xf32, #tpu.memory_space<vmem>> -> memref<16xf32, #tpu.memory_space<vmem>>
      %dma_wait3A_179 = arith.constant 0 : i32
      %dma_wait3A_180 = tpu.memref_slice %arg2[%dma_wait3A_169, %dma_wait3A_179] : memref<1000000x16xf32, #tpu.memory_space<hbm>> -> memref<1x16xf32, #tpu.memory_space<hbm>>
      %dma_wait3A_181 = tpu.memref_squeeze %dma_wait3A_180 : memref<1x16xf32, #tpu.memory_space<hbm>> -> memref<16xf32, #tpu.memory_space<hbm>>
      tpu.wait_dma2 semaphore(%arg8 : memref<!tpu.dma_semaphore, #tpu.memory_space<semaphore_mem>>) src(%dma_wait3A_181 : memref<16xf32, #tpu.memory_space<hbm>>) dst(%dma_wait3A_178 : memref<16xf32, #tpu.memory_space<vmem>>)
    }
    %scan3A_33 = arith.constant 128 : i32
    %add3A_34 = arith.constant 128 : i32
    %add3A_35 = arith.addi %mul3A_2, %add3A_34 : i32
    %dma_start3A_36 = arith.constant 0 : i32
    %dma_start3A_37 = tpu.memref_slice %arg4[%add3A_35, %dma_start3A_36] : memref<32768x128xf32, #tpu.memory_space<hbm>> -> memref<128x128xf32, #tpu.memory_space<hbm>>
    %dma_start3A_38 = arith.constant 0 : i32
    %dma_start3A_39 = tpu.memref_slice %arg4[%add3A_35, %dma_start3A_38] : memref<32768x128xf32, #tpu.memory_space<hbm>> -> memref<128x128xf32, #tpu.memory_space<hbm>>
    tpu.enqueue_dma source(%arg6 : memref<128x128xf32, #tpu.memory_space<vmem>>) target(%dma_start3A_39 : memref<128x128xf32, #tpu.memory_space<hbm>>) target_semaphore(%arg7 : memref<!tpu.dma_semaphore, #tpu.memory_space<semaphore_mem>>)
    %dma_wait3A_40 = arith.constant 0 : i32
    %dma_wait3A_41 = tpu.memref_slice %arg4[%add3A_35, %dma_wait3A_40] : memref<32768x128xf32, #tpu.memory_space<hbm>> -> memref<128x128xf32, #tpu.memory_space<hbm>>
    %dma_wait3A_42 = arith.constant 0 : i32
    %dma_wait3A_43 = tpu.memref_slice %arg4[%add3A_35, %dma_wait3A_42] : memref<32768x128xf32, #tpu.memory_space<hbm>> -> memref<128x128xf32, #tpu.memory_space<hbm>>
    tpu.wait_dma2 semaphore(%arg7 : memref<!tpu.dma_semaphore, #tpu.memory_space<semaphore_mem>>) src(%arg6 : memref<128x128xf32, #tpu.memory_space<vmem>>) dst(%dma_wait3A_43 : memref<128x128xf32, #tpu.memory_space<hbm>>)
    %scan3A_44 = arith.constant 0 : i32
    %scan3A_45 = arith.constant 8 : i32
    %scan3A_46 = arith.addi %scan3A_44, %scan3A_45 : i32
    %scan3A_47 = arith.constant 1 : i32
    scf.for %scan3A_164 = %scan3A_44 to %scan3A_46 step %scan3A_47  : i32 {
      %mul3A_165 = arith.constant 1 : i32
      %mul3A_166 = arith.muli %scan3A_164, %mul3A_165 : i32
      %add3A_167 = arith.constant 0 : i32
      %add3A_168 = arith.addi %add3A_167, %mul3A_166 : i32
      %mul3A_169 = arith.constant 16 : i32
      %mul3A_170 = arith.muli %add3A_168, %mul3A_169 : i32
      %add3A_171 = arith.constant 256 : i32
      %add3A_172 = arith.addi %add3A_171, %mul3A_170 : i32
      %get3A = arith.index_cast %add3A_172 : i32 to index
      %get3A_173 = tpu.vector_load %arg5[%get3A] {strides = array<i32>} : memref<1024xi32, #tpu.memory_space<vmem>>, vector<16xi32>,
      %get3A_174 = vector.shape_cast %get3A_173 : vector<16xi32> to vector<16xi32>
      %slice3A = vector.extract_strided_slice %get3A_174 {offsets = [0], sizes = [1], strides = [1]} : vector<16xi32> to vector<1xi32>
      %squeeze3A = vector.extract %slice3A[0] : i32 from vector<1xi32>
      %mul3A_175 = arith.constant 16 : i32
      %mul3A_176 = arith.muli %add3A_168, %mul3A_175 : i32
      %add3A_177 = arith.constant 0 : i32
      %add3A_178 = arith.addi %mul3A_176, %add3A_177 : i32
      %dma_start3A_179 = arith.constant 0 : i32
      %dma_start3A_180 = tpu.memref_slice %arg6[%add3A_178, %dma_start3A_179] : memref<128x128xf32, #tpu.memory_space<vmem>> -> memref<1x16xf32, #tpu.memory_space<vmem>>
      %dma_start3A_181 = tpu.memref_squeeze %dma_start3A_180 : memref<1x16xf32, #tpu.memory_space<vmem>> -> memref<16xf32, #tpu.memory_space<vmem>>
      %dma_start3A_182 = arith.constant 0 : i32
      %dma_start3A_183 = tpu.memref_slice %arg2[%squeeze3A, %dma_start3A_182] : memref<1000000x16xf32, #tpu.memory_space<hbm>> -> memref<1x16xf32, #tpu.memory_space<hbm>>
      %dma_start3A_184 = tpu.memref_squeeze %dma_start3A_183 : memref<1x16xf32, #tpu.memory_space<hbm>> -> memref<16xf32, #tpu.memory_space<hbm>>
      %dma_start3A_185 = arith.constant 0 : i32
      %dma_start3A_186 = tpu.memref_slice %arg6[%add3A_178, %dma_start3A_185] : memref<128x128xf32, #tpu.memory_space<vmem>> -> memref<1x16xf32, #tpu.memory_space<vmem>>
      %dma_start3A_187 = tpu.memref_squeeze %dma_start3A_186 : memref<1x16xf32, #tpu.memory_space<vmem>> -> memref<16xf32, #tpu.memory_space<vmem>>
      %dma_start3A_188 = arith.constant 0 : i32
      %dma_start3A_189 = tpu.memref_slice %arg2[%squeeze3A, %dma_start3A_188] : memref<1000000x16xf32, #tpu.memory_space<hbm>> -> memref<1x16xf32, #tpu.memory_space<hbm>>
      %dma_start3A_190 = tpu.memref_squeeze %dma_start3A_189 : memref<1x16xf32, #tpu.memory_space<hbm>> -> memref<16xf32, #tpu.memory_space<hbm>>
      tpu.enqueue_dma source(%dma_start3A_190 : memref<16xf32, #tpu.memory_space<hbm>>) target(%dma_start3A_187 : memref<16xf32, #tpu.memory_space<vmem>>) target_semaphore(%arg8 : memref<!tpu.dma_semaphore, #tpu.memory_space<semaphore_mem>>)
      %slice3A_191 = vector.extract_strided_slice %get3A_174 {offsets = [1], sizes = [1], strides = [1]} : vector<16xi32> to vector<1xi32>
      %squeeze3A_192 = vector.extract %slice3A_191[0] : i32 from vector<1xi32>
      %mul3A_193 = arith.constant 16 : i32
      %mul3A_194 = arith.muli %add3A_168, %mul3A_193 : i32
      %add3A_195 = arith.constant 1 : i32
      %add3A_196 = arith.addi %mul3A_194, %add3A_195 : i32
      %dma_start3A_197 = arith.constant 0 : i32
      %dma_start3A_198 = tpu.memref_slice %arg6[%add3A_196, %dma_start3A_197] : memref<128x128xf32, #tpu.memory_space<vmem>> -> memref<1x16xf32, #tpu.memory_space<vmem>>
      %dma_start3A_199 = tpu.memref_squeeze %dma_start3A_198 : memref<1x16xf32, #tpu.memory_space<vmem>> -> memref<16xf32, #tpu.memory_space<vmem>>
      %dma_start3A_200 = arith.constant 0 : i32
      %dma_start3A_201 = tpu.memref_slice %arg2[%squeeze3A_192, %dma_start3A_200] : memref<1000000x16xf32, #tpu.memory_space<hbm>> -> memref<1x16xf32, #tpu.memory_space<hbm>>
      %dma_start3A_202 = tpu.memref_squeeze %dma_start3A_201 : memref<1x16xf32, #tpu.memory_space<hbm>> -> memref<16xf32, #tpu.memory_space<hbm>>
      %dma_start3A_203 = arith.constant 0 : i32
      %dma_start3A_204 = tpu.memref_slice %arg6[%add3A_196, %dma_start3A_203] : memref<128x128xf32, #tpu.memory_space<vmem>> -> memref<1x16xf32, #tpu.memory_space<vmem>>
      %dma_start3A_205 = tpu.memref_squeeze %dma_start3A_204 : memref<1x16xf32, #tpu.memory_space<vmem>> -> memref<16xf32, #tpu.memory_space<vmem>>
      %dma_start3A_206 = arith.constant 0 : i32
      %dma_start3A_207 = tpu.memref_slice %arg2[%squeeze3A_192, %dma_start3A_206] : memref<1000000x16xf32, #tpu.memory_space<hbm>> -> memref<1x16xf32, #tpu.memory_space<hbm>>
      %dma_start3A_208 = tpu.memref_squeeze %dma_start3A_207 : memref<1x16xf32, #tpu.memory_space<hbm>> -> memref<16xf32, #tpu.memory_space<hbm>>
      tpu.enqueue_dma source(%dma_start3A_208 : memref<16xf32, #tpu.memory_space<hbm>>) target(%dma_start3A_205 : memref<16xf32, #tpu.memory_space<vmem>>) target_semaphore(%arg8 : memref<!tpu.dma_semaphore, #tpu.memory_space<semaphore_mem>>)
      %slice3A_209 = vector.extract_strided_slice %get3A_174 {offsets = [2], sizes = [1], strides = [1]} : vector<16xi32> to vector<1xi32>
      %squeeze3A_210 = vector.extract %slice3A_209[0] : i32 from vector<1xi32>
      %mul3A_211 = arith.constant 16 : i32
      %mul3A_212 = arith.muli %add3A_168, %mul3A_211 : i32
      %add3A_213 = arith.constant 2 : i32
      %add3A_214 = arith.addi %mul3A_212, %add3A_213 : i32
      %dma_start3A_215 = arith.constant 0 : i32
      %dma_start3A_216 = tpu.memref_slice %arg6[%add3A_214, %dma_start3A_215] : memref<128x128xf32, #tpu.memory_space<vmem>> -> memref<1x16xf32, #tpu.memory_space<vmem>>
      %dma_start3A_217 = tpu.memref_squeeze %dma_start3A_216 : memref<1x16xf32, #tpu.memory_space<vmem>> -> memref<16xf32, #tpu.memory_space<vmem>>
      %dma_start3A_218 = arith.constant 0 : i32
      %dma_start3A_219 = tpu.memref_slice %arg2[%squeeze3A_210, %dma_start3A_218] : memref<1000000x16xf32, #tpu.memory_space<hbm>> -> memref<1x16xf32, #tpu.memory_space<hbm>>
      %dma_start3A_220 = tpu.memref_squeeze %dma_start3A_219 : memref<1x16xf32, #tpu.memory_space<hbm>> -> memref<16xf32, #tpu.memory_space<hbm>>
      %dma_start3A_221 = arith.constant 0 : i32
      %dma_start3A_222 = tpu.memref_slice %arg6[%add3A_214, %dma_start3A_221] : memref<128x128xf32, #tpu.memory_space<vmem>> -> memref<1x16xf32, #tpu.memory_space<vmem>>
      %dma_start3A_223 = tpu.memref_squeeze %dma_start3A_222 : memref<1x16xf32, #tpu.memory_space<vmem>> -> memref<16xf32, #tpu.memory_space<vmem>>
      %dma_start3A_224 = arith.constant 0 : i32
      %dma_start3A_225 = tpu.memref_slice %arg2[%squeeze3A_210, %dma_start3A_224] : memref<1000000x16xf32, #tpu.memory_space<hbm>> -> memref<1x16xf32, #tpu.memory_space<hbm>>
      %dma_start3A_226 = tpu.memref_squeeze %dma_start3A_225 : memref<1x16xf32, #tpu.memory_space<hbm>> -> memref<16xf32, #tpu.memory_space<hbm>>
      tpu.enqueue_dma source(%dma_start3A_226 : memref<16xf32, #tpu.memory_space<hbm>>) target(%dma_start3A_223 : memref<16xf32, #tpu.memory_space<vmem>>) target_semaphore(%arg8 : memref<!tpu.dma_semaphore, #tpu.memory_space<semaphore_mem>>)
      %slice3A_227 = vector.extract_strided_slice %get3A_174 {offsets = [3], sizes = [1], strides = [1]} : vector<16xi32> to vector<1xi32>
      %squeeze3A_228 = vector.extract %slice3A_227[0] : i32 from vector<1xi32>
      %mul3A_229 = arith.constant 16 : i32
      %mul3A_230 = arith.muli %add3A_168, %mul3A_229 : i32
      %add3A_231 = arith.constant 3 : i32
      %add3A_232 = arith.addi %mul3A_230, %add3A_231 : i32
      %dma_start3A_233 = arith.constant 0 : i32
      %dma_start3A_234 = tpu.memref_slice %arg6[%add3A_232, %dma_start3A_233] : memref<128x128xf32, #tpu.memory_space<vmem>> -> memref<1x16xf32, #tpu.memory_space<vmem>>
      %dma_start3A_235 = tpu.memref_squeeze %dma_start3A_234 : memref<1x16xf32, #tpu.memory_space<vmem>> -> memref<16xf32, #tpu.memory_space<vmem>>
      %dma_start3A_236 = arith.constant 0 : i32
      %dma_start3A_237 = tpu.memref_slice %arg2[%squeeze3A_228, %dma_start3A_236] : memref<1000000x16xf32, #tpu.memory_space<hbm>> -> memref<1x16xf32, #tpu.memory_space<hbm>>
      %dma_start3A_238 = tpu.memref_squeeze %dma_start3A_237 : memref<1x16xf32, #tpu.memory_space<hbm>> -> memref<16xf32, #tpu.memory_space<hbm>>
      %dma_start3A_239 = arith.constant 0 : i32
      %dma_start3A_240 = tpu.memref_slice %arg6[%add3A_232, %dma_start3A_239] : memref<128x128xf32, #tpu.memory_space<vmem>> -> memref<1x16xf32, #tpu.memory_space<vmem>>
      %dma_start3A_241 = tpu.memref_squeeze %dma_start3A_240 : memref<1x16xf32, #tpu.memory_space<vmem>> -> memref<16xf32, #tpu.memory_space<vmem>>
      %dma_start3A_242 = arith.constant 0 : i32
      %dma_start3A_243 = tpu.memref_slice %arg2[%squeeze3A_228, %dma_start3A_242] : memref<1000000x16xf32, #tpu.memory_space<hbm>> -> memref<1x16xf32, #tpu.memory_space<hbm>>
      %dma_start3A_244 = tpu.memref_squeeze %dma_start3A_243 : memref<1x16xf32, #tpu.memory_space<hbm>> -> memref<16xf32, #tpu.memory_space<hbm>>
      tpu.enqueue_dma source(%dma_start3A_244 : memref<16xf32, #tpu.memory_space<hbm>>) target(%dma_start3A_241 : memref<16xf32, #tpu.memory_space<vmem>>) target_semaphore(%arg8 : memref<!tpu.dma_semaphore, #tpu.memory_space<semaphore_mem>>)
      %slice3A_245 = vector.extract_strided_slice %get3A_174 {offsets = [4], sizes = [1], strides = [1]} : vector<16xi32> to vector<1xi32>
      %squeeze3A_246 = vector.extract %slice3A_245[0] : i32 from vector<1xi32>
      %mul3A_247 = arith.constant 16 : i32
      %mul3A_248 = arith.muli %add3A_168, %mul3A_247 : i32
      %add3A_249 = arith.constant 4 : i32
      %add3A_250 = arith.addi %mul3A_248, %add3A_249 : i32
      %dma_start3A_251 = arith.constant 0 : i32
      %dma_start3A_252 = tpu.memref_slice %arg6[%add3A_250, %dma_start3A_251] : memref<128x128xf32, #tpu.memory_space<vmem>> -> memref<1x16xf32, #tpu.memory_space<vmem>>
      %dma_start3A_253 = tpu.memref_squeeze %dma_start3A_252 : memref<1x16xf32, #tpu.memory_space<vmem>> -> memref<16xf32, #tpu.memory_space<vmem>>
      %dma_start3A_254 = arith.constant 0 : i32
      %dma_start3A_255 = tpu.memref_slice %arg2[%squeeze3A_246, %dma_start3A_254] : memref<1000000x16xf32, #tpu.memory_space<hbm>> -> memref<1x16xf32, #tpu.memory_space<hbm>>
      %dma_start3A_256 = tpu.memref_squeeze %dma_start3A_255 : memref<1x16xf32, #tpu.memory_space<hbm>> -> memref<16xf32, #tpu.memory_space<hbm>>
      %dma_start3A_257 = arith.constant 0 : i32
      %dma_start3A_258 = tpu.memref_slice %arg6[%add3A_250, %dma_start3A_257] : memref<128x128xf32, #tpu.memory_space<vmem>> -> memref<1x16xf32, #tpu.memory_space<vmem>>
      %dma_start3A_259 = tpu.memref_squeeze %dma_start3A_258 : memref<1x16xf32, #tpu.memory_space<vmem>> -> memref<16xf32, #tpu.memory_space<vmem>>
      %dma_start3A_260 = arith.constant 0 : i32
      %dma_start3A_261 = tpu.memref_slice %arg2[%squeeze3A_246, %dma_start3A_260] : memref<1000000x16xf32, #tpu.memory_space<hbm>> -> memref<1x16xf32, #tpu.memory_space<hbm>>
      %dma_start3A_262 = tpu.memref_squeeze %dma_start3A_261 : memref<1x16xf32, #tpu.memory_space<hbm>> -> memref<16xf32, #tpu.memory_space<hbm>>
      tpu.enqueue_dma source(%dma_start3A_262 : memref<16xf32, #tpu.memory_space<hbm>>) target(%dma_start3A_259 : memref<16xf32, #tpu.memory_space<vmem>>) target_semaphore(%arg8 : memref<!tpu.dma_semaphore, #tpu.memory_space<semaphore_mem>>)
      %slice3A_263 = vector.extract_strided_slice %get3A_174 {offsets = [5], sizes = [1], strides = [1]} : vector<16xi32> to vector<1xi32>
      %squeeze3A_264 = vector.extract %slice3A_263[0] : i32 from vector<1xi32>
      %mul3A_265 = arith.constant 16 : i32
      %mul3A_266 = arith.muli %add3A_168, %mul3A_265 : i32
      %add3A_267 = arith.constant 5 : i32
      %add3A_268 = arith.addi %mul3A_266, %add3A_267 : i32
      %dma_start3A_269 = arith.constant 0 : i32
      %dma_start3A_270 = tpu.memref_slice %arg6[%add3A_268, %dma_start3A_269] : memref<128x128xf32, #tpu.memory_space<vmem>> -> memref<1x16xf32, #tpu.memory_space<vmem>>
      %dma_start3A_271 = tpu.memref_squeeze %dma_start3A_270 : memref<1x16xf32, #tpu.memory_space<vmem>> -> memref<16xf32, #tpu.memory_space<vmem>>
      %dma_start3A_272 = arith.constant 0 : i32
      %dma_start3A_273 = tpu.memref_slice %arg2[%squeeze3A_264, %dma_start3A_272] : memref<1000000x16xf32, #tpu.memory_space<hbm>> -> memref<1x16xf32, #tpu.memory_space<hbm>>
      %dma_start3A_274 = tpu.memref_squeeze %dma_start3A_273 : memref<1x16xf32, #tpu.memory_space<hbm>> -> memref<16xf32, #tpu.memory_space<hbm>>
      %dma_start3A_275 = arith.constant 0 : i32
      %dma_start3A_276 = tpu.memref_slice %arg6[%add3A_268, %dma_start3A_275] : memref<128x128xf32, #tpu.memory_space<vmem>> -> memref<1x16xf32, #tpu.memory_space<vmem>>
      %dma_start3A_277 = tpu.memref_squeeze %dma_start3A_276 : memref<1x16xf32, #tpu.memory_space<vmem>> -> memref<16xf32, #tpu.memory_space<vmem>>
      %dma_start3A_278 = arith.constant 0 : i32
      %dma_start3A_279 = tpu.memref_slice %arg2[%squeeze3A_264, %dma_start3A_278] : memref<1000000x16xf32, #tpu.memory_space<hbm>> -> memref<1x16xf32, #tpu.memory_space<hbm>>
      %dma_start3A_280 = tpu.memref_squeeze %dma_start3A_279 : memref<1x16xf32, #tpu.memory_space<hbm>> -> memref<16xf32, #tpu.memory_space<hbm>>
      tpu.enqueue_dma source(%dma_start3A_280 : memref<16xf32, #tpu.memory_space<hbm>>) target(%dma_start3A_277 : memref<16xf32, #tpu.memory_space<vmem>>) target_semaphore(%arg8 : memref<!tpu.dma_semaphore, #tpu.memory_space<semaphore_mem>>)
      %slice3A_281 = vector.extract_strided_slice %get3A_174 {offsets = [6], sizes = [1], strides = [1]} : vector<16xi32> to vector<1xi32>
      %squeeze3A_282 = vector.extract %slice3A_281[0] : i32 from vector<1xi32>
      %mul3A_283 = arith.constant 16 : i32
      %mul3A_284 = arith.muli %add3A_168, %mul3A_283 : i32
      %add3A_285 = arith.constant 6 : i32
      %add3A_286 = arith.addi %mul3A_284, %add3A_285 : i32
      %dma_start3A_287 = arith.constant 0 : i32
      %dma_start3A_288 = tpu.memref_slice %arg6[%add3A_286, %dma_start3A_287] : memref<128x128xf32, #tpu.memory_space<vmem>> -> memref<1x16xf32, #tpu.memory_space<vmem>>
      %dma_start3A_289 = tpu.memref_squeeze %dma_start3A_288 : memref<1x16xf32, #tpu.memory_space<vmem>> -> memref<16xf32, #tpu.memory_space<vmem>>
      %dma_start3A_290 = arith.constant 0 : i32
      %dma_start3A_291 = tpu.memref_slice %arg2[%squeeze3A_282, %dma_start3A_290] : memref<1000000x16xf32, #tpu.memory_space<hbm>> -> memref<1x16xf32, #tpu.memory_space<hbm>>
      %dma_start3A_292 = tpu.memref_squeeze %dma_start3A_291 : memref<1x16xf32, #tpu.memory_space<hbm>> -> memref<16xf32, #tpu.memory_space<hbm>>
      %dma_start3A_293 = arith.constant 0 : i32
      %dma_start3A_294 = tpu.memref_slice %arg6[%add3A_286, %dma_start3A_293] : memref<128x128xf32, #tpu.memory_space<vmem>> -> memref<1x16xf32, #tpu.memory_space<vmem>>
      %dma_start3A_295 = tpu.memref_squeeze %dma_start3A_294 : memref<1x16xf32, #tpu.memory_space<vmem>> -> memref<16xf32, #tpu.memory_space<vmem>>
      %dma_start3A_296 = arith.constant 0 : i32
      %dma_start3A_297 = tpu.memref_slice %arg2[%squeeze3A_282, %dma_start3A_296] : memref<1000000x16xf32, #tpu.memory_space<hbm>> -> memref<1x16xf32, #tpu.memory_space<hbm>>
      %dma_start3A_298 = tpu.memref_squeeze %dma_start3A_297 : memref<1x16xf32, #tpu.memory_space<hbm>> -> memref<16xf32, #tpu.memory_space<hbm>>
      tpu.enqueue_dma source(%dma_start3A_298 : memref<16xf32, #tpu.memory_space<hbm>>) target(%dma_start3A_295 : memref<16xf32, #tpu.memory_space<vmem>>) target_semaphore(%arg8 : memref<!tpu.dma_semaphore, #tpu.memory_space<semaphore_mem>>)
      %slice3A_299 = vector.extract_strided_slice %get3A_174 {offsets = [7], sizes = [1], strides = [1]} : vector<16xi32> to vector<1xi32>
      %squeeze3A_300 = vector.extract %slice3A_299[0] : i32 from vector<1xi32>
      %mul3A_301 = arith.constant 16 : i32
      %mul3A_302 = arith.muli %add3A_168, %mul3A_301 : i32
      %add3A_303 = arith.constant 7 : i32
      %add3A_304 = arith.addi %mul3A_302, %add3A_303 : i32
      %dma_start3A_305 = arith.constant 0 : i32
      %dma_start3A_306 = tpu.memref_slice %arg6[%add3A_304, %dma_start3A_305] : memref<128x128xf32, #tpu.memory_space<vmem>> -> memref<1x16xf32, #tpu.memory_space<vmem>>
      %dma_start3A_307 = tpu.memref_squeeze %dma_start3A_306 : memref<1x16xf32, #tpu.memory_space<vmem>> -> memref<16xf32, #tpu.memory_space<vmem>>
      %dma_start3A_308 = arith.constant 0 : i32
      %dma_start3A_309 = tpu.memref_slice %arg2[%squeeze3A_300, %dma_start3A_308] : memref<1000000x16xf32, #tpu.memory_space<hbm>> -> memref<1x16xf32, #tpu.memory_space<hbm>>
      %dma_start3A_310 = tpu.memref_squeeze %dma_start3A_309 : memref<1x16xf32, #tpu.memory_space<hbm>> -> memref<16xf32, #tpu.memory_space<hbm>>
      %dma_start3A_311 = arith.constant 0 : i32
      %dma_start3A_312 = tpu.memref_slice %arg6[%add3A_304, %dma_start3A_311] : memref<128x128xf32, #tpu.memory_space<vmem>> -> memref<1x16xf32, #tpu.memory_space<vmem>>
      %dma_start3A_313 = tpu.memref_squeeze %dma_start3A_312 : memref<1x16xf32, #tpu.memory_space<vmem>> -> memref<16xf32, #tpu.memory_space<vmem>>
      %dma_start3A_314 = arith.constant 0 : i32
      %dma_start3A_315 = tpu.memref_slice %arg2[%squeeze3A_300, %dma_start3A_314] : memref<1000000x16xf32, #tpu.memory_space<hbm>> -> memref<1x16xf32, #tpu.memory_space<hbm>>
      %dma_start3A_316 = tpu.memref_squeeze %dma_start3A_315 : memref<1x16xf32, #tpu.memory_space<hbm>> -> memref<16xf32, #tpu.memory_space<hbm>>
      tpu.enqueue_dma source(%dma_start3A_316 : memref<16xf32, #tpu.memory_space<hbm>>) target(%dma_start3A_313 : memref<16xf32, #tpu.memory_space<vmem>>) target_semaphore(%arg8 : memref<!tpu.dma_semaphore, #tpu.memory_space<semaphore_mem>>)
      %slice3A_317 = vector.extract_strided_slice %get3A_174 {offsets = [8], sizes = [1], strides = [1]} : vector<16xi32> to vector<1xi32>
      %squeeze3A_318 = vector.extract %slice3A_317[0] : i32 from vector<1xi32>
      %mul3A_319 = arith.constant 16 : i32
      %mul3A_320 = arith.muli %add3A_168, %mul3A_319 : i32
      %add3A_321 = arith.constant 8 : i32
      %add3A_322 = arith.addi %mul3A_320, %add3A_321 : i32
      %dma_start3A_323 = arith.constant 0 : i32
      %dma_start3A_324 = tpu.memref_slice %arg6[%add3A_322, %dma_start3A_323] : memref<128x128xf32, #tpu.memory_space<vmem>> -> memref<1x16xf32, #tpu.memory_space<vmem>>
      %dma_start3A_325 = tpu.memref_squeeze %dma_start3A_324 : memref<1x16xf32, #tpu.memory_space<vmem>> -> memref<16xf32, #tpu.memory_space<vmem>>
      %dma_start3A_326 = arith.constant 0 : i32
      %dma_start3A_327 = tpu.memref_slice %arg2[%squeeze3A_318, %dma_start3A_326] : memref<1000000x16xf32, #tpu.memory_space<hbm>> -> memref<1x16xf32, #tpu.memory_space<hbm>>
      %dma_start3A_328 = tpu.memref_squeeze %dma_start3A_327 : memref<1x16xf32, #tpu.memory_space<hbm>> -> memref<16xf32, #tpu.memory_space<hbm>>
      %dma_start3A_329 = arith.constant 0 : i32
      %dma_start3A_330 = tpu.memref_slice %arg6[%add3A_322, %dma_start3A_329] : memref<128x128xf32, #tpu.memory_space<vmem>> -> memref<1x16xf32, #tpu.memory_space<vmem>>
      %dma_start3A_331 = tpu.memref_squeeze %dma_start3A_330 : memref<1x16xf32, #tpu.memory_space<vmem>> -> memref<16xf32, #tpu.memory_space<vmem>>
      %dma_start3A_332 = arith.constant 0 : i32
      %dma_start3A_333 = tpu.memref_slice %arg2[%squeeze3A_318, %dma_start3A_332] : memref<1000000x16xf32, #tpu.memory_space<hbm>> -> memref<1x16xf32, #tpu.memory_space<hbm>>
      %dma_start3A_334 = tpu.memref_squeeze %dma_start3A_333 : memref<1x16xf32, #tpu.memory_space<hbm>> -> memref<16xf32, #tpu.memory_space<hbm>>
      tpu.enqueue_dma source(%dma_start3A_334 : memref<16xf32, #tpu.memory_space<hbm>>) target(%dma_start3A_331 : memref<16xf32, #tpu.memory_space<vmem>>) target_semaphore(%arg8 : memref<!tpu.dma_semaphore, #tpu.memory_space<semaphore_mem>>)
      %slice3A_335 = vector.extract_strided_slice %get3A_174 {offsets = [9], sizes = [1], strides = [1]} : vector<16xi32> to vector<1xi32>
      %squeeze3A_336 = vector.extract %slice3A_335[0] : i32 from vector<1xi32>
      %mul3A_337 = arith.constant 16 : i32
      %mul3A_338 = arith.muli %add3A_168, %mul3A_337 : i32
      %add3A_339 = arith.constant 9 : i32
      %add3A_340 = arith.addi %mul3A_338, %add3A_339 : i32
      %dma_start3A_341 = arith.constant 0 : i32
      %dma_start3A_342 = tpu.memref_slice %arg6[%add3A_340, %dma_start3A_341] : memref<128x128xf32, #tpu.memory_space<vmem>> -> memref<1x16xf32, #tpu.memory_space<vmem>>
      %dma_start3A_343 = tpu.memref_squeeze %dma_start3A_342 : memref<1x16xf32, #tpu.memory_space<vmem>> -> memref<16xf32, #tpu.memory_space<vmem>>
      %dma_start3A_344 = arith.constant 0 : i32
      %dma_start3A_345 = tpu.memref_slice %arg2[%squeeze3A_336, %dma_start3A_344] : memref<1000000x16xf32, #tpu.memory_space<hbm>> -> memref<1x16xf32, #tpu.memory_space<hbm>>
      %dma_start3A_346 = tpu.memref_squeeze %dma_start3A_345 : memref<1x16xf32, #tpu.memory_space<hbm>> -> memref<16xf32, #tpu.memory_space<hbm>>
      %dma_start3A_347 = arith.constant 0 : i32
      %dma_start3A_348 = tpu.memref_slice %arg6[%add3A_340, %dma_start3A_347] : memref<128x128xf32, #tpu.memory_space<vmem>> -> memref<1x16xf32, #tpu.memory_space<vmem>>
      %dma_start3A_349 = tpu.memref_squeeze %dma_start3A_348 : memref<1x16xf32, #tpu.memory_space<vmem>> -> memref<16xf32, #tpu.memory_space<vmem>>
      %dma_start3A_350 = arith.constant 0 : i32
      %dma_start3A_351 = tpu.memref_slice %arg2[%squeeze3A_336, %dma_start3A_350] : memref<1000000x16xf32, #tpu.memory_space<hbm>> -> memref<1x16xf32, #tpu.memory_space<hbm>>
      %dma_start3A_352 = tpu.memref_squeeze %dma_start3A_351 : memref<1x16xf32, #tpu.memory_space<hbm>> -> memref<16xf32, #tpu.memory_space<hbm>>
      tpu.enqueue_dma source(%dma_start3A_352 : memref<16xf32, #tpu.memory_space<hbm>>) target(%dma_start3A_349 : memref<16xf32, #tpu.memory_space<vmem>>) target_semaphore(%arg8 : memref<!tpu.dma_semaphore, #tpu.memory_space<semaphore_mem>>)
      %slice3A_353 = vector.extract_strided_slice %get3A_174 {offsets = [10], sizes = [1], strides = [1]} : vector<16xi32> to vector<1xi32>
      %squeeze3A_354 = vector.extract %slice3A_353[0] : i32 from vector<1xi32>
      %mul3A_355 = arith.constant 16 : i32
      %mul3A_356 = arith.muli %add3A_168, %mul3A_355 : i32
      %add3A_357 = arith.constant 10 : i32
      %add3A_358 = arith.addi %mul3A_356, %add3A_357 : i32
      %dma_start3A_359 = arith.constant 0 : i32
      %dma_start3A_360 = tpu.memref_slice %arg6[%add3A_358, %dma_start3A_359] : memref<128x128xf32, #tpu.memory_space<vmem>> -> memref<1x16xf32, #tpu.memory_space<vmem>>
      %dma_start3A_361 = tpu.memref_squeeze %dma_start3A_360 : memref<1x16xf32, #tpu.memory_space<vmem>> -> memref<16xf32, #tpu.memory_space<vmem>>
      %dma_start3A_362 = arith.constant 0 : i32
      %dma_start3A_363 = tpu.memref_slice %arg2[%squeeze3A_354, %dma_start3A_362] : memref<1000000x16xf32, #tpu.memory_space<hbm>> -> memref<1x16xf32, #tpu.memory_space<hbm>>
      %dma_start3A_364 = tpu.memref_squeeze %dma_start3A_363 : memref<1x16xf32, #tpu.memory_space<hbm>> -> memref<16xf32, #tpu.memory_space<hbm>>
      %dma_start3A_365 = arith.constant 0 : i32
      %dma_start3A_366 = tpu.memref_slice %arg6[%add3A_358, %dma_start3A_365] : memref<128x128xf32, #tpu.memory_space<vmem>> -> memref<1x16xf32, #tpu.memory_space<vmem>>
      %dma_start3A_367 = tpu.memref_squeeze %dma_start3A_366 : memref<1x16xf32, #tpu.memory_space<vmem>> -> memref<16xf32, #tpu.memory_space<vmem>>
      %dma_start3A_368 = arith.constant 0 : i32
      %dma_start3A_369 = tpu.memref_slice %arg2[%squeeze3A_354, %dma_start3A_368] : memref<1000000x16xf32, #tpu.memory_space<hbm>> -> memref<1x16xf32, #tpu.memory_space<hbm>>
      %dma_start3A_370 = tpu.memref_squeeze %dma_start3A_369 : memref<1x16xf32, #tpu.memory_space<hbm>> -> memref<16xf32, #tpu.memory_space<hbm>>
      tpu.enqueue_dma source(%dma_start3A_370 : memref<16xf32, #tpu.memory_space<hbm>>) target(%dma_start3A_367 : memref<16xf32, #tpu.memory_space<vmem>>) target_semaphore(%arg8 : memref<!tpu.dma_semaphore, #tpu.memory_space<semaphore_mem>>)
      %slice3A_371 = vector.extract_strided_slice %get3A_174 {offsets = [11], sizes = [1], strides = [1]} : vector<16xi32> to vector<1xi32>
      %squeeze3A_372 = vector.extract %slice3A_371[0] : i32 from vector<1xi32>
      %mul3A_373 = arith.constant 16 : i32
      %mul3A_374 = arith.muli %add3A_168, %mul3A_373 : i32
      %add3A_375 = arith.constant 11 : i32
      %add3A_376 = arith.addi %mul3A_374, %add3A_375 : i32
      %dma_start3A_377 = arith.constant 0 : i32
      %dma_start3A_378 = tpu.memref_slice %arg6[%add3A_376, %dma_start3A_377] : memref<128x128xf32, #tpu.memory_space<vmem>> -> memref<1x16xf32, #tpu.memory_space<vmem>>
      %dma_start3A_379 = tpu.memref_squeeze %dma_start3A_378 : memref<1x16xf32, #tpu.memory_space<vmem>> -> memref<16xf32, #tpu.memory_space<vmem>>
      %dma_start3A_380 = arith.constant 0 : i32
      %dma_start3A_381 = tpu.memref_slice %arg2[%squeeze3A_372, %dma_start3A_380] : memref<1000000x16xf32, #tpu.memory_space<hbm>> -> memref<1x16xf32, #tpu.memory_space<hbm>>
      %dma_start3A_382 = tpu.memref_squeeze %dma_start3A_381 : memref<1x16xf32, #tpu.memory_space<hbm>> -> memref<16xf32, #tpu.memory_space<hbm>>
      %dma_start3A_383 = arith.constant 0 : i32
      %dma_start3A_384 = tpu.memref_slice %arg6[%add3A_376, %dma_start3A_383] : memref<128x128xf32, #tpu.memory_space<vmem>> -> memref<1x16xf32, #tpu.memory_space<vmem>>
      %dma_start3A_385 = tpu.memref_squeeze %dma_start3A_384 : memref<1x16xf32, #tpu.memory_space<vmem>> -> memref<16xf32, #tpu.memory_space<vmem>>
      %dma_start3A_386 = arith.constant 0 : i32
      %dma_start3A_387 = tpu.memref_slice %arg2[%squeeze3A_372, %dma_start3A_386] : memref<1000000x16xf32, #tpu.memory_space<hbm>> -> memref<1x16xf32, #tpu.memory_space<hbm>>
      %dma_start3A_388 = tpu.memref_squeeze %dma_start3A_387 : memref<1x16xf32, #tpu.memory_space<hbm>> -> memref<16xf32, #tpu.memory_space<hbm>>
      tpu.enqueue_dma source(%dma_start3A_388 : memref<16xf32, #tpu.memory_space<hbm>>) target(%dma_start3A_385 : memref<16xf32, #tpu.memory_space<vmem>>) target_semaphore(%arg8 : memref<!tpu.dma_semaphore, #tpu.memory_space<semaphore_mem>>)
      %slice3A_389 = vector.extract_strided_slice %get3A_174 {offsets = [12], sizes = [1], strides = [1]} : vector<16xi32> to vector<1xi32>
      %squeeze3A_390 = vector.extract %slice3A_389[0] : i32 from vector<1xi32>
      %mul3A_391 = arith.constant 16 : i32
      %mul3A_392 = arith.muli %add3A_168, %mul3A_391 : i32
      %add3A_393 = arith.constant 12 : i32
      %add3A_394 = arith.addi %mul3A_392, %add3A_393 : i32
      %dma_start3A_395 = arith.constant 0 : i32
      %dma_start3A_396 = tpu.memref_slice %arg6[%add3A_394, %dma_start3A_395] : memref<128x128xf32, #tpu.memory_space<vmem>> -> memref<1x16xf32, #tpu.memory_space<vmem>>
      %dma_start3A_397 = tpu.memref_squeeze %dma_start3A_396 : memref<1x16xf32, #tpu.memory_space<vmem>> -> memref<16xf32, #tpu.memory_space<vmem>>
      %dma_start3A_398 = arith.constant 0 : i32
      %dma_start3A_399 = tpu.memref_slice %arg2[%squeeze3A_390, %dma_start3A_398] : memref<1000000x16xf32, #tpu.memory_space<hbm>> -> memref<1x16xf32, #tpu.memory_space<hbm>>
      %dma_start3A_400 = tpu.memref_squeeze %dma_start3A_399 : memref<1x16xf32, #tpu.memory_space<hbm>> -> memref<16xf32, #tpu.memory_space<hbm>>
      %dma_start3A_401 = arith.constant 0 : i32
      %dma_start3A_402 = tpu.memref_slice %arg6[%add3A_394, %dma_start3A_401] : memref<128x128xf32, #tpu.memory_space<vmem>> -> memref<1x16xf32, #tpu.memory_space<vmem>>
      %dma_start3A_403 = tpu.memref_squeeze %dma_start3A_402 : memref<1x16xf32, #tpu.memory_space<vmem>> -> memref<16xf32, #tpu.memory_space<vmem>>
      %dma_start3A_404 = arith.constant 0 : i32
      %dma_start3A_405 = tpu.memref_slice %arg2[%squeeze3A_390, %dma_start3A_404] : memref<1000000x16xf32, #tpu.memory_space<hbm>> -> memref<1x16xf32, #tpu.memory_space<hbm>>
      %dma_start3A_406 = tpu.memref_squeeze %dma_start3A_405 : memref<1x16xf32, #tpu.memory_space<hbm>> -> memref<16xf32, #tpu.memory_space<hbm>>
      tpu.enqueue_dma source(%dma_start3A_406 : memref<16xf32, #tpu.memory_space<hbm>>) target(%dma_start3A_403 : memref<16xf32, #tpu.memory_space<vmem>>) target_semaphore(%arg8 : memref<!tpu.dma_semaphore, #tpu.memory_space<semaphore_mem>>)
      %slice3A_407 = vector.extract_strided_slice %get3A_174 {offsets = [13], sizes = [1], strides = [1]} : vector<16xi32> to vector<1xi32>
      %squeeze3A_408 = vector.extract %slice3A_407[0] : i32 from vector<1xi32>
      %mul3A_409 = arith.constant 16 : i32
      %mul3A_410 = arith.muli %add3A_168, %mul3A_409 : i32
      %add3A_411 = arith.constant 13 : i32
      %add3A_412 = arith.addi %mul3A_410, %add3A_411 : i32
      %dma_start3A_413 = arith.constant 0 : i32
      %dma_start3A_414 = tpu.memref_slice %arg6[%add3A_412, %dma_start3A_413] : memref<128x128xf32, #tpu.memory_space<vmem>> -> memref<1x16xf32, #tpu.memory_space<vmem>>
      %dma_start3A_415 = tpu.memref_squeeze %dma_start3A_414 : memref<1x16xf32, #tpu.memory_space<vmem>> -> memref<16xf32, #tpu.memory_space<vmem>>
      %dma_start3A_416 = arith.constant 0 : i32
      %dma_start3A_417 = tpu.memref_slice %arg2[%squeeze3A_408, %dma_start3A_416] : memref<1000000x16xf32, #tpu.memory_space<hbm>> -> memref<1x16xf32, #tpu.memory_space<hbm>>
      %dma_start3A_418 = tpu.memref_squeeze %dma_start3A_417 : memref<1x16xf32, #tpu.memory_space<hbm>> -> memref<16xf32, #tpu.memory_space<hbm>>
      %dma_start3A_419 = arith.constant 0 : i32
      %dma_start3A_420 = tpu.memref_slice %arg6[%add3A_412, %dma_start3A_419] : memref<128x128xf32, #tpu.memory_space<vmem>> -> memref<1x16xf32, #tpu.memory_space<vmem>>
      %dma_start3A_421 = tpu.memref_squeeze %dma_start3A_420 : memref<1x16xf32, #tpu.memory_space<vmem>> -> memref<16xf32, #tpu.memory_space<vmem>>
      %dma_start3A_422 = arith.constant 0 : i32
      %dma_start3A_423 = tpu.memref_slice %arg2[%squeeze3A_408, %dma_start3A_422] : memref<1000000x16xf32, #tpu.memory_space<hbm>> -> memref<1x16xf32, #tpu.memory_space<hbm>>
      %dma_start3A_424 = tpu.memref_squeeze %dma_start3A_423 : memref<1x16xf32, #tpu.memory_space<hbm>> -> memref<16xf32, #tpu.memory_space<hbm>>
      tpu.enqueue_dma source(%dma_start3A_424 : memref<16xf32, #tpu.memory_space<hbm>>) target(%dma_start3A_421 : memref<16xf32, #tpu.memory_space<vmem>>) target_semaphore(%arg8 : memref<!tpu.dma_semaphore, #tpu.memory_space<semaphore_mem>>)
      %slice3A_425 = vector.extract_strided_slice %get3A_174 {offsets = [14], sizes = [1], strides = [1]} : vector<16xi32> to vector<1xi32>
      %squeeze3A_426 = vector.extract %slice3A_425[0] : i32 from vector<1xi32>
      %mul3A_427 = arith.constant 16 : i32
      %mul3A_428 = arith.muli %add3A_168, %mul3A_427 : i32
      %add3A_429 = arith.constant 14 : i32
      %add3A_430 = arith.addi %mul3A_428, %add3A_429 : i32
      %dma_start3A_431 = arith.constant 0 : i32
      %dma_start3A_432 = tpu.memref_slice %arg6[%add3A_430, %dma_start3A_431] : memref<128x128xf32, #tpu.memory_space<vmem>> -> memref<1x16xf32, #tpu.memory_space<vmem>>
      %dma_start3A_433 = tpu.memref_squeeze %dma_start3A_432 : memref<1x16xf32, #tpu.memory_space<vmem>> -> memref<16xf32, #tpu.memory_space<vmem>>
      %dma_start3A_434 = arith.constant 0 : i32
      %dma_start3A_435 = tpu.memref_slice %arg2[%squeeze3A_426, %dma_start3A_434] : memref<1000000x16xf32, #tpu.memory_space<hbm>> -> memref<1x16xf32, #tpu.memory_space<hbm>>
      %dma_start3A_436 = tpu.memref_squeeze %dma_start3A_435 : memref<1x16xf32, #tpu.memory_space<hbm>> -> memref<16xf32, #tpu.memory_space<hbm>>
      %dma_start3A_437 = arith.constant 0 : i32
      %dma_start3A_438 = tpu.memref_slice %arg6[%add3A_430, %dma_start3A_437] : memref<128x128xf32, #tpu.memory_space<vmem>> -> memref<1x16xf32, #tpu.memory_space<vmem>>
      %dma_start3A_439 = tpu.memref_squeeze %dma_start3A_438 : memref<1x16xf32, #tpu.memory_space<vmem>> -> memref<16xf32, #tpu.memory_space<vmem>>
      %dma_start3A_440 = arith.constant 0 : i32
      %dma_start3A_441 = tpu.memref_slice %arg2[%squeeze3A_426, %dma_start3A_440] : memref<1000000x16xf32, #tpu.memory_space<hbm>> -> memref<1x16xf32, #tpu.memory_space<hbm>>
      %dma_start3A_442 = tpu.memref_squeeze %dma_start3A_441 : memref<1x16xf32, #tpu.memory_space<hbm>> -> memref<16xf32, #tpu.memory_space<hbm>>
      tpu.enqueue_dma source(%dma_start3A_442 : memref<16xf32, #tpu.memory_space<hbm>>) target(%dma_start3A_439 : memref<16xf32, #tpu.memory_space<vmem>>) target_semaphore(%arg8 : memref<!tpu.dma_semaphore, #tpu.memory_space<semaphore_mem>>)
      %slice3A_443 = vector.extract_strided_slice %get3A_174 {offsets = [15], sizes = [1], strides = [1]} : vector<16xi32> to vector<1xi32>
      %squeeze3A_444 = vector.extract %slice3A_443[0] : i32 from vector<1xi32>
      %mul3A_445 = arith.constant 16 : i32
      %mul3A_446 = arith.muli %add3A_168, %mul3A_445 : i32
      %add3A_447 = arith.constant 15 : i32
      %add3A_448 = arith.addi %mul3A_446, %add3A_447 : i32
      %dma_start3A_449 = arith.constant 0 : i32
      %dma_start3A_450 = tpu.memref_slice %arg6[%add3A_448, %dma_start3A_449] : memref<128x128xf32, #tpu.memory_space<vmem>> -> memref<1x16xf32, #tpu.memory_space<vmem>>
      %dma_start3A_451 = tpu.memref_squeeze %dma_start3A_450 : memref<1x16xf32, #tpu.memory_space<vmem>> -> memref<16xf32, #tpu.memory_space<vmem>>
      %dma_start3A_452 = arith.constant 0 : i32
      %dma_start3A_453 = tpu.memref_slice %arg2[%squeeze3A_444, %dma_start3A_452] : memref<1000000x16xf32, #tpu.memory_space<hbm>> -> memref<1x16xf32, #tpu.memory_space<hbm>>
      %dma_start3A_454 = tpu.memref_squeeze %dma_start3A_453 : memref<1x16xf32, #tpu.memory_space<hbm>> -> memref<16xf32, #tpu.memory_space<hbm>>
      %dma_start3A_455 = arith.constant 0 : i32
      %dma_start3A_456 = tpu.memref_slice %arg6[%add3A_448, %dma_start3A_455] : memref<128x128xf32, #tpu.memory_space<vmem>> -> memref<1x16xf32, #tpu.memory_space<vmem>>
      %dma_start3A_457 = tpu.memref_squeeze %dma_start3A_456 : memref<1x16xf32, #tpu.memory_space<vmem>> -> memref<16xf32, #tpu.memory_space<vmem>>
      %dma_start3A_458 = arith.constant 0 : i32
      %dma_start3A_459 = tpu.memref_slice %arg2[%squeeze3A_444, %dma_start3A_458] : memref<1000000x16xf32, #tpu.memory_space<hbm>> -> memref<1x16xf32, #tpu.memory_space<hbm>>
      %dma_start3A_460 = tpu.memref_squeeze %dma_start3A_459 : memref<1x16xf32, #tpu.memory_space<hbm>> -> memref<16xf32, #tpu.memory_space<hbm>>
      tpu.enqueue_dma source(%dma_start3A_460 : memref<16xf32, #tpu.memory_space<hbm>>) target(%dma_start3A_457 : memref<16xf32, #tpu.memory_space<vmem>>) target_semaphore(%arg8 : memref<!tpu.dma_semaphore, #tpu.memory_space<semaphore_mem>>)
    }
    %scan3A_48 = arith.constant 8 : i32
    %scan3A_49 = arith.constant 0 : i32
    %scan3A_50 = arith.constant 128 : i32
    %scan3A_51 = arith.addi %scan3A_49, %scan3A_50 : i32
    %scan3A_52 = arith.constant 1 : i32
    scf.for %scan3A_164 = %scan3A_49 to %scan3A_51 step %scan3A_52  : i32 {
      %mul3A_165 = arith.constant 1 : i32
      %mul3A_166 = arith.muli %scan3A_164, %mul3A_165 : i32
      %add3A_167 = arith.constant 0 : i32
      %add3A_168 = arith.addi %add3A_167, %mul3A_166 : i32
      %dma_wait3A_169 = arith.constant 0 : i32
      %dma_wait3A_170 = arith.constant 0 : i32
      %dma_wait3A_171 = tpu.memref_slice %arg6[%add3A_168, %dma_wait3A_170] : memref<128x128xf32, #tpu.memory_space<vmem>> -> memref<1x16xf32, #tpu.memory_space<vmem>>
      %dma_wait3A_172 = tpu.memref_squeeze %dma_wait3A_171 : memref<1x16xf32, #tpu.memory_space<vmem>> -> memref<16xf32, #tpu.memory_space<vmem>>
      %dma_wait3A_173 = arith.constant 0 : i32
      %dma_wait3A_174 = tpu.memref_slice %arg2[%dma_wait3A_169, %dma_wait3A_173] : memref<1000000x16xf32, #tpu.memory_space<hbm>> -> memref<1x16xf32, #tpu.memory_space<hbm>>
      %dma_wait3A_175 = tpu.memref_squeeze %dma_wait3A_174 : memref<1x16xf32, #tpu.memory_space<hbm>> -> memref<16xf32, #tpu.memory_space<hbm>>
      %dma_wait3A_176 = arith.constant 0 : i32
      %dma_wait3A_177 = tpu.memref_slice %arg6[%add3A_168, %dma_wait3A_176] : memref<128x128xf32, #tpu.memory_space<vmem>> -> memref<1x16xf32, #tpu.memory_space<vmem>>
      %dma_wait3A_178 = tpu.memref_squeeze %dma_wait3A_177 : memref<1x16xf32, #tpu.memory_space<vmem>> -> memref<16xf32, #tpu.memory_space<vmem>>
      %dma_wait3A_179 = arith.constant 0 : i32
      %dma_wait3A_180 = tpu.memref_slice %arg2[%dma_wait3A_169, %dma_wait3A_179] : memref<1000000x16xf32, #tpu.memory_space<hbm>> -> memref<1x16xf32, #tpu.memory_space<hbm>>
      %dma_wait3A_181 = tpu.memref_squeeze %dma_wait3A_180 : memref<1x16xf32, #tpu.memory_space<hbm>> -> memref<16xf32, #tpu.memory_space<hbm>>
      tpu.wait_dma2 semaphore(%arg8 : memref<!tpu.dma_semaphore, #tpu.memory_space<semaphore_mem>>) src(%dma_wait3A_181 : memref<16xf32, #tpu.memory_space<hbm>>) dst(%dma_wait3A_178 : memref<16xf32, #tpu.memory_space<vmem>>)
    }
    %scan3A_53 = arith.constant 128 : i32
    %add3A_54 = arith.constant 256 : i32
    %add3A_55 = arith.addi %mul3A_2, %add3A_54 : i32
    %dma_start3A_56 = arith.constant 0 : i32
    %dma_start3A_57 = tpu.memref_slice %arg4[%add3A_55, %dma_start3A_56] : memref<32768x128xf32, #tpu.memory_space<hbm>> -> memref<128x128xf32, #tpu.memory_space<hbm>>
    %dma_start3A_58 = arith.constant 0 : i32
    %dma_start3A_59 = tpu.memref_slice %arg4[%add3A_55, %dma_start3A_58] : memref<32768x128xf32, #tpu.memory_space<hbm>> -> memref<128x128xf32, #tpu.memory_space<hbm>>
    tpu.enqueue_dma source(%arg6 : memref<128x128xf32, #tpu.memory_space<vmem>>) target(%dma_start3A_59 : memref<128x128xf32, #tpu.memory_space<hbm>>) target_semaphore(%arg7 : memref<!tpu.dma_semaphore, #tpu.memory_space<semaphore_mem>>)
    %dma_wait3A_60 = arith.constant 0 : i32
    %dma_wait3A_61 = tpu.memref_slice %arg4[%add3A_55, %dma_wait3A_60] : memref<32768x128xf32, #tpu.memory_space<hbm>> -> memref<128x128xf32, #tpu.memory_space<hbm>>
    %dma_wait3A_62 = arith.constant 0 : i32
    %dma_wait3A_63 = tpu.memref_slice %arg4[%add3A_55, %dma_wait3A_62] : memref<32768x128xf32, #tpu.memory_space<hbm>> -> memref<128x128xf32, #tpu.memory_space<hbm>>
    tpu.wait_dma2 semaphore(%arg7 : memref<!tpu.dma_semaphore, #tpu.memory_space<semaphore_mem>>) src(%arg6 : memref<128x128xf32, #tpu.memory_space<vmem>>) dst(%dma_wait3A_63 : memref<128x128xf32, #tpu.memory_space<hbm>>)
    %scan3A_64 = arith.constant 0 : i32
    %scan3A_65 = arith.constant 8 : i32
    %scan3A_66 = arith.addi %scan3A_64, %scan3A_65 : i32
    %scan3A_67 = arith.constant 1 : i32
    scf.for %scan3A_164 = %scan3A_64 to %scan3A_66 step %scan3A_67  : i32 {
      %mul3A_165 = arith.constant 1 : i32
      %mul3A_166 = arith.muli %scan3A_164, %mul3A_165 : i32
      %add3A_167 = arith.constant 0 : i32
      %add3A_168 = arith.addi %add3A_167, %mul3A_166 : i32
      %mul3A_169 = arith.constant 16 : i32
      %mul3A_170 = arith.muli %add3A_168, %mul3A_169 : i32
      %add3A_171 = arith.constant 384 : i32
      %add3A_172 = arith.addi %add3A_171, %mul3A_170 : i32
      %get3A = arith.index_cast %add3A_172 : i32 to index
      %get3A_173 = tpu.vector_load %arg5[%get3A] {strides = array<i32>} : memref<1024xi32, #tpu.memory_space<vmem>>, vector<16xi32>,
      %get3A_174 = vector.shape_cast %get3A_173 : vector<16xi32> to vector<16xi32>
      %slice3A = vector.extract_strided_slice %get3A_174 {offsets = [0], sizes = [1], strides = [1]} : vector<16xi32> to vector<1xi32>
      %squeeze3A = vector.extract %slice3A[0] : i32 from vector<1xi32>
      %mul3A_175 = arith.constant 16 : i32
      %mul3A_176 = arith.muli %add3A_168, %mul3A_175 : i32
      %add3A_177 = arith.constant 0 : i32
      %add3A_178 = arith.addi %mul3A_176, %add3A_177 : i32
      %dma_start3A_179 = arith.constant 0 : i32
      %dma_start3A_180 = tpu.memref_slice %arg6[%add3A_178, %dma_start3A_179] : memref<128x128xf32, #tpu.memory_space<vmem>> -> memref<1x16xf32, #tpu.memory_space<vmem>>
      %dma_start3A_181 = tpu.memref_squeeze %dma_start3A_180 : memref<1x16xf32, #tpu.memory_space<vmem>> -> memref<16xf32, #tpu.memory_space<vmem>>
      %dma_start3A_182 = arith.constant 0 : i32
      %dma_start3A_183 = tpu.memref_slice %arg2[%squeeze3A, %dma_start3A_182] : memref<1000000x16xf32, #tpu.memory_space<hbm>> -> memref<1x16xf32, #tpu.memory_space<hbm>>
      %dma_start3A_184 = tpu.memref_squeeze %dma_start3A_183 : memref<1x16xf32, #tpu.memory_space<hbm>> -> memref<16xf32, #tpu.memory_space<hbm>>
      %dma_start3A_185 = arith.constant 0 : i32
      %dma_start3A_186 = tpu.memref_slice %arg6[%add3A_178, %dma_start3A_185] : memref<128x128xf32, #tpu.memory_space<vmem>> -> memref<1x16xf32, #tpu.memory_space<vmem>>
      %dma_start3A_187 = tpu.memref_squeeze %dma_start3A_186 : memref<1x16xf32, #tpu.memory_space<vmem>> -> memref<16xf32, #tpu.memory_space<vmem>>
      %dma_start3A_188 = arith.constant 0 : i32
      %dma_start3A_189 = tpu.memref_slice %arg2[%squeeze3A, %dma_start3A_188] : memref<1000000x16xf32, #tpu.memory_space<hbm>> -> memref<1x16xf32, #tpu.memory_space<hbm>>
      %dma_start3A_190 = tpu.memref_squeeze %dma_start3A_189 : memref<1x16xf32, #tpu.memory_space<hbm>> -> memref<16xf32, #tpu.memory_space<hbm>>
      tpu.enqueue_dma source(%dma_start3A_190 : memref<16xf32, #tpu.memory_space<hbm>>) target(%dma_start3A_187 : memref<16xf32, #tpu.memory_space<vmem>>) target_semaphore(%arg8 : memref<!tpu.dma_semaphore, #tpu.memory_space<semaphore_mem>>)
      %slice3A_191 = vector.extract_strided_slice %get3A_174 {offsets = [1], sizes = [1], strides = [1]} : vector<16xi32> to vector<1xi32>
      %squeeze3A_192 = vector.extract %slice3A_191[0] : i32 from vector<1xi32>
      %mul3A_193 = arith.constant 16 : i32
      %mul3A_194 = arith.muli %add3A_168, %mul3A_193 : i32
      %add3A_195 = arith.constant 1 : i32
      %add3A_196 = arith.addi %mul3A_194, %add3A_195 : i32
      %dma_start3A_197 = arith.constant 0 : i32
      %dma_start3A_198 = tpu.memref_slice %arg6[%add3A_196, %dma_start3A_197] : memref<128x128xf32, #tpu.memory_space<vmem>> -> memref<1x16xf32, #tpu.memory_space<vmem>>
      %dma_start3A_199 = tpu.memref_squeeze %dma_start3A_198 : memref<1x16xf32, #tpu.memory_space<vmem>> -> memref<16xf32, #tpu.memory_space<vmem>>
      %dma_start3A_200 = arith.constant 0 : i32
      %dma_start3A_201 = tpu.memref_slice %arg2[%squeeze3A_192, %dma_start3A_200] : memref<1000000x16xf32, #tpu.memory_space<hbm>> -> memref<1x16xf32, #tpu.memory_space<hbm>>
      %dma_start3A_202 = tpu.memref_squeeze %dma_start3A_201 : memref<1x16xf32, #tpu.memory_space<hbm>> -> memref<16xf32, #tpu.memory_space<hbm>>
      %dma_start3A_203 = arith.constant 0 : i32
      %dma_start3A_204 = tpu.memref_slice %arg6[%add3A_196, %dma_start3A_203] : memref<128x128xf32, #tpu.memory_space<vmem>> -> memref<1x16xf32, #tpu.memory_space<vmem>>
      %dma_start3A_205 = tpu.memref_squeeze %dma_start3A_204 : memref<1x16xf32, #tpu.memory_space<vmem>> -> memref<16xf32, #tpu.memory_space<vmem>>
      %dma_start3A_206 = arith.constant 0 : i32
      %dma_start3A_207 = tpu.memref_slice %arg2[%squeeze3A_192, %dma_start3A_206] : memref<1000000x16xf32, #tpu.memory_space<hbm>> -> memref<1x16xf32, #tpu.memory_space<hbm>>
      %dma_start3A_208 = tpu.memref_squeeze %dma_start3A_207 : memref<1x16xf32, #tpu.memory_space<hbm>> -> memref<16xf32, #tpu.memory_space<hbm>>
      tpu.enqueue_dma source(%dma_start3A_208 : memref<16xf32, #tpu.memory_space<hbm>>) target(%dma_start3A_205 : memref<16xf32, #tpu.memory_space<vmem>>) target_semaphore(%arg8 : memref<!tpu.dma_semaphore, #tpu.memory_space<semaphore_mem>>)
      %slice3A_209 = vector.extract_strided_slice %get3A_174 {offsets = [2], sizes = [1], strides = [1]} : vector<16xi32> to vector<1xi32>
      %squeeze3A_210 = vector.extract %slice3A_209[0] : i32 from vector<1xi32>
      %mul3A_211 = arith.constant 16 : i32
      %mul3A_212 = arith.muli %add3A_168, %mul3A_211 : i32
      %add3A_213 = arith.constant 2 : i32
      %add3A_214 = arith.addi %mul3A_212, %add3A_213 : i32
      %dma_start3A_215 = arith.constant 0 : i32
      %dma_start3A_216 = tpu.memref_slice %arg6[%add3A_214, %dma_start3A_215] : memref<128x128xf32, #tpu.memory_space<vmem>> -> memref<1x16xf32, #tpu.memory_space<vmem>>
      %dma_start3A_217 = tpu.memref_squeeze %dma_start3A_216 : memref<1x16xf32, #tpu.memory_space<vmem>> -> memref<16xf32, #tpu.memory_space<vmem>>
      %dma_start3A_218 = arith.constant 0 : i32
      %dma_start3A_219 = tpu.memref_slice %arg2[%squeeze3A_210, %dma_start3A_218] : memref<1000000x16xf32, #tpu.memory_space<hbm>> -> memref<1x16xf32, #tpu.memory_space<hbm>>
      %dma_start3A_220 = tpu.memref_squeeze %dma_start3A_219 : memref<1x16xf32, #tpu.memory_space<hbm>> -> memref<16xf32, #tpu.memory_space<hbm>>
      %dma_start3A_221 = arith.constant 0 : i32
      %dma_start3A_222 = tpu.memref_slice %arg6[%add3A_214, %dma_start3A_221] : memref<128x128xf32, #tpu.memory_space<vmem>> -> memref<1x16xf32, #tpu.memory_space<vmem>>
      %dma_start3A_223 = tpu.memref_squeeze %dma_start3A_222 : memref<1x16xf32, #tpu.memory_space<vmem>> -> memref<16xf32, #tpu.memory_space<vmem>>
      %dma_start3A_224 = arith.constant 0 : i32
      %dma_start3A_225 = tpu.memref_slice %arg2[%squeeze3A_210, %dma_start3A_224] : memref<1000000x16xf32, #tpu.memory_space<hbm>> -> memref<1x16xf32, #tpu.memory_space<hbm>>
      %dma_start3A_226 = tpu.memref_squeeze %dma_start3A_225 : memref<1x16xf32, #tpu.memory_space<hbm>> -> memref<16xf32, #tpu.memory_space<hbm>>
      tpu.enqueue_dma source(%dma_start3A_226 : memref<16xf32, #tpu.memory_space<hbm>>) target(%dma_start3A_223 : memref<16xf32, #tpu.memory_space<vmem>>) target_semaphore(%arg8 : memref<!tpu.dma_semaphore, #tpu.memory_space<semaphore_mem>>)
      %slice3A_227 = vector.extract_strided_slice %get3A_174 {offsets = [3], sizes = [1], strides = [1]} : vector<16xi32> to vector<1xi32>
      %squeeze3A_228 = vector.extract %slice3A_227[0] : i32 from vector<1xi32>
      %mul3A_229 = arith.constant 16 : i32
      %mul3A_230 = arith.muli %add3A_168, %mul3A_229 : i32
      %add3A_231 = arith.constant 3 : i32
      %add3A_232 = arith.addi %mul3A_230, %add3A_231 : i32
      %dma_start3A_233 = arith.constant 0 : i32
      %dma_start3A_234 = tpu.memref_slice %arg6[%add3A_232, %dma_start3A_233] : memref<128x128xf32, #tpu.memory_space<vmem>> -> memref<1x16xf32, #tpu.memory_space<vmem>>
      %dma_start3A_235 = tpu.memref_squeeze %dma_start3A_234 : memref<1x16xf32, #tpu.memory_space<vmem>> -> memref<16xf32, #tpu.memory_space<vmem>>
      %dma_start3A_236 = arith.constant 0 : i32
      %dma_start3A_237 = tpu.memref_slice %arg2[%squeeze3A_228, %dma_start3A_236] : memref<1000000x16xf32, #tpu.memory_space<hbm>> -> memref<1x16xf32, #tpu.memory_space<hbm>>
      %dma_start3A_238 = tpu.memref_squeeze %dma_start3A_237 : memref<1x16xf32, #tpu.memory_space<hbm>> -> memref<16xf32, #tpu.memory_space<hbm>>
      %dma_start3A_239 = arith.constant 0 : i32
      %dma_start3A_240 = tpu.memref_slice %arg6[%add3A_232, %dma_start3A_239] : memref<128x128xf32, #tpu.memory_space<vmem>> -> memref<1x16xf32, #tpu.memory_space<vmem>>
      %dma_start3A_241 = tpu.memref_squeeze %dma_start3A_240 : memref<1x16xf32, #tpu.memory_space<vmem>> -> memref<16xf32, #tpu.memory_space<vmem>>
      %dma_start3A_242 = arith.constant 0 : i32
      %dma_start3A_243 = tpu.memref_slice %arg2[%squeeze3A_228, %dma_start3A_242] : memref<1000000x16xf32, #tpu.memory_space<hbm>> -> memref<1x16xf32, #tpu.memory_space<hbm>>
      %dma_start3A_244 = tpu.memref_squeeze %dma_start3A_243 : memref<1x16xf32, #tpu.memory_space<hbm>> -> memref<16xf32, #tpu.memory_space<hbm>>
      tpu.enqueue_dma source(%dma_start3A_244 : memref<16xf32, #tpu.memory_space<hbm>>) target(%dma_start3A_241 : memref<16xf32, #tpu.memory_space<vmem>>) target_semaphore(%arg8 : memref<!tpu.dma_semaphore, #tpu.memory_space<semaphore_mem>>)
      %slice3A_245 = vector.extract_strided_slice %get3A_174 {offsets = [4], sizes = [1], strides = [1]} : vector<16xi32> to vector<1xi32>
      %squeeze3A_246 = vector.extract %slice3A_245[0] : i32 from vector<1xi32>
      %mul3A_247 = arith.constant 16 : i32
      %mul3A_248 = arith.muli %add3A_168, %mul3A_247 : i32
      %add3A_249 = arith.constant 4 : i32
      %add3A_250 = arith.addi %mul3A_248, %add3A_249 : i32
      %dma_start3A_251 = arith.constant 0 : i32
      %dma_start3A_252 = tpu.memref_slice %arg6[%add3A_250, %dma_start3A_251] : memref<128x128xf32, #tpu.memory_space<vmem>> -> memref<1x16xf32, #tpu.memory_space<vmem>>
      %dma_start3A_253 = tpu.memref_squeeze %dma_start3A_252 : memref<1x16xf32, #tpu.memory_space<vmem>> -> memref<16xf32, #tpu.memory_space<vmem>>
      %dma_start3A_254 = arith.constant 0 : i32
      %dma_start3A_255 = tpu.memref_slice %arg2[%squeeze3A_246, %dma_start3A_254] : memref<1000000x16xf32, #tpu.memory_space<hbm>> -> memref<1x16xf32, #tpu.memory_space<hbm>>
      %dma_start3A_256 = tpu.memref_squeeze %dma_start3A_255 : memref<1x16xf32, #tpu.memory_space<hbm>> -> memref<16xf32, #tpu.memory_space<hbm>>
      %dma_start3A_257 = arith.constant 0 : i32
      %dma_start3A_258 = tpu.memref_slice %arg6[%add3A_250, %dma_start3A_257] : memref<128x128xf32, #tpu.memory_space<vmem>> -> memref<1x16xf32, #tpu.memory_space<vmem>>
      %dma_start3A_259 = tpu.memref_squeeze %dma_start3A_258 : memref<1x16xf32, #tpu.memory_space<vmem>> -> memref<16xf32, #tpu.memory_space<vmem>>
      %dma_start3A_260 = arith.constant 0 : i32
      %dma_start3A_261 = tpu.memref_slice %arg2[%squeeze3A_246, %dma_start3A_260] : memref<1000000x16xf32, #tpu.memory_space<hbm>> -> memref<1x16xf32, #tpu.memory_space<hbm>>
      %dma_start3A_262 = tpu.memref_squeeze %dma_start3A_261 : memref<1x16xf32, #tpu.memory_space<hbm>> -> memref<16xf32, #tpu.memory_space<hbm>>
      tpu.enqueue_dma source(%dma_start3A_262 : memref<16xf32, #tpu.memory_space<hbm>>) target(%dma_start3A_259 : memref<16xf32, #tpu.memory_space<vmem>>) target_semaphore(%arg8 : memref<!tpu.dma_semaphore, #tpu.memory_space<semaphore_mem>>)
      %slice3A_263 = vector.extract_strided_slice %get3A_174 {offsets = [5], sizes = [1], strides = [1]} : vector<16xi32> to vector<1xi32>
      %squeeze3A_264 = vector.extract %slice3A_263[0] : i32 from vector<1xi32>
      %mul3A_265 = arith.constant 16 : i32
      %mul3A_266 = arith.muli %add3A_168, %mul3A_265 : i32
      %add3A_267 = arith.constant 5 : i32
      %add3A_268 = arith.addi %mul3A_266, %add3A_267 : i32
      %dma_start3A_269 = arith.constant 0 : i32
      %dma_start3A_270 = tpu.memref_slice %arg6[%add3A_268, %dma_start3A_269] : memref<128x128xf32, #tpu.memory_space<vmem>> -> memref<1x16xf32, #tpu.memory_space<vmem>>
      %dma_start3A_271 = tpu.memref_squeeze %dma_start3A_270 : memref<1x16xf32, #tpu.memory_space<vmem>> -> memref<16xf32, #tpu.memory_space<vmem>>
      %dma_start3A_272 = arith.constant 0 : i32
      %dma_start3A_273 = tpu.memref_slice %arg2[%squeeze3A_264, %dma_start3A_272] : memref<1000000x16xf32, #tpu.memory_space<hbm>> -> memref<1x16xf32, #tpu.memory_space<hbm>>
      %dma_start3A_274 = tpu.memref_squeeze %dma_start3A_273 : memref<1x16xf32, #tpu.memory_space<hbm>> -> memref<16xf32, #tpu.memory_space<hbm>>
      %dma_start3A_275 = arith.constant 0 : i32
      %dma_start3A_276 = tpu.memref_slice %arg6[%add3A_268, %dma_start3A_275] : memref<128x128xf32, #tpu.memory_space<vmem>> -> memref<1x16xf32, #tpu.memory_space<vmem>>
      %dma_start3A_277 = tpu.memref_squeeze %dma_start3A_276 : memref<1x16xf32, #tpu.memory_space<vmem>> -> memref<16xf32, #tpu.memory_space<vmem>>
      %dma_start3A_278 = arith.constant 0 : i32
      %dma_start3A_279 = tpu.memref_slice %arg2[%squeeze3A_264, %dma_start3A_278] : memref<1000000x16xf32, #tpu.memory_space<hbm>> -> memref<1x16xf32, #tpu.memory_space<hbm>>
      %dma_start3A_280 = tpu.memref_squeeze %dma_start3A_279 : memref<1x16xf32, #tpu.memory_space<hbm>> -> memref<16xf32, #tpu.memory_space<hbm>>
      tpu.enqueue_dma source(%dma_start3A_280 : memref<16xf32, #tpu.memory_space<hbm>>) target(%dma_start3A_277 : memref<16xf32, #tpu.memory_space<vmem>>) target_semaphore(%arg8 : memref<!tpu.dma_semaphore, #tpu.memory_space<semaphore_mem>>)
      %slice3A_281 = vector.extract_strided_slice %get3A_174 {offsets = [6], sizes = [1], strides = [1]} : vector<16xi32> to vector<1xi32>
      %squeeze3A_282 = vector.extract %slice3A_281[0] : i32 from vector<1xi32>
      %mul3A_283 = arith.constant 16 : i32
      %mul3A_284 = arith.muli %add3A_168, %mul3A_283 : i32
      %add3A_285 = arith.constant 6 : i32
      %add3A_286 = arith.addi %mul3A_284, %add3A_285 : i32
      %dma_start3A_287 = arith.constant 0 : i32
      %dma_start3A_288 = tpu.memref_slice %arg6[%add3A_286, %dma_start3A_287] : memref<128x128xf32, #tpu.memory_space<vmem>> -> memref<1x16xf32, #tpu.memory_space<vmem>>
      %dma_start3A_289 = tpu.memref_squeeze %dma_start3A_288 : memref<1x16xf32, #tpu.memory_space<vmem>> -> memref<16xf32, #tpu.memory_space<vmem>>
      %dma_start3A_290 = arith.constant 0 : i32
      %dma_start3A_291 = tpu.memref_slice %arg2[%squeeze3A_282, %dma_start3A_290] : memref<1000000x16xf32, #tpu.memory_space<hbm>> -> memref<1x16xf32, #tpu.memory_space<hbm>>
      %dma_start3A_292 = tpu.memref_squeeze %dma_start3A_291 : memref<1x16xf32, #tpu.memory_space<hbm>> -> memref<16xf32, #tpu.memory_space<hbm>>
      %dma_start3A_293 = arith.constant 0 : i32
      %dma_start3A_294 = tpu.memref_slice %arg6[%add3A_286, %dma_start3A_293] : memref<128x128xf32, #tpu.memory_space<vmem>> -> memref<1x16xf32, #tpu.memory_space<vmem>>
      %dma_start3A_295 = tpu.memref_squeeze %dma_start3A_294 : memref<1x16xf32, #tpu.memory_space<vmem>> -> memref<16xf32, #tpu.memory_space<vmem>>
      %dma_start3A_296 = arith.constant 0 : i32
      %dma_start3A_297 = tpu.memref_slice %arg2[%squeeze3A_282, %dma_start3A_296] : memref<1000000x16xf32, #tpu.memory_space<hbm>> -> memref<1x16xf32, #tpu.memory_space<hbm>>
      %dma_start3A_298 = tpu.memref_squeeze %dma_start3A_297 : memref<1x16xf32, #tpu.memory_space<hbm>> -> memref<16xf32, #tpu.memory_space<hbm>>
      tpu.enqueue_dma source(%dma_start3A_298 : memref<16xf32, #tpu.memory_space<hbm>>) target(%dma_start3A_295 : memref<16xf32, #tpu.memory_space<vmem>>) target_semaphore(%arg8 : memref<!tpu.dma_semaphore, #tpu.memory_space<semaphore_mem>>)
      %slice3A_299 = vector.extract_strided_slice %get3A_174 {offsets = [7], sizes = [1], strides = [1]} : vector<16xi32> to vector<1xi32>
      %squeeze3A_300 = vector.extract %slice3A_299[0] : i32 from vector<1xi32>
      %mul3A_301 = arith.constant 16 : i32
      %mul3A_302 = arith.muli %add3A_168, %mul3A_301 : i32
      %add3A_303 = arith.constant 7 : i32
      %add3A_304 = arith.addi %mul3A_302, %add3A_303 : i32
      %dma_start3A_305 = arith.constant 0 : i32
      %dma_start3A_306 = tpu.memref_slice %arg6[%add3A_304, %dma_start3A_305] : memref<128x128xf32, #tpu.memory_space<vmem>> -> memref<1x16xf32, #tpu.memory_space<vmem>>
      %dma_start3A_307 = tpu.memref_squeeze %dma_start3A_306 : memref<1x16xf32, #tpu.memory_space<vmem>> -> memref<16xf32, #tpu.memory_space<vmem>>
      %dma_start3A_308 = arith.constant 0 : i32
      %dma_start3A_309 = tpu.memref_slice %arg2[%squeeze3A_300, %dma_start3A_308] : memref<1000000x16xf32, #tpu.memory_space<hbm>> -> memref<1x16xf32, #tpu.memory_space<hbm>>
      %dma_start3A_310 = tpu.memref_squeeze %dma_start3A_309 : memref<1x16xf32, #tpu.memory_space<hbm>> -> memref<16xf32, #tpu.memory_space<hbm>>
      %dma_start3A_311 = arith.constant 0 : i32
      %dma_start3A_312 = tpu.memref_slice %arg6[%add3A_304, %dma_start3A_311] : memref<128x128xf32, #tpu.memory_space<vmem>> -> memref<1x16xf32, #tpu.memory_space<vmem>>
      %dma_start3A_313 = tpu.memref_squeeze %dma_start3A_312 : memref<1x16xf32, #tpu.memory_space<vmem>> -> memref<16xf32, #tpu.memory_space<vmem>>
      %dma_start3A_314 = arith.constant 0 : i32
      %dma_start3A_315 = tpu.memref_slice %arg2[%squeeze3A_300, %dma_start3A_314] : memref<1000000x16xf32, #tpu.memory_space<hbm>> -> memref<1x16xf32, #tpu.memory_space<hbm>>
      %dma_start3A_316 = tpu.memref_squeeze %dma_start3A_315 : memref<1x16xf32, #tpu.memory_space<hbm>> -> memref<16xf32, #tpu.memory_space<hbm>>
      tpu.enqueue_dma source(%dma_start3A_316 : memref<16xf32, #tpu.memory_space<hbm>>) target(%dma_start3A_313 : memref<16xf32, #tpu.memory_space<vmem>>) target_semaphore(%arg8 : memref<!tpu.dma_semaphore, #tpu.memory_space<semaphore_mem>>)
      %slice3A_317 = vector.extract_strided_slice %get3A_174 {offsets = [8], sizes = [1], strides = [1]} : vector<16xi32> to vector<1xi32>
      %squeeze3A_318 = vector.extract %slice3A_317[0] : i32 from vector<1xi32>
      %mul3A_319 = arith.constant 16 : i32
      %mul3A_320 = arith.muli %add3A_168, %mul3A_319 : i32
      %add3A_321 = arith.constant 8 : i32
      %add3A_322 = arith.addi %mul3A_320, %add3A_321 : i32
      %dma_start3A_323 = arith.constant 0 : i32
      %dma_start3A_324 = tpu.memref_slice %arg6[%add3A_322, %dma_start3A_323] : memref<128x128xf32, #tpu.memory_space<vmem>> -> memref<1x16xf32, #tpu.memory_space<vmem>>
      %dma_start3A_325 = tpu.memref_squeeze %dma_start3A_324 : memref<1x16xf32, #tpu.memory_space<vmem>> -> memref<16xf32, #tpu.memory_space<vmem>>
      %dma_start3A_326 = arith.constant 0 : i32
      %dma_start3A_327 = tpu.memref_slice %arg2[%squeeze3A_318, %dma_start3A_326] : memref<1000000x16xf32, #tpu.memory_space<hbm>> -> memref<1x16xf32, #tpu.memory_space<hbm>>
      %dma_start3A_328 = tpu.memref_squeeze %dma_start3A_327 : memref<1x16xf32, #tpu.memory_space<hbm>> -> memref<16xf32, #tpu.memory_space<hbm>>
      %dma_start3A_329 = arith.constant 0 : i32
      %dma_start3A_330 = tpu.memref_slice %arg6[%add3A_322, %dma_start3A_329] : memref<128x128xf32, #tpu.memory_space<vmem>> -> memref<1x16xf32, #tpu.memory_space<vmem>>
      %dma_start3A_331 = tpu.memref_squeeze %dma_start3A_330 : memref<1x16xf32, #tpu.memory_space<vmem>> -> memref<16xf32, #tpu.memory_space<vmem>>
      %dma_start3A_332 = arith.constant 0 : i32
      %dma_start3A_333 = tpu.memref_slice %arg2[%squeeze3A_318, %dma_start3A_332] : memref<1000000x16xf32, #tpu.memory_space<hbm>> -> memref<1x16xf32, #tpu.memory_space<hbm>>
      %dma_start3A_334 = tpu.memref_squeeze %dma_start3A_333 : memref<1x16xf32, #tpu.memory_space<hbm>> -> memref<16xf32, #tpu.memory_space<hbm>>
      tpu.enqueue_dma source(%dma_start3A_334 : memref<16xf32, #tpu.memory_space<hbm>>) target(%dma_start3A_331 : memref<16xf32, #tpu.memory_space<vmem>>) target_semaphore(%arg8 : memref<!tpu.dma_semaphore, #tpu.memory_space<semaphore_mem>>)
      %slice3A_335 = vector.extract_strided_slice %get3A_174 {offsets = [9], sizes = [1], strides = [1]} : vector<16xi32> to vector<1xi32>
      %squeeze3A_336 = vector.extract %slice3A_335[0] : i32 from vector<1xi32>
      %mul3A_337 = arith.constant 16 : i32
      %mul3A_338 = arith.muli %add3A_168, %mul3A_337 : i32
      %add3A_339 = arith.constant 9 : i32
      %add3A_340 = arith.addi %mul3A_338, %add3A_339 : i32
      %dma_start3A_341 = arith.constant 0 : i32
      %dma_start3A_342 = tpu.memref_slice %arg6[%add3A_340, %dma_start3A_341] : memref<128x128xf32, #tpu.memory_space<vmem>> -> memref<1x16xf32, #tpu.memory_space<vmem>>
      %dma_start3A_343 = tpu.memref_squeeze %dma_start3A_342 : memref<1x16xf32, #tpu.memory_space<vmem>> -> memref<16xf32, #tpu.memory_space<vmem>>
      %dma_start3A_344 = arith.constant 0 : i32
      %dma_start3A_345 = tpu.memref_slice %arg2[%squeeze3A_336, %dma_start3A_344] : memref<1000000x16xf32, #tpu.memory_space<hbm>> -> memref<1x16xf32, #tpu.memory_space<hbm>>
      %dma_start3A_346 = tpu.memref_squeeze %dma_start3A_345 : memref<1x16xf32, #tpu.memory_space<hbm>> -> memref<16xf32, #tpu.memory_space<hbm>>
      %dma_start3A_347 = arith.constant 0 : i32
      %dma_start3A_348 = tpu.memref_slice %arg6[%add3A_340, %dma_start3A_347] : memref<128x128xf32, #tpu.memory_space<vmem>> -> memref<1x16xf32, #tpu.memory_space<vmem>>
      %dma_start3A_349 = tpu.memref_squeeze %dma_start3A_348 : memref<1x16xf32, #tpu.memory_space<vmem>> -> memref<16xf32, #tpu.memory_space<vmem>>
      %dma_start3A_350 = arith.constant 0 : i32
      %dma_start3A_351 = tpu.memref_slice %arg2[%squeeze3A_336, %dma_start3A_350] : memref<1000000x16xf32, #tpu.memory_space<hbm>> -> memref<1x16xf32, #tpu.memory_space<hbm>>
      %dma_start3A_352 = tpu.memref_squeeze %dma_start3A_351 : memref<1x16xf32, #tpu.memory_space<hbm>> -> memref<16xf32, #tpu.memory_space<hbm>>
      tpu.enqueue_dma source(%dma_start3A_352 : memref<16xf32, #tpu.memory_space<hbm>>) target(%dma_start3A_349 : memref<16xf32, #tpu.memory_space<vmem>>) target_semaphore(%arg8 : memref<!tpu.dma_semaphore, #tpu.memory_space<semaphore_mem>>)
      %slice3A_353 = vector.extract_strided_slice %get3A_174 {offsets = [10], sizes = [1], strides = [1]} : vector<16xi32> to vector<1xi32>
      %squeeze3A_354 = vector.extract %slice3A_353[0] : i32 from vector<1xi32>
      %mul3A_355 = arith.constant 16 : i32
      %mul3A_356 = arith.muli %add3A_168, %mul3A_355 : i32
      %add3A_357 = arith.constant 10 : i32
      %add3A_358 = arith.addi %mul3A_356, %add3A_357 : i32
      %dma_start3A_359 = arith.constant 0 : i32
      %dma_start3A_360 = tpu.memref_slice %arg6[%add3A_358, %dma_start3A_359] : memref<128x128xf32, #tpu.memory_space<vmem>> -> memref<1x16xf32, #tpu.memory_space<vmem>>
      %dma_start3A_361 = tpu.memref_squeeze %dma_start3A_360 : memref<1x16xf32, #tpu.memory_space<vmem>> -> memref<16xf32, #tpu.memory_space<vmem>>
      %dma_start3A_362 = arith.constant 0 : i32
      %dma_start3A_363 = tpu.memref_slice %arg2[%squeeze3A_354, %dma_start3A_362] : memref<1000000x16xf32, #tpu.memory_space<hbm>> -> memref<1x16xf32, #tpu.memory_space<hbm>>
      %dma_start3A_364 = tpu.memref_squeeze %dma_start3A_363 : memref<1x16xf32, #tpu.memory_space<hbm>> -> memref<16xf32, #tpu.memory_space<hbm>>
      %dma_start3A_365 = arith.constant 0 : i32
      %dma_start3A_366 = tpu.memref_slice %arg6[%add3A_358, %dma_start3A_365] : memref<128x128xf32, #tpu.memory_space<vmem>> -> memref<1x16xf32, #tpu.memory_space<vmem>>
      %dma_start3A_367 = tpu.memref_squeeze %dma_start3A_366 : memref<1x16xf32, #tpu.memory_space<vmem>> -> memref<16xf32, #tpu.memory_space<vmem>>
      %dma_start3A_368 = arith.constant 0 : i32
      %dma_start3A_369 = tpu.memref_slice %arg2[%squeeze3A_354, %dma_start3A_368] : memref<1000000x16xf32, #tpu.memory_space<hbm>> -> memref<1x16xf32, #tpu.memory_space<hbm>>
      %dma_start3A_370 = tpu.memref_squeeze %dma_start3A_369 : memref<1x16xf32, #tpu.memory_space<hbm>> -> memref<16xf32, #tpu.memory_space<hbm>>
      tpu.enqueue_dma source(%dma_start3A_370 : memref<16xf32, #tpu.memory_space<hbm>>) target(%dma_start3A_367 : memref<16xf32, #tpu.memory_space<vmem>>) target_semaphore(%arg8 : memref<!tpu.dma_semaphore, #tpu.memory_space<semaphore_mem>>)
      %slice3A_371 = vector.extract_strided_slice %get3A_174 {offsets = [11], sizes = [1], strides = [1]} : vector<16xi32> to vector<1xi32>
      %squeeze3A_372 = vector.extract %slice3A_371[0] : i32 from vector<1xi32>
      %mul3A_373 = arith.constant 16 : i32
      %mul3A_374 = arith.muli %add3A_168, %mul3A_373 : i32
      %add3A_375 = arith.constant 11 : i32
      %add3A_376 = arith.addi %mul3A_374, %add3A_375 : i32
      %dma_start3A_377 = arith.constant 0 : i32
      %dma_start3A_378 = tpu.memref_slice %arg6[%add3A_376, %dma_start3A_377] : memref<128x128xf32, #tpu.memory_space<vmem>> -> memref<1x16xf32, #tpu.memory_space<vmem>>
      %dma_start3A_379 = tpu.memref_squeeze %dma_start3A_378 : memref<1x16xf32, #tpu.memory_space<vmem>> -> memref<16xf32, #tpu.memory_space<vmem>>
      %dma_start3A_380 = arith.constant 0 : i32
      %dma_start3A_381 = tpu.memref_slice %arg2[%squeeze3A_372, %dma_start3A_380] : memref<1000000x16xf32, #tpu.memory_space<hbm>> -> memref<1x16xf32, #tpu.memory_space<hbm>>
      %dma_start3A_382 = tpu.memref_squeeze %dma_start3A_381 : memref<1x16xf32, #tpu.memory_space<hbm>> -> memref<16xf32, #tpu.memory_space<hbm>>
      %dma_start3A_383 = arith.constant 0 : i32
      %dma_start3A_384 = tpu.memref_slice %arg6[%add3A_376, %dma_start3A_383] : memref<128x128xf32, #tpu.memory_space<vmem>> -> memref<1x16xf32, #tpu.memory_space<vmem>>
      %dma_start3A_385 = tpu.memref_squeeze %dma_start3A_384 : memref<1x16xf32, #tpu.memory_space<vmem>> -> memref<16xf32, #tpu.memory_space<vmem>>
      %dma_start3A_386 = arith.constant 0 : i32
      %dma_start3A_387 = tpu.memref_slice %arg2[%squeeze3A_372, %dma_start3A_386] : memref<1000000x16xf32, #tpu.memory_space<hbm>> -> memref<1x16xf32, #tpu.memory_space<hbm>>
      %dma_start3A_388 = tpu.memref_squeeze %dma_start3A_387 : memref<1x16xf32, #tpu.memory_space<hbm>> -> memref<16xf32, #tpu.memory_space<hbm>>
      tpu.enqueue_dma source(%dma_start3A_388 : memref<16xf32, #tpu.memory_space<hbm>>) target(%dma_start3A_385 : memref<16xf32, #tpu.memory_space<vmem>>) target_semaphore(%arg8 : memref<!tpu.dma_semaphore, #tpu.memory_space<semaphore_mem>>)
      %slice3A_389 = vector.extract_strided_slice %get3A_174 {offsets = [12], sizes = [1], strides = [1]} : vector<16xi32> to vector<1xi32>
      %squeeze3A_390 = vector.extract %slice3A_389[0] : i32 from vector<1xi32>
      %mul3A_391 = arith.constant 16 : i32
      %mul3A_392 = arith.muli %add3A_168, %mul3A_391 : i32
      %add3A_393 = arith.constant 12 : i32
      %add3A_394 = arith.addi %mul3A_392, %add3A_393 : i32
      %dma_start3A_395 = arith.constant 0 : i32
      %dma_start3A_396 = tpu.memref_slice %arg6[%add3A_394, %dma_start3A_395] : memref<128x128xf32, #tpu.memory_space<vmem>> -> memref<1x16xf32, #tpu.memory_space<vmem>>
      %dma_start3A_397 = tpu.memref_squeeze %dma_start3A_396 : memref<1x16xf32, #tpu.memory_space<vmem>> -> memref<16xf32, #tpu.memory_space<vmem>>
      %dma_start3A_398 = arith.constant 0 : i32
      %dma_start3A_399 = tpu.memref_slice %arg2[%squeeze3A_390, %dma_start3A_398] : memref<1000000x16xf32, #tpu.memory_space<hbm>> -> memref<1x16xf32, #tpu.memory_space<hbm>>
      %dma_start3A_400 = tpu.memref_squeeze %dma_start3A_399 : memref<1x16xf32, #tpu.memory_space<hbm>> -> memref<16xf32, #tpu.memory_space<hbm>>
      %dma_start3A_401 = arith.constant 0 : i32
      %dma_start3A_402 = tpu.memref_slice %arg6[%add3A_394, %dma_start3A_401] : memref<128x128xf32, #tpu.memory_space<vmem>> -> memref<1x16xf32, #tpu.memory_space<vmem>>
      %dma_start3A_403 = tpu.memref_squeeze %dma_start3A_402 : memref<1x16xf32, #tpu.memory_space<vmem>> -> memref<16xf32, #tpu.memory_space<vmem>>
      %dma_start3A_404 = arith.constant 0 : i32
      %dma_start3A_405 = tpu.memref_slice %arg2[%squeeze3A_390, %dma_start3A_404] : memref<1000000x16xf32, #tpu.memory_space<hbm>> -> memref<1x16xf32, #tpu.memory_space<hbm>>
      %dma_start3A_406 = tpu.memref_squeeze %dma_start3A_405 : memref<1x16xf32, #tpu.memory_space<hbm>> -> memref<16xf32, #tpu.memory_space<hbm>>
      tpu.enqueue_dma source(%dma_start3A_406 : memref<16xf32, #tpu.memory_space<hbm>>) target(%dma_start3A_403 : memref<16xf32, #tpu.memory_space<vmem>>) target_semaphore(%arg8 : memref<!tpu.dma_semaphore, #tpu.memory_space<semaphore_mem>>)
      %slice3A_407 = vector.extract_strided_slice %get3A_174 {offsets = [13], sizes = [1], strides = [1]} : vector<16xi32> to vector<1xi32>
      %squeeze3A_408 = vector.extract %slice3A_407[0] : i32 from vector<1xi32>
      %mul3A_409 = arith.constant 16 : i32
      %mul3A_410 = arith.muli %add3A_168, %mul3A_409 : i32
      %add3A_411 = arith.constant 13 : i32
      %add3A_412 = arith.addi %mul3A_410, %add3A_411 : i32
      %dma_start3A_413 = arith.constant 0 : i32
      %dma_start3A_414 = tpu.memref_slice %arg6[%add3A_412, %dma_start3A_413] : memref<128x128xf32, #tpu.memory_space<vmem>> -> memref<1x16xf32, #tpu.memory_space<vmem>>
      %dma_start3A_415 = tpu.memref_squeeze %dma_start3A_414 : memref<1x16xf32, #tpu.memory_space<vmem>> -> memref<16xf32, #tpu.memory_space<vmem>>
      %dma_start3A_416 = arith.constant 0 : i32
      %dma_start3A_417 = tpu.memref_slice %arg2[%squeeze3A_408, %dma_start3A_416] : memref<1000000x16xf32, #tpu.memory_space<hbm>> -> memref<1x16xf32, #tpu.memory_space<hbm>>
      %dma_start3A_418 = tpu.memref_squeeze %dma_start3A_417 : memref<1x16xf32, #tpu.memory_space<hbm>> -> memref<16xf32, #tpu.memory_space<hbm>>
      %dma_start3A_419 = arith.constant 0 : i32
      %dma_start3A_420 = tpu.memref_slice %arg6[%add3A_412, %dma_start3A_419] : memref<128x128xf32, #tpu.memory_space<vmem>> -> memref<1x16xf32, #tpu.memory_space<vmem>>
      %dma_start3A_421 = tpu.memref_squeeze %dma_start3A_420 : memref<1x16xf32, #tpu.memory_space<vmem>> -> memref<16xf32, #tpu.memory_space<vmem>>
      %dma_start3A_422 = arith.constant 0 : i32
      %dma_start3A_423 = tpu.memref_slice %arg2[%squeeze3A_408, %dma_start3A_422] : memref<1000000x16xf32, #tpu.memory_space<hbm>> -> memref<1x16xf32, #tpu.memory_space<hbm>>
      %dma_start3A_424 = tpu.memref_squeeze %dma_start3A_423 : memref<1x16xf32, #tpu.memory_space<hbm>> -> memref<16xf32, #tpu.memory_space<hbm>>
      tpu.enqueue_dma source(%dma_start3A_424 : memref<16xf32, #tpu.memory_space<hbm>>) target(%dma_start3A_421 : memref<16xf32, #tpu.memory_space<vmem>>) target_semaphore(%arg8 : memref<!tpu.dma_semaphore, #tpu.memory_space<semaphore_mem>>)
      %slice3A_425 = vector.extract_strided_slice %get3A_174 {offsets = [14], sizes = [1], strides = [1]} : vector<16xi32> to vector<1xi32>
      %squeeze3A_426 = vector.extract %slice3A_425[0] : i32 from vector<1xi32>
      %mul3A_427 = arith.constant 16 : i32
      %mul3A_428 = arith.muli %add3A_168, %mul3A_427 : i32
      %add3A_429 = arith.constant 14 : i32
      %add3A_430 = arith.addi %mul3A_428, %add3A_429 : i32
      %dma_start3A_431 = arith.constant 0 : i32
      %dma_start3A_432 = tpu.memref_slice %arg6[%add3A_430, %dma_start3A_431] : memref<128x128xf32, #tpu.memory_space<vmem>> -> memref<1x16xf32, #tpu.memory_space<vmem>>
      %dma_start3A_433 = tpu.memref_squeeze %dma_start3A_432 : memref<1x16xf32, #tpu.memory_space<vmem>> -> memref<16xf32, #tpu.memory_space<vmem>>
      %dma_start3A_434 = arith.constant 0 : i32
      %dma_start3A_435 = tpu.memref_slice %arg2[%squeeze3A_426, %dma_start3A_434] : memref<1000000x16xf32, #tpu.memory_space<hbm>> -> memref<1x16xf32, #tpu.memory_space<hbm>>
      %dma_start3A_436 = tpu.memref_squeeze %dma_start3A_435 : memref<1x16xf32, #tpu.memory_space<hbm>> -> memref<16xf32, #tpu.memory_space<hbm>>
      %dma_start3A_437 = arith.constant 0 : i32
      %dma_start3A_438 = tpu.memref_slice %arg6[%add3A_430, %dma_start3A_437] : memref<128x128xf32, #tpu.memory_space<vmem>> -> memref<1x16xf32, #tpu.memory_space<vmem>>
      %dma_start3A_439 = tpu.memref_squeeze %dma_start3A_438 : memref<1x16xf32, #tpu.memory_space<vmem>> -> memref<16xf32, #tpu.memory_space<vmem>>
      %dma_start3A_440 = arith.constant 0 : i32
      %dma_start3A_441 = tpu.memref_slice %arg2[%squeeze3A_426, %dma_start3A_440] : memref<1000000x16xf32, #tpu.memory_space<hbm>> -> memref<1x16xf32, #tpu.memory_space<hbm>>
      %dma_start3A_442 = tpu.memref_squeeze %dma_start3A_441 : memref<1x16xf32, #tpu.memory_space<hbm>> -> memref<16xf32, #tpu.memory_space<hbm>>
      tpu.enqueue_dma source(%dma_start3A_442 : memref<16xf32, #tpu.memory_space<hbm>>) target(%dma_start3A_439 : memref<16xf32, #tpu.memory_space<vmem>>) target_semaphore(%arg8 : memref<!tpu.dma_semaphore, #tpu.memory_space<semaphore_mem>>)
      %slice3A_443 = vector.extract_strided_slice %get3A_174 {offsets = [15], sizes = [1], strides = [1]} : vector<16xi32> to vector<1xi32>
      %squeeze3A_444 = vector.extract %slice3A_443[0] : i32 from vector<1xi32>
      %mul3A_445 = arith.constant 16 : i32
      %mul3A_446 = arith.muli %add3A_168, %mul3A_445 : i32
      %add3A_447 = arith.constant 15 : i32
      %add3A_448 = arith.addi %mul3A_446, %add3A_447 : i32
      %dma_start3A_449 = arith.constant 0 : i32
      %dma_start3A_450 = tpu.memref_slice %arg6[%add3A_448, %dma_start3A_449] : memref<128x128xf32, #tpu.memory_space<vmem>> -> memref<1x16xf32, #tpu.memory_space<vmem>>
      %dma_start3A_451 = tpu.memref_squeeze %dma_start3A_450 : memref<1x16xf32, #tpu.memory_space<vmem>> -> memref<16xf32, #tpu.memory_space<vmem>>
      %dma_start3A_452 = arith.constant 0 : i32
      %dma_start3A_453 = tpu.memref_slice %arg2[%squeeze3A_444, %dma_start3A_452] : memref<1000000x16xf32, #tpu.memory_space<hbm>> -> memref<1x16xf32, #tpu.memory_space<hbm>>
      %dma_start3A_454 = tpu.memref_squeeze %dma_start3A_453 : memref<1x16xf32, #tpu.memory_space<hbm>> -> memref<16xf32, #tpu.memory_space<hbm>>
      %dma_start3A_455 = arith.constant 0 : i32
      %dma_start3A_456 = tpu.memref_slice %arg6[%add3A_448, %dma_start3A_455] : memref<128x128xf32, #tpu.memory_space<vmem>> -> memref<1x16xf32, #tpu.memory_space<vmem>>
      %dma_start3A_457 = tpu.memref_squeeze %dma_start3A_456 : memref<1x16xf32, #tpu.memory_space<vmem>> -> memref<16xf32, #tpu.memory_space<vmem>>
      %dma_start3A_458 = arith.constant 0 : i32
      %dma_start3A_459 = tpu.memref_slice %arg2[%squeeze3A_444, %dma_start3A_458] : memref<1000000x16xf32, #tpu.memory_space<hbm>> -> memref<1x16xf32, #tpu.memory_space<hbm>>
      %dma_start3A_460 = tpu.memref_squeeze %dma_start3A_459 : memref<1x16xf32, #tpu.memory_space<hbm>> -> memref<16xf32, #tpu.memory_space<hbm>>
      tpu.enqueue_dma source(%dma_start3A_460 : memref<16xf32, #tpu.memory_space<hbm>>) target(%dma_start3A_457 : memref<16xf32, #tpu.memory_space<vmem>>) target_semaphore(%arg8 : memref<!tpu.dma_semaphore, #tpu.memory_space<semaphore_mem>>)
    }
    %scan3A_68 = arith.constant 8 : i32
    %scan3A_69 = arith.constant 0 : i32
    %scan3A_70 = arith.constant 128 : i32
    %scan3A_71 = arith.addi %scan3A_69, %scan3A_70 : i32
    %scan3A_72 = arith.constant 1 : i32
    scf.for %scan3A_164 = %scan3A_69 to %scan3A_71 step %scan3A_72  : i32 {
      %mul3A_165 = arith.constant 1 : i32
      %mul3A_166 = arith.muli %scan3A_164, %mul3A_165 : i32
      %add3A_167 = arith.constant 0 : i32
      %add3A_168 = arith.addi %add3A_167, %mul3A_166 : i32
      %dma_wait3A_169 = arith.constant 0 : i32
      %dma_wait3A_170 = arith.constant 0 : i32
      %dma_wait3A_171 = tpu.memref_slice %arg6[%add3A_168, %dma_wait3A_170] : memref<128x128xf32, #tpu.memory_space<vmem>> -> memref<1x16xf32, #tpu.memory_space<vmem>>
      %dma_wait3A_172 = tpu.memref_squeeze %dma_wait3A_171 : memref<1x16xf32, #tpu.memory_space<vmem>> -> memref<16xf32, #tpu.memory_space<vmem>>
      %dma_wait3A_173 = arith.constant 0 : i32
      %dma_wait3A_174 = tpu.memref_slice %arg2[%dma_wait3A_169, %dma_wait3A_173] : memref<1000000x16xf32, #tpu.memory_space<hbm>> -> memref<1x16xf32, #tpu.memory_space<hbm>>
      %dma_wait3A_175 = tpu.memref_squeeze %dma_wait3A_174 : memref<1x16xf32, #tpu.memory_space<hbm>> -> memref<16xf32, #tpu.memory_space<hbm>>
      %dma_wait3A_176 = arith.constant 0 : i32
      %dma_wait3A_177 = tpu.memref_slice %arg6[%add3A_168, %dma_wait3A_176] : memref<128x128xf32, #tpu.memory_space<vmem>> -> memref<1x16xf32, #tpu.memory_space<vmem>>
      %dma_wait3A_178 = tpu.memref_squeeze %dma_wait3A_177 : memref<1x16xf32, #tpu.memory_space<vmem>> -> memref<16xf32, #tpu.memory_space<vmem>>
      %dma_wait3A_179 = arith.constant 0 : i32
      %dma_wait3A_180 = tpu.memref_slice %arg2[%dma_wait3A_169, %dma_wait3A_179] : memref<1000000x16xf32, #tpu.memory_space<hbm>> -> memref<1x16xf32, #tpu.memory_space<hbm>>
      %dma_wait3A_181 = tpu.memref_squeeze %dma_wait3A_180 : memref<1x16xf32, #tpu.memory_space<hbm>> -> memref<16xf32, #tpu.memory_space<hbm>>
      tpu.wait_dma2 semaphore(%arg8 : memref<!tpu.dma_semaphore, #tpu.memory_space<semaphore_mem>>) src(%dma_wait3A_181 : memref<16xf32, #tpu.memory_space<hbm>>) dst(%dma_wait3A_178 : memref<16xf32, #tpu.memory_space<vmem>>)
    }
    %scan3A_73 = arith.constant 128 : i32
    %add3A_74 = arith.constant 384 : i32
    %add3A_75 = arith.addi %mul3A_2, %add3A_74 : i32
    %dma_start3A_76 = arith.constant 0 : i32
    %dma_start3A_77 = tpu.memref_slice %arg4[%add3A_75, %dma_start3A_76] : memref<32768x128xf32, #tpu.memory_space<hbm>> -> memref<128x128xf32, #tpu.memory_space<hbm>>
    %dma_start3A_78 = arith.constant 0 : i32
    %dma_start3A_79 = tpu.memref_slice %arg4[%add3A_75, %dma_start3A_78] : memref<32768x128xf32, #tpu.memory_space<hbm>> -> memref<128x128xf32, #tpu.memory_space<hbm>>
    tpu.enqueue_dma source(%arg6 : memref<128x128xf32, #tpu.memory_space<vmem>>) target(%dma_start3A_79 : memref<128x128xf32, #tpu.memory_space<hbm>>) target_semaphore(%arg7 : memref<!tpu.dma_semaphore, #tpu.memory_space<semaphore_mem>>)
    %dma_wait3A_80 = arith.constant 0 : i32
    %dma_wait3A_81 = tpu.memref_slice %arg4[%add3A_75, %dma_wait3A_80] : memref<32768x128xf32, #tpu.memory_space<hbm>> -> memref<128x128xf32, #tpu.memory_space<hbm>>
    %dma_wait3A_82 = arith.constant 0 : i32
    %dma_wait3A_83 = tpu.memref_slice %arg4[%add3A_75, %dma_wait3A_82] : memref<32768x128xf32, #tpu.memory_space<hbm>> -> memref<128x128xf32, #tpu.memory_space<hbm>>
    tpu.wait_dma2 semaphore(%arg7 : memref<!tpu.dma_semaphore, #tpu.memory_space<semaphore_mem>>) src(%arg6 : memref<128x128xf32, #tpu.memory_space<vmem>>) dst(%dma_wait3A_83 : memref<128x128xf32, #tpu.memory_space<hbm>>)
    %scan3A_84 = arith.constant 0 : i32
    %scan3A_85 = arith.constant 8 : i32
    %scan3A_86 = arith.addi %scan3A_84, %scan3A_85 : i32
    %scan3A_87 = arith.constant 1 : i32
    scf.for %scan3A_164 = %scan3A_84 to %scan3A_86 step %scan3A_87  : i32 {
      %mul3A_165 = arith.constant 1 : i32
      %mul3A_166 = arith.muli %scan3A_164, %mul3A_165 : i32
      %add3A_167 = arith.constant 0 : i32
      %add3A_168 = arith.addi %add3A_167, %mul3A_166 : i32
      %mul3A_169 = arith.constant 16 : i32
      %mul3A_170 = arith.muli %add3A_168, %mul3A_169 : i32
      %add3A_171 = arith.constant 512 : i32
      %add3A_172 = arith.addi %add3A_171, %mul3A_170 : i32
      %get3A = arith.index_cast %add3A_172 : i32 to index
      %get3A_173 = tpu.vector_load %arg5[%get3A] {strides = array<i32>} : memref<1024xi32, #tpu.memory_space<vmem>>, vector<16xi32>,
      %get3A_174 = vector.shape_cast %get3A_173 : vector<16xi32> to vector<16xi32>
      %slice3A = vector.extract_strided_slice %get3A_174 {offsets = [0], sizes = [1], strides = [1]} : vector<16xi32> to vector<1xi32>
      %squeeze3A = vector.extract %slice3A[0] : i32 from vector<1xi32>
      %mul3A_175 = arith.constant 16 : i32
      %mul3A_176 = arith.muli %add3A_168, %mul3A_175 : i32
      %add3A_177 = arith.constant 0 : i32
      %add3A_178 = arith.addi %mul3A_176, %add3A_177 : i32
      %dma_start3A_179 = arith.constant 0 : i32
      %dma_start3A_180 = tpu.memref_slice %arg6[%add3A_178, %dma_start3A_179] : memref<128x128xf32, #tpu.memory_space<vmem>> -> memref<1x16xf32, #tpu.memory_space<vmem>>
      %dma_start3A_181 = tpu.memref_squeeze %dma_start3A_180 : memref<1x16xf32, #tpu.memory_space<vmem>> -> memref<16xf32, #tpu.memory_space<vmem>>
      %dma_start3A_182 = arith.constant 0 : i32
      %dma_start3A_183 = tpu.memref_slice %arg2[%squeeze3A, %dma_start3A_182] : memref<1000000x16xf32, #tpu.memory_space<hbm>> -> memref<1x16xf32, #tpu.memory_space<hbm>>
      %dma_start3A_184 = tpu.memref_squeeze %dma_start3A_183 : memref<1x16xf32, #tpu.memory_space<hbm>> -> memref<16xf32, #tpu.memory_space<hbm>>
      %dma_start3A_185 = arith.constant 0 : i32
      %dma_start3A_186 = tpu.memref_slice %arg6[%add3A_178, %dma_start3A_185] : memref<128x128xf32, #tpu.memory_space<vmem>> -> memref<1x16xf32, #tpu.memory_space<vmem>>
      %dma_start3A_187 = tpu.memref_squeeze %dma_start3A_186 : memref<1x16xf32, #tpu.memory_space<vmem>> -> memref<16xf32, #tpu.memory_space<vmem>>
      %dma_start3A_188 = arith.constant 0 : i32
      %dma_start3A_189 = tpu.memref_slice %arg2[%squeeze3A, %dma_start3A_188] : memref<1000000x16xf32, #tpu.memory_space<hbm>> -> memref<1x16xf32, #tpu.memory_space<hbm>>
      %dma_start3A_190 = tpu.memref_squeeze %dma_start3A_189 : memref<1x16xf32, #tpu.memory_space<hbm>> -> memref<16xf32, #tpu.memory_space<hbm>>
      tpu.enqueue_dma source(%dma_start3A_190 : memref<16xf32, #tpu.memory_space<hbm>>) target(%dma_start3A_187 : memref<16xf32, #tpu.memory_space<vmem>>) target_semaphore(%arg8 : memref<!tpu.dma_semaphore, #tpu.memory_space<semaphore_mem>>)
      %slice3A_191 = vector.extract_strided_slice %get3A_174 {offsets = [1], sizes = [1], strides = [1]} : vector<16xi32> to vector<1xi32>
      %squeeze3A_192 = vector.extract %slice3A_191[0] : i32 from vector<1xi32>
      %mul3A_193 = arith.constant 16 : i32
      %mul3A_194 = arith.muli %add3A_168, %mul3A_193 : i32
      %add3A_195 = arith.constant 1 : i32
      %add3A_196 = arith.addi %mul3A_194, %add3A_195 : i32
      %dma_start3A_197 = arith.constant 0 : i32
      %dma_start3A_198 = tpu.memref_slice %arg6[%add3A_196, %dma_start3A_197] : memref<128x128xf32, #tpu.memory_space<vmem>> -> memref<1x16xf32, #tpu.memory_space<vmem>>
      %dma_start3A_199 = tpu.memref_squeeze %dma_start3A_198 : memref<1x16xf32, #tpu.memory_space<vmem>> -> memref<16xf32, #tpu.memory_space<vmem>>
      %dma_start3A_200 = arith.constant 0 : i32
      %dma_start3A_201 = tpu.memref_slice %arg2[%squeeze3A_192, %dma_start3A_200] : memref<1000000x16xf32, #tpu.memory_space<hbm>> -> memref<1x16xf32, #tpu.memory_space<hbm>>
      %dma_start3A_202 = tpu.memref_squeeze %dma_start3A_201 : memref<1x16xf32, #tpu.memory_space<hbm>> -> memref<16xf32, #tpu.memory_space<hbm>>
      %dma_start3A_203 = arith.constant 0 : i32
      %dma_start3A_204 = tpu.memref_slice %arg6[%add3A_196, %dma_start3A_203] : memref<128x128xf32, #tpu.memory_space<vmem>> -> memref<1x16xf32, #tpu.memory_space<vmem>>
      %dma_start3A_205 = tpu.memref_squeeze %dma_start3A_204 : memref<1x16xf32, #tpu.memory_space<vmem>> -> memref<16xf32, #tpu.memory_space<vmem>>
      %dma_start3A_206 = arith.constant 0 : i32
      %dma_start3A_207 = tpu.memref_slice %arg2[%squeeze3A_192, %dma_start3A_206] : memref<1000000x16xf32, #tpu.memory_space<hbm>> -> memref<1x16xf32, #tpu.memory_space<hbm>>
      %dma_start3A_208 = tpu.memref_squeeze %dma_start3A_207 : memref<1x16xf32, #tpu.memory_space<hbm>> -> memref<16xf32, #tpu.memory_space<hbm>>
      tpu.enqueue_dma source(%dma_start3A_208 : memref<16xf32, #tpu.memory_space<hbm>>) target(%dma_start3A_205 : memref<16xf32, #tpu.memory_space<vmem>>) target_semaphore(%arg8 : memref<!tpu.dma_semaphore, #tpu.memory_space<semaphore_mem>>)
      %slice3A_209 = vector.extract_strided_slice %get3A_174 {offsets = [2], sizes = [1], strides = [1]} : vector<16xi32> to vector<1xi32>
      %squeeze3A_210 = vector.extract %slice3A_209[0] : i32 from vector<1xi32>
      %mul3A_211 = arith.constant 16 : i32
      %mul3A_212 = arith.muli %add3A_168, %mul3A_211 : i32
      %add3A_213 = arith.constant 2 : i32
      %add3A_214 = arith.addi %mul3A_212, %add3A_213 : i32
      %dma_start3A_215 = arith.constant 0 : i32
      %dma_start3A_216 = tpu.memref_slice %arg6[%add3A_214, %dma_start3A_215] : memref<128x128xf32, #tpu.memory_space<vmem>> -> memref<1x16xf32, #tpu.memory_space<vmem>>
      %dma_start3A_217 = tpu.memref_squeeze %dma_start3A_216 : memref<1x16xf32, #tpu.memory_space<vmem>> -> memref<16xf32, #tpu.memory_space<vmem>>
      %dma_start3A_218 = arith.constant 0 : i32
      %dma_start3A_219 = tpu.memref_slice %arg2[%squeeze3A_210, %dma_start3A_218] : memref<1000000x16xf32, #tpu.memory_space<hbm>> -> memref<1x16xf32, #tpu.memory_space<hbm>>
      %dma_start3A_220 = tpu.memref_squeeze %dma_start3A_219 : memref<1x16xf32, #tpu.memory_space<hbm>> -> memref<16xf32, #tpu.memory_space<hbm>>
      %dma_start3A_221 = arith.constant 0 : i32
      %dma_start3A_222 = tpu.memref_slice %arg6[%add3A_214, %dma_start3A_221] : memref<128x128xf32, #tpu.memory_space<vmem>> -> memref<1x16xf32, #tpu.memory_space<vmem>>
      %dma_start3A_223 = tpu.memref_squeeze %dma_start3A_222 : memref<1x16xf32, #tpu.memory_space<vmem>> -> memref<16xf32, #tpu.memory_space<vmem>>
      %dma_start3A_224 = arith.constant 0 : i32
      %dma_start3A_225 = tpu.memref_slice %arg2[%squeeze3A_210, %dma_start3A_224] : memref<1000000x16xf32, #tpu.memory_space<hbm>> -> memref<1x16xf32, #tpu.memory_space<hbm>>
      %dma_start3A_226 = tpu.memref_squeeze %dma_start3A_225 : memref<1x16xf32, #tpu.memory_space<hbm>> -> memref<16xf32, #tpu.memory_space<hbm>>
      tpu.enqueue_dma source(%dma_start3A_226 : memref<16xf32, #tpu.memory_space<hbm>>) target(%dma_start3A_223 : memref<16xf32, #tpu.memory_space<vmem>>) target_semaphore(%arg8 : memref<!tpu.dma_semaphore, #tpu.memory_space<semaphore_mem>>)
      %slice3A_227 = vector.extract_strided_slice %get3A_174 {offsets = [3], sizes = [1], strides = [1]} : vector<16xi32> to vector<1xi32>
      %squeeze3A_228 = vector.extract %slice3A_227[0] : i32 from vector<1xi32>
      %mul3A_229 = arith.constant 16 : i32
      %mul3A_230 = arith.muli %add3A_168, %mul3A_229 : i32
      %add3A_231 = arith.constant 3 : i32
      %add3A_232 = arith.addi %mul3A_230, %add3A_231 : i32
      %dma_start3A_233 = arith.constant 0 : i32
      %dma_start3A_234 = tpu.memref_slice %arg6[%add3A_232, %dma_start3A_233] : memref<128x128xf32, #tpu.memory_space<vmem>> -> memref<1x16xf32, #tpu.memory_space<vmem>>
      %dma_start3A_235 = tpu.memref_squeeze %dma_start3A_234 : memref<1x16xf32, #tpu.memory_space<vmem>> -> memref<16xf32, #tpu.memory_space<vmem>>
      %dma_start3A_236 = arith.constant 0 : i32
      %dma_start3A_237 = tpu.memref_slice %arg2[%squeeze3A_228, %dma_start3A_236] : memref<1000000x16xf32, #tpu.memory_space<hbm>> -> memref<1x16xf32, #tpu.memory_space<hbm>>
      %dma_start3A_238 = tpu.memref_squeeze %dma_start3A_237 : memref<1x16xf32, #tpu.memory_space<hbm>> -> memref<16xf32, #tpu.memory_space<hbm>>
      %dma_start3A_239 = arith.constant 0 : i32
      %dma_start3A_240 = tpu.memref_slice %arg6[%add3A_232, %dma_start3A_239] : memref<128x128xf32, #tpu.memory_space<vmem>> -> memref<1x16xf32, #tpu.memory_space<vmem>>
      %dma_start3A_241 = tpu.memref_squeeze %dma_start3A_240 : memref<1x16xf32, #tpu.memory_space<vmem>> -> memref<16xf32, #tpu.memory_space<vmem>>
      %dma_start3A_242 = arith.constant 0 : i32
      %dma_start3A_243 = tpu.memref_slice %arg2[%squeeze3A_228, %dma_start3A_242] : memref<1000000x16xf32, #tpu.memory_space<hbm>> -> memref<1x16xf32, #tpu.memory_space<hbm>>
      %dma_start3A_244 = tpu.memref_squeeze %dma_start3A_243 : memref<1x16xf32, #tpu.memory_space<hbm>> -> memref<16xf32, #tpu.memory_space<hbm>>
      tpu.enqueue_dma source(%dma_start3A_244 : memref<16xf32, #tpu.memory_space<hbm>>) target(%dma_start3A_241 : memref<16xf32, #tpu.memory_space<vmem>>) target_semaphore(%arg8 : memref<!tpu.dma_semaphore, #tpu.memory_space<semaphore_mem>>)
      %slice3A_245 = vector.extract_strided_slice %get3A_174 {offsets = [4], sizes = [1], strides = [1]} : vector<16xi32> to vector<1xi32>
      %squeeze3A_246 = vector.extract %slice3A_245[0] : i32 from vector<1xi32>
      %mul3A_247 = arith.constant 16 : i32
      %mul3A_248 = arith.muli %add3A_168, %mul3A_247 : i32
      %add3A_249 = arith.constant 4 : i32
      %add3A_250 = arith.addi %mul3A_248, %add3A_249 : i32
      %dma_start3A_251 = arith.constant 0 : i32
      %dma_start3A_252 = tpu.memref_slice %arg6[%add3A_250, %dma_start3A_251] : memref<128x128xf32, #tpu.memory_space<vmem>> -> memref<1x16xf32, #tpu.memory_space<vmem>>
      %dma_start3A_253 = tpu.memref_squeeze %dma_start3A_252 : memref<1x16xf32, #tpu.memory_space<vmem>> -> memref<16xf32, #tpu.memory_space<vmem>>
      %dma_start3A_254 = arith.constant 0 : i32
      %dma_start3A_255 = tpu.memref_slice %arg2[%squeeze3A_246, %dma_start3A_254] : memref<1000000x16xf32, #tpu.memory_space<hbm>> -> memref<1x16xf32, #tpu.memory_space<hbm>>
      %dma_start3A_256 = tpu.memref_squeeze %dma_start3A_255 : memref<1x16xf32, #tpu.memory_space<hbm>> -> memref<16xf32, #tpu.memory_space<hbm>>
      %dma_start3A_257 = arith.constant 0 : i32
      %dma_start3A_258 = tpu.memref_slice %arg6[%add3A_250, %dma_start3A_257] : memref<128x128xf32, #tpu.memory_space<vmem>> -> memref<1x16xf32, #tpu.memory_space<vmem>>
      %dma_start3A_259 = tpu.memref_squeeze %dma_start3A_258 : memref<1x16xf32, #tpu.memory_space<vmem>> -> memref<16xf32, #tpu.memory_space<vmem>>
      %dma_start3A_260 = arith.constant 0 : i32
      %dma_start3A_261 = tpu.memref_slice %arg2[%squeeze3A_246, %dma_start3A_260] : memref<1000000x16xf32, #tpu.memory_space<hbm>> -> memref<1x16xf32, #tpu.memory_space<hbm>>
      %dma_start3A_262 = tpu.memref_squeeze %dma_start3A_261 : memref<1x16xf32, #tpu.memory_space<hbm>> -> memref<16xf32, #tpu.memory_space<hbm>>
      tpu.enqueue_dma source(%dma_start3A_262 : memref<16xf32, #tpu.memory_space<hbm>>) target(%dma_start3A_259 : memref<16xf32, #tpu.memory_space<vmem>>) target_semaphore(%arg8 : memref<!tpu.dma_semaphore, #tpu.memory_space<semaphore_mem>>)
      %slice3A_263 = vector.extract_strided_slice %get3A_174 {offsets = [5], sizes = [1], strides = [1]} : vector<16xi32> to vector<1xi32>
      %squeeze3A_264 = vector.extract %slice3A_263[0] : i32 from vector<1xi32>
      %mul3A_265 = arith.constant 16 : i32
      %mul3A_266 = arith.muli %add3A_168, %mul3A_265 : i32
      %add3A_267 = arith.constant 5 : i32
      %add3A_268 = arith.addi %mul3A_266, %add3A_267 : i32
      %dma_start3A_269 = arith.constant 0 : i32
      %dma_start3A_270 = tpu.memref_slice %arg6[%add3A_268, %dma_start3A_269] : memref<128x128xf32, #tpu.memory_space<vmem>> -> memref<1x16xf32, #tpu.memory_space<vmem>>
      %dma_start3A_271 = tpu.memref_squeeze %dma_start3A_270 : memref<1x16xf32, #tpu.memory_space<vmem>> -> memref<16xf32, #tpu.memory_space<vmem>>
      %dma_start3A_272 = arith.constant 0 : i32
      %dma_start3A_273 = tpu.memref_slice %arg2[%squeeze3A_264, %dma_start3A_272] : memref<1000000x16xf32, #tpu.memory_space<hbm>> -> memref<1x16xf32, #tpu.memory_space<hbm>>
      %dma_start3A_274 = tpu.memref_squeeze %dma_start3A_273 : memref<1x16xf32, #tpu.memory_space<hbm>> -> memref<16xf32, #tpu.memory_space<hbm>>
      %dma_start3A_275 = arith.constant 0 : i32
      %dma_start3A_276 = tpu.memref_slice %arg6[%add3A_268, %dma_start3A_275] : memref<128x128xf32, #tpu.memory_space<vmem>> -> memref<1x16xf32, #tpu.memory_space<vmem>>
      %dma_start3A_277 = tpu.memref_squeeze %dma_start3A_276 : memref<1x16xf32, #tpu.memory_space<vmem>> -> memref<16xf32, #tpu.memory_space<vmem>>
      %dma_start3A_278 = arith.constant 0 : i32
      %dma_start3A_279 = tpu.memref_slice %arg2[%squeeze3A_264, %dma_start3A_278] : memref<1000000x16xf32, #tpu.memory_space<hbm>> -> memref<1x16xf32, #tpu.memory_space<hbm>>
      %dma_start3A_280 = tpu.memref_squeeze %dma_start3A_279 : memref<1x16xf32, #tpu.memory_space<hbm>> -> memref<16xf32, #tpu.memory_space<hbm>>
      tpu.enqueue_dma source(%dma_start3A_280 : memref<16xf32, #tpu.memory_space<hbm>>) target(%dma_start3A_277 : memref<16xf32, #tpu.memory_space<vmem>>) target_semaphore(%arg8 : memref<!tpu.dma_semaphore, #tpu.memory_space<semaphore_mem>>)
      %slice3A_281 = vector.extract_strided_slice %get3A_174 {offsets = [6], sizes = [1], strides = [1]} : vector<16xi32> to vector<1xi32>
      %squeeze3A_282 = vector.extract %slice3A_281[0] : i32 from vector<1xi32>
      %mul3A_283 = arith.constant 16 : i32
      %mul3A_284 = arith.muli %add3A_168, %mul3A_283 : i32
      %add3A_285 = arith.constant 6 : i32
      %add3A_286 = arith.addi %mul3A_284, %add3A_285 : i32
      %dma_start3A_287 = arith.constant 0 : i32
      %dma_start3A_288 = tpu.memref_slice %arg6[%add3A_286, %dma_start3A_287] : memref<128x128xf32, #tpu.memory_space<vmem>> -> memref<1x16xf32, #tpu.memory_space<vmem>>
      %dma_start3A_289 = tpu.memref_squeeze %dma_start3A_288 : memref<1x16xf32, #tpu.memory_space<vmem>> -> memref<16xf32, #tpu.memory_space<vmem>>
      %dma_start3A_290 = arith.constant 0 : i32
      %dma_start3A_291 = tpu.memref_slice %arg2[%squeeze3A_282, %dma_start3A_290] : memref<1000000x16xf32, #tpu.memory_space<hbm>> -> memref<1x16xf32, #tpu.memory_space<hbm>>
      %dma_start3A_292 = tpu.memref_squeeze %dma_start3A_291 : memref<1x16xf32, #tpu.memory_space<hbm>> -> memref<16xf32, #tpu.memory_space<hbm>>
      %dma_start3A_293 = arith.constant 0 : i32
      %dma_start3A_294 = tpu.memref_slice %arg6[%add3A_286, %dma_start3A_293] : memref<128x128xf32, #tpu.memory_space<vmem>> -> memref<1x16xf32, #tpu.memory_space<vmem>>
      %dma_start3A_295 = tpu.memref_squeeze %dma_start3A_294 : memref<1x16xf32, #tpu.memory_space<vmem>> -> memref<16xf32, #tpu.memory_space<vmem>>
      %dma_start3A_296 = arith.constant 0 : i32
      %dma_start3A_297 = tpu.memref_slice %arg2[%squeeze3A_282, %dma_start3A_296] : memref<1000000x16xf32, #tpu.memory_space<hbm>> -> memref<1x16xf32, #tpu.memory_space<hbm>>
      %dma_start3A_298 = tpu.memref_squeeze %dma_start3A_297 : memref<1x16xf32, #tpu.memory_space<hbm>> -> memref<16xf32, #tpu.memory_space<hbm>>
      tpu.enqueue_dma source(%dma_start3A_298 : memref<16xf32, #tpu.memory_space<hbm>>) target(%dma_start3A_295 : memref<16xf32, #tpu.memory_space<vmem>>) target_semaphore(%arg8 : memref<!tpu.dma_semaphore, #tpu.memory_space<semaphore_mem>>)
      %slice3A_299 = vector.extract_strided_slice %get3A_174 {offsets = [7], sizes = [1], strides = [1]} : vector<16xi32> to vector<1xi32>
      %squeeze3A_300 = vector.extract %slice3A_299[0] : i32 from vector<1xi32>
      %mul3A_301 = arith.constant 16 : i32
      %mul3A_302 = arith.muli %add3A_168, %mul3A_301 : i32
      %add3A_303 = arith.constant 7 : i32
      %add3A_304 = arith.addi %mul3A_302, %add3A_303 : i32
      %dma_start3A_305 = arith.constant 0 : i32
      %dma_start3A_306 = tpu.memref_slice %arg6[%add3A_304, %dma_start3A_305] : memref<128x128xf32, #tpu.memory_space<vmem>> -> memref<1x16xf32, #tpu.memory_space<vmem>>
      %dma_start3A_307 = tpu.memref_squeeze %dma_start3A_306 : memref<1x16xf32, #tpu.memory_space<vmem>> -> memref<16xf32, #tpu.memory_space<vmem>>
      %dma_start3A_308 = arith.constant 0 : i32
      %dma_start3A_309 = tpu.memref_slice %arg2[%squeeze3A_300, %dma_start3A_308] : memref<1000000x16xf32, #tpu.memory_space<hbm>> -> memref<1x16xf32, #tpu.memory_space<hbm>>
      %dma_start3A_310 = tpu.memref_squeeze %dma_start3A_309 : memref<1x16xf32, #tpu.memory_space<hbm>> -> memref<16xf32, #tpu.memory_space<hbm>>
      %dma_start3A_311 = arith.constant 0 : i32
      %dma_start3A_312 = tpu.memref_slice %arg6[%add3A_304, %dma_start3A_311] : memref<128x128xf32, #tpu.memory_space<vmem>> -> memref<1x16xf32, #tpu.memory_space<vmem>>
      %dma_start3A_313 = tpu.memref_squeeze %dma_start3A_312 : memref<1x16xf32, #tpu.memory_space<vmem>> -> memref<16xf32, #tpu.memory_space<vmem>>
      %dma_start3A_314 = arith.constant 0 : i32
      %dma_start3A_315 = tpu.memref_slice %arg2[%squeeze3A_300, %dma_start3A_314] : memref<1000000x16xf32, #tpu.memory_space<hbm>> -> memref<1x16xf32, #tpu.memory_space<hbm>>
      %dma_start3A_316 = tpu.memref_squeeze %dma_start3A_315 : memref<1x16xf32, #tpu.memory_space<hbm>> -> memref<16xf32, #tpu.memory_space<hbm>>
      tpu.enqueue_dma source(%dma_start3A_316 : memref<16xf32, #tpu.memory_space<hbm>>) target(%dma_start3A_313 : memref<16xf32, #tpu.memory_space<vmem>>) target_semaphore(%arg8 : memref<!tpu.dma_semaphore, #tpu.memory_space<semaphore_mem>>)
      %slice3A_317 = vector.extract_strided_slice %get3A_174 {offsets = [8], sizes = [1], strides = [1]} : vector<16xi32> to vector<1xi32>
      %squeeze3A_318 = vector.extract %slice3A_317[0] : i32 from vector<1xi32>
      %mul3A_319 = arith.constant 16 : i32
      %mul3A_320 = arith.muli %add3A_168, %mul3A_319 : i32
      %add3A_321 = arith.constant 8 : i32
      %add3A_322 = arith.addi %mul3A_320, %add3A_321 : i32
      %dma_start3A_323 = arith.constant 0 : i32
      %dma_start3A_324 = tpu.memref_slice %arg6[%add3A_322, %dma_start3A_323] : memref<128x128xf32, #tpu.memory_space<vmem>> -> memref<1x16xf32, #tpu.memory_space<vmem>>
      %dma_start3A_325 = tpu.memref_squeeze %dma_start3A_324 : memref<1x16xf32, #tpu.memory_space<vmem>> -> memref<16xf32, #tpu.memory_space<vmem>>
      %dma_start3A_326 = arith.constant 0 : i32
      %dma_start3A_327 = tpu.memref_slice %arg2[%squeeze3A_318, %dma_start3A_326] : memref<1000000x16xf32, #tpu.memory_space<hbm>> -> memref<1x16xf32, #tpu.memory_space<hbm>>
      %dma_start3A_328 = tpu.memref_squeeze %dma_start3A_327 : memref<1x16xf32, #tpu.memory_space<hbm>> -> memref<16xf32, #tpu.memory_space<hbm>>
      %dma_start3A_329 = arith.constant 0 : i32
      %dma_start3A_330 = tpu.memref_slice %arg6[%add3A_322, %dma_start3A_329] : memref<128x128xf32, #tpu.memory_space<vmem>> -> memref<1x16xf32, #tpu.memory_space<vmem>>
      %dma_start3A_331 = tpu.memref_squeeze %dma_start3A_330 : memref<1x16xf32, #tpu.memory_space<vmem>> -> memref<16xf32, #tpu.memory_space<vmem>>
      %dma_start3A_332 = arith.constant 0 : i32
      %dma_start3A_333 = tpu.memref_slice %arg2[%squeeze3A_318, %dma_start3A_332] : memref<1000000x16xf32, #tpu.memory_space<hbm>> -> memref<1x16xf32, #tpu.memory_space<hbm>>
      %dma_start3A_334 = tpu.memref_squeeze %dma_start3A_333 : memref<1x16xf32, #tpu.memory_space<hbm>> -> memref<16xf32, #tpu.memory_space<hbm>>
      tpu.enqueue_dma source(%dma_start3A_334 : memref<16xf32, #tpu.memory_space<hbm>>) target(%dma_start3A_331 : memref<16xf32, #tpu.memory_space<vmem>>) target_semaphore(%arg8 : memref<!tpu.dma_semaphore, #tpu.memory_space<semaphore_mem>>)
      %slice3A_335 = vector.extract_strided_slice %get3A_174 {offsets = [9], sizes = [1], strides = [1]} : vector<16xi32> to vector<1xi32>
      %squeeze3A_336 = vector.extract %slice3A_335[0] : i32 from vector<1xi32>
      %mul3A_337 = arith.constant 16 : i32
      %mul3A_338 = arith.muli %add3A_168, %mul3A_337 : i32
      %add3A_339 = arith.constant 9 : i32
      %add3A_340 = arith.addi %mul3A_338, %add3A_339 : i32
      %dma_start3A_341 = arith.constant 0 : i32
      %dma_start3A_342 = tpu.memref_slice %arg6[%add3A_340, %dma_start3A_341] : memref<128x128xf32, #tpu.memory_space<vmem>> -> memref<1x16xf32, #tpu.memory_space<vmem>>
      %dma_start3A_343 = tpu.memref_squeeze %dma_start3A_342 : memref<1x16xf32, #tpu.memory_space<vmem>> -> memref<16xf32, #tpu.memory_space<vmem>>
      %dma_start3A_344 = arith.constant 0 : i32
      %dma_start3A_345 = tpu.memref_slice %arg2[%squeeze3A_336, %dma_start3A_344] : memref<1000000x16xf32, #tpu.memory_space<hbm>> -> memref<1x16xf32, #tpu.memory_space<hbm>>
      %dma_start3A_346 = tpu.memref_squeeze %dma_start3A_345 : memref<1x16xf32, #tpu.memory_space<hbm>> -> memref<16xf32, #tpu.memory_space<hbm>>
      %dma_start3A_347 = arith.constant 0 : i32
      %dma_start3A_348 = tpu.memref_slice %arg6[%add3A_340, %dma_start3A_347] : memref<128x128xf32, #tpu.memory_space<vmem>> -> memref<1x16xf32, #tpu.memory_space<vmem>>
      %dma_start3A_349 = tpu.memref_squeeze %dma_start3A_348 : memref<1x16xf32, #tpu.memory_space<vmem>> -> memref<16xf32, #tpu.memory_space<vmem>>
      %dma_start3A_350 = arith.constant 0 : i32
      %dma_start3A_351 = tpu.memref_slice %arg2[%squeeze3A_336, %dma_start3A_350] : memref<1000000x16xf32, #tpu.memory_space<hbm>> -> memref<1x16xf32, #tpu.memory_space<hbm>>
      %dma_start3A_352 = tpu.memref_squeeze %dma_start3A_351 : memref<1x16xf32, #tpu.memory_space<hbm>> -> memref<16xf32, #tpu.memory_space<hbm>>
      tpu.enqueue_dma source(%dma_start3A_352 : memref<16xf32, #tpu.memory_space<hbm>>) target(%dma_start3A_349 : memref<16xf32, #tpu.memory_space<vmem>>) target_semaphore(%arg8 : memref<!tpu.dma_semaphore, #tpu.memory_space<semaphore_mem>>)
      %slice3A_353 = vector.extract_strided_slice %get3A_174 {offsets = [10], sizes = [1], strides = [1]} : vector<16xi32> to vector<1xi32>
      %squeeze3A_354 = vector.extract %slice3A_353[0] : i32 from vector<1xi32>
      %mul3A_355 = arith.constant 16 : i32
      %mul3A_356 = arith.muli %add3A_168, %mul3A_355 : i32
      %add3A_357 = arith.constant 10 : i32
      %add3A_358 = arith.addi %mul3A_356, %add3A_357 : i32
      %dma_start3A_359 = arith.constant 0 : i32
      %dma_start3A_360 = tpu.memref_slice %arg6[%add3A_358, %dma_start3A_359] : memref<128x128xf32, #tpu.memory_space<vmem>> -> memref<1x16xf32, #tpu.memory_space<vmem>>
      %dma_start3A_361 = tpu.memref_squeeze %dma_start3A_360 : memref<1x16xf32, #tpu.memory_space<vmem>> -> memref<16xf32, #tpu.memory_space<vmem>>
      %dma_start3A_362 = arith.constant 0 : i32
      %dma_start3A_363 = tpu.memref_slice %arg2[%squeeze3A_354, %dma_start3A_362] : memref<1000000x16xf32, #tpu.memory_space<hbm>> -> memref<1x16xf32, #tpu.memory_space<hbm>>
      %dma_start3A_364 = tpu.memref_squeeze %dma_start3A_363 : memref<1x16xf32, #tpu.memory_space<hbm>> -> memref<16xf32, #tpu.memory_space<hbm>>
      %dma_start3A_365 = arith.constant 0 : i32
      %dma_start3A_366 = tpu.memref_slice %arg6[%add3A_358, %dma_start3A_365] : memref<128x128xf32, #tpu.memory_space<vmem>> -> memref<1x16xf32, #tpu.memory_space<vmem>>
      %dma_start3A_367 = tpu.memref_squeeze %dma_start3A_366 : memref<1x16xf32, #tpu.memory_space<vmem>> -> memref<16xf32, #tpu.memory_space<vmem>>
      %dma_start3A_368 = arith.constant 0 : i32
      %dma_start3A_369 = tpu.memref_slice %arg2[%squeeze3A_354, %dma_start3A_368] : memref<1000000x16xf32, #tpu.memory_space<hbm>> -> memref<1x16xf32, #tpu.memory_space<hbm>>
      %dma_start3A_370 = tpu.memref_squeeze %dma_start3A_369 : memref<1x16xf32, #tpu.memory_space<hbm>> -> memref<16xf32, #tpu.memory_space<hbm>>
      tpu.enqueue_dma source(%dma_start3A_370 : memref<16xf32, #tpu.memory_space<hbm>>) target(%dma_start3A_367 : memref<16xf32, #tpu.memory_space<vmem>>) target_semaphore(%arg8 : memref<!tpu.dma_semaphore, #tpu.memory_space<semaphore_mem>>)
      %slice3A_371 = vector.extract_strided_slice %get3A_174 {offsets = [11], sizes = [1], strides = [1]} : vector<16xi32> to vector<1xi32>
      %squeeze3A_372 = vector.extract %slice3A_371[0] : i32 from vector<1xi32>
      %mul3A_373 = arith.constant 16 : i32
      %mul3A_374 = arith.muli %add3A_168, %mul3A_373 : i32
      %add3A_375 = arith.constant 11 : i32
      %add3A_376 = arith.addi %mul3A_374, %add3A_375 : i32
      %dma_start3A_377 = arith.constant 0 : i32
      %dma_start3A_378 = tpu.memref_slice %arg6[%add3A_376, %dma_start3A_377] : memref<128x128xf32, #tpu.memory_space<vmem>> -> memref<1x16xf32, #tpu.memory_space<vmem>>
      %dma_start3A_379 = tpu.memref_squeeze %dma_start3A_378 : memref<1x16xf32, #tpu.memory_space<vmem>> -> memref<16xf32, #tpu.memory_space<vmem>>
      %dma_start3A_380 = arith.constant 0 : i32
      %dma_start3A_381 = tpu.memref_slice %arg2[%squeeze3A_372, %dma_start3A_380] : memref<1000000x16xf32, #tpu.memory_space<hbm>> -> memref<1x16xf32, #tpu.memory_space<hbm>>
      %dma_start3A_382 = tpu.memref_squeeze %dma_start3A_381 : memref<1x16xf32, #tpu.memory_space<hbm>> -> memref<16xf32, #tpu.memory_space<hbm>>
      %dma_start3A_383 = arith.constant 0 : i32
      %dma_start3A_384 = tpu.memref_slice %arg6[%add3A_376, %dma_start3A_383] : memref<128x128xf32, #tpu.memory_space<vmem>> -> memref<1x16xf32, #tpu.memory_space<vmem>>
      %dma_start3A_385 = tpu.memref_squeeze %dma_start3A_384 : memref<1x16xf32, #tpu.memory_space<vmem>> -> memref<16xf32, #tpu.memory_space<vmem>>
      %dma_start3A_386 = arith.constant 0 : i32
      %dma_start3A_387 = tpu.memref_slice %arg2[%squeeze3A_372, %dma_start3A_386] : memref<1000000x16xf32, #tpu.memory_space<hbm>> -> memref<1x16xf32, #tpu.memory_space<hbm>>
      %dma_start3A_388 = tpu.memref_squeeze %dma_start3A_387 : memref<1x16xf32, #tpu.memory_space<hbm>> -> memref<16xf32, #tpu.memory_space<hbm>>
      tpu.enqueue_dma source(%dma_start3A_388 : memref<16xf32, #tpu.memory_space<hbm>>) target(%dma_start3A_385 : memref<16xf32, #tpu.memory_space<vmem>>) target_semaphore(%arg8 : memref<!tpu.dma_semaphore, #tpu.memory_space<semaphore_mem>>)
      %slice3A_389 = vector.extract_strided_slice %get3A_174 {offsets = [12], sizes = [1], strides = [1]} : vector<16xi32> to vector<1xi32>
      %squeeze3A_390 = vector.extract %slice3A_389[0] : i32 from vector<1xi32>
      %mul3A_391 = arith.constant 16 : i32
      %mul3A_392 = arith.muli %add3A_168, %mul3A_391 : i32
      %add3A_393 = arith.constant 12 : i32
      %add3A_394 = arith.addi %mul3A_392, %add3A_393 : i32
      %dma_start3A_395 = arith.constant 0 : i32
      %dma_start3A_396 = tpu.memref_slice %arg6[%add3A_394, %dma_start3A_395] : memref<128x128xf32, #tpu.memory_space<vmem>> -> memref<1x16xf32, #tpu.memory_space<vmem>>
      %dma_start3A_397 = tpu.memref_squeeze %dma_start3A_396 : memref<1x16xf32, #tpu.memory_space<vmem>> -> memref<16xf32, #tpu.memory_space<vmem>>
      %dma_start3A_398 = arith.constant 0 : i32
      %dma_start3A_399 = tpu.memref_slice %arg2[%squeeze3A_390, %dma_start3A_398] : memref<1000000x16xf32, #tpu.memory_space<hbm>> -> memref<1x16xf32, #tpu.memory_space<hbm>>
      %dma_start3A_400 = tpu.memref_squeeze %dma_start3A_399 : memref<1x16xf32, #tpu.memory_space<hbm>> -> memref<16xf32, #tpu.memory_space<hbm>>
      %dma_start3A_401 = arith.constant 0 : i32
      %dma_start3A_402 = tpu.memref_slice %arg6[%add3A_394, %dma_start3A_401] : memref<128x128xf32, #tpu.memory_space<vmem>> -> memref<1x16xf32, #tpu.memory_space<vmem>>
      %dma_start3A_403 = tpu.memref_squeeze %dma_start3A_402 : memref<1x16xf32, #tpu.memory_space<vmem>> -> memref<16xf32, #tpu.memory_space<vmem>>
      %dma_start3A_404 = arith.constant 0 : i32
      %dma_start3A_405 = tpu.memref_slice %arg2[%squeeze3A_390, %dma_start3A_404] : memref<1000000x16xf32, #tpu.memory_space<hbm>> -> memref<1x16xf32, #tpu.memory_space<hbm>>
      %dma_start3A_406 = tpu.memref_squeeze %dma_start3A_405 : memref<1x16xf32, #tpu.memory_space<hbm>> -> memref<16xf32, #tpu.memory_space<hbm>>
      tpu.enqueue_dma source(%dma_start3A_406 : memref<16xf32, #tpu.memory_space<hbm>>) target(%dma_start3A_403 : memref<16xf32, #tpu.memory_space<vmem>>) target_semaphore(%arg8 : memref<!tpu.dma_semaphore, #tpu.memory_space<semaphore_mem>>)
      %slice3A_407 = vector.extract_strided_slice %get3A_174 {offsets = [13], sizes = [1], strides = [1]} : vector<16xi32> to vector<1xi32>
      %squeeze3A_408 = vector.extract %slice3A_407[0] : i32 from vector<1xi32>
      %mul3A_409 = arith.constant 16 : i32
      %mul3A_410 = arith.muli %add3A_168, %mul3A_409 : i32
      %add3A_411 = arith.constant 13 : i32
      %add3A_412 = arith.addi %mul3A_410, %add3A_411 : i32
      %dma_start3A_413 = arith.constant 0 : i32
      %dma_start3A_414 = tpu.memref_slice %arg6[%add3A_412, %dma_start3A_413] : memref<128x128xf32, #tpu.memory_space<vmem>> -> memref<1x16xf32, #tpu.memory_space<vmem>>
      %dma_start3A_415 = tpu.memref_squeeze %dma_start3A_414 : memref<1x16xf32, #tpu.memory_space<vmem>> -> memref<16xf32, #tpu.memory_space<vmem>>
      %dma_start3A_416 = arith.constant 0 : i32
      %dma_start3A_417 = tpu.memref_slice %arg2[%squeeze3A_408, %dma_start3A_416] : memref<1000000x16xf32, #tpu.memory_space<hbm>> -> memref<1x16xf32, #tpu.memory_space<hbm>>
      %dma_start3A_418 = tpu.memref_squeeze %dma_start3A_417 : memref<1x16xf32, #tpu.memory_space<hbm>> -> memref<16xf32, #tpu.memory_space<hbm>>
      %dma_start3A_419 = arith.constant 0 : i32
      %dma_start3A_420 = tpu.memref_slice %arg6[%add3A_412, %dma_start3A_419] : memref<128x128xf32, #tpu.memory_space<vmem>> -> memref<1x16xf32, #tpu.memory_space<vmem>>
      %dma_start3A_421 = tpu.memref_squeeze %dma_start3A_420 : memref<1x16xf32, #tpu.memory_space<vmem>> -> memref<16xf32, #tpu.memory_space<vmem>>
      %dma_start3A_422 = arith.constant 0 : i32
      %dma_start3A_423 = tpu.memref_slice %arg2[%squeeze3A_408, %dma_start3A_422] : memref<1000000x16xf32, #tpu.memory_space<hbm>> -> memref<1x16xf32, #tpu.memory_space<hbm>>
      %dma_start3A_424 = tpu.memref_squeeze %dma_start3A_423 : memref<1x16xf32, #tpu.memory_space<hbm>> -> memref<16xf32, #tpu.memory_space<hbm>>
      tpu.enqueue_dma source(%dma_start3A_424 : memref<16xf32, #tpu.memory_space<hbm>>) target(%dma_start3A_421 : memref<16xf32, #tpu.memory_space<vmem>>) target_semaphore(%arg8 : memref<!tpu.dma_semaphore, #tpu.memory_space<semaphore_mem>>)
      %slice3A_425 = vector.extract_strided_slice %get3A_174 {offsets = [14], sizes = [1], strides = [1]} : vector<16xi32> to vector<1xi32>
      %squeeze3A_426 = vector.extract %slice3A_425[0] : i32 from vector<1xi32>
      %mul3A_427 = arith.constant 16 : i32
      %mul3A_428 = arith.muli %add3A_168, %mul3A_427 : i32
      %add3A_429 = arith.constant 14 : i32
      %add3A_430 = arith.addi %mul3A_428, %add3A_429 : i32
      %dma_start3A_431 = arith.constant 0 : i32
      %dma_start3A_432 = tpu.memref_slice %arg6[%add3A_430, %dma_start3A_431] : memref<128x128xf32, #tpu.memory_space<vmem>> -> memref<1x16xf32, #tpu.memory_space<vmem>>
      %dma_start3A_433 = tpu.memref_squeeze %dma_start3A_432 : memref<1x16xf32, #tpu.memory_space<vmem>> -> memref<16xf32, #tpu.memory_space<vmem>>
      %dma_start3A_434 = arith.constant 0 : i32
      %dma_start3A_435 = tpu.memref_slice %arg2[%squeeze3A_426, %dma_start3A_434] : memref<1000000x16xf32, #tpu.memory_space<hbm>> -> memref<1x16xf32, #tpu.memory_space<hbm>>
      %dma_start3A_436 = tpu.memref_squeeze %dma_start3A_435 : memref<1x16xf32, #tpu.memory_space<hbm>> -> memref<16xf32, #tpu.memory_space<hbm>>
      %dma_start3A_437 = arith.constant 0 : i32
      %dma_start3A_438 = tpu.memref_slice %arg6[%add3A_430, %dma_start3A_437] : memref<128x128xf32, #tpu.memory_space<vmem>> -> memref<1x16xf32, #tpu.memory_space<vmem>>
      %dma_start3A_439 = tpu.memref_squeeze %dma_start3A_438 : memref<1x16xf32, #tpu.memory_space<vmem>> -> memref<16xf32, #tpu.memory_space<vmem>>
      %dma_start3A_440 = arith.constant 0 : i32
      %dma_start3A_441 = tpu.memref_slice %arg2[%squeeze3A_426, %dma_start3A_440] : memref<1000000x16xf32, #tpu.memory_space<hbm>> -> memref<1x16xf32, #tpu.memory_space<hbm>>
      %dma_start3A_442 = tpu.memref_squeeze %dma_start3A_441 : memref<1x16xf32, #tpu.memory_space<hbm>> -> memref<16xf32, #tpu.memory_space<hbm>>
      tpu.enqueue_dma source(%dma_start3A_442 : memref<16xf32, #tpu.memory_space<hbm>>) target(%dma_start3A_439 : memref<16xf32, #tpu.memory_space<vmem>>) target_semaphore(%arg8 : memref<!tpu.dma_semaphore, #tpu.memory_space<semaphore_mem>>)
      %slice3A_443 = vector.extract_strided_slice %get3A_174 {offsets = [15], sizes = [1], strides = [1]} : vector<16xi32> to vector<1xi32>
      %squeeze3A_444 = vector.extract %slice3A_443[0] : i32 from vector<1xi32>
      %mul3A_445 = arith.constant 16 : i32
      %mul3A_446 = arith.muli %add3A_168, %mul3A_445 : i32
      %add3A_447 = arith.constant 15 : i32
      %add3A_448 = arith.addi %mul3A_446, %add3A_447 : i32
      %dma_start3A_449 = arith.constant 0 : i32
      %dma_start3A_450 = tpu.memref_slice %arg6[%add3A_448, %dma_start3A_449] : memref<128x128xf32, #tpu.memory_space<vmem>> -> memref<1x16xf32, #tpu.memory_space<vmem>>
      %dma_start3A_451 = tpu.memref_squeeze %dma_start3A_450 : memref<1x16xf32, #tpu.memory_space<vmem>> -> memref<16xf32, #tpu.memory_space<vmem>>
      %dma_start3A_452 = arith.constant 0 : i32
      %dma_start3A_453 = tpu.memref_slice %arg2[%squeeze3A_444, %dma_start3A_452] : memref<1000000x16xf32, #tpu.memory_space<hbm>> -> memref<1x16xf32, #tpu.memory_space<hbm>>
      %dma_start3A_454 = tpu.memref_squeeze %dma_start3A_453 : memref<1x16xf32, #tpu.memory_space<hbm>> -> memref<16xf32, #tpu.memory_space<hbm>>
      %dma_start3A_455 = arith.constant 0 : i32
      %dma_start3A_456 = tpu.memref_slice %arg6[%add3A_448, %dma_start3A_455] : memref<128x128xf32, #tpu.memory_space<vmem>> -> memref<1x16xf32, #tpu.memory_space<vmem>>
      %dma_start3A_457 = tpu.memref_squeeze %dma_start3A_456 : memref<1x16xf32, #tpu.memory_space<vmem>> -> memref<16xf32, #tpu.memory_space<vmem>>
      %dma_start3A_458 = arith.constant 0 : i32
      %dma_start3A_459 = tpu.memref_slice %arg2[%squeeze3A_444, %dma_start3A_458] : memref<1000000x16xf32, #tpu.memory_space<hbm>> -> memref<1x16xf32, #tpu.memory_space<hbm>>
      %dma_start3A_460 = tpu.memref_squeeze %dma_start3A_459 : memref<1x16xf32, #tpu.memory_space<hbm>> -> memref<16xf32, #tpu.memory_space<hbm>>
      tpu.enqueue_dma source(%dma_start3A_460 : memref<16xf32, #tpu.memory_space<hbm>>) target(%dma_start3A_457 : memref<16xf32, #tpu.memory_space<vmem>>) target_semaphore(%arg8 : memref<!tpu.dma_semaphore, #tpu.memory_space<semaphore_mem>>)
    }
    %scan3A_88 = arith.constant 8 : i32
    %scan3A_89 = arith.constant 0 : i32
    %scan3A_90 = arith.constant 128 : i32
    %scan3A_91 = arith.addi %scan3A_89, %scan3A_90 : i32
    %scan3A_92 = arith.constant 1 : i32
    scf.for %scan3A_164 = %scan3A_89 to %scan3A_91 step %scan3A_92  : i32 {
      %mul3A_165 = arith.constant 1 : i32
      %mul3A_166 = arith.muli %scan3A_164, %mul3A_165 : i32
      %add3A_167 = arith.constant 0 : i32
      %add3A_168 = arith.addi %add3A_167, %mul3A_166 : i32
      %dma_wait3A_169 = arith.constant 0 : i32
      %dma_wait3A_170 = arith.constant 0 : i32
      %dma_wait3A_171 = tpu.memref_slice %arg6[%add3A_168, %dma_wait3A_170] : memref<128x128xf32, #tpu.memory_space<vmem>> -> memref<1x16xf32, #tpu.memory_space<vmem>>
      %dma_wait3A_172 = tpu.memref_squeeze %dma_wait3A_171 : memref<1x16xf32, #tpu.memory_space<vmem>> -> memref<16xf32, #tpu.memory_space<vmem>>
      %dma_wait3A_173 = arith.constant 0 : i32
      %dma_wait3A_174 = tpu.memref_slice %arg2[%dma_wait3A_169, %dma_wait3A_173] : memref<1000000x16xf32, #tpu.memory_space<hbm>> -> memref<1x16xf32, #tpu.memory_space<hbm>>
      %dma_wait3A_175 = tpu.memref_squeeze %dma_wait3A_174 : memref<1x16xf32, #tpu.memory_space<hbm>> -> memref<16xf32, #tpu.memory_space<hbm>>
      %dma_wait3A_176 = arith.constant 0 : i32
      %dma_wait3A_177 = tpu.memref_slice %arg6[%add3A_168, %dma_wait3A_176] : memref<128x128xf32, #tpu.memory_space<vmem>> -> memref<1x16xf32, #tpu.memory_space<vmem>>
      %dma_wait3A_178 = tpu.memref_squeeze %dma_wait3A_177 : memref<1x16xf32, #tpu.memory_space<vmem>> -> memref<16xf32, #tpu.memory_space<vmem>>
      %dma_wait3A_179 = arith.constant 0 : i32
      %dma_wait3A_180 = tpu.memref_slice %arg2[%dma_wait3A_169, %dma_wait3A_179] : memref<1000000x16xf32, #tpu.memory_space<hbm>> -> memref<1x16xf32, #tpu.memory_space<hbm>>
      %dma_wait3A_181 = tpu.memref_squeeze %dma_wait3A_180 : memref<1x16xf32, #tpu.memory_space<hbm>> -> memref<16xf32, #tpu.memory_space<hbm>>
      tpu.wait_dma2 semaphore(%arg8 : memref<!tpu.dma_semaphore, #tpu.memory_space<semaphore_mem>>) src(%dma_wait3A_181 : memref<16xf32, #tpu.memory_space<hbm>>) dst(%dma_wait3A_178 : memref<16xf32, #tpu.memory_space<vmem>>)
    }
    %scan3A_93 = arith.constant 128 : i32
    %add3A_94 = arith.constant 512 : i32
    %add3A_95 = arith.addi %mul3A_2, %add3A_94 : i32
    %dma_start3A_96 = arith.constant 0 : i32
    %dma_start3A_97 = tpu.memref_slice %arg4[%add3A_95, %dma_start3A_96] : memref<32768x128xf32, #tpu.memory_space<hbm>> -> memref<128x128xf32, #tpu.memory_space<hbm>>
    %dma_start3A_98 = arith.constant 0 : i32
    %dma_start3A_99 = tpu.memref_slice %arg4[%add3A_95, %dma_start3A_98] : memref<32768x128xf32, #tpu.memory_space<hbm>> -> memref<128x128xf32, #tpu.memory_space<hbm>>
    tpu.enqueue_dma source(%arg6 : memref<128x128xf32, #tpu.memory_space<vmem>>) target(%dma_start3A_99 : memref<128x128xf32, #tpu.memory_space<hbm>>) target_semaphore(%arg7 : memref<!tpu.dma_semaphore, #tpu.memory_space<semaphore_mem>>)
    %dma_wait3A_100 = arith.constant 0 : i32
    %dma_wait3A_101 = tpu.memref_slice %arg4[%add3A_95, %dma_wait3A_100] : memref<32768x128xf32, #tpu.memory_space<hbm>> -> memref<128x128xf32, #tpu.memory_space<hbm>>
    %dma_wait3A_102 = arith.constant 0 : i32
    %dma_wait3A_103 = tpu.memref_slice %arg4[%add3A_95, %dma_wait3A_102] : memref<32768x128xf32, #tpu.memory_space<hbm>> -> memref<128x128xf32, #tpu.memory_space<hbm>>
    tpu.wait_dma2 semaphore(%arg7 : memref<!tpu.dma_semaphore, #tpu.memory_space<semaphore_mem>>) src(%arg6 : memref<128x128xf32, #tpu.memory_space<vmem>>) dst(%dma_wait3A_103 : memref<128x128xf32, #tpu.memory_space<hbm>>)
    %scan3A_104 = arith.constant 0 : i32
    %scan3A_105 = arith.constant 8 : i32
    %scan3A_106 = arith.addi %scan3A_104, %scan3A_105 : i32
    %scan3A_107 = arith.constant 1 : i32
    scf.for %scan3A_164 = %scan3A_104 to %scan3A_106 step %scan3A_107  : i32 {
      %mul3A_165 = arith.constant 1 : i32
      %mul3A_166 = arith.muli %scan3A_164, %mul3A_165 : i32
      %add3A_167 = arith.constant 0 : i32
      %add3A_168 = arith.addi %add3A_167, %mul3A_166 : i32
      %mul3A_169 = arith.constant 16 : i32
      %mul3A_170 = arith.muli %add3A_168, %mul3A_169 : i32
      %add3A_171 = arith.constant 640 : i32
      %add3A_172 = arith.addi %add3A_171, %mul3A_170 : i32
      %get3A = arith.index_cast %add3A_172 : i32 to index
      %get3A_173 = tpu.vector_load %arg5[%get3A] {strides = array<i32>} : memref<1024xi32, #tpu.memory_space<vmem>>, vector<16xi32>,
      %get3A_174 = vector.shape_cast %get3A_173 : vector<16xi32> to vector<16xi32>
      %slice3A = vector.extract_strided_slice %get3A_174 {offsets = [0], sizes = [1], strides = [1]} : vector<16xi32> to vector<1xi32>
      %squeeze3A = vector.extract %slice3A[0] : i32 from vector<1xi32>
      %mul3A_175 = arith.constant 16 : i32
      %mul3A_176 = arith.muli %add3A_168, %mul3A_175 : i32
      %add3A_177 = arith.constant 0 : i32
      %add3A_178 = arith.addi %mul3A_176, %add3A_177 : i32
      %dma_start3A_179 = arith.constant 0 : i32
      %dma_start3A_180 = tpu.memref_slice %arg6[%add3A_178, %dma_start3A_179] : memref<128x128xf32, #tpu.memory_space<vmem>> -> memref<1x16xf32, #tpu.memory_space<vmem>>
      %dma_start3A_181 = tpu.memref_squeeze %dma_start3A_180 : memref<1x16xf32, #tpu.memory_space<vmem>> -> memref<16xf32, #tpu.memory_space<vmem>>
      %dma_start3A_182 = arith.constant 0 : i32
      %dma_start3A_183 = tpu.memref_slice %arg2[%squeeze3A, %dma_start3A_182] : memref<1000000x16xf32, #tpu.memory_space<hbm>> -> memref<1x16xf32, #tpu.memory_space<hbm>>
      %dma_start3A_184 = tpu.memref_squeeze %dma_start3A_183 : memref<1x16xf32, #tpu.memory_space<hbm>> -> memref<16xf32, #tpu.memory_space<hbm>>
      %dma_start3A_185 = arith.constant 0 : i32
      %dma_start3A_186 = tpu.memref_slice %arg6[%add3A_178, %dma_start3A_185] : memref<128x128xf32, #tpu.memory_space<vmem>> -> memref<1x16xf32, #tpu.memory_space<vmem>>
      %dma_start3A_187 = tpu.memref_squeeze %dma_start3A_186 : memref<1x16xf32, #tpu.memory_space<vmem>> -> memref<16xf32, #tpu.memory_space<vmem>>
      %dma_start3A_188 = arith.constant 0 : i32
      %dma_start3A_189 = tpu.memref_slice %arg2[%squeeze3A, %dma_start3A_188] : memref<1000000x16xf32, #tpu.memory_space<hbm>> -> memref<1x16xf32, #tpu.memory_space<hbm>>
      %dma_start3A_190 = tpu.memref_squeeze %dma_start3A_189 : memref<1x16xf32, #tpu.memory_space<hbm>> -> memref<16xf32, #tpu.memory_space<hbm>>
      tpu.enqueue_dma source(%dma_start3A_190 : memref<16xf32, #tpu.memory_space<hbm>>) target(%dma_start3A_187 : memref<16xf32, #tpu.memory_space<vmem>>) target_semaphore(%arg8 : memref<!tpu.dma_semaphore, #tpu.memory_space<semaphore_mem>>)
      %slice3A_191 = vector.extract_strided_slice %get3A_174 {offsets = [1], sizes = [1], strides = [1]} : vector<16xi32> to vector<1xi32>
      %squeeze3A_192 = vector.extract %slice3A_191[0] : i32 from vector<1xi32>
      %mul3A_193 = arith.constant 16 : i32
      %mul3A_194 = arith.muli %add3A_168, %mul3A_193 : i32
      %add3A_195 = arith.constant 1 : i32
      %add3A_196 = arith.addi %mul3A_194, %add3A_195 : i32
      %dma_start3A_197 = arith.constant 0 : i32
      %dma_start3A_198 = tpu.memref_slice %arg6[%add3A_196, %dma_start3A_197] : memref<128x128xf32, #tpu.memory_space<vmem>> -> memref<1x16xf32, #tpu.memory_space<vmem>>
      %dma_start3A_199 = tpu.memref_squeeze %dma_start3A_198 : memref<1x16xf32, #tpu.memory_space<vmem>> -> memref<16xf32, #tpu.memory_space<vmem>>
      %dma_start3A_200 = arith.constant 0 : i32
      %dma_start3A_201 = tpu.memref_slice %arg2[%squeeze3A_192, %dma_start3A_200] : memref<1000000x16xf32, #tpu.memory_space<hbm>> -> memref<1x16xf32, #tpu.memory_space<hbm>>
      %dma_start3A_202 = tpu.memref_squeeze %dma_start3A_201 : memref<1x16xf32, #tpu.memory_space<hbm>> -> memref<16xf32, #tpu.memory_space<hbm>>
      %dma_start3A_203 = arith.constant 0 : i32
      %dma_start3A_204 = tpu.memref_slice %arg6[%add3A_196, %dma_start3A_203] : memref<128x128xf32, #tpu.memory_space<vmem>> -> memref<1x16xf32, #tpu.memory_space<vmem>>
      %dma_start3A_205 = tpu.memref_squeeze %dma_start3A_204 : memref<1x16xf32, #tpu.memory_space<vmem>> -> memref<16xf32, #tpu.memory_space<vmem>>
      %dma_start3A_206 = arith.constant 0 : i32
      %dma_start3A_207 = tpu.memref_slice %arg2[%squeeze3A_192, %dma_start3A_206] : memref<1000000x16xf32, #tpu.memory_space<hbm>> -> memref<1x16xf32, #tpu.memory_space<hbm>>
      %dma_start3A_208 = tpu.memref_squeeze %dma_start3A_207 : memref<1x16xf32, #tpu.memory_space<hbm>> -> memref<16xf32, #tpu.memory_space<hbm>>
      tpu.enqueue_dma source(%dma_start3A_208 : memref<16xf32, #tpu.memory_space<hbm>>) target(%dma_start3A_205 : memref<16xf32, #tpu.memory_space<vmem>>) target_semaphore(%arg8 : memref<!tpu.dma_semaphore, #tpu.memory_space<semaphore_mem>>)
      %slice3A_209 = vector.extract_strided_slice %get3A_174 {offsets = [2], sizes = [1], strides = [1]} : vector<16xi32> to vector<1xi32>
      %squeeze3A_210 = vector.extract %slice3A_209[0] : i32 from vector<1xi32>
      %mul3A_211 = arith.constant 16 : i32
      %mul3A_212 = arith.muli %add3A_168, %mul3A_211 : i32
      %add3A_213 = arith.constant 2 : i32
      %add3A_214 = arith.addi %mul3A_212, %add3A_213 : i32
      %dma_start3A_215 = arith.constant 0 : i32
      %dma_start3A_216 = tpu.memref_slice %arg6[%add3A_214, %dma_start3A_215] : memref<128x128xf32, #tpu.memory_space<vmem>> -> memref<1x16xf32, #tpu.memory_space<vmem>>
      %dma_start3A_217 = tpu.memref_squeeze %dma_start3A_216 : memref<1x16xf32, #tpu.memory_space<vmem>> -> memref<16xf32, #tpu.memory_space<vmem>>
      %dma_start3A_218 = arith.constant 0 : i32
      %dma_start3A_219 = tpu.memref_slice %arg2[%squeeze3A_210, %dma_start3A_218] : memref<1000000x16xf32, #tpu.memory_space<hbm>> -> memref<1x16xf32, #tpu.memory_space<hbm>>
      %dma_start3A_220 = tpu.memref_squeeze %dma_start3A_219 : memref<1x16xf32, #tpu.memory_space<hbm>> -> memref<16xf32, #tpu.memory_space<hbm>>
      %dma_start3A_221 = arith.constant 0 : i32
      %dma_start3A_222 = tpu.memref_slice %arg6[%add3A_214, %dma_start3A_221] : memref<128x128xf32, #tpu.memory_space<vmem>> -> memref<1x16xf32, #tpu.memory_space<vmem>>
      %dma_start3A_223 = tpu.memref_squeeze %dma_start3A_222 : memref<1x16xf32, #tpu.memory_space<vmem>> -> memref<16xf32, #tpu.memory_space<vmem>>
      %dma_start3A_224 = arith.constant 0 : i32
      %dma_start3A_225 = tpu.memref_slice %arg2[%squeeze3A_210, %dma_start3A_224] : memref<1000000x16xf32, #tpu.memory_space<hbm>> -> memref<1x16xf32, #tpu.memory_space<hbm>>
      %dma_start3A_226 = tpu.memref_squeeze %dma_start3A_225 : memref<1x16xf32, #tpu.memory_space<hbm>> -> memref<16xf32, #tpu.memory_space<hbm>>
      tpu.enqueue_dma source(%dma_start3A_226 : memref<16xf32, #tpu.memory_space<hbm>>) target(%dma_start3A_223 : memref<16xf32, #tpu.memory_space<vmem>>) target_semaphore(%arg8 : memref<!tpu.dma_semaphore, #tpu.memory_space<semaphore_mem>>)
      %slice3A_227 = vector.extract_strided_slice %get3A_174 {offsets = [3], sizes = [1], strides = [1]} : vector<16xi32> to vector<1xi32>
      %squeeze3A_228 = vector.extract %slice3A_227[0] : i32 from vector<1xi32>
      %mul3A_229 = arith.constant 16 : i32
      %mul3A_230 = arith.muli %add3A_168, %mul3A_229 : i32
      %add3A_231 = arith.constant 3 : i32
      %add3A_232 = arith.addi %mul3A_230, %add3A_231 : i32
      %dma_start3A_233 = arith.constant 0 : i32
      %dma_start3A_234 = tpu.memref_slice %arg6[%add3A_232, %dma_start3A_233] : memref<128x128xf32, #tpu.memory_space<vmem>> -> memref<1x16xf32, #tpu.memory_space<vmem>>
      %dma_start3A_235 = tpu.memref_squeeze %dma_start3A_234 : memref<1x16xf32, #tpu.memory_space<vmem>> -> memref<16xf32, #tpu.memory_space<vmem>>
      %dma_start3A_236 = arith.constant 0 : i32
      %dma_start3A_237 = tpu.memref_slice %arg2[%squeeze3A_228, %dma_start3A_236] : memref<1000000x16xf32, #tpu.memory_space<hbm>> -> memref<1x16xf32, #tpu.memory_space<hbm>>
      %dma_start3A_238 = tpu.memref_squeeze %dma_start3A_237 : memref<1x16xf32, #tpu.memory_space<hbm>> -> memref<16xf32, #tpu.memory_space<hbm>>
      %dma_start3A_239 = arith.constant 0 : i32
      %dma_start3A_240 = tpu.memref_slice %arg6[%add3A_232, %dma_start3A_239] : memref<128x128xf32, #tpu.memory_space<vmem>> -> memref<1x16xf32, #tpu.memory_space<vmem>>
      %dma_start3A_241 = tpu.memref_squeeze %dma_start3A_240 : memref<1x16xf32, #tpu.memory_space<vmem>> -> memref<16xf32, #tpu.memory_space<vmem>>
      %dma_start3A_242 = arith.constant 0 : i32
      %dma_start3A_243 = tpu.memref_slice %arg2[%squeeze3A_228, %dma_start3A_242] : memref<1000000x16xf32, #tpu.memory_space<hbm>> -> memref<1x16xf32, #tpu.memory_space<hbm>>
      %dma_start3A_244 = tpu.memref_squeeze %dma_start3A_243 : memref<1x16xf32, #tpu.memory_space<hbm>> -> memref<16xf32, #tpu.memory_space<hbm>>
      tpu.enqueue_dma source(%dma_start3A_244 : memref<16xf32, #tpu.memory_space<hbm>>) target(%dma_start3A_241 : memref<16xf32, #tpu.memory_space<vmem>>) target_semaphore(%arg8 : memref<!tpu.dma_semaphore, #tpu.memory_space<semaphore_mem>>)
      %slice3A_245 = vector.extract_strided_slice %get3A_174 {offsets = [4], sizes = [1], strides = [1]} : vector<16xi32> to vector<1xi32>
      %squeeze3A_246 = vector.extract %slice3A_245[0] : i32 from vector<1xi32>
      %mul3A_247 = arith.constant 16 : i32
      %mul3A_248 = arith.muli %add3A_168, %mul3A_247 : i32
      %add3A_249 = arith.constant 4 : i32
      %add3A_250 = arith.addi %mul3A_248, %add3A_249 : i32
      %dma_start3A_251 = arith.constant 0 : i32
      %dma_start3A_252 = tpu.memref_slice %arg6[%add3A_250, %dma_start3A_251] : memref<128x128xf32, #tpu.memory_space<vmem>> -> memref<1x16xf32, #tpu.memory_space<vmem>>
      %dma_start3A_253 = tpu.memref_squeeze %dma_start3A_252 : memref<1x16xf32, #tpu.memory_space<vmem>> -> memref<16xf32, #tpu.memory_space<vmem>>
      %dma_start3A_254 = arith.constant 0 : i32
      %dma_start3A_255 = tpu.memref_slice %arg2[%squeeze3A_246, %dma_start3A_254] : memref<1000000x16xf32, #tpu.memory_space<hbm>> -> memref<1x16xf32, #tpu.memory_space<hbm>>
      %dma_start3A_256 = tpu.memref_squeeze %dma_start3A_255 : memref<1x16xf32, #tpu.memory_space<hbm>> -> memref<16xf32, #tpu.memory_space<hbm>>
      %dma_start3A_257 = arith.constant 0 : i32
      %dma_start3A_258 = tpu.memref_slice %arg6[%add3A_250, %dma_start3A_257] : memref<128x128xf32, #tpu.memory_space<vmem>> -> memref<1x16xf32, #tpu.memory_space<vmem>>
      %dma_start3A_259 = tpu.memref_squeeze %dma_start3A_258 : memref<1x16xf32, #tpu.memory_space<vmem>> -> memref<16xf32, #tpu.memory_space<vmem>>
      %dma_start3A_260 = arith.constant 0 : i32
      %dma_start3A_261 = tpu.memref_slice %arg2[%squeeze3A_246, %dma_start3A_260] : memref<1000000x16xf32, #tpu.memory_space<hbm>> -> memref<1x16xf32, #tpu.memory_space<hbm>>
      %dma_start3A_262 = tpu.memref_squeeze %dma_start3A_261 : memref<1x16xf32, #tpu.memory_space<hbm>> -> memref<16xf32, #tpu.memory_space<hbm>>
      tpu.enqueue_dma source(%dma_start3A_262 : memref<16xf32, #tpu.memory_space<hbm>>) target(%dma_start3A_259 : memref<16xf32, #tpu.memory_space<vmem>>) target_semaphore(%arg8 : memref<!tpu.dma_semaphore, #tpu.memory_space<semaphore_mem>>)
      %slice3A_263 = vector.extract_strided_slice %get3A_174 {offsets = [5], sizes = [1], strides = [1]} : vector<16xi32> to vector<1xi32>
      %squeeze3A_264 = vector.extract %slice3A_263[0] : i32 from vector<1xi32>
      %mul3A_265 = arith.constant 16 : i32
      %mul3A_266 = arith.muli %add3A_168, %mul3A_265 : i32
      %add3A_267 = arith.constant 5 : i32
      %add3A_268 = arith.addi %mul3A_266, %add3A_267 : i32
      %dma_start3A_269 = arith.constant 0 : i32
      %dma_start3A_270 = tpu.memref_slice %arg6[%add3A_268, %dma_start3A_269] : memref<128x128xf32, #tpu.memory_space<vmem>> -> memref<1x16xf32, #tpu.memory_space<vmem>>
      %dma_start3A_271 = tpu.memref_squeeze %dma_start3A_270 : memref<1x16xf32, #tpu.memory_space<vmem>> -> memref<16xf32, #tpu.memory_space<vmem>>
      %dma_start3A_272 = arith.constant 0 : i32
      %dma_start3A_273 = tpu.memref_slice %arg2[%squeeze3A_264, %dma_start3A_272] : memref<1000000x16xf32, #tpu.memory_space<hbm>> -> memref<1x16xf32, #tpu.memory_space<hbm>>
      %dma_start3A_274 = tpu.memref_squeeze %dma_start3A_273 : memref<1x16xf32, #tpu.memory_space<hbm>> -> memref<16xf32, #tpu.memory_space<hbm>>
      %dma_start3A_275 = arith.constant 0 : i32
      %dma_start3A_276 = tpu.memref_slice %arg6[%add3A_268, %dma_start3A_275] : memref<128x128xf32, #tpu.memory_space<vmem>> -> memref<1x16xf32, #tpu.memory_space<vmem>>
      %dma_start3A_277 = tpu.memref_squeeze %dma_start3A_276 : memref<1x16xf32, #tpu.memory_space<vmem>> -> memref<16xf32, #tpu.memory_space<vmem>>
      %dma_start3A_278 = arith.constant 0 : i32
      %dma_start3A_279 = tpu.memref_slice %arg2[%squeeze3A_264, %dma_start3A_278] : memref<1000000x16xf32, #tpu.memory_space<hbm>> -> memref<1x16xf32, #tpu.memory_space<hbm>>
      %dma_start3A_280 = tpu.memref_squeeze %dma_start3A_279 : memref<1x16xf32, #tpu.memory_space<hbm>> -> memref<16xf32, #tpu.memory_space<hbm>>
      tpu.enqueue_dma source(%dma_start3A_280 : memref<16xf32, #tpu.memory_space<hbm>>) target(%dma_start3A_277 : memref<16xf32, #tpu.memory_space<vmem>>) target_semaphore(%arg8 : memref<!tpu.dma_semaphore, #tpu.memory_space<semaphore_mem>>)
      %slice3A_281 = vector.extract_strided_slice %get3A_174 {offsets = [6], sizes = [1], strides = [1]} : vector<16xi32> to vector<1xi32>
      %squeeze3A_282 = vector.extract %slice3A_281[0] : i32 from vector<1xi32>
      %mul3A_283 = arith.constant 16 : i32
      %mul3A_284 = arith.muli %add3A_168, %mul3A_283 : i32
      %add3A_285 = arith.constant 6 : i32
      %add3A_286 = arith.addi %mul3A_284, %add3A_285 : i32
      %dma_start3A_287 = arith.constant 0 : i32
      %dma_start3A_288 = tpu.memref_slice %arg6[%add3A_286, %dma_start3A_287] : memref<128x128xf32, #tpu.memory_space<vmem>> -> memref<1x16xf32, #tpu.memory_space<vmem>>
      %dma_start3A_289 = tpu.memref_squeeze %dma_start3A_288 : memref<1x16xf32, #tpu.memory_space<vmem>> -> memref<16xf32, #tpu.memory_space<vmem>>
      %dma_start3A_290 = arith.constant 0 : i32
      %dma_start3A_291 = tpu.memref_slice %arg2[%squeeze3A_282, %dma_start3A_290] : memref<1000000x16xf32, #tpu.memory_space<hbm>> -> memref<1x16xf32, #tpu.memory_space<hbm>>
      %dma_start3A_292 = tpu.memref_squeeze %dma_start3A_291 : memref<1x16xf32, #tpu.memory_space<hbm>> -> memref<16xf32, #tpu.memory_space<hbm>>
      %dma_start3A_293 = arith.constant 0 : i32
      %dma_start3A_294 = tpu.memref_slice %arg6[%add3A_286, %dma_start3A_293] : memref<128x128xf32, #tpu.memory_space<vmem>> -> memref<1x16xf32, #tpu.memory_space<vmem>>
      %dma_start3A_295 = tpu.memref_squeeze %dma_start3A_294 : memref<1x16xf32, #tpu.memory_space<vmem>> -> memref<16xf32, #tpu.memory_space<vmem>>
      %dma_start3A_296 = arith.constant 0 : i32
      %dma_start3A_297 = tpu.memref_slice %arg2[%squeeze3A_282, %dma_start3A_296] : memref<1000000x16xf32, #tpu.memory_space<hbm>> -> memref<1x16xf32, #tpu.memory_space<hbm>>
      %dma_start3A_298 = tpu.memref_squeeze %dma_start3A_297 : memref<1x16xf32, #tpu.memory_space<hbm>> -> memref<16xf32, #tpu.memory_space<hbm>>
      tpu.enqueue_dma source(%dma_start3A_298 : memref<16xf32, #tpu.memory_space<hbm>>) target(%dma_start3A_295 : memref<16xf32, #tpu.memory_space<vmem>>) target_semaphore(%arg8 : memref<!tpu.dma_semaphore, #tpu.memory_space<semaphore_mem>>)
      %slice3A_299 = vector.extract_strided_slice %get3A_174 {offsets = [7], sizes = [1], strides = [1]} : vector<16xi32> to vector<1xi32>
      %squeeze3A_300 = vector.extract %slice3A_299[0] : i32 from vector<1xi32>
      %mul3A_301 = arith.constant 16 : i32
      %mul3A_302 = arith.muli %add3A_168, %mul3A_301 : i32
      %add3A_303 = arith.constant 7 : i32
      %add3A_304 = arith.addi %mul3A_302, %add3A_303 : i32
      %dma_start3A_305 = arith.constant 0 : i32
      %dma_start3A_306 = tpu.memref_slice %arg6[%add3A_304, %dma_start3A_305] : memref<128x128xf32, #tpu.memory_space<vmem>> -> memref<1x16xf32, #tpu.memory_space<vmem>>
      %dma_start3A_307 = tpu.memref_squeeze %dma_start3A_306 : memref<1x16xf32, #tpu.memory_space<vmem>> -> memref<16xf32, #tpu.memory_space<vmem>>
      %dma_start3A_308 = arith.constant 0 : i32
      %dma_start3A_309 = tpu.memref_slice %arg2[%squeeze3A_300, %dma_start3A_308] : memref<1000000x16xf32, #tpu.memory_space<hbm>> -> memref<1x16xf32, #tpu.memory_space<hbm>>
      %dma_start3A_310 = tpu.memref_squeeze %dma_start3A_309 : memref<1x16xf32, #tpu.memory_space<hbm>> -> memref<16xf32, #tpu.memory_space<hbm>>
      %dma_start3A_311 = arith.constant 0 : i32
      %dma_start3A_312 = tpu.memref_slice %arg6[%add3A_304, %dma_start3A_311] : memref<128x128xf32, #tpu.memory_space<vmem>> -> memref<1x16xf32, #tpu.memory_space<vmem>>
      %dma_start3A_313 = tpu.memref_squeeze %dma_start3A_312 : memref<1x16xf32, #tpu.memory_space<vmem>> -> memref<16xf32, #tpu.memory_space<vmem>>
      %dma_start3A_314 = arith.constant 0 : i32
      %dma_start3A_315 = tpu.memref_slice %arg2[%squeeze3A_300, %dma_start3A_314] : memref<1000000x16xf32, #tpu.memory_space<hbm>> -> memref<1x16xf32, #tpu.memory_space<hbm>>
      %dma_start3A_316 = tpu.memref_squeeze %dma_start3A_315 : memref<1x16xf32, #tpu.memory_space<hbm>> -> memref<16xf32, #tpu.memory_space<hbm>>
      tpu.enqueue_dma source(%dma_start3A_316 : memref<16xf32, #tpu.memory_space<hbm>>) target(%dma_start3A_313 : memref<16xf32, #tpu.memory_space<vmem>>) target_semaphore(%arg8 : memref<!tpu.dma_semaphore, #tpu.memory_space<semaphore_mem>>)
      %slice3A_317 = vector.extract_strided_slice %get3A_174 {offsets = [8], sizes = [1], strides = [1]} : vector<16xi32> to vector<1xi32>
      %squeeze3A_318 = vector.extract %slice3A_317[0] : i32 from vector<1xi32>
      %mul3A_319 = arith.constant 16 : i32
      %mul3A_320 = arith.muli %add3A_168, %mul3A_319 : i32
      %add3A_321 = arith.constant 8 : i32
      %add3A_322 = arith.addi %mul3A_320, %add3A_321 : i32
      %dma_start3A_323 = arith.constant 0 : i32
      %dma_start3A_324 = tpu.memref_slice %arg6[%add3A_322, %dma_start3A_323] : memref<128x128xf32, #tpu.memory_space<vmem>> -> memref<1x16xf32, #tpu.memory_space<vmem>>
      %dma_start3A_325 = tpu.memref_squeeze %dma_start3A_324 : memref<1x16xf32, #tpu.memory_space<vmem>> -> memref<16xf32, #tpu.memory_space<vmem>>
      %dma_start3A_326 = arith.constant 0 : i32
      %dma_start3A_327 = tpu.memref_slice %arg2[%squeeze3A_318, %dma_start3A_326] : memref<1000000x16xf32, #tpu.memory_space<hbm>> -> memref<1x16xf32, #tpu.memory_space<hbm>>
      %dma_start3A_328 = tpu.memref_squeeze %dma_start3A_327 : memref<1x16xf32, #tpu.memory_space<hbm>> -> memref<16xf32, #tpu.memory_space<hbm>>
      %dma_start3A_329 = arith.constant 0 : i32
      %dma_start3A_330 = tpu.memref_slice %arg6[%add3A_322, %dma_start3A_329] : memref<128x128xf32, #tpu.memory_space<vmem>> -> memref<1x16xf32, #tpu.memory_space<vmem>>
      %dma_start3A_331 = tpu.memref_squeeze %dma_start3A_330 : memref<1x16xf32, #tpu.memory_space<vmem>> -> memref<16xf32, #tpu.memory_space<vmem>>
      %dma_start3A_332 = arith.constant 0 : i32
      %dma_start3A_333 = tpu.memref_slice %arg2[%squeeze3A_318, %dma_start3A_332] : memref<1000000x16xf32, #tpu.memory_space<hbm>> -> memref<1x16xf32, #tpu.memory_space<hbm>>
      %dma_start3A_334 = tpu.memref_squeeze %dma_start3A_333 : memref<1x16xf32, #tpu.memory_space<hbm>> -> memref<16xf32, #tpu.memory_space<hbm>>
      tpu.enqueue_dma source(%dma_start3A_334 : memref<16xf32, #tpu.memory_space<hbm>>) target(%dma_start3A_331 : memref<16xf32, #tpu.memory_space<vmem>>) target_semaphore(%arg8 : memref<!tpu.dma_semaphore, #tpu.memory_space<semaphore_mem>>)
      %slice3A_335 = vector.extract_strided_slice %get3A_174 {offsets = [9], sizes = [1], strides = [1]} : vector<16xi32> to vector<1xi32>
      %squeeze3A_336 = vector.extract %slice3A_335[0] : i32 from vector<1xi32>
      %mul3A_337 = arith.constant 16 : i32
      %mul3A_338 = arith.muli %add3A_168, %mul3A_337 : i32
      %add3A_339 = arith.constant 9 : i32
      %add3A_340 = arith.addi %mul3A_338, %add3A_339 : i32
      %dma_start3A_341 = arith.constant 0 : i32
      %dma_start3A_342 = tpu.memref_slice %arg6[%add3A_340, %dma_start3A_341] : memref<128x128xf32, #tpu.memory_space<vmem>> -> memref<1x16xf32, #tpu.memory_space<vmem>>
      %dma_start3A_343 = tpu.memref_squeeze %dma_start3A_342 : memref<1x16xf32, #tpu.memory_space<vmem>> -> memref<16xf32, #tpu.memory_space<vmem>>
      %dma_start3A_344 = arith.constant 0 : i32
      %dma_start3A_345 = tpu.memref_slice %arg2[%squeeze3A_336, %dma_start3A_344] : memref<1000000x16xf32, #tpu.memory_space<hbm>> -> memref<1x16xf32, #tpu.memory_space<hbm>>
      %dma_start3A_346 = tpu.memref_squeeze %dma_start3A_345 : memref<1x16xf32, #tpu.memory_space<hbm>> -> memref<16xf32, #tpu.memory_space<hbm>>
      %dma_start3A_347 = arith.constant 0 : i32
      %dma_start3A_348 = tpu.memref_slice %arg6[%add3A_340, %dma_start3A_347] : memref<128x128xf32, #tpu.memory_space<vmem>> -> memref<1x16xf32, #tpu.memory_space<vmem>>
      %dma_start3A_349 = tpu.memref_squeeze %dma_start3A_348 : memref<1x16xf32, #tpu.memory_space<vmem>> -> memref<16xf32, #tpu.memory_space<vmem>>
      %dma_start3A_350 = arith.constant 0 : i32
      %dma_start3A_351 = tpu.memref_slice %arg2[%squeeze3A_336, %dma_start3A_350] : memref<1000000x16xf32, #tpu.memory_space<hbm>> -> memref<1x16xf32, #tpu.memory_space<hbm>>
      %dma_start3A_352 = tpu.memref_squeeze %dma_start3A_351 : memref<1x16xf32, #tpu.memory_space<hbm>> -> memref<16xf32, #tpu.memory_space<hbm>>
      tpu.enqueue_dma source(%dma_start3A_352 : memref<16xf32, #tpu.memory_space<hbm>>) target(%dma_start3A_349 : memref<16xf32, #tpu.memory_space<vmem>>) target_semaphore(%arg8 : memref<!tpu.dma_semaphore, #tpu.memory_space<semaphore_mem>>)
      %slice3A_353 = vector.extract_strided_slice %get3A_174 {offsets = [10], sizes = [1], strides = [1]} : vector<16xi32> to vector<1xi32>
      %squeeze3A_354 = vector.extract %slice3A_353[0] : i32 from vector<1xi32>
      %mul3A_355 = arith.constant 16 : i32
      %mul3A_356 = arith.muli %add3A_168, %mul3A_355 : i32
      %add3A_357 = arith.constant 10 : i32
      %add3A_358 = arith.addi %mul3A_356, %add3A_357 : i32
      %dma_start3A_359 = arith.constant 0 : i32
      %dma_start3A_360 = tpu.memref_slice %arg6[%add3A_358, %dma_start3A_359] : memref<128x128xf32, #tpu.memory_space<vmem>> -> memref<1x16xf32, #tpu.memory_space<vmem>>
      %dma_start3A_361 = tpu.memref_squeeze %dma_start3A_360 : memref<1x16xf32, #tpu.memory_space<vmem>> -> memref<16xf32, #tpu.memory_space<vmem>>
      %dma_start3A_362 = arith.constant 0 : i32
      %dma_start3A_363 = tpu.memref_slice %arg2[%squeeze3A_354, %dma_start3A_362] : memref<1000000x16xf32, #tpu.memory_space<hbm>> -> memref<1x16xf32, #tpu.memory_space<hbm>>
      %dma_start3A_364 = tpu.memref_squeeze %dma_start3A_363 : memref<1x16xf32, #tpu.memory_space<hbm>> -> memref<16xf32, #tpu.memory_space<hbm>>
      %dma_start3A_365 = arith.constant 0 : i32
      %dma_start3A_366 = tpu.memref_slice %arg6[%add3A_358, %dma_start3A_365] : memref<128x128xf32, #tpu.memory_space<vmem>> -> memref<1x16xf32, #tpu.memory_space<vmem>>
      %dma_start3A_367 = tpu.memref_squeeze %dma_start3A_366 : memref<1x16xf32, #tpu.memory_space<vmem>> -> memref<16xf32, #tpu.memory_space<vmem>>
      %dma_start3A_368 = arith.constant 0 : i32
      %dma_start3A_369 = tpu.memref_slice %arg2[%squeeze3A_354, %dma_start3A_368] : memref<1000000x16xf32, #tpu.memory_space<hbm>> -> memref<1x16xf32, #tpu.memory_space<hbm>>
      %dma_start3A_370 = tpu.memref_squeeze %dma_start3A_369 : memref<1x16xf32, #tpu.memory_space<hbm>> -> memref<16xf32, #tpu.memory_space<hbm>>
      tpu.enqueue_dma source(%dma_start3A_370 : memref<16xf32, #tpu.memory_space<hbm>>) target(%dma_start3A_367 : memref<16xf32, #tpu.memory_space<vmem>>) target_semaphore(%arg8 : memref<!tpu.dma_semaphore, #tpu.memory_space<semaphore_mem>>)
      %slice3A_371 = vector.extract_strided_slice %get3A_174 {offsets = [11], sizes = [1], strides = [1]} : vector<16xi32> to vector<1xi32>
      %squeeze3A_372 = vector.extract %slice3A_371[0] : i32 from vector<1xi32>
      %mul3A_373 = arith.constant 16 : i32
      %mul3A_374 = arith.muli %add3A_168, %mul3A_373 : i32
      %add3A_375 = arith.constant 11 : i32
      %add3A_376 = arith.addi %mul3A_374, %add3A_375 : i32
      %dma_start3A_377 = arith.constant 0 : i32
      %dma_start3A_378 = tpu.memref_slice %arg6[%add3A_376, %dma_start3A_377] : memref<128x128xf32, #tpu.memory_space<vmem>> -> memref<1x16xf32, #tpu.memory_space<vmem>>
      %dma_start3A_379 = tpu.memref_squeeze %dma_start3A_378 : memref<1x16xf32, #tpu.memory_space<vmem>> -> memref<16xf32, #tpu.memory_space<vmem>>
      %dma_start3A_380 = arith.constant 0 : i32
      %dma_start3A_381 = tpu.memref_slice %arg2[%squeeze3A_372, %dma_start3A_380] : memref<1000000x16xf32, #tpu.memory_space<hbm>> -> memref<1x16xf32, #tpu.memory_space<hbm>>
      %dma_start3A_382 = tpu.memref_squeeze %dma_start3A_381 : memref<1x16xf32, #tpu.memory_space<hbm>> -> memref<16xf32, #tpu.memory_space<hbm>>
      %dma_start3A_383 = arith.constant 0 : i32
      %dma_start3A_384 = tpu.memref_slice %arg6[%add3A_376, %dma_start3A_383] : memref<128x128xf32, #tpu.memory_space<vmem>> -> memref<1x16xf32, #tpu.memory_space<vmem>>
      %dma_start3A_385 = tpu.memref_squeeze %dma_start3A_384 : memref<1x16xf32, #tpu.memory_space<vmem>> -> memref<16xf32, #tpu.memory_space<vmem>>
      %dma_start3A_386 = arith.constant 0 : i32
      %dma_start3A_387 = tpu.memref_slice %arg2[%squeeze3A_372, %dma_start3A_386] : memref<1000000x16xf32, #tpu.memory_space<hbm>> -> memref<1x16xf32, #tpu.memory_space<hbm>>
      %dma_start3A_388 = tpu.memref_squeeze %dma_start3A_387 : memref<1x16xf32, #tpu.memory_space<hbm>> -> memref<16xf32, #tpu.memory_space<hbm>>
      tpu.enqueue_dma source(%dma_start3A_388 : memref<16xf32, #tpu.memory_space<hbm>>) target(%dma_start3A_385 : memref<16xf32, #tpu.memory_space<vmem>>) target_semaphore(%arg8 : memref<!tpu.dma_semaphore, #tpu.memory_space<semaphore_mem>>)
      %slice3A_389 = vector.extract_strided_slice %get3A_174 {offsets = [12], sizes = [1], strides = [1]} : vector<16xi32> to vector<1xi32>
      %squeeze3A_390 = vector.extract %slice3A_389[0] : i32 from vector<1xi32>
      %mul3A_391 = arith.constant 16 : i32
      %mul3A_392 = arith.muli %add3A_168, %mul3A_391 : i32
      %add3A_393 = arith.constant 12 : i32
      %add3A_394 = arith.addi %mul3A_392, %add3A_393 : i32
      %dma_start3A_395 = arith.constant 0 : i32
      %dma_start3A_396 = tpu.memref_slice %arg6[%add3A_394, %dma_start3A_395] : memref<128x128xf32, #tpu.memory_space<vmem>> -> memref<1x16xf32, #tpu.memory_space<vmem>>
      %dma_start3A_397 = tpu.memref_squeeze %dma_start3A_396 : memref<1x16xf32, #tpu.memory_space<vmem>> -> memref<16xf32, #tpu.memory_space<vmem>>
      %dma_start3A_398 = arith.constant 0 : i32
      %dma_start3A_399 = tpu.memref_slice %arg2[%squeeze3A_390, %dma_start3A_398] : memref<1000000x16xf32, #tpu.memory_space<hbm>> -> memref<1x16xf32, #tpu.memory_space<hbm>>
      %dma_start3A_400 = tpu.memref_squeeze %dma_start3A_399 : memref<1x16xf32, #tpu.memory_space<hbm>> -> memref<16xf32, #tpu.memory_space<hbm>>
      %dma_start3A_401 = arith.constant 0 : i32
      %dma_start3A_402 = tpu.memref_slice %arg6[%add3A_394, %dma_start3A_401] : memref<128x128xf32, #tpu.memory_space<vmem>> -> memref<1x16xf32, #tpu.memory_space<vmem>>
      %dma_start3A_403 = tpu.memref_squeeze %dma_start3A_402 : memref<1x16xf32, #tpu.memory_space<vmem>> -> memref<16xf32, #tpu.memory_space<vmem>>
      %dma_start3A_404 = arith.constant 0 : i32
      %dma_start3A_405 = tpu.memref_slice %arg2[%squeeze3A_390, %dma_start3A_404] : memref<1000000x16xf32, #tpu.memory_space<hbm>> -> memref<1x16xf32, #tpu.memory_space<hbm>>
      %dma_start3A_406 = tpu.memref_squeeze %dma_start3A_405 : memref<1x16xf32, #tpu.memory_space<hbm>> -> memref<16xf32, #tpu.memory_space<hbm>>
      tpu.enqueue_dma source(%dma_start3A_406 : memref<16xf32, #tpu.memory_space<hbm>>) target(%dma_start3A_403 : memref<16xf32, #tpu.memory_space<vmem>>) target_semaphore(%arg8 : memref<!tpu.dma_semaphore, #tpu.memory_space<semaphore_mem>>)
      %slice3A_407 = vector.extract_strided_slice %get3A_174 {offsets = [13], sizes = [1], strides = [1]} : vector<16xi32> to vector<1xi32>
      %squeeze3A_408 = vector.extract %slice3A_407[0] : i32 from vector<1xi32>
      %mul3A_409 = arith.constant 16 : i32
      %mul3A_410 = arith.muli %add3A_168, %mul3A_409 : i32
      %add3A_411 = arith.constant 13 : i32
      %add3A_412 = arith.addi %mul3A_410, %add3A_411 : i32
      %dma_start3A_413 = arith.constant 0 : i32
      %dma_start3A_414 = tpu.memref_slice %arg6[%add3A_412, %dma_start3A_413] : memref<128x128xf32, #tpu.memory_space<vmem>> -> memref<1x16xf32, #tpu.memory_space<vmem>>
      %dma_start3A_415 = tpu.memref_squeeze %dma_start3A_414 : memref<1x16xf32, #tpu.memory_space<vmem>> -> memref<16xf32, #tpu.memory_space<vmem>>
      %dma_start3A_416 = arith.constant 0 : i32
      %dma_start3A_417 = tpu.memref_slice %arg2[%squeeze3A_408, %dma_start3A_416] : memref<1000000x16xf32, #tpu.memory_space<hbm>> -> memref<1x16xf32, #tpu.memory_space<hbm>>
      %dma_start3A_418 = tpu.memref_squeeze %dma_start3A_417 : memref<1x16xf32, #tpu.memory_space<hbm>> -> memref<16xf32, #tpu.memory_space<hbm>>
      %dma_start3A_419 = arith.constant 0 : i32
      %dma_start3A_420 = tpu.memref_slice %arg6[%add3A_412, %dma_start3A_419] : memref<128x128xf32, #tpu.memory_space<vmem>> -> memref<1x16xf32, #tpu.memory_space<vmem>>
      %dma_start3A_421 = tpu.memref_squeeze %dma_start3A_420 : memref<1x16xf32, #tpu.memory_space<vmem>> -> memref<16xf32, #tpu.memory_space<vmem>>
      %dma_start3A_422 = arith.constant 0 : i32
      %dma_start3A_423 = tpu.memref_slice %arg2[%squeeze3A_408, %dma_start3A_422] : memref<1000000x16xf32, #tpu.memory_space<hbm>> -> memref<1x16xf32, #tpu.memory_space<hbm>>
      %dma_start3A_424 = tpu.memref_squeeze %dma_start3A_423 : memref<1x16xf32, #tpu.memory_space<hbm>> -> memref<16xf32, #tpu.memory_space<hbm>>
      tpu.enqueue_dma source(%dma_start3A_424 : memref<16xf32, #tpu.memory_space<hbm>>) target(%dma_start3A_421 : memref<16xf32, #tpu.memory_space<vmem>>) target_semaphore(%arg8 : memref<!tpu.dma_semaphore, #tpu.memory_space<semaphore_mem>>)
      %slice3A_425 = vector.extract_strided_slice %get3A_174 {offsets = [14], sizes = [1], strides = [1]} : vector<16xi32> to vector<1xi32>
      %squeeze3A_426 = vector.extract %slice3A_425[0] : i32 from vector<1xi32>
      %mul3A_427 = arith.constant 16 : i32
      %mul3A_428 = arith.muli %add3A_168, %mul3A_427 : i32
      %add3A_429 = arith.constant 14 : i32
      %add3A_430 = arith.addi %mul3A_428, %add3A_429 : i32
      %dma_start3A_431 = arith.constant 0 : i32
      %dma_start3A_432 = tpu.memref_slice %arg6[%add3A_430, %dma_start3A_431] : memref<128x128xf32, #tpu.memory_space<vmem>> -> memref<1x16xf32, #tpu.memory_space<vmem>>
      %dma_start3A_433 = tpu.memref_squeeze %dma_start3A_432 : memref<1x16xf32, #tpu.memory_space<vmem>> -> memref<16xf32, #tpu.memory_space<vmem>>
      %dma_start3A_434 = arith.constant 0 : i32
      %dma_start3A_435 = tpu.memref_slice %arg2[%squeeze3A_426, %dma_start3A_434] : memref<1000000x16xf32, #tpu.memory_space<hbm>> -> memref<1x16xf32, #tpu.memory_space<hbm>>
      %dma_start3A_436 = tpu.memref_squeeze %dma_start3A_435 : memref<1x16xf32, #tpu.memory_space<hbm>> -> memref<16xf32, #tpu.memory_space<hbm>>
      %dma_start3A_437 = arith.constant 0 : i32
      %dma_start3A_438 = tpu.memref_slice %arg6[%add3A_430, %dma_start3A_437] : memref<128x128xf32, #tpu.memory_space<vmem>> -> memref<1x16xf32, #tpu.memory_space<vmem>>
      %dma_start3A_439 = tpu.memref_squeeze %dma_start3A_438 : memref<1x16xf32, #tpu.memory_space<vmem>> -> memref<16xf32, #tpu.memory_space<vmem>>
      %dma_start3A_440 = arith.constant 0 : i32
      %dma_start3A_441 = tpu.memref_slice %arg2[%squeeze3A_426, %dma_start3A_440] : memref<1000000x16xf32, #tpu.memory_space<hbm>> -> memref<1x16xf32, #tpu.memory_space<hbm>>
      %dma_start3A_442 = tpu.memref_squeeze %dma_start3A_441 : memref<1x16xf32, #tpu.memory_space<hbm>> -> memref<16xf32, #tpu.memory_space<hbm>>
      tpu.enqueue_dma source(%dma_start3A_442 : memref<16xf32, #tpu.memory_space<hbm>>) target(%dma_start3A_439 : memref<16xf32, #tpu.memory_space<vmem>>) target_semaphore(%arg8 : memref<!tpu.dma_semaphore, #tpu.memory_space<semaphore_mem>>)
      %slice3A_443 = vector.extract_strided_slice %get3A_174 {offsets = [15], sizes = [1], strides = [1]} : vector<16xi32> to vector<1xi32>
      %squeeze3A_444 = vector.extract %slice3A_443[0] : i32 from vector<1xi32>
      %mul3A_445 = arith.constant 16 : i32
      %mul3A_446 = arith.muli %add3A_168, %mul3A_445 : i32
      %add3A_447 = arith.constant 15 : i32
      %add3A_448 = arith.addi %mul3A_446, %add3A_447 : i32
      %dma_start3A_449 = arith.constant 0 : i32
      %dma_start3A_450 = tpu.memref_slice %arg6[%add3A_448, %dma_start3A_449] : memref<128x128xf32, #tpu.memory_space<vmem>> -> memref<1x16xf32, #tpu.memory_space<vmem>>
      %dma_start3A_451 = tpu.memref_squeeze %dma_start3A_450 : memref<1x16xf32, #tpu.memory_space<vmem>> -> memref<16xf32, #tpu.memory_space<vmem>>
      %dma_start3A_452 = arith.constant 0 : i32
      %dma_start3A_453 = tpu.memref_slice %arg2[%squeeze3A_444, %dma_start3A_452] : memref<1000000x16xf32, #tpu.memory_space<hbm>> -> memref<1x16xf32, #tpu.memory_space<hbm>>
      %dma_start3A_454 = tpu.memref_squeeze %dma_start3A_453 : memref<1x16xf32, #tpu.memory_space<hbm>> -> memref<16xf32, #tpu.memory_space<hbm>>
      %dma_start3A_455 = arith.constant 0 : i32
      %dma_start3A_456 = tpu.memref_slice %arg6[%add3A_448, %dma_start3A_455] : memref<128x128xf32, #tpu.memory_space<vmem>> -> memref<1x16xf32, #tpu.memory_space<vmem>>
      %dma_start3A_457 = tpu.memref_squeeze %dma_start3A_456 : memref<1x16xf32, #tpu.memory_space<vmem>> -> memref<16xf32, #tpu.memory_space<vmem>>
      %dma_start3A_458 = arith.constant 0 : i32
      %dma_start3A_459 = tpu.memref_slice %arg2[%squeeze3A_444, %dma_start3A_458] : memref<1000000x16xf32, #tpu.memory_space<hbm>> -> memref<1x16xf32, #tpu.memory_space<hbm>>
      %dma_start3A_460 = tpu.memref_squeeze %dma_start3A_459 : memref<1x16xf32, #tpu.memory_space<hbm>> -> memref<16xf32, #tpu.memory_space<hbm>>
      tpu.enqueue_dma source(%dma_start3A_460 : memref<16xf32, #tpu.memory_space<hbm>>) target(%dma_start3A_457 : memref<16xf32, #tpu.memory_space<vmem>>) target_semaphore(%arg8 : memref<!tpu.dma_semaphore, #tpu.memory_space<semaphore_mem>>)
    }
    %scan3A_108 = arith.constant 8 : i32
    %scan3A_109 = arith.constant 0 : i32
    %scan3A_110 = arith.constant 128 : i32
    %scan3A_111 = arith.addi %scan3A_109, %scan3A_110 : i32
    %scan3A_112 = arith.constant 1 : i32
    scf.for %scan3A_164 = %scan3A_109 to %scan3A_111 step %scan3A_112  : i32 {
      %mul3A_165 = arith.constant 1 : i32
      %mul3A_166 = arith.muli %scan3A_164, %mul3A_165 : i32
      %add3A_167 = arith.constant 0 : i32
      %add3A_168 = arith.addi %add3A_167, %mul3A_166 : i32
      %dma_wait3A_169 = arith.constant 0 : i32
      %dma_wait3A_170 = arith.constant 0 : i32
      %dma_wait3A_171 = tpu.memref_slice %arg6[%add3A_168, %dma_wait3A_170] : memref<128x128xf32, #tpu.memory_space<vmem>> -> memref<1x16xf32, #tpu.memory_space<vmem>>
      %dma_wait3A_172 = tpu.memref_squeeze %dma_wait3A_171 : memref<1x16xf32, #tpu.memory_space<vmem>> -> memref<16xf32, #tpu.memory_space<vmem>>
      %dma_wait3A_173 = arith.constant 0 : i32
      %dma_wait3A_174 = tpu.memref_slice %arg2[%dma_wait3A_169, %dma_wait3A_173] : memref<1000000x16xf32, #tpu.memory_space<hbm>> -> memref<1x16xf32, #tpu.memory_space<hbm>>
      %dma_wait3A_175 = tpu.memref_squeeze %dma_wait3A_174 : memref<1x16xf32, #tpu.memory_space<hbm>> -> memref<16xf32, #tpu.memory_space<hbm>>
      %dma_wait3A_176 = arith.constant 0 : i32
      %dma_wait3A_177 = tpu.memref_slice %arg6[%add3A_168, %dma_wait3A_176] : memref<128x128xf32, #tpu.memory_space<vmem>> -> memref<1x16xf32, #tpu.memory_space<vmem>>
      %dma_wait3A_178 = tpu.memref_squeeze %dma_wait3A_177 : memref<1x16xf32, #tpu.memory_space<vmem>> -> memref<16xf32, #tpu.memory_space<vmem>>
      %dma_wait3A_179 = arith.constant 0 : i32
      %dma_wait3A_180 = tpu.memref_slice %arg2[%dma_wait3A_169, %dma_wait3A_179] : memref<1000000x16xf32, #tpu.memory_space<hbm>> -> memref<1x16xf32, #tpu.memory_space<hbm>>
      %dma_wait3A_181 = tpu.memref_squeeze %dma_wait3A_180 : memref<1x16xf32, #tpu.memory_space<hbm>> -> memref<16xf32, #tpu.memory_space<hbm>>
      tpu.wait_dma2 semaphore(%arg8 : memref<!tpu.dma_semaphore, #tpu.memory_space<semaphore_mem>>) src(%dma_wait3A_181 : memref<16xf32, #tpu.memory_space<hbm>>) dst(%dma_wait3A_178 : memref<16xf32, #tpu.memory_space<vmem>>)
    }
    %scan3A_113 = arith.constant 128 : i32
    %add3A_114 = arith.constant 640 : i32
    %add3A_115 = arith.addi %mul3A_2, %add3A_114 : i32
    %dma_start3A_116 = arith.constant 0 : i32
    %dma_start3A_117 = tpu.memref_slice %arg4[%add3A_115, %dma_start3A_116] : memref<32768x128xf32, #tpu.memory_space<hbm>> -> memref<128x128xf32, #tpu.memory_space<hbm>>
    %dma_start3A_118 = arith.constant 0 : i32
    %dma_start3A_119 = tpu.memref_slice %arg4[%add3A_115, %dma_start3A_118] : memref<32768x128xf32, #tpu.memory_space<hbm>> -> memref<128x128xf32, #tpu.memory_space<hbm>>
    tpu.enqueue_dma source(%arg6 : memref<128x128xf32, #tpu.memory_space<vmem>>) target(%dma_start3A_119 : memref<128x128xf32, #tpu.memory_space<hbm>>) target_semaphore(%arg7 : memref<!tpu.dma_semaphore, #tpu.memory_space<semaphore_mem>>)
    %dma_wait3A_120 = arith.constant 0 : i32
    %dma_wait3A_121 = tpu.memref_slice %arg4[%add3A_115, %dma_wait3A_120] : memref<32768x128xf32, #tpu.memory_space<hbm>> -> memref<128x128xf32, #tpu.memory_space<hbm>>
    %dma_wait3A_122 = arith.constant 0 : i32
    %dma_wait3A_123 = tpu.memref_slice %arg4[%add3A_115, %dma_wait3A_122] : memref<32768x128xf32, #tpu.memory_space<hbm>> -> memref<128x128xf32, #tpu.memory_space<hbm>>
    tpu.wait_dma2 semaphore(%arg7 : memref<!tpu.dma_semaphore, #tpu.memory_space<semaphore_mem>>) src(%arg6 : memref<128x128xf32, #tpu.memory_space<vmem>>) dst(%dma_wait3A_123 : memref<128x128xf32, #tpu.memory_space<hbm>>)
    %scan3A_124 = arith.constant 0 : i32
    %scan3A_125 = arith.constant 8 : i32
    %scan3A_126 = arith.addi %scan3A_124, %scan3A_125 : i32
    %scan3A_127 = arith.constant 1 : i32
    scf.for %scan3A_164 = %scan3A_124 to %scan3A_126 step %scan3A_127  : i32 {
      %mul3A_165 = arith.constant 1 : i32
      %mul3A_166 = arith.muli %scan3A_164, %mul3A_165 : i32
      %add3A_167 = arith.constant 0 : i32
      %add3A_168 = arith.addi %add3A_167, %mul3A_166 : i32
      %mul3A_169 = arith.constant 16 : i32
      %mul3A_170 = arith.muli %add3A_168, %mul3A_169 : i32
      %add3A_171 = arith.constant 768 : i32
      %add3A_172 = arith.addi %add3A_171, %mul3A_170 : i32
      %get3A = arith.index_cast %add3A_172 : i32 to index
      %get3A_173 = tpu.vector_load %arg5[%get3A] {strides = array<i32>} : memref<1024xi32, #tpu.memory_space<vmem>>, vector<16xi32>,
      %get3A_174 = vector.shape_cast %get3A_173 : vector<16xi32> to vector<16xi32>
      %slice3A = vector.extract_strided_slice %get3A_174 {offsets = [0], sizes = [1], strides = [1]} : vector<16xi32> to vector<1xi32>
      %squeeze3A = vector.extract %slice3A[0] : i32 from vector<1xi32>
      %mul3A_175 = arith.constant 16 : i32
      %mul3A_176 = arith.muli %add3A_168, %mul3A_175 : i32
      %add3A_177 = arith.constant 0 : i32
      %add3A_178 = arith.addi %mul3A_176, %add3A_177 : i32
      %dma_start3A_179 = arith.constant 0 : i32
      %dma_start3A_180 = tpu.memref_slice %arg6[%add3A_178, %dma_start3A_179] : memref<128x128xf32, #tpu.memory_space<vmem>> -> memref<1x16xf32, #tpu.memory_space<vmem>>
      %dma_start3A_181 = tpu.memref_squeeze %dma_start3A_180 : memref<1x16xf32, #tpu.memory_space<vmem>> -> memref<16xf32, #tpu.memory_space<vmem>>
      %dma_start3A_182 = arith.constant 0 : i32
      %dma_start3A_183 = tpu.memref_slice %arg2[%squeeze3A, %dma_start3A_182] : memref<1000000x16xf32, #tpu.memory_space<hbm>> -> memref<1x16xf32, #tpu.memory_space<hbm>>
      %dma_start3A_184 = tpu.memref_squeeze %dma_start3A_183 : memref<1x16xf32, #tpu.memory_space<hbm>> -> memref<16xf32, #tpu.memory_space<hbm>>
      %dma_start3A_185 = arith.constant 0 : i32
      %dma_start3A_186 = tpu.memref_slice %arg6[%add3A_178, %dma_start3A_185] : memref<128x128xf32, #tpu.memory_space<vmem>> -> memref<1x16xf32, #tpu.memory_space<vmem>>
      %dma_start3A_187 = tpu.memref_squeeze %dma_start3A_186 : memref<1x16xf32, #tpu.memory_space<vmem>> -> memref<16xf32, #tpu.memory_space<vmem>>
      %dma_start3A_188 = arith.constant 0 : i32
      %dma_start3A_189 = tpu.memref_slice %arg2[%squeeze3A, %dma_start3A_188] : memref<1000000x16xf32, #tpu.memory_space<hbm>> -> memref<1x16xf32, #tpu.memory_space<hbm>>
      %dma_start3A_190 = tpu.memref_squeeze %dma_start3A_189 : memref<1x16xf32, #tpu.memory_space<hbm>> -> memref<16xf32, #tpu.memory_space<hbm>>
      tpu.enqueue_dma source(%dma_start3A_190 : memref<16xf32, #tpu.memory_space<hbm>>) target(%dma_start3A_187 : memref<16xf32, #tpu.memory_space<vmem>>) target_semaphore(%arg8 : memref<!tpu.dma_semaphore, #tpu.memory_space<semaphore_mem>>)
      %slice3A_191 = vector.extract_strided_slice %get3A_174 {offsets = [1], sizes = [1], strides = [1]} : vector<16xi32> to vector<1xi32>
      %squeeze3A_192 = vector.extract %slice3A_191[0] : i32 from vector<1xi32>
      %mul3A_193 = arith.constant 16 : i32
      %mul3A_194 = arith.muli %add3A_168, %mul3A_193 : i32
      %add3A_195 = arith.constant 1 : i32
      %add3A_196 = arith.addi %mul3A_194, %add3A_195 : i32
      %dma_start3A_197 = arith.constant 0 : i32
      %dma_start3A_198 = tpu.memref_slice %arg6[%add3A_196, %dma_start3A_197] : memref<128x128xf32, #tpu.memory_space<vmem>> -> memref<1x16xf32, #tpu.memory_space<vmem>>
      %dma_start3A_199 = tpu.memref_squeeze %dma_start3A_198 : memref<1x16xf32, #tpu.memory_space<vmem>> -> memref<16xf32, #tpu.memory_space<vmem>>
      %dma_start3A_200 = arith.constant 0 : i32
      %dma_start3A_201 = tpu.memref_slice %arg2[%squeeze3A_192, %dma_start3A_200] : memref<1000000x16xf32, #tpu.memory_space<hbm>> -> memref<1x16xf32, #tpu.memory_space<hbm>>
      %dma_start3A_202 = tpu.memref_squeeze %dma_start3A_201 : memref<1x16xf32, #tpu.memory_space<hbm>> -> memref<16xf32, #tpu.memory_space<hbm>>
      %dma_start3A_203 = arith.constant 0 : i32
      %dma_start3A_204 = tpu.memref_slice %arg6[%add3A_196, %dma_start3A_203] : memref<128x128xf32, #tpu.memory_space<vmem>> -> memref<1x16xf32, #tpu.memory_space<vmem>>
      %dma_start3A_205 = tpu.memref_squeeze %dma_start3A_204 : memref<1x16xf32, #tpu.memory_space<vmem>> -> memref<16xf32, #tpu.memory_space<vmem>>
      %dma_start3A_206 = arith.constant 0 : i32
      %dma_start3A_207 = tpu.memref_slice %arg2[%squeeze3A_192, %dma_start3A_206] : memref<1000000x16xf32, #tpu.memory_space<hbm>> -> memref<1x16xf32, #tpu.memory_space<hbm>>
      %dma_start3A_208 = tpu.memref_squeeze %dma_start3A_207 : memref<1x16xf32, #tpu.memory_space<hbm>> -> memref<16xf32, #tpu.memory_space<hbm>>
      tpu.enqueue_dma source(%dma_start3A_208 : memref<16xf32, #tpu.memory_space<hbm>>) target(%dma_start3A_205 : memref<16xf32, #tpu.memory_space<vmem>>) target_semaphore(%arg8 : memref<!tpu.dma_semaphore, #tpu.memory_space<semaphore_mem>>)
      %slice3A_209 = vector.extract_strided_slice %get3A_174 {offsets = [2], sizes = [1], strides = [1]} : vector<16xi32> to vector<1xi32>
      %squeeze3A_210 = vector.extract %slice3A_209[0] : i32 from vector<1xi32>
      %mul3A_211 = arith.constant 16 : i32
      %mul3A_212 = arith.muli %add3A_168, %mul3A_211 : i32
      %add3A_213 = arith.constant 2 : i32
      %add3A_214 = arith.addi %mul3A_212, %add3A_213 : i32
      %dma_start3A_215 = arith.constant 0 : i32
      %dma_start3A_216 = tpu.memref_slice %arg6[%add3A_214, %dma_start3A_215] : memref<128x128xf32, #tpu.memory_space<vmem>> -> memref<1x16xf32, #tpu.memory_space<vmem>>
      %dma_start3A_217 = tpu.memref_squeeze %dma_start3A_216 : memref<1x16xf32, #tpu.memory_space<vmem>> -> memref<16xf32, #tpu.memory_space<vmem>>
      %dma_start3A_218 = arith.constant 0 : i32
      %dma_start3A_219 = tpu.memref_slice %arg2[%squeeze3A_210, %dma_start3A_218] : memref<1000000x16xf32, #tpu.memory_space<hbm>> -> memref<1x16xf32, #tpu.memory_space<hbm>>
      %dma_start3A_220 = tpu.memref_squeeze %dma_start3A_219 : memref<1x16xf32, #tpu.memory_space<hbm>> -> memref<16xf32, #tpu.memory_space<hbm>>
      %dma_start3A_221 = arith.constant 0 : i32
      %dma_start3A_222 = tpu.memref_slice %arg6[%add3A_214, %dma_start3A_221] : memref<128x128xf32, #tpu.memory_space<vmem>> -> memref<1x16xf32, #tpu.memory_space<vmem>>
      %dma_start3A_223 = tpu.memref_squeeze %dma_start3A_222 : memref<1x16xf32, #tpu.memory_space<vmem>> -> memref<16xf32, #tpu.memory_space<vmem>>
      %dma_start3A_224 = arith.constant 0 : i32
      %dma_start3A_225 = tpu.memref_slice %arg2[%squeeze3A_210, %dma_start3A_224] : memref<1000000x16xf32, #tpu.memory_space<hbm>> -> memref<1x16xf32, #tpu.memory_space<hbm>>
      %dma_start3A_226 = tpu.memref_squeeze %dma_start3A_225 : memref<1x16xf32, #tpu.memory_space<hbm>> -> memref<16xf32, #tpu.memory_space<hbm>>
      tpu.enqueue_dma source(%dma_start3A_226 : memref<16xf32, #tpu.memory_space<hbm>>) target(%dma_start3A_223 : memref<16xf32, #tpu.memory_space<vmem>>) target_semaphore(%arg8 : memref<!tpu.dma_semaphore, #tpu.memory_space<semaphore_mem>>)
      %slice3A_227 = vector.extract_strided_slice %get3A_174 {offsets = [3], sizes = [1], strides = [1]} : vector<16xi32> to vector<1xi32>
      %squeeze3A_228 = vector.extract %slice3A_227[0] : i32 from vector<1xi32>
      %mul3A_229 = arith.constant 16 : i32
      %mul3A_230 = arith.muli %add3A_168, %mul3A_229 : i32
      %add3A_231 = arith.constant 3 : i32
      %add3A_232 = arith.addi %mul3A_230, %add3A_231 : i32
      %dma_start3A_233 = arith.constant 0 : i32
      %dma_start3A_234 = tpu.memref_slice %arg6[%add3A_232, %dma_start3A_233] : memref<128x128xf32, #tpu.memory_space<vmem>> -> memref<1x16xf32, #tpu.memory_space<vmem>>
      %dma_start3A_235 = tpu.memref_squeeze %dma_start3A_234 : memref<1x16xf32, #tpu.memory_space<vmem>> -> memref<16xf32, #tpu.memory_space<vmem>>
      %dma_start3A_236 = arith.constant 0 : i32
      %dma_start3A_237 = tpu.memref_slice %arg2[%squeeze3A_228, %dma_start3A_236] : memref<1000000x16xf32, #tpu.memory_space<hbm>> -> memref<1x16xf32, #tpu.memory_space<hbm>>
      %dma_start3A_238 = tpu.memref_squeeze %dma_start3A_237 : memref<1x16xf32, #tpu.memory_space<hbm>> -> memref<16xf32, #tpu.memory_space<hbm>>
      %dma_start3A_239 = arith.constant 0 : i32
      %dma_start3A_240 = tpu.memref_slice %arg6[%add3A_232, %dma_start3A_239] : memref<128x128xf32, #tpu.memory_space<vmem>> -> memref<1x16xf32, #tpu.memory_space<vmem>>
      %dma_start3A_241 = tpu.memref_squeeze %dma_start3A_240 : memref<1x16xf32, #tpu.memory_space<vmem>> -> memref<16xf32, #tpu.memory_space<vmem>>
      %dma_start3A_242 = arith.constant 0 : i32
      %dma_start3A_243 = tpu.memref_slice %arg2[%squeeze3A_228, %dma_start3A_242] : memref<1000000x16xf32, #tpu.memory_space<hbm>> -> memref<1x16xf32, #tpu.memory_space<hbm>>
      %dma_start3A_244 = tpu.memref_squeeze %dma_start3A_243 : memref<1x16xf32, #tpu.memory_space<hbm>> -> memref<16xf32, #tpu.memory_space<hbm>>
      tpu.enqueue_dma source(%dma_start3A_244 : memref<16xf32, #tpu.memory_space<hbm>>) target(%dma_start3A_241 : memref<16xf32, #tpu.memory_space<vmem>>) target_semaphore(%arg8 : memref<!tpu.dma_semaphore, #tpu.memory_space<semaphore_mem>>)
      %slice3A_245 = vector.extract_strided_slice %get3A_174 {offsets = [4], sizes = [1], strides = [1]} : vector<16xi32> to vector<1xi32>
      %squeeze3A_246 = vector.extract %slice3A_245[0] : i32 from vector<1xi32>
      %mul3A_247 = arith.constant 16 : i32
      %mul3A_248 = arith.muli %add3A_168, %mul3A_247 : i32
      %add3A_249 = arith.constant 4 : i32
      %add3A_250 = arith.addi %mul3A_248, %add3A_249 : i32
      %dma_start3A_251 = arith.constant 0 : i32
      %dma_start3A_252 = tpu.memref_slice %arg6[%add3A_250, %dma_start3A_251] : memref<128x128xf32, #tpu.memory_space<vmem>> -> memref<1x16xf32, #tpu.memory_space<vmem>>
      %dma_start3A_253 = tpu.memref_squeeze %dma_start3A_252 : memref<1x16xf32, #tpu.memory_space<vmem>> -> memref<16xf32, #tpu.memory_space<vmem>>
      %dma_start3A_254 = arith.constant 0 : i32
      %dma_start3A_255 = tpu.memref_slice %arg2[%squeeze3A_246, %dma_start3A_254] : memref<1000000x16xf32, #tpu.memory_space<hbm>> -> memref<1x16xf32, #tpu.memory_space<hbm>>
      %dma_start3A_256 = tpu.memref_squeeze %dma_start3A_255 : memref<1x16xf32, #tpu.memory_space<hbm>> -> memref<16xf32, #tpu.memory_space<hbm>>
      %dma_start3A_257 = arith.constant 0 : i32
      %dma_start3A_258 = tpu.memref_slice %arg6[%add3A_250, %dma_start3A_257] : memref<128x128xf32, #tpu.memory_space<vmem>> -> memref<1x16xf32, #tpu.memory_space<vmem>>
      %dma_start3A_259 = tpu.memref_squeeze %dma_start3A_258 : memref<1x16xf32, #tpu.memory_space<vmem>> -> memref<16xf32, #tpu.memory_space<vmem>>
      %dma_start3A_260 = arith.constant 0 : i32
      %dma_start3A_261 = tpu.memref_slice %arg2[%squeeze3A_246, %dma_start3A_260] : memref<1000000x16xf32, #tpu.memory_space<hbm>> -> memref<1x16xf32, #tpu.memory_space<hbm>>
      %dma_start3A_262 = tpu.memref_squeeze %dma_start3A_261 : memref<1x16xf32, #tpu.memory_space<hbm>> -> memref<16xf32, #tpu.memory_space<hbm>>
      tpu.enqueue_dma source(%dma_start3A_262 : memref<16xf32, #tpu.memory_space<hbm>>) target(%dma_start3A_259 : memref<16xf32, #tpu.memory_space<vmem>>) target_semaphore(%arg8 : memref<!tpu.dma_semaphore, #tpu.memory_space<semaphore_mem>>)
      %slice3A_263 = vector.extract_strided_slice %get3A_174 {offsets = [5], sizes = [1], strides = [1]} : vector<16xi32> to vector<1xi32>
      %squeeze3A_264 = vector.extract %slice3A_263[0] : i32 from vector<1xi32>
      %mul3A_265 = arith.constant 16 : i32
      %mul3A_266 = arith.muli %add3A_168, %mul3A_265 : i32
      %add3A_267 = arith.constant 5 : i32
      %add3A_268 = arith.addi %mul3A_266, %add3A_267 : i32
      %dma_start3A_269 = arith.constant 0 : i32
      %dma_start3A_270 = tpu.memref_slice %arg6[%add3A_268, %dma_start3A_269] : memref<128x128xf32, #tpu.memory_space<vmem>> -> memref<1x16xf32, #tpu.memory_space<vmem>>
      %dma_start3A_271 = tpu.memref_squeeze %dma_start3A_270 : memref<1x16xf32, #tpu.memory_space<vmem>> -> memref<16xf32, #tpu.memory_space<vmem>>
      %dma_start3A_272 = arith.constant 0 : i32
      %dma_start3A_273 = tpu.memref_slice %arg2[%squeeze3A_264, %dma_start3A_272] : memref<1000000x16xf32, #tpu.memory_space<hbm>> -> memref<1x16xf32, #tpu.memory_space<hbm>>
      %dma_start3A_274 = tpu.memref_squeeze %dma_start3A_273 : memref<1x16xf32, #tpu.memory_space<hbm>> -> memref<16xf32, #tpu.memory_space<hbm>>
      %dma_start3A_275 = arith.constant 0 : i32
      %dma_start3A_276 = tpu.memref_slice %arg6[%add3A_268, %dma_start3A_275] : memref<128x128xf32, #tpu.memory_space<vmem>> -> memref<1x16xf32, #tpu.memory_space<vmem>>
      %dma_start3A_277 = tpu.memref_squeeze %dma_start3A_276 : memref<1x16xf32, #tpu.memory_space<vmem>> -> memref<16xf32, #tpu.memory_space<vmem>>
      %dma_start3A_278 = arith.constant 0 : i32
      %dma_start3A_279 = tpu.memref_slice %arg2[%squeeze3A_264, %dma_start3A_278] : memref<1000000x16xf32, #tpu.memory_space<hbm>> -> memref<1x16xf32, #tpu.memory_space<hbm>>
      %dma_start3A_280 = tpu.memref_squeeze %dma_start3A_279 : memref<1x16xf32, #tpu.memory_space<hbm>> -> memref<16xf32, #tpu.memory_space<hbm>>
      tpu.enqueue_dma source(%dma_start3A_280 : memref<16xf32, #tpu.memory_space<hbm>>) target(%dma_start3A_277 : memref<16xf32, #tpu.memory_space<vmem>>) target_semaphore(%arg8 : memref<!tpu.dma_semaphore, #tpu.memory_space<semaphore_mem>>)
      %slice3A_281 = vector.extract_strided_slice %get3A_174 {offsets = [6], sizes = [1], strides = [1]} : vector<16xi32> to vector<1xi32>
      %squeeze3A_282 = vector.extract %slice3A_281[0] : i32 from vector<1xi32>
      %mul3A_283 = arith.constant 16 : i32
      %mul3A_284 = arith.muli %add3A_168, %mul3A_283 : i32
      %add3A_285 = arith.constant 6 : i32
      %add3A_286 = arith.addi %mul3A_284, %add3A_285 : i32
      %dma_start3A_287 = arith.constant 0 : i32
      %dma_start3A_288 = tpu.memref_slice %arg6[%add3A_286, %dma_start3A_287] : memref<128x128xf32, #tpu.memory_space<vmem>> -> memref<1x16xf32, #tpu.memory_space<vmem>>
      %dma_start3A_289 = tpu.memref_squeeze %dma_start3A_288 : memref<1x16xf32, #tpu.memory_space<vmem>> -> memref<16xf32, #tpu.memory_space<vmem>>
      %dma_start3A_290 = arith.constant 0 : i32
      %dma_start3A_291 = tpu.memref_slice %arg2[%squeeze3A_282, %dma_start3A_290] : memref<1000000x16xf32, #tpu.memory_space<hbm>> -> memref<1x16xf32, #tpu.memory_space<hbm>>
      %dma_start3A_292 = tpu.memref_squeeze %dma_start3A_291 : memref<1x16xf32, #tpu.memory_space<hbm>> -> memref<16xf32, #tpu.memory_space<hbm>>
      %dma_start3A_293 = arith.constant 0 : i32
      %dma_start3A_294 = tpu.memref_slice %arg6[%add3A_286, %dma_start3A_293] : memref<128x128xf32, #tpu.memory_space<vmem>> -> memref<1x16xf32, #tpu.memory_space<vmem>>
      %dma_start3A_295 = tpu.memref_squeeze %dma_start3A_294 : memref<1x16xf32, #tpu.memory_space<vmem>> -> memref<16xf32, #tpu.memory_space<vmem>>
      %dma_start3A_296 = arith.constant 0 : i32
      %dma_start3A_297 = tpu.memref_slice %arg2[%squeeze3A_282, %dma_start3A_296] : memref<1000000x16xf32, #tpu.memory_space<hbm>> -> memref<1x16xf32, #tpu.memory_space<hbm>>
      %dma_start3A_298 = tpu.memref_squeeze %dma_start3A_297 : memref<1x16xf32, #tpu.memory_space<hbm>> -> memref<16xf32, #tpu.memory_space<hbm>>
      tpu.enqueue_dma source(%dma_start3A_298 : memref<16xf32, #tpu.memory_space<hbm>>) target(%dma_start3A_295 : memref<16xf32, #tpu.memory_space<vmem>>) target_semaphore(%arg8 : memref<!tpu.dma_semaphore, #tpu.memory_space<semaphore_mem>>)
      %slice3A_299 = vector.extract_strided_slice %get3A_174 {offsets = [7], sizes = [1], strides = [1]} : vector<16xi32> to vector<1xi32>
      %squeeze3A_300 = vector.extract %slice3A_299[0] : i32 from vector<1xi32>
      %mul3A_301 = arith.constant 16 : i32
      %mul3A_302 = arith.muli %add3A_168, %mul3A_301 : i32
      %add3A_303 = arith.constant 7 : i32
      %add3A_304 = arith.addi %mul3A_302, %add3A_303 : i32
      %dma_start3A_305 = arith.constant 0 : i32
      %dma_start3A_306 = tpu.memref_slice %arg6[%add3A_304, %dma_start3A_305] : memref<128x128xf32, #tpu.memory_space<vmem>> -> memref<1x16xf32, #tpu.memory_space<vmem>>
      %dma_start3A_307 = tpu.memref_squeeze %dma_start3A_306 : memref<1x16xf32, #tpu.memory_space<vmem>> -> memref<16xf32, #tpu.memory_space<vmem>>
      %dma_start3A_308 = arith.constant 0 : i32
      %dma_start3A_309 = tpu.memref_slice %arg2[%squeeze3A_300, %dma_start3A_308] : memref<1000000x16xf32, #tpu.memory_space<hbm>> -> memref<1x16xf32, #tpu.memory_space<hbm>>
      %dma_start3A_310 = tpu.memref_squeeze %dma_start3A_309 : memref<1x16xf32, #tpu.memory_space<hbm>> -> memref<16xf32, #tpu.memory_space<hbm>>
      %dma_start3A_311 = arith.constant 0 : i32
      %dma_start3A_312 = tpu.memref_slice %arg6[%add3A_304, %dma_start3A_311] : memref<128x128xf32, #tpu.memory_space<vmem>> -> memref<1x16xf32, #tpu.memory_space<vmem>>
      %dma_start3A_313 = tpu.memref_squeeze %dma_start3A_312 : memref<1x16xf32, #tpu.memory_space<vmem>> -> memref<16xf32, #tpu.memory_space<vmem>>
      %dma_start3A_314 = arith.constant 0 : i32
      %dma_start3A_315 = tpu.memref_slice %arg2[%squeeze3A_300, %dma_start3A_314] : memref<1000000x16xf32, #tpu.memory_space<hbm>> -> memref<1x16xf32, #tpu.memory_space<hbm>>
      %dma_start3A_316 = tpu.memref_squeeze %dma_start3A_315 : memref<1x16xf32, #tpu.memory_space<hbm>> -> memref<16xf32, #tpu.memory_space<hbm>>
      tpu.enqueue_dma source(%dma_start3A_316 : memref<16xf32, #tpu.memory_space<hbm>>) target(%dma_start3A_313 : memref<16xf32, #tpu.memory_space<vmem>>) target_semaphore(%arg8 : memref<!tpu.dma_semaphore, #tpu.memory_space<semaphore_mem>>)
      %slice3A_317 = vector.extract_strided_slice %get3A_174 {offsets = [8], sizes = [1], strides = [1]} : vector<16xi32> to vector<1xi32>
      %squeeze3A_318 = vector.extract %slice3A_317[0] : i32 from vector<1xi32>
      %mul3A_319 = arith.constant 16 : i32
      %mul3A_320 = arith.muli %add3A_168, %mul3A_319 : i32
      %add3A_321 = arith.constant 8 : i32
      %add3A_322 = arith.addi %mul3A_320, %add3A_321 : i32
      %dma_start3A_323 = arith.constant 0 : i32
      %dma_start3A_324 = tpu.memref_slice %arg6[%add3A_322, %dma_start3A_323] : memref<128x128xf32, #tpu.memory_space<vmem>> -> memref<1x16xf32, #tpu.memory_space<vmem>>
      %dma_start3A_325 = tpu.memref_squeeze %dma_start3A_324 : memref<1x16xf32, #tpu.memory_space<vmem>> -> memref<16xf32, #tpu.memory_space<vmem>>
      %dma_start3A_326 = arith.constant 0 : i32
      %dma_start3A_327 = tpu.memref_slice %arg2[%squeeze3A_318, %dma_start3A_326] : memref<1000000x16xf32, #tpu.memory_space<hbm>> -> memref<1x16xf32, #tpu.memory_space<hbm>>
      %dma_start3A_328 = tpu.memref_squeeze %dma_start3A_327 : memref<1x16xf32, #tpu.memory_space<hbm>> -> memref<16xf32, #tpu.memory_space<hbm>>
      %dma_start3A_329 = arith.constant 0 : i32
      %dma_start3A_330 = tpu.memref_slice %arg6[%add3A_322, %dma_start3A_329] : memref<128x128xf32, #tpu.memory_space<vmem>> -> memref<1x16xf32, #tpu.memory_space<vmem>>
      %dma_start3A_331 = tpu.memref_squeeze %dma_start3A_330 : memref<1x16xf32, #tpu.memory_space<vmem>> -> memref<16xf32, #tpu.memory_space<vmem>>
      %dma_start3A_332 = arith.constant 0 : i32
      %dma_start3A_333 = tpu.memref_slice %arg2[%squeeze3A_318, %dma_start3A_332] : memref<1000000x16xf32, #tpu.memory_space<hbm>> -> memref<1x16xf32, #tpu.memory_space<hbm>>
      %dma_start3A_334 = tpu.memref_squeeze %dma_start3A_333 : memref<1x16xf32, #tpu.memory_space<hbm>> -> memref<16xf32, #tpu.memory_space<hbm>>
      tpu.enqueue_dma source(%dma_start3A_334 : memref<16xf32, #tpu.memory_space<hbm>>) target(%dma_start3A_331 : memref<16xf32, #tpu.memory_space<vmem>>) target_semaphore(%arg8 : memref<!tpu.dma_semaphore, #tpu.memory_space<semaphore_mem>>)
      %slice3A_335 = vector.extract_strided_slice %get3A_174 {offsets = [9], sizes = [1], strides = [1]} : vector<16xi32> to vector<1xi32>
      %squeeze3A_336 = vector.extract %slice3A_335[0] : i32 from vector<1xi32>
      %mul3A_337 = arith.constant 16 : i32
      %mul3A_338 = arith.muli %add3A_168, %mul3A_337 : i32
      %add3A_339 = arith.constant 9 : i32
      %add3A_340 = arith.addi %mul3A_338, %add3A_339 : i32
      %dma_start3A_341 = arith.constant 0 : i32
      %dma_start3A_342 = tpu.memref_slice %arg6[%add3A_340, %dma_start3A_341] : memref<128x128xf32, #tpu.memory_space<vmem>> -> memref<1x16xf32, #tpu.memory_space<vmem>>
      %dma_start3A_343 = tpu.memref_squeeze %dma_start3A_342 : memref<1x16xf32, #tpu.memory_space<vmem>> -> memref<16xf32, #tpu.memory_space<vmem>>
      %dma_start3A_344 = arith.constant 0 : i32
      %dma_start3A_345 = tpu.memref_slice %arg2[%squeeze3A_336, %dma_start3A_344] : memref<1000000x16xf32, #tpu.memory_space<hbm>> -> memref<1x16xf32, #tpu.memory_space<hbm>>
      %dma_start3A_346 = tpu.memref_squeeze %dma_start3A_345 : memref<1x16xf32, #tpu.memory_space<hbm>> -> memref<16xf32, #tpu.memory_space<hbm>>
      %dma_start3A_347 = arith.constant 0 : i32
      %dma_start3A_348 = tpu.memref_slice %arg6[%add3A_340, %dma_start3A_347] : memref<128x128xf32, #tpu.memory_space<vmem>> -> memref<1x16xf32, #tpu.memory_space<vmem>>
      %dma_start3A_349 = tpu.memref_squeeze %dma_start3A_348 : memref<1x16xf32, #tpu.memory_space<vmem>> -> memref<16xf32, #tpu.memory_space<vmem>>
      %dma_start3A_350 = arith.constant 0 : i32
      %dma_start3A_351 = tpu.memref_slice %arg2[%squeeze3A_336, %dma_start3A_350] : memref<1000000x16xf32, #tpu.memory_space<hbm>> -> memref<1x16xf32, #tpu.memory_space<hbm>>
      %dma_start3A_352 = tpu.memref_squeeze %dma_start3A_351 : memref<1x16xf32, #tpu.memory_space<hbm>> -> memref<16xf32, #tpu.memory_space<hbm>>
      tpu.enqueue_dma source(%dma_start3A_352 : memref<16xf32, #tpu.memory_space<hbm>>) target(%dma_start3A_349 : memref<16xf32, #tpu.memory_space<vmem>>) target_semaphore(%arg8 : memref<!tpu.dma_semaphore, #tpu.memory_space<semaphore_mem>>)
      %slice3A_353 = vector.extract_strided_slice %get3A_174 {offsets = [10], sizes = [1], strides = [1]} : vector<16xi32> to vector<1xi32>
      %squeeze3A_354 = vector.extract %slice3A_353[0] : i32 from vector<1xi32>
      %mul3A_355 = arith.constant 16 : i32
      %mul3A_356 = arith.muli %add3A_168, %mul3A_355 : i32
      %add3A_357 = arith.constant 10 : i32
      %add3A_358 = arith.addi %mul3A_356, %add3A_357 : i32
      %dma_start3A_359 = arith.constant 0 : i32
      %dma_start3A_360 = tpu.memref_slice %arg6[%add3A_358, %dma_start3A_359] : memref<128x128xf32, #tpu.memory_space<vmem>> -> memref<1x16xf32, #tpu.memory_space<vmem>>
      %dma_start3A_361 = tpu.memref_squeeze %dma_start3A_360 : memref<1x16xf32, #tpu.memory_space<vmem>> -> memref<16xf32, #tpu.memory_space<vmem>>
      %dma_start3A_362 = arith.constant 0 : i32
      %dma_start3A_363 = tpu.memref_slice %arg2[%squeeze3A_354, %dma_start3A_362] : memref<1000000x16xf32, #tpu.memory_space<hbm>> -> memref<1x16xf32, #tpu.memory_space<hbm>>
      %dma_start3A_364 = tpu.memref_squeeze %dma_start3A_363 : memref<1x16xf32, #tpu.memory_space<hbm>> -> memref<16xf32, #tpu.memory_space<hbm>>
      %dma_start3A_365 = arith.constant 0 : i32
      %dma_start3A_366 = tpu.memref_slice %arg6[%add3A_358, %dma_start3A_365] : memref<128x128xf32, #tpu.memory_space<vmem>> -> memref<1x16xf32, #tpu.memory_space<vmem>>
      %dma_start3A_367 = tpu.memref_squeeze %dma_start3A_366 : memref<1x16xf32, #tpu.memory_space<vmem>> -> memref<16xf32, #tpu.memory_space<vmem>>
      %dma_start3A_368 = arith.constant 0 : i32
      %dma_start3A_369 = tpu.memref_slice %arg2[%squeeze3A_354, %dma_start3A_368] : memref<1000000x16xf32, #tpu.memory_space<hbm>> -> memref<1x16xf32, #tpu.memory_space<hbm>>
      %dma_start3A_370 = tpu.memref_squeeze %dma_start3A_369 : memref<1x16xf32, #tpu.memory_space<hbm>> -> memref<16xf32, #tpu.memory_space<hbm>>
      tpu.enqueue_dma source(%dma_start3A_370 : memref<16xf32, #tpu.memory_space<hbm>>) target(%dma_start3A_367 : memref<16xf32, #tpu.memory_space<vmem>>) target_semaphore(%arg8 : memref<!tpu.dma_semaphore, #tpu.memory_space<semaphore_mem>>)
      %slice3A_371 = vector.extract_strided_slice %get3A_174 {offsets = [11], sizes = [1], strides = [1]} : vector<16xi32> to vector<1xi32>
      %squeeze3A_372 = vector.extract %slice3A_371[0] : i32 from vector<1xi32>
      %mul3A_373 = arith.constant 16 : i32
      %mul3A_374 = arith.muli %add3A_168, %mul3A_373 : i32
      %add3A_375 = arith.constant 11 : i32
      %add3A_376 = arith.addi %mul3A_374, %add3A_375 : i32
      %dma_start3A_377 = arith.constant 0 : i32
      %dma_start3A_378 = tpu.memref_slice %arg6[%add3A_376, %dma_start3A_377] : memref<128x128xf32, #tpu.memory_space<vmem>> -> memref<1x16xf32, #tpu.memory_space<vmem>>
      %dma_start3A_379 = tpu.memref_squeeze %dma_start3A_378 : memref<1x16xf32, #tpu.memory_space<vmem>> -> memref<16xf32, #tpu.memory_space<vmem>>
      %dma_start3A_380 = arith.constant 0 : i32
      %dma_start3A_381 = tpu.memref_slice %arg2[%squeeze3A_372, %dma_start3A_380] : memref<1000000x16xf32, #tpu.memory_space<hbm>> -> memref<1x16xf32, #tpu.memory_space<hbm>>
      %dma_start3A_382 = tpu.memref_squeeze %dma_start3A_381 : memref<1x16xf32, #tpu.memory_space<hbm>> -> memref<16xf32, #tpu.memory_space<hbm>>
      %dma_start3A_383 = arith.constant 0 : i32
      %dma_start3A_384 = tpu.memref_slice %arg6[%add3A_376, %dma_start3A_383] : memref<128x128xf32, #tpu.memory_space<vmem>> -> memref<1x16xf32, #tpu.memory_space<vmem>>
      %dma_start3A_385 = tpu.memref_squeeze %dma_start3A_384 : memref<1x16xf32, #tpu.memory_space<vmem>> -> memref<16xf32, #tpu.memory_space<vmem>>
      %dma_start3A_386 = arith.constant 0 : i32
      %dma_start3A_387 = tpu.memref_slice %arg2[%squeeze3A_372, %dma_start3A_386] : memref<1000000x16xf32, #tpu.memory_space<hbm>> -> memref<1x16xf32, #tpu.memory_space<hbm>>
      %dma_start3A_388 = tpu.memref_squeeze %dma_start3A_387 : memref<1x16xf32, #tpu.memory_space<hbm>> -> memref<16xf32, #tpu.memory_space<hbm>>
      tpu.enqueue_dma source(%dma_start3A_388 : memref<16xf32, #tpu.memory_space<hbm>>) target(%dma_start3A_385 : memref<16xf32, #tpu.memory_space<vmem>>) target_semaphore(%arg8 : memref<!tpu.dma_semaphore, #tpu.memory_space<semaphore_mem>>)
      %slice3A_389 = vector.extract_strided_slice %get3A_174 {offsets = [12], sizes = [1], strides = [1]} : vector<16xi32> to vector<1xi32>
      %squeeze3A_390 = vector.extract %slice3A_389[0] : i32 from vector<1xi32>
      %mul3A_391 = arith.constant 16 : i32
      %mul3A_392 = arith.muli %add3A_168, %mul3A_391 : i32
      %add3A_393 = arith.constant 12 : i32
      %add3A_394 = arith.addi %mul3A_392, %add3A_393 : i32
      %dma_start3A_395 = arith.constant 0 : i32
      %dma_start3A_396 = tpu.memref_slice %arg6[%add3A_394, %dma_start3A_395] : memref<128x128xf32, #tpu.memory_space<vmem>> -> memref<1x16xf32, #tpu.memory_space<vmem>>
      %dma_start3A_397 = tpu.memref_squeeze %dma_start3A_396 : memref<1x16xf32, #tpu.memory_space<vmem>> -> memref<16xf32, #tpu.memory_space<vmem>>
      %dma_start3A_398 = arith.constant 0 : i32
      %dma_start3A_399 = tpu.memref_slice %arg2[%squeeze3A_390, %dma_start3A_398] : memref<1000000x16xf32, #tpu.memory_space<hbm>> -> memref<1x16xf32, #tpu.memory_space<hbm>>
      %dma_start3A_400 = tpu.memref_squeeze %dma_start3A_399 : memref<1x16xf32, #tpu.memory_space<hbm>> -> memref<16xf32, #tpu.memory_space<hbm>>
      %dma_start3A_401 = arith.constant 0 : i32
      %dma_start3A_402 = tpu.memref_slice %arg6[%add3A_394, %dma_start3A_401] : memref<128x128xf32, #tpu.memory_space<vmem>> -> memref<1x16xf32, #tpu.memory_space<vmem>>
      %dma_start3A_403 = tpu.memref_squeeze %dma_start3A_402 : memref<1x16xf32, #tpu.memory_space<vmem>> -> memref<16xf32, #tpu.memory_space<vmem>>
      %dma_start3A_404 = arith.constant 0 : i32
      %dma_start3A_405 = tpu.memref_slice %arg2[%squeeze3A_390, %dma_start3A_404] : memref<1000000x16xf32, #tpu.memory_space<hbm>> -> memref<1x16xf32, #tpu.memory_space<hbm>>
      %dma_start3A_406 = tpu.memref_squeeze %dma_start3A_405 : memref<1x16xf32, #tpu.memory_space<hbm>> -> memref<16xf32, #tpu.memory_space<hbm>>
      tpu.enqueue_dma source(%dma_start3A_406 : memref<16xf32, #tpu.memory_space<hbm>>) target(%dma_start3A_403 : memref<16xf32, #tpu.memory_space<vmem>>) target_semaphore(%arg8 : memref<!tpu.dma_semaphore, #tpu.memory_space<semaphore_mem>>)
      %slice3A_407 = vector.extract_strided_slice %get3A_174 {offsets = [13], sizes = [1], strides = [1]} : vector<16xi32> to vector<1xi32>
      %squeeze3A_408 = vector.extract %slice3A_407[0] : i32 from vector<1xi32>
      %mul3A_409 = arith.constant 16 : i32
      %mul3A_410 = arith.muli %add3A_168, %mul3A_409 : i32
      %add3A_411 = arith.constant 13 : i32
      %add3A_412 = arith.addi %mul3A_410, %add3A_411 : i32
      %dma_start3A_413 = arith.constant 0 : i32
      %dma_start3A_414 = tpu.memref_slice %arg6[%add3A_412, %dma_start3A_413] : memref<128x128xf32, #tpu.memory_space<vmem>> -> memref<1x16xf32, #tpu.memory_space<vmem>>
      %dma_start3A_415 = tpu.memref_squeeze %dma_start3A_414 : memref<1x16xf32, #tpu.memory_space<vmem>> -> memref<16xf32, #tpu.memory_space<vmem>>
      %dma_start3A_416 = arith.constant 0 : i32
      %dma_start3A_417 = tpu.memref_slice %arg2[%squeeze3A_408, %dma_start3A_416] : memref<1000000x16xf32, #tpu.memory_space<hbm>> -> memref<1x16xf32, #tpu.memory_space<hbm>>
      %dma_start3A_418 = tpu.memref_squeeze %dma_start3A_417 : memref<1x16xf32, #tpu.memory_space<hbm>> -> memref<16xf32, #tpu.memory_space<hbm>>
      %dma_start3A_419 = arith.constant 0 : i32
      %dma_start3A_420 = tpu.memref_slice %arg6[%add3A_412, %dma_start3A_419] : memref<128x128xf32, #tpu.memory_space<vmem>> -> memref<1x16xf32, #tpu.memory_space<vmem>>
      %dma_start3A_421 = tpu.memref_squeeze %dma_start3A_420 : memref<1x16xf32, #tpu.memory_space<vmem>> -> memref<16xf32, #tpu.memory_space<vmem>>
      %dma_start3A_422 = arith.constant 0 : i32
      %dma_start3A_423 = tpu.memref_slice %arg2[%squeeze3A_408, %dma_start3A_422] : memref<1000000x16xf32, #tpu.memory_space<hbm>> -> memref<1x16xf32, #tpu.memory_space<hbm>>
      %dma_start3A_424 = tpu.memref_squeeze %dma_start3A_423 : memref<1x16xf32, #tpu.memory_space<hbm>> -> memref<16xf32, #tpu.memory_space<hbm>>
      tpu.enqueue_dma source(%dma_start3A_424 : memref<16xf32, #tpu.memory_space<hbm>>) target(%dma_start3A_421 : memref<16xf32, #tpu.memory_space<vmem>>) target_semaphore(%arg8 : memref<!tpu.dma_semaphore, #tpu.memory_space<semaphore_mem>>)
      %slice3A_425 = vector.extract_strided_slice %get3A_174 {offsets = [14], sizes = [1], strides = [1]} : vector<16xi32> to vector<1xi32>
      %squeeze3A_426 = vector.extract %slice3A_425[0] : i32 from vector<1xi32>
      %mul3A_427 = arith.constant 16 : i32
      %mul3A_428 = arith.muli %add3A_168, %mul3A_427 : i32
      %add3A_429 = arith.constant 14 : i32
      %add3A_430 = arith.addi %mul3A_428, %add3A_429 : i32
      %dma_start3A_431 = arith.constant 0 : i32
      %dma_start3A_432 = tpu.memref_slice %arg6[%add3A_430, %dma_start3A_431] : memref<128x128xf32, #tpu.memory_space<vmem>> -> memref<1x16xf32, #tpu.memory_space<vmem>>
      %dma_start3A_433 = tpu.memref_squeeze %dma_start3A_432 : memref<1x16xf32, #tpu.memory_space<vmem>> -> memref<16xf32, #tpu.memory_space<vmem>>
      %dma_start3A_434 = arith.constant 0 : i32
      %dma_start3A_435 = tpu.memref_slice %arg2[%squeeze3A_426, %dma_start3A_434] : memref<1000000x16xf32, #tpu.memory_space<hbm>> -> memref<1x16xf32, #tpu.memory_space<hbm>>
      %dma_start3A_436 = tpu.memref_squeeze %dma_start3A_435 : memref<1x16xf32, #tpu.memory_space<hbm>> -> memref<16xf32, #tpu.memory_space<hbm>>
      %dma_start3A_437 = arith.constant 0 : i32
      %dma_start3A_438 = tpu.memref_slice %arg6[%add3A_430, %dma_start3A_437] : memref<128x128xf32, #tpu.memory_space<vmem>> -> memref<1x16xf32, #tpu.memory_space<vmem>>
      %dma_start3A_439 = tpu.memref_squeeze %dma_start3A_438 : memref<1x16xf32, #tpu.memory_space<vmem>> -> memref<16xf32, #tpu.memory_space<vmem>>
      %dma_start3A_440 = arith.constant 0 : i32
      %dma_start3A_441 = tpu.memref_slice %arg2[%squeeze3A_426, %dma_start3A_440] : memref<1000000x16xf32, #tpu.memory_space<hbm>> -> memref<1x16xf32, #tpu.memory_space<hbm>>
      %dma_start3A_442 = tpu.memref_squeeze %dma_start3A_441 : memref<1x16xf32, #tpu.memory_space<hbm>> -> memref<16xf32, #tpu.memory_space<hbm>>
      tpu.enqueue_dma source(%dma_start3A_442 : memref<16xf32, #tpu.memory_space<hbm>>) target(%dma_start3A_439 : memref<16xf32, #tpu.memory_space<vmem>>) target_semaphore(%arg8 : memref<!tpu.dma_semaphore, #tpu.memory_space<semaphore_mem>>)
      %slice3A_443 = vector.extract_strided_slice %get3A_174 {offsets = [15], sizes = [1], strides = [1]} : vector<16xi32> to vector<1xi32>
      %squeeze3A_444 = vector.extract %slice3A_443[0] : i32 from vector<1xi32>
      %mul3A_445 = arith.constant 16 : i32
      %mul3A_446 = arith.muli %add3A_168, %mul3A_445 : i32
      %add3A_447 = arith.constant 15 : i32
      %add3A_448 = arith.addi %mul3A_446, %add3A_447 : i32
      %dma_start3A_449 = arith.constant 0 : i32
      %dma_start3A_450 = tpu.memref_slice %arg6[%add3A_448, %dma_start3A_449] : memref<128x128xf32, #tpu.memory_space<vmem>> -> memref<1x16xf32, #tpu.memory_space<vmem>>
      %dma_start3A_451 = tpu.memref_squeeze %dma_start3A_450 : memref<1x16xf32, #tpu.memory_space<vmem>> -> memref<16xf32, #tpu.memory_space<vmem>>
      %dma_start3A_452 = arith.constant 0 : i32
      %dma_start3A_453 = tpu.memref_slice %arg2[%squeeze3A_444, %dma_start3A_452] : memref<1000000x16xf32, #tpu.memory_space<hbm>> -> memref<1x16xf32, #tpu.memory_space<hbm>>
      %dma_start3A_454 = tpu.memref_squeeze %dma_start3A_453 : memref<1x16xf32, #tpu.memory_space<hbm>> -> memref<16xf32, #tpu.memory_space<hbm>>
      %dma_start3A_455 = arith.constant 0 : i32
      %dma_start3A_456 = tpu.memref_slice %arg6[%add3A_448, %dma_start3A_455] : memref<128x128xf32, #tpu.memory_space<vmem>> -> memref<1x16xf32, #tpu.memory_space<vmem>>
      %dma_start3A_457 = tpu.memref_squeeze %dma_start3A_456 : memref<1x16xf32, #tpu.memory_space<vmem>> -> memref<16xf32, #tpu.memory_space<vmem>>
      %dma_start3A_458 = arith.constant 0 : i32
      %dma_start3A_459 = tpu.memref_slice %arg2[%squeeze3A_444, %dma_start3A_458] : memref<1000000x16xf32, #tpu.memory_space<hbm>> -> memref<1x16xf32, #tpu.memory_space<hbm>>
      %dma_start3A_460 = tpu.memref_squeeze %dma_start3A_459 : memref<1x16xf32, #tpu.memory_space<hbm>> -> memref<16xf32, #tpu.memory_space<hbm>>
      tpu.enqueue_dma source(%dma_start3A_460 : memref<16xf32, #tpu.memory_space<hbm>>) target(%dma_start3A_457 : memref<16xf32, #tpu.memory_space<vmem>>) target_semaphore(%arg8 : memref<!tpu.dma_semaphore, #tpu.memory_space<semaphore_mem>>)
    }
    %scan3A_128 = arith.constant 8 : i32
    %scan3A_129 = arith.constant 0 : i32
    %scan3A_130 = arith.constant 128 : i32
    %scan3A_131 = arith.addi %scan3A_129, %scan3A_130 : i32
    %scan3A_132 = arith.constant 1 : i32
    scf.for %scan3A_164 = %scan3A_129 to %scan3A_131 step %scan3A_132  : i32 {
      %mul3A_165 = arith.constant 1 : i32
      %mul3A_166 = arith.muli %scan3A_164, %mul3A_165 : i32
      %add3A_167 = arith.constant 0 : i32
      %add3A_168 = arith.addi %add3A_167, %mul3A_166 : i32
      %dma_wait3A_169 = arith.constant 0 : i32
      %dma_wait3A_170 = arith.constant 0 : i32
      %dma_wait3A_171 = tpu.memref_slice %arg6[%add3A_168, %dma_wait3A_170] : memref<128x128xf32, #tpu.memory_space<vmem>> -> memref<1x16xf32, #tpu.memory_space<vmem>>
      %dma_wait3A_172 = tpu.memref_squeeze %dma_wait3A_171 : memref<1x16xf32, #tpu.memory_space<vmem>> -> memref<16xf32, #tpu.memory_space<vmem>>
      %dma_wait3A_173 = arith.constant 0 : i32
      %dma_wait3A_174 = tpu.memref_slice %arg2[%dma_wait3A_169, %dma_wait3A_173] : memref<1000000x16xf32, #tpu.memory_space<hbm>> -> memref<1x16xf32, #tpu.memory_space<hbm>>
      %dma_wait3A_175 = tpu.memref_squeeze %dma_wait3A_174 : memref<1x16xf32, #tpu.memory_space<hbm>> -> memref<16xf32, #tpu.memory_space<hbm>>
      %dma_wait3A_176 = arith.constant 0 : i32
      %dma_wait3A_177 = tpu.memref_slice %arg6[%add3A_168, %dma_wait3A_176] : memref<128x128xf32, #tpu.memory_space<vmem>> -> memref<1x16xf32, #tpu.memory_space<vmem>>
      %dma_wait3A_178 = tpu.memref_squeeze %dma_wait3A_177 : memref<1x16xf32, #tpu.memory_space<vmem>> -> memref<16xf32, #tpu.memory_space<vmem>>
      %dma_wait3A_179 = arith.constant 0 : i32
      %dma_wait3A_180 = tpu.memref_slice %arg2[%dma_wait3A_169, %dma_wait3A_179] : memref<1000000x16xf32, #tpu.memory_space<hbm>> -> memref<1x16xf32, #tpu.memory_space<hbm>>
      %dma_wait3A_181 = tpu.memref_squeeze %dma_wait3A_180 : memref<1x16xf32, #tpu.memory_space<hbm>> -> memref<16xf32, #tpu.memory_space<hbm>>
      tpu.wait_dma2 semaphore(%arg8 : memref<!tpu.dma_semaphore, #tpu.memory_space<semaphore_mem>>) src(%dma_wait3A_181 : memref<16xf32, #tpu.memory_space<hbm>>) dst(%dma_wait3A_178 : memref<16xf32, #tpu.memory_space<vmem>>)
    }
    %scan3A_133 = arith.constant 128 : i32
    %add3A_134 = arith.constant 768 : i32
    %add3A_135 = arith.addi %mul3A_2, %add3A_134 : i32
    %dma_start3A_136 = arith.constant 0 : i32
    %dma_start3A_137 = tpu.memref_slice %arg4[%add3A_135, %dma_start3A_136] : memref<32768x128xf32, #tpu.memory_space<hbm>> -> memref<128x128xf32, #tpu.memory_space<hbm>>
    %dma_start3A_138 = arith.constant 0 : i32
    %dma_start3A_139 = tpu.memref_slice %arg4[%add3A_135, %dma_start3A_138] : memref<32768x128xf32, #tpu.memory_space<hbm>> -> memref<128x128xf32, #tpu.memory_space<hbm>>
    tpu.enqueue_dma source(%arg6 : memref<128x128xf32, #tpu.memory_space<vmem>>) target(%dma_start3A_139 : memref<128x128xf32, #tpu.memory_space<hbm>>) target_semaphore(%arg7 : memref<!tpu.dma_semaphore, #tpu.memory_space<semaphore_mem>>)
    %dma_wait3A_140 = arith.constant 0 : i32
    %dma_wait3A_141 = tpu.memref_slice %arg4[%add3A_135, %dma_wait3A_140] : memref<32768x128xf32, #tpu.memory_space<hbm>> -> memref<128x128xf32, #tpu.memory_space<hbm>>
    %dma_wait3A_142 = arith.constant 0 : i32
    %dma_wait3A_143 = tpu.memref_slice %arg4[%add3A_135, %dma_wait3A_142] : memref<32768x128xf32, #tpu.memory_space<hbm>> -> memref<128x128xf32, #tpu.memory_space<hbm>>
    tpu.wait_dma2 semaphore(%arg7 : memref<!tpu.dma_semaphore, #tpu.memory_space<semaphore_mem>>) src(%arg6 : memref<128x128xf32, #tpu.memory_space<vmem>>) dst(%dma_wait3A_143 : memref<128x128xf32, #tpu.memory_space<hbm>>)
    %scan3A_144 = arith.constant 0 : i32
    %scan3A_145 = arith.constant 8 : i32
    %scan3A_146 = arith.addi %scan3A_144, %scan3A_145 : i32
    %scan3A_147 = arith.constant 1 : i32
    scf.for %scan3A_164 = %scan3A_144 to %scan3A_146 step %scan3A_147  : i32 {
      %mul3A_165 = arith.constant 1 : i32
      %mul3A_166 = arith.muli %scan3A_164, %mul3A_165 : i32
      %add3A_167 = arith.constant 0 : i32
      %add3A_168 = arith.addi %add3A_167, %mul3A_166 : i32
      %mul3A_169 = arith.constant 16 : i32
      %mul3A_170 = arith.muli %add3A_168, %mul3A_169 : i32
      %add3A_171 = arith.constant 896 : i32
      %add3A_172 = arith.addi %add3A_171, %mul3A_170 : i32
      %get3A = arith.index_cast %add3A_172 : i32 to index
      %get3A_173 = tpu.vector_load %arg5[%get3A] {strides = array<i32>} : memref<1024xi32, #tpu.memory_space<vmem>>, vector<16xi32>,
      %get3A_174 = vector.shape_cast %get3A_173 : vector<16xi32> to vector<16xi32>
      %slice3A = vector.extract_strided_slice %get3A_174 {offsets = [0], sizes = [1], strides = [1]} : vector<16xi32> to vector<1xi32>
      %squeeze3A = vector.extract %slice3A[0] : i32 from vector<1xi32>
      %mul3A_175 = arith.constant 16 : i32
      %mul3A_176 = arith.muli %add3A_168, %mul3A_175 : i32
      %add3A_177 = arith.constant 0 : i32
      %add3A_178 = arith.addi %mul3A_176, %add3A_177 : i32
      %dma_start3A_179 = arith.constant 0 : i32
      %dma_start3A_180 = tpu.memref_slice %arg6[%add3A_178, %dma_start3A_179] : memref<128x128xf32, #tpu.memory_space<vmem>> -> memref<1x16xf32, #tpu.memory_space<vmem>>
      %dma_start3A_181 = tpu.memref_squeeze %dma_start3A_180 : memref<1x16xf32, #tpu.memory_space<vmem>> -> memref<16xf32, #tpu.memory_space<vmem>>
      %dma_start3A_182 = arith.constant 0 : i32
      %dma_start3A_183 = tpu.memref_slice %arg2[%squeeze3A, %dma_start3A_182] : memref<1000000x16xf32, #tpu.memory_space<hbm>> -> memref<1x16xf32, #tpu.memory_space<hbm>>
      %dma_start3A_184 = tpu.memref_squeeze %dma_start3A_183 : memref<1x16xf32, #tpu.memory_space<hbm>> -> memref<16xf32, #tpu.memory_space<hbm>>
      %dma_start3A_185 = arith.constant 0 : i32
      %dma_start3A_186 = tpu.memref_slice %arg6[%add3A_178, %dma_start3A_185] : memref<128x128xf32, #tpu.memory_space<vmem>> -> memref<1x16xf32, #tpu.memory_space<vmem>>
      %dma_start3A_187 = tpu.memref_squeeze %dma_start3A_186 : memref<1x16xf32, #tpu.memory_space<vmem>> -> memref<16xf32, #tpu.memory_space<vmem>>
      %dma_start3A_188 = arith.constant 0 : i32
      %dma_start3A_189 = tpu.memref_slice %arg2[%squeeze3A, %dma_start3A_188] : memref<1000000x16xf32, #tpu.memory_space<hbm>> -> memref<1x16xf32, #tpu.memory_space<hbm>>
      %dma_start3A_190 = tpu.memref_squeeze %dma_start3A_189 : memref<1x16xf32, #tpu.memory_space<hbm>> -> memref<16xf32, #tpu.memory_space<hbm>>
      tpu.enqueue_dma source(%dma_start3A_190 : memref<16xf32, #tpu.memory_space<hbm>>) target(%dma_start3A_187 : memref<16xf32, #tpu.memory_space<vmem>>) target_semaphore(%arg8 : memref<!tpu.dma_semaphore, #tpu.memory_space<semaphore_mem>>)
      %slice3A_191 = vector.extract_strided_slice %get3A_174 {offsets = [1], sizes = [1], strides = [1]} : vector<16xi32> to vector<1xi32>
      %squeeze3A_192 = vector.extract %slice3A_191[0] : i32 from vector<1xi32>
      %mul3A_193 = arith.constant 16 : i32
      %mul3A_194 = arith.muli %add3A_168, %mul3A_193 : i32
      %add3A_195 = arith.constant 1 : i32
      %add3A_196 = arith.addi %mul3A_194, %add3A_195 : i32
      %dma_start3A_197 = arith.constant 0 : i32
      %dma_start3A_198 = tpu.memref_slice %arg6[%add3A_196, %dma_start3A_197] : memref<128x128xf32, #tpu.memory_space<vmem>> -> memref<1x16xf32, #tpu.memory_space<vmem>>
      %dma_start3A_199 = tpu.memref_squeeze %dma_start3A_198 : memref<1x16xf32, #tpu.memory_space<vmem>> -> memref<16xf32, #tpu.memory_space<vmem>>
      %dma_start3A_200 = arith.constant 0 : i32
      %dma_start3A_201 = tpu.memref_slice %arg2[%squeeze3A_192, %dma_start3A_200] : memref<1000000x16xf32, #tpu.memory_space<hbm>> -> memref<1x16xf32, #tpu.memory_space<hbm>>
      %dma_start3A_202 = tpu.memref_squeeze %dma_start3A_201 : memref<1x16xf32, #tpu.memory_space<hbm>> -> memref<16xf32, #tpu.memory_space<hbm>>
      %dma_start3A_203 = arith.constant 0 : i32
      %dma_start3A_204 = tpu.memref_slice %arg6[%add3A_196, %dma_start3A_203] : memref<128x128xf32, #tpu.memory_space<vmem>> -> memref<1x16xf32, #tpu.memory_space<vmem>>
      %dma_start3A_205 = tpu.memref_squeeze %dma_start3A_204 : memref<1x16xf32, #tpu.memory_space<vmem>> -> memref<16xf32, #tpu.memory_space<vmem>>
      %dma_start3A_206 = arith.constant 0 : i32
      %dma_start3A_207 = tpu.memref_slice %arg2[%squeeze3A_192, %dma_start3A_206] : memref<1000000x16xf32, #tpu.memory_space<hbm>> -> memref<1x16xf32, #tpu.memory_space<hbm>>
      %dma_start3A_208 = tpu.memref_squeeze %dma_start3A_207 : memref<1x16xf32, #tpu.memory_space<hbm>> -> memref<16xf32, #tpu.memory_space<hbm>>
      tpu.enqueue_dma source(%dma_start3A_208 : memref<16xf32, #tpu.memory_space<hbm>>) target(%dma_start3A_205 : memref<16xf32, #tpu.memory_space<vmem>>) target_semaphore(%arg8 : memref<!tpu.dma_semaphore, #tpu.memory_space<semaphore_mem>>)
      %slice3A_209 = vector.extract_strided_slice %get3A_174 {offsets = [2], sizes = [1], strides = [1]} : vector<16xi32> to vector<1xi32>
      %squeeze3A_210 = vector.extract %slice3A_209[0] : i32 from vector<1xi32>
      %mul3A_211 = arith.constant 16 : i32
      %mul3A_212 = arith.muli %add3A_168, %mul3A_211 : i32
      %add3A_213 = arith.constant 2 : i32
      %add3A_214 = arith.addi %mul3A_212, %add3A_213 : i32
      %dma_start3A_215 = arith.constant 0 : i32
      %dma_start3A_216 = tpu.memref_slice %arg6[%add3A_214, %dma_start3A_215] : memref<128x128xf32, #tpu.memory_space<vmem>> -> memref<1x16xf32, #tpu.memory_space<vmem>>
      %dma_start3A_217 = tpu.memref_squeeze %dma_start3A_216 : memref<1x16xf32, #tpu.memory_space<vmem>> -> memref<16xf32, #tpu.memory_space<vmem>>
      %dma_start3A_218 = arith.constant 0 : i32
      %dma_start3A_219 = tpu.memref_slice %arg2[%squeeze3A_210, %dma_start3A_218] : memref<1000000x16xf32, #tpu.memory_space<hbm>> -> memref<1x16xf32, #tpu.memory_space<hbm>>
      %dma_start3A_220 = tpu.memref_squeeze %dma_start3A_219 : memref<1x16xf32, #tpu.memory_space<hbm>> -> memref<16xf32, #tpu.memory_space<hbm>>
      %dma_start3A_221 = arith.constant 0 : i32
      %dma_start3A_222 = tpu.memref_slice %arg6[%add3A_214, %dma_start3A_221] : memref<128x128xf32, #tpu.memory_space<vmem>> -> memref<1x16xf32, #tpu.memory_space<vmem>>
      %dma_start3A_223 = tpu.memref_squeeze %dma_start3A_222 : memref<1x16xf32, #tpu.memory_space<vmem>> -> memref<16xf32, #tpu.memory_space<vmem>>
      %dma_start3A_224 = arith.constant 0 : i32
      %dma_start3A_225 = tpu.memref_slice %arg2[%squeeze3A_210, %dma_start3A_224] : memref<1000000x16xf32, #tpu.memory_space<hbm>> -> memref<1x16xf32, #tpu.memory_space<hbm>>
      %dma_start3A_226 = tpu.memref_squeeze %dma_start3A_225 : memref<1x16xf32, #tpu.memory_space<hbm>> -> memref<16xf32, #tpu.memory_space<hbm>>
      tpu.enqueue_dma source(%dma_start3A_226 : memref<16xf32, #tpu.memory_space<hbm>>) target(%dma_start3A_223 : memref<16xf32, #tpu.memory_space<vmem>>) target_semaphore(%arg8 : memref<!tpu.dma_semaphore, #tpu.memory_space<semaphore_mem>>)
      %slice3A_227 = vector.extract_strided_slice %get3A_174 {offsets = [3], sizes = [1], strides = [1]} : vector<16xi32> to vector<1xi32>
      %squeeze3A_228 = vector.extract %slice3A_227[0] : i32 from vector<1xi32>
      %mul3A_229 = arith.constant 16 : i32
      %mul3A_230 = arith.muli %add3A_168, %mul3A_229 : i32
      %add3A_231 = arith.constant 3 : i32
      %add3A_232 = arith.addi %mul3A_230, %add3A_231 : i32
      %dma_start3A_233 = arith.constant 0 : i32
      %dma_start3A_234 = tpu.memref_slice %arg6[%add3A_232, %dma_start3A_233] : memref<128x128xf32, #tpu.memory_space<vmem>> -> memref<1x16xf32, #tpu.memory_space<vmem>>
      %dma_start3A_235 = tpu.memref_squeeze %dma_start3A_234 : memref<1x16xf32, #tpu.memory_space<vmem>> -> memref<16xf32, #tpu.memory_space<vmem>>
      %dma_start3A_236 = arith.constant 0 : i32
      %dma_start3A_237 = tpu.memref_slice %arg2[%squeeze3A_228, %dma_start3A_236] : memref<1000000x16xf32, #tpu.memory_space<hbm>> -> memref<1x16xf32, #tpu.memory_space<hbm>>
      %dma_start3A_238 = tpu.memref_squeeze %dma_start3A_237 : memref<1x16xf32, #tpu.memory_space<hbm>> -> memref<16xf32, #tpu.memory_space<hbm>>
      %dma_start3A_239 = arith.constant 0 : i32
      %dma_start3A_240 = tpu.memref_slice %arg6[%add3A_232, %dma_start3A_239] : memref<128x128xf32, #tpu.memory_space<vmem>> -> memref<1x16xf32, #tpu.memory_space<vmem>>
      %dma_start3A_241 = tpu.memref_squeeze %dma_start3A_240 : memref<1x16xf32, #tpu.memory_space<vmem>> -> memref<16xf32, #tpu.memory_space<vmem>>
      %dma_start3A_242 = arith.constant 0 : i32
      %dma_start3A_243 = tpu.memref_slice %arg2[%squeeze3A_228, %dma_start3A_242] : memref<1000000x16xf32, #tpu.memory_space<hbm>> -> memref<1x16xf32, #tpu.memory_space<hbm>>
      %dma_start3A_244 = tpu.memref_squeeze %dma_start3A_243 : memref<1x16xf32, #tpu.memory_space<hbm>> -> memref<16xf32, #tpu.memory_space<hbm>>
      tpu.enqueue_dma source(%dma_start3A_244 : memref<16xf32, #tpu.memory_space<hbm>>) target(%dma_start3A_241 : memref<16xf32, #tpu.memory_space<vmem>>) target_semaphore(%arg8 : memref<!tpu.dma_semaphore, #tpu.memory_space<semaphore_mem>>)
      %slice3A_245 = vector.extract_strided_slice %get3A_174 {offsets = [4], sizes = [1], strides = [1]} : vector<16xi32> to vector<1xi32>
      %squeeze3A_246 = vector.extract %slice3A_245[0] : i32 from vector<1xi32>
      %mul3A_247 = arith.constant 16 : i32
      %mul3A_248 = arith.muli %add3A_168, %mul3A_247 : i32
      %add3A_249 = arith.constant 4 : i32
      %add3A_250 = arith.addi %mul3A_248, %add3A_249 : i32
      %dma_start3A_251 = arith.constant 0 : i32
      %dma_start3A_252 = tpu.memref_slice %arg6[%add3A_250, %dma_start3A_251] : memref<128x128xf32, #tpu.memory_space<vmem>> -> memref<1x16xf32, #tpu.memory_space<vmem>>
      %dma_start3A_253 = tpu.memref_squeeze %dma_start3A_252 : memref<1x16xf32, #tpu.memory_space<vmem>> -> memref<16xf32, #tpu.memory_space<vmem>>
      %dma_start3A_254 = arith.constant 0 : i32
      %dma_start3A_255 = tpu.memref_slice %arg2[%squeeze3A_246, %dma_start3A_254] : memref<1000000x16xf32, #tpu.memory_space<hbm>> -> memref<1x16xf32, #tpu.memory_space<hbm>>
      %dma_start3A_256 = tpu.memref_squeeze %dma_start3A_255 : memref<1x16xf32, #tpu.memory_space<hbm>> -> memref<16xf32, #tpu.memory_space<hbm>>
      %dma_start3A_257 = arith.constant 0 : i32
      %dma_start3A_258 = tpu.memref_slice %arg6[%add3A_250, %dma_start3A_257] : memref<128x128xf32, #tpu.memory_space<vmem>> -> memref<1x16xf32, #tpu.memory_space<vmem>>
      %dma_start3A_259 = tpu.memref_squeeze %dma_start3A_258 : memref<1x16xf32, #tpu.memory_space<vmem>> -> memref<16xf32, #tpu.memory_space<vmem>>
      %dma_start3A_260 = arith.constant 0 : i32
      %dma_start3A_261 = tpu.memref_slice %arg2[%squeeze3A_246, %dma_start3A_260] : memref<1000000x16xf32, #tpu.memory_space<hbm>> -> memref<1x16xf32, #tpu.memory_space<hbm>>
      %dma_start3A_262 = tpu.memref_squeeze %dma_start3A_261 : memref<1x16xf32, #tpu.memory_space<hbm>> -> memref<16xf32, #tpu.memory_space<hbm>>
      tpu.enqueue_dma source(%dma_start3A_262 : memref<16xf32, #tpu.memory_space<hbm>>) target(%dma_start3A_259 : memref<16xf32, #tpu.memory_space<vmem>>) target_semaphore(%arg8 : memref<!tpu.dma_semaphore, #tpu.memory_space<semaphore_mem>>)
      %slice3A_263 = vector.extract_strided_slice %get3A_174 {offsets = [5], sizes = [1], strides = [1]} : vector<16xi32> to vector<1xi32>
      %squeeze3A_264 = vector.extract %slice3A_263[0] : i32 from vector<1xi32>
      %mul3A_265 = arith.constant 16 : i32
      %mul3A_266 = arith.muli %add3A_168, %mul3A_265 : i32
      %add3A_267 = arith.constant 5 : i32
      %add3A_268 = arith.addi %mul3A_266, %add3A_267 : i32
      %dma_start3A_269 = arith.constant 0 : i32
      %dma_start3A_270 = tpu.memref_slice %arg6[%add3A_268, %dma_start3A_269] : memref<128x128xf32, #tpu.memory_space<vmem>> -> memref<1x16xf32, #tpu.memory_space<vmem>>
      %dma_start3A_271 = tpu.memref_squeeze %dma_start3A_270 : memref<1x16xf32, #tpu.memory_space<vmem>> -> memref<16xf32, #tpu.memory_space<vmem>>
      %dma_start3A_272 = arith.constant 0 : i32
      %dma_start3A_273 = tpu.memref_slice %arg2[%squeeze3A_264, %dma_start3A_272] : memref<1000000x16xf32, #tpu.memory_space<hbm>> -> memref<1x16xf32, #tpu.memory_space<hbm>>
      %dma_start3A_274 = tpu.memref_squeeze %dma_start3A_273 : memref<1x16xf32, #tpu.memory_space<hbm>> -> memref<16xf32, #tpu.memory_space<hbm>>
      %dma_start3A_275 = arith.constant 0 : i32
      %dma_start3A_276 = tpu.memref_slice %arg6[%add3A_268, %dma_start3A_275] : memref<128x128xf32, #tpu.memory_space<vmem>> -> memref<1x16xf32, #tpu.memory_space<vmem>>
      %dma_start3A_277 = tpu.memref_squeeze %dma_start3A_276 : memref<1x16xf32, #tpu.memory_space<vmem>> -> memref<16xf32, #tpu.memory_space<vmem>>
      %dma_start3A_278 = arith.constant 0 : i32
      %dma_start3A_279 = tpu.memref_slice %arg2[%squeeze3A_264, %dma_start3A_278] : memref<1000000x16xf32, #tpu.memory_space<hbm>> -> memref<1x16xf32, #tpu.memory_space<hbm>>
      %dma_start3A_280 = tpu.memref_squeeze %dma_start3A_279 : memref<1x16xf32, #tpu.memory_space<hbm>> -> memref<16xf32, #tpu.memory_space<hbm>>
      tpu.enqueue_dma source(%dma_start3A_280 : memref<16xf32, #tpu.memory_space<hbm>>) target(%dma_start3A_277 : memref<16xf32, #tpu.memory_space<vmem>>) target_semaphore(%arg8 : memref<!tpu.dma_semaphore, #tpu.memory_space<semaphore_mem>>)
      %slice3A_281 = vector.extract_strided_slice %get3A_174 {offsets = [6], sizes = [1], strides = [1]} : vector<16xi32> to vector<1xi32>
      %squeeze3A_282 = vector.extract %slice3A_281[0] : i32 from vector<1xi32>
      %mul3A_283 = arith.constant 16 : i32
      %mul3A_284 = arith.muli %add3A_168, %mul3A_283 : i32
      %add3A_285 = arith.constant 6 : i32
      %add3A_286 = arith.addi %mul3A_284, %add3A_285 : i32
      %dma_start3A_287 = arith.constant 0 : i32
      %dma_start3A_288 = tpu.memref_slice %arg6[%add3A_286, %dma_start3A_287] : memref<128x128xf32, #tpu.memory_space<vmem>> -> memref<1x16xf32, #tpu.memory_space<vmem>>
      %dma_start3A_289 = tpu.memref_squeeze %dma_start3A_288 : memref<1x16xf32, #tpu.memory_space<vmem>> -> memref<16xf32, #tpu.memory_space<vmem>>
      %dma_start3A_290 = arith.constant 0 : i32
      %dma_start3A_291 = tpu.memref_slice %arg2[%squeeze3A_282, %dma_start3A_290] : memref<1000000x16xf32, #tpu.memory_space<hbm>> -> memref<1x16xf32, #tpu.memory_space<hbm>>
      %dma_start3A_292 = tpu.memref_squeeze %dma_start3A_291 : memref<1x16xf32, #tpu.memory_space<hbm>> -> memref<16xf32, #tpu.memory_space<hbm>>
      %dma_start3A_293 = arith.constant 0 : i32
      %dma_start3A_294 = tpu.memref_slice %arg6[%add3A_286, %dma_start3A_293] : memref<128x128xf32, #tpu.memory_space<vmem>> -> memref<1x16xf32, #tpu.memory_space<vmem>>
      %dma_start3A_295 = tpu.memref_squeeze %dma_start3A_294 : memref<1x16xf32, #tpu.memory_space<vmem>> -> memref<16xf32, #tpu.memory_space<vmem>>
      %dma_start3A_296 = arith.constant 0 : i32
      %dma_start3A_297 = tpu.memref_slice %arg2[%squeeze3A_282, %dma_start3A_296] : memref<1000000x16xf32, #tpu.memory_space<hbm>> -> memref<1x16xf32, #tpu.memory_space<hbm>>
      %dma_start3A_298 = tpu.memref_squeeze %dma_start3A_297 : memref<1x16xf32, #tpu.memory_space<hbm>> -> memref<16xf32, #tpu.memory_space<hbm>>
      tpu.enqueue_dma source(%dma_start3A_298 : memref<16xf32, #tpu.memory_space<hbm>>) target(%dma_start3A_295 : memref<16xf32, #tpu.memory_space<vmem>>) target_semaphore(%arg8 : memref<!tpu.dma_semaphore, #tpu.memory_space<semaphore_mem>>)
      %slice3A_299 = vector.extract_strided_slice %get3A_174 {offsets = [7], sizes = [1], strides = [1]} : vector<16xi32> to vector<1xi32>
      %squeeze3A_300 = vector.extract %slice3A_299[0] : i32 from vector<1xi32>
      %mul3A_301 = arith.constant 16 : i32
      %mul3A_302 = arith.muli %add3A_168, %mul3A_301 : i32
      %add3A_303 = arith.constant 7 : i32
      %add3A_304 = arith.addi %mul3A_302, %add3A_303 : i32
      %dma_start3A_305 = arith.constant 0 : i32
      %dma_start3A_306 = tpu.memref_slice %arg6[%add3A_304, %dma_start3A_305] : memref<128x128xf32, #tpu.memory_space<vmem>> -> memref<1x16xf32, #tpu.memory_space<vmem>>
      %dma_start3A_307 = tpu.memref_squeeze %dma_start3A_306 : memref<1x16xf32, #tpu.memory_space<vmem>> -> memref<16xf32, #tpu.memory_space<vmem>>
      %dma_start3A_308 = arith.constant 0 : i32
      %dma_start3A_309 = tpu.memref_slice %arg2[%squeeze3A_300, %dma_start3A_308] : memref<1000000x16xf32, #tpu.memory_space<hbm>> -> memref<1x16xf32, #tpu.memory_space<hbm>>
      %dma_start3A_310 = tpu.memref_squeeze %dma_start3A_309 : memref<1x16xf32, #tpu.memory_space<hbm>> -> memref<16xf32, #tpu.memory_space<hbm>>
      %dma_start3A_311 = arith.constant 0 : i32
      %dma_start3A_312 = tpu.memref_slice %arg6[%add3A_304, %dma_start3A_311] : memref<128x128xf32, #tpu.memory_space<vmem>> -> memref<1x16xf32, #tpu.memory_space<vmem>>
      %dma_start3A_313 = tpu.memref_squeeze %dma_start3A_312 : memref<1x16xf32, #tpu.memory_space<vmem>> -> memref<16xf32, #tpu.memory_space<vmem>>
      %dma_start3A_314 = arith.constant 0 : i32
      %dma_start3A_315 = tpu.memref_slice %arg2[%squeeze3A_300, %dma_start3A_314] : memref<1000000x16xf32, #tpu.memory_space<hbm>> -> memref<1x16xf32, #tpu.memory_space<hbm>>
      %dma_start3A_316 = tpu.memref_squeeze %dma_start3A_315 : memref<1x16xf32, #tpu.memory_space<hbm>> -> memref<16xf32, #tpu.memory_space<hbm>>
      tpu.enqueue_dma source(%dma_start3A_316 : memref<16xf32, #tpu.memory_space<hbm>>) target(%dma_start3A_313 : memref<16xf32, #tpu.memory_space<vmem>>) target_semaphore(%arg8 : memref<!tpu.dma_semaphore, #tpu.memory_space<semaphore_mem>>)
      %slice3A_317 = vector.extract_strided_slice %get3A_174 {offsets = [8], sizes = [1], strides = [1]} : vector<16xi32> to vector<1xi32>
      %squeeze3A_318 = vector.extract %slice3A_317[0] : i32 from vector<1xi32>
      %mul3A_319 = arith.constant 16 : i32
      %mul3A_320 = arith.muli %add3A_168, %mul3A_319 : i32
      %add3A_321 = arith.constant 8 : i32
      %add3A_322 = arith.addi %mul3A_320, %add3A_321 : i32
      %dma_start3A_323 = arith.constant 0 : i32
      %dma_start3A_324 = tpu.memref_slice %arg6[%add3A_322, %dma_start3A_323] : memref<128x128xf32, #tpu.memory_space<vmem>> -> memref<1x16xf32, #tpu.memory_space<vmem>>
      %dma_start3A_325 = tpu.memref_squeeze %dma_start3A_324 : memref<1x16xf32, #tpu.memory_space<vmem>> -> memref<16xf32, #tpu.memory_space<vmem>>
      %dma_start3A_326 = arith.constant 0 : i32
      %dma_start3A_327 = tpu.memref_slice %arg2[%squeeze3A_318, %dma_start3A_326] : memref<1000000x16xf32, #tpu.memory_space<hbm>> -> memref<1x16xf32, #tpu.memory_space<hbm>>
      %dma_start3A_328 = tpu.memref_squeeze %dma_start3A_327 : memref<1x16xf32, #tpu.memory_space<hbm>> -> memref<16xf32, #tpu.memory_space<hbm>>
      %dma_start3A_329 = arith.constant 0 : i32
      %dma_start3A_330 = tpu.memref_slice %arg6[%add3A_322, %dma_start3A_329] : memref<128x128xf32, #tpu.memory_space<vmem>> -> memref<1x16xf32, #tpu.memory_space<vmem>>
      %dma_start3A_331 = tpu.memref_squeeze %dma_start3A_330 : memref<1x16xf32, #tpu.memory_space<vmem>> -> memref<16xf32, #tpu.memory_space<vmem>>
      %dma_start3A_332 = arith.constant 0 : i32
      %dma_start3A_333 = tpu.memref_slice %arg2[%squeeze3A_318, %dma_start3A_332] : memref<1000000x16xf32, #tpu.memory_space<hbm>> -> memref<1x16xf32, #tpu.memory_space<hbm>>
      %dma_start3A_334 = tpu.memref_squeeze %dma_start3A_333 : memref<1x16xf32, #tpu.memory_space<hbm>> -> memref<16xf32, #tpu.memory_space<hbm>>
      tpu.enqueue_dma source(%dma_start3A_334 : memref<16xf32, #tpu.memory_space<hbm>>) target(%dma_start3A_331 : memref<16xf32, #tpu.memory_space<vmem>>) target_semaphore(%arg8 : memref<!tpu.dma_semaphore, #tpu.memory_space<semaphore_mem>>)
      %slice3A_335 = vector.extract_strided_slice %get3A_174 {offsets = [9], sizes = [1], strides = [1]} : vector<16xi32> to vector<1xi32>
      %squeeze3A_336 = vector.extract %slice3A_335[0] : i32 from vector<1xi32>
      %mul3A_337 = arith.constant 16 : i32
      %mul3A_338 = arith.muli %add3A_168, %mul3A_337 : i32
      %add3A_339 = arith.constant 9 : i32
      %add3A_340 = arith.addi %mul3A_338, %add3A_339 : i32
      %dma_start3A_341 = arith.constant 0 : i32
      %dma_start3A_342 = tpu.memref_slice %arg6[%add3A_340, %dma_start3A_341] : memref<128x128xf32, #tpu.memory_space<vmem>> -> memref<1x16xf32, #tpu.memory_space<vmem>>
      %dma_start3A_343 = tpu.memref_squeeze %dma_start3A_342 : memref<1x16xf32, #tpu.memory_space<vmem>> -> memref<16xf32, #tpu.memory_space<vmem>>
      %dma_start3A_344 = arith.constant 0 : i32
      %dma_start3A_345 = tpu.memref_slice %arg2[%squeeze3A_336, %dma_start3A_344] : memref<1000000x16xf32, #tpu.memory_space<hbm>> -> memref<1x16xf32, #tpu.memory_space<hbm>>
      %dma_start3A_346 = tpu.memref_squeeze %dma_start3A_345 : memref<1x16xf32, #tpu.memory_space<hbm>> -> memref<16xf32, #tpu.memory_space<hbm>>
      %dma_start3A_347 = arith.constant 0 : i32
      %dma_start3A_348 = tpu.memref_slice %arg6[%add3A_340, %dma_start3A_347] : memref<128x128xf32, #tpu.memory_space<vmem>> -> memref<1x16xf32, #tpu.memory_space<vmem>>
      %dma_start3A_349 = tpu.memref_squeeze %dma_start3A_348 : memref<1x16xf32, #tpu.memory_space<vmem>> -> memref<16xf32, #tpu.memory_space<vmem>>
      %dma_start3A_350 = arith.constant 0 : i32
      %dma_start3A_351 = tpu.memref_slice %arg2[%squeeze3A_336, %dma_start3A_350] : memref<1000000x16xf32, #tpu.memory_space<hbm>> -> memref<1x16xf32, #tpu.memory_space<hbm>>
      %dma_start3A_352 = tpu.memref_squeeze %dma_start3A_351 : memref<1x16xf32, #tpu.memory_space<hbm>> -> memref<16xf32, #tpu.memory_space<hbm>>
      tpu.enqueue_dma source(%dma_start3A_352 : memref<16xf32, #tpu.memory_space<hbm>>) target(%dma_start3A_349 : memref<16xf32, #tpu.memory_space<vmem>>) target_semaphore(%arg8 : memref<!tpu.dma_semaphore, #tpu.memory_space<semaphore_mem>>)
      %slice3A_353 = vector.extract_strided_slice %get3A_174 {offsets = [10], sizes = [1], strides = [1]} : vector<16xi32> to vector<1xi32>
      %squeeze3A_354 = vector.extract %slice3A_353[0] : i32 from vector<1xi32>
      %mul3A_355 = arith.constant 16 : i32
      %mul3A_356 = arith.muli %add3A_168, %mul3A_355 : i32
      %add3A_357 = arith.constant 10 : i32
      %add3A_358 = arith.addi %mul3A_356, %add3A_357 : i32
      %dma_start3A_359 = arith.constant 0 : i32
      %dma_start3A_360 = tpu.memref_slice %arg6[%add3A_358, %dma_start3A_359] : memref<128x128xf32, #tpu.memory_space<vmem>> -> memref<1x16xf32, #tpu.memory_space<vmem>>
      %dma_start3A_361 = tpu.memref_squeeze %dma_start3A_360 : memref<1x16xf32, #tpu.memory_space<vmem>> -> memref<16xf32, #tpu.memory_space<vmem>>
      %dma_start3A_362 = arith.constant 0 : i32
      %dma_start3A_363 = tpu.memref_slice %arg2[%squeeze3A_354, %dma_start3A_362] : memref<1000000x16xf32, #tpu.memory_space<hbm>> -> memref<1x16xf32, #tpu.memory_space<hbm>>
      %dma_start3A_364 = tpu.memref_squeeze %dma_start3A_363 : memref<1x16xf32, #tpu.memory_space<hbm>> -> memref<16xf32, #tpu.memory_space<hbm>>
      %dma_start3A_365 = arith.constant 0 : i32
      %dma_start3A_366 = tpu.memref_slice %arg6[%add3A_358, %dma_start3A_365] : memref<128x128xf32, #tpu.memory_space<vmem>> -> memref<1x16xf32, #tpu.memory_space<vmem>>
      %dma_start3A_367 = tpu.memref_squeeze %dma_start3A_366 : memref<1x16xf32, #tpu.memory_space<vmem>> -> memref<16xf32, #tpu.memory_space<vmem>>
      %dma_start3A_368 = arith.constant 0 : i32
      %dma_start3A_369 = tpu.memref_slice %arg2[%squeeze3A_354, %dma_start3A_368] : memref<1000000x16xf32, #tpu.memory_space<hbm>> -> memref<1x16xf32, #tpu.memory_space<hbm>>
      %dma_start3A_370 = tpu.memref_squeeze %dma_start3A_369 : memref<1x16xf32, #tpu.memory_space<hbm>> -> memref<16xf32, #tpu.memory_space<hbm>>
      tpu.enqueue_dma source(%dma_start3A_370 : memref<16xf32, #tpu.memory_space<hbm>>) target(%dma_start3A_367 : memref<16xf32, #tpu.memory_space<vmem>>) target_semaphore(%arg8 : memref<!tpu.dma_semaphore, #tpu.memory_space<semaphore_mem>>)
      %slice3A_371 = vector.extract_strided_slice %get3A_174 {offsets = [11], sizes = [1], strides = [1]} : vector<16xi32> to vector<1xi32>
      %squeeze3A_372 = vector.extract %slice3A_371[0] : i32 from vector<1xi32>
      %mul3A_373 = arith.constant 16 : i32
      %mul3A_374 = arith.muli %add3A_168, %mul3A_373 : i32
      %add3A_375 = arith.constant 11 : i32
      %add3A_376 = arith.addi %mul3A_374, %add3A_375 : i32
      %dma_start3A_377 = arith.constant 0 : i32
      %dma_start3A_378 = tpu.memref_slice %arg6[%add3A_376, %dma_start3A_377] : memref<128x128xf32, #tpu.memory_space<vmem>> -> memref<1x16xf32, #tpu.memory_space<vmem>>
      %dma_start3A_379 = tpu.memref_squeeze %dma_start3A_378 : memref<1x16xf32, #tpu.memory_space<vmem>> -> memref<16xf32, #tpu.memory_space<vmem>>
      %dma_start3A_380 = arith.constant 0 : i32
      %dma_start3A_381 = tpu.memref_slice %arg2[%squeeze3A_372, %dma_start3A_380] : memref<1000000x16xf32, #tpu.memory_space<hbm>> -> memref<1x16xf32, #tpu.memory_space<hbm>>
      %dma_start3A_382 = tpu.memref_squeeze %dma_start3A_381 : memref<1x16xf32, #tpu.memory_space<hbm>> -> memref<16xf32, #tpu.memory_space<hbm>>
      %dma_start3A_383 = arith.constant 0 : i32
      %dma_start3A_384 = tpu.memref_slice %arg6[%add3A_376, %dma_start3A_383] : memref<128x128xf32, #tpu.memory_space<vmem>> -> memref<1x16xf32, #tpu.memory_space<vmem>>
      %dma_start3A_385 = tpu.memref_squeeze %dma_start3A_384 : memref<1x16xf32, #tpu.memory_space<vmem>> -> memref<16xf32, #tpu.memory_space<vmem>>
      %dma_start3A_386 = arith.constant 0 : i32
      %dma_start3A_387 = tpu.memref_slice %arg2[%squeeze3A_372, %dma_start3A_386] : memref<1000000x16xf32, #tpu.memory_space<hbm>> -> memref<1x16xf32, #tpu.memory_space<hbm>>
      %dma_start3A_388 = tpu.memref_squeeze %dma_start3A_387 : memref<1x16xf32, #tpu.memory_space<hbm>> -> memref<16xf32, #tpu.memory_space<hbm>>
      tpu.enqueue_dma source(%dma_start3A_388 : memref<16xf32, #tpu.memory_space<hbm>>) target(%dma_start3A_385 : memref<16xf32, #tpu.memory_space<vmem>>) target_semaphore(%arg8 : memref<!tpu.dma_semaphore, #tpu.memory_space<semaphore_mem>>)
      %slice3A_389 = vector.extract_strided_slice %get3A_174 {offsets = [12], sizes = [1], strides = [1]} : vector<16xi32> to vector<1xi32>
      %squeeze3A_390 = vector.extract %slice3A_389[0] : i32 from vector<1xi32>
      %mul3A_391 = arith.constant 16 : i32
      %mul3A_392 = arith.muli %add3A_168, %mul3A_391 : i32
      %add3A_393 = arith.constant 12 : i32
      %add3A_394 = arith.addi %mul3A_392, %add3A_393 : i32
      %dma_start3A_395 = arith.constant 0 : i32
      %dma_start3A_396 = tpu.memref_slice %arg6[%add3A_394, %dma_start3A_395] : memref<128x128xf32, #tpu.memory_space<vmem>> -> memref<1x16xf32, #tpu.memory_space<vmem>>
      %dma_start3A_397 = tpu.memref_squeeze %dma_start3A_396 : memref<1x16xf32, #tpu.memory_space<vmem>> -> memref<16xf32, #tpu.memory_space<vmem>>
      %dma_start3A_398 = arith.constant 0 : i32
      %dma_start3A_399 = tpu.memref_slice %arg2[%squeeze3A_390, %dma_start3A_398] : memref<1000000x16xf32, #tpu.memory_space<hbm>> -> memref<1x16xf32, #tpu.memory_space<hbm>>
      %dma_start3A_400 = tpu.memref_squeeze %dma_start3A_399 : memref<1x16xf32, #tpu.memory_space<hbm>> -> memref<16xf32, #tpu.memory_space<hbm>>
      %dma_start3A_401 = arith.constant 0 : i32
      %dma_start3A_402 = tpu.memref_slice %arg6[%add3A_394, %dma_start3A_401] : memref<128x128xf32, #tpu.memory_space<vmem>> -> memref<1x16xf32, #tpu.memory_space<vmem>>
      %dma_start3A_403 = tpu.memref_squeeze %dma_start3A_402 : memref<1x16xf32, #tpu.memory_space<vmem>> -> memref<16xf32, #tpu.memory_space<vmem>>
      %dma_start3A_404 = arith.constant 0 : i32
      %dma_start3A_405 = tpu.memref_slice %arg2[%squeeze3A_390, %dma_start3A_404] : memref<1000000x16xf32, #tpu.memory_space<hbm>> -> memref<1x16xf32, #tpu.memory_space<hbm>>
      %dma_start3A_406 = tpu.memref_squeeze %dma_start3A_405 : memref<1x16xf32, #tpu.memory_space<hbm>> -> memref<16xf32, #tpu.memory_space<hbm>>
      tpu.enqueue_dma source(%dma_start3A_406 : memref<16xf32, #tpu.memory_space<hbm>>) target(%dma_start3A_403 : memref<16xf32, #tpu.memory_space<vmem>>) target_semaphore(%arg8 : memref<!tpu.dma_semaphore, #tpu.memory_space<semaphore_mem>>)
      %slice3A_407 = vector.extract_strided_slice %get3A_174 {offsets = [13], sizes = [1], strides = [1]} : vector<16xi32> to vector<1xi32>
      %squeeze3A_408 = vector.extract %slice3A_407[0] : i32 from vector<1xi32>
      %mul3A_409 = arith.constant 16 : i32
      %mul3A_410 = arith.muli %add3A_168, %mul3A_409 : i32
      %add3A_411 = arith.constant 13 : i32
      %add3A_412 = arith.addi %mul3A_410, %add3A_411 : i32
      %dma_start3A_413 = arith.constant 0 : i32
      %dma_start3A_414 = tpu.memref_slice %arg6[%add3A_412, %dma_start3A_413] : memref<128x128xf32, #tpu.memory_space<vmem>> -> memref<1x16xf32, #tpu.memory_space<vmem>>
      %dma_start3A_415 = tpu.memref_squeeze %dma_start3A_414 : memref<1x16xf32, #tpu.memory_space<vmem>> -> memref<16xf32, #tpu.memory_space<vmem>>
      %dma_start3A_416 = arith.constant 0 : i32
      %dma_start3A_417 = tpu.memref_slice %arg2[%squeeze3A_408, %dma_start3A_416] : memref<1000000x16xf32, #tpu.memory_space<hbm>> -> memref<1x16xf32, #tpu.memory_space<hbm>>
      %dma_start3A_418 = tpu.memref_squeeze %dma_start3A_417 : memref<1x16xf32, #tpu.memory_space<hbm>> -> memref<16xf32, #tpu.memory_space<hbm>>
      %dma_start3A_419 = arith.constant 0 : i32
      %dma_start3A_420 = tpu.memref_slice %arg6[%add3A_412, %dma_start3A_419] : memref<128x128xf32, #tpu.memory_space<vmem>> -> memref<1x16xf32, #tpu.memory_space<vmem>>
      %dma_start3A_421 = tpu.memref_squeeze %dma_start3A_420 : memref<1x16xf32, #tpu.memory_space<vmem>> -> memref<16xf32, #tpu.memory_space<vmem>>
      %dma_start3A_422 = arith.constant 0 : i32
      %dma_start3A_423 = tpu.memref_slice %arg2[%squeeze3A_408, %dma_start3A_422] : memref<1000000x16xf32, #tpu.memory_space<hbm>> -> memref<1x16xf32, #tpu.memory_space<hbm>>
      %dma_start3A_424 = tpu.memref_squeeze %dma_start3A_423 : memref<1x16xf32, #tpu.memory_space<hbm>> -> memref<16xf32, #tpu.memory_space<hbm>>
      tpu.enqueue_dma source(%dma_start3A_424 : memref<16xf32, #tpu.memory_space<hbm>>) target(%dma_start3A_421 : memref<16xf32, #tpu.memory_space<vmem>>) target_semaphore(%arg8 : memref<!tpu.dma_semaphore, #tpu.memory_space<semaphore_mem>>)
      %slice3A_425 = vector.extract_strided_slice %get3A_174 {offsets = [14], sizes = [1], strides = [1]} : vector<16xi32> to vector<1xi32>
      %squeeze3A_426 = vector.extract %slice3A_425[0] : i32 from vector<1xi32>
      %mul3A_427 = arith.constant 16 : i32
      %mul3A_428 = arith.muli %add3A_168, %mul3A_427 : i32
      %add3A_429 = arith.constant 14 : i32
      %add3A_430 = arith.addi %mul3A_428, %add3A_429 : i32
      %dma_start3A_431 = arith.constant 0 : i32
      %dma_start3A_432 = tpu.memref_slice %arg6[%add3A_430, %dma_start3A_431] : memref<128x128xf32, #tpu.memory_space<vmem>> -> memref<1x16xf32, #tpu.memory_space<vmem>>
      %dma_start3A_433 = tpu.memref_squeeze %dma_start3A_432 : memref<1x16xf32, #tpu.memory_space<vmem>> -> memref<16xf32, #tpu.memory_space<vmem>>
      %dma_start3A_434 = arith.constant 0 : i32
      %dma_start3A_435 = tpu.memref_slice %arg2[%squeeze3A_426, %dma_start3A_434] : memref<1000000x16xf32, #tpu.memory_space<hbm>> -> memref<1x16xf32, #tpu.memory_space<hbm>>
      %dma_start3A_436 = tpu.memref_squeeze %dma_start3A_435 : memref<1x16xf32, #tpu.memory_space<hbm>> -> memref<16xf32, #tpu.memory_space<hbm>>
      %dma_start3A_437 = arith.constant 0 : i32
      %dma_start3A_438 = tpu.memref_slice %arg6[%add3A_430, %dma_start3A_437] : memref<128x128xf32, #tpu.memory_space<vmem>> -> memref<1x16xf32, #tpu.memory_space<vmem>>
      %dma_start3A_439 = tpu.memref_squeeze %dma_start3A_438 : memref<1x16xf32, #tpu.memory_space<vmem>> -> memref<16xf32, #tpu.memory_space<vmem>>
      %dma_start3A_440 = arith.constant 0 : i32
      %dma_start3A_441 = tpu.memref_slice %arg2[%squeeze3A_426, %dma_start3A_440] : memref<1000000x16xf32, #tpu.memory_space<hbm>> -> memref<1x16xf32, #tpu.memory_space<hbm>>
      %dma_start3A_442 = tpu.memref_squeeze %dma_start3A_441 : memref<1x16xf32, #tpu.memory_space<hbm>> -> memref<16xf32, #tpu.memory_space<hbm>>
      tpu.enqueue_dma source(%dma_start3A_442 : memref<16xf32, #tpu.memory_space<hbm>>) target(%dma_start3A_439 : memref<16xf32, #tpu.memory_space<vmem>>) target_semaphore(%arg8 : memref<!tpu.dma_semaphore, #tpu.memory_space<semaphore_mem>>)
      %slice3A_443 = vector.extract_strided_slice %get3A_174 {offsets = [15], sizes = [1], strides = [1]} : vector<16xi32> to vector<1xi32>
      %squeeze3A_444 = vector.extract %slice3A_443[0] : i32 from vector<1xi32>
      %mul3A_445 = arith.constant 16 : i32
      %mul3A_446 = arith.muli %add3A_168, %mul3A_445 : i32
      %add3A_447 = arith.constant 15 : i32
      %add3A_448 = arith.addi %mul3A_446, %add3A_447 : i32
      %dma_start3A_449 = arith.constant 0 : i32
      %dma_start3A_450 = tpu.memref_slice %arg6[%add3A_448, %dma_start3A_449] : memref<128x128xf32, #tpu.memory_space<vmem>> -> memref<1x16xf32, #tpu.memory_space<vmem>>
      %dma_start3A_451 = tpu.memref_squeeze %dma_start3A_450 : memref<1x16xf32, #tpu.memory_space<vmem>> -> memref<16xf32, #tpu.memory_space<vmem>>
      %dma_start3A_452 = arith.constant 0 : i32
      %dma_start3A_453 = tpu.memref_slice %arg2[%squeeze3A_444, %dma_start3A_452] : memref<1000000x16xf32, #tpu.memory_space<hbm>> -> memref<1x16xf32, #tpu.memory_space<hbm>>
      %dma_start3A_454 = tpu.memref_squeeze %dma_start3A_453 : memref<1x16xf32, #tpu.memory_space<hbm>> -> memref<16xf32, #tpu.memory_space<hbm>>
      %dma_start3A_455 = arith.constant 0 : i32
      %dma_start3A_456 = tpu.memref_slice %arg6[%add3A_448, %dma_start3A_455] : memref<128x128xf32, #tpu.memory_space<vmem>> -> memref<1x16xf32, #tpu.memory_space<vmem>>
      %dma_start3A_457 = tpu.memref_squeeze %dma_start3A_456 : memref<1x16xf32, #tpu.memory_space<vmem>> -> memref<16xf32, #tpu.memory_space<vmem>>
      %dma_start3A_458 = arith.constant 0 : i32
      %dma_start3A_459 = tpu.memref_slice %arg2[%squeeze3A_444, %dma_start3A_458] : memref<1000000x16xf32, #tpu.memory_space<hbm>> -> memref<1x16xf32, #tpu.memory_space<hbm>>
      %dma_start3A_460 = tpu.memref_squeeze %dma_start3A_459 : memref<1x16xf32, #tpu.memory_space<hbm>> -> memref<16xf32, #tpu.memory_space<hbm>>
      tpu.enqueue_dma source(%dma_start3A_460 : memref<16xf32, #tpu.memory_space<hbm>>) target(%dma_start3A_457 : memref<16xf32, #tpu.memory_space<vmem>>) target_semaphore(%arg8 : memref<!tpu.dma_semaphore, #tpu.memory_space<semaphore_mem>>)
    }
    %scan3A_148 = arith.constant 8 : i32
    %scan3A_149 = arith.constant 0 : i32
    %scan3A_150 = arith.constant 128 : i32
    %scan3A_151 = arith.addi %scan3A_149, %scan3A_150 : i32
    %scan3A_152 = arith.constant 1 : i32
    scf.for %scan3A_164 = %scan3A_149 to %scan3A_151 step %scan3A_152  : i32 {
      %mul3A_165 = arith.constant 1 : i32
      %mul3A_166 = arith.muli %scan3A_164, %mul3A_165 : i32
      %add3A_167 = arith.constant 0 : i32
      %add3A_168 = arith.addi %add3A_167, %mul3A_166 : i32
      %dma_wait3A_169 = arith.constant 0 : i32
      %dma_wait3A_170 = arith.constant 0 : i32
      %dma_wait3A_171 = tpu.memref_slice %arg6[%add3A_168, %dma_wait3A_170] : memref<128x128xf32, #tpu.memory_space<vmem>> -> memref<1x16xf32, #tpu.memory_space<vmem>>
      %dma_wait3A_172 = tpu.memref_squeeze %dma_wait3A_171 : memref<1x16xf32, #tpu.memory_space<vmem>> -> memref<16xf32, #tpu.memory_space<vmem>>
      %dma_wait3A_173 = arith.constant 0 : i32
      %dma_wait3A_174 = tpu.memref_slice %arg2[%dma_wait3A_169, %dma_wait3A_173] : memref<1000000x16xf32, #tpu.memory_space<hbm>> -> memref<1x16xf32, #tpu.memory_space<hbm>>
      %dma_wait3A_175 = tpu.memref_squeeze %dma_wait3A_174 : memref<1x16xf32, #tpu.memory_space<hbm>> -> memref<16xf32, #tpu.memory_space<hbm>>
      %dma_wait3A_176 = arith.constant 0 : i32
      %dma_wait3A_177 = tpu.memref_slice %arg6[%add3A_168, %dma_wait3A_176] : memref<128x128xf32, #tpu.memory_space<vmem>> -> memref<1x16xf32, #tpu.memory_space<vmem>>
      %dma_wait3A_178 = tpu.memref_squeeze %dma_wait3A_177 : memref<1x16xf32, #tpu.memory_space<vmem>> -> memref<16xf32, #tpu.memory_space<vmem>>
      %dma_wait3A_179 = arith.constant 0 : i32
      %dma_wait3A_180 = tpu.memref_slice %arg2[%dma_wait3A_169, %dma_wait3A_179] : memref<1000000x16xf32, #tpu.memory_space<hbm>> -> memref<1x16xf32, #tpu.memory_space<hbm>>
      %dma_wait3A_181 = tpu.memref_squeeze %dma_wait3A_180 : memref<1x16xf32, #tpu.memory_space<hbm>> -> memref<16xf32, #tpu.memory_space<hbm>>
      tpu.wait_dma2 semaphore(%arg8 : memref<!tpu.dma_semaphore, #tpu.memory_space<semaphore_mem>>) src(%dma_wait3A_181 : memref<16xf32, #tpu.memory_space<hbm>>) dst(%dma_wait3A_178 : memref<16xf32, #tpu.memory_space<vmem>>)
    }
    %scan3A_153 = arith.constant 128 : i32
    %add3A_154 = arith.constant 896 : i32
    %add3A_155 = arith.addi %mul3A_2, %add3A_154 : i32
    %dma_start3A_156 = arith.constant 0 : i32
    %dma_start3A_157 = tpu.memref_slice %arg4[%add3A_155, %dma_start3A_156] : memref<32768x128xf32, #tpu.memory_space<hbm>> -> memref<128x128xf32, #tpu.memory_space<hbm>>
    %dma_start3A_158 = arith.constant 0 : i32
    %dma_start3A_159 = tpu.memref_slice %arg4[%add3A_155, %dma_start3A_158] : memref<32768x128xf32, #tpu.memory_space<hbm>> -> memref<128x128xf32, #tpu.memory_space<hbm>>
    tpu.enqueue_dma source(%arg6 : memref<128x128xf32, #tpu.memory_space<vmem>>) target(%dma_start3A_159 : memref<128x128xf32, #tpu.memory_space<hbm>>) target_semaphore(%arg7 : memref<!tpu.dma_semaphore, #tpu.memory_space<semaphore_mem>>)
    %dma_wait3A_160 = arith.constant 0 : i32
    %dma_wait3A_161 = tpu.memref_slice %arg4[%add3A_155, %dma_wait3A_160] : memref<32768x128xf32, #tpu.memory_space<hbm>> -> memref<128x128xf32, #tpu.memory_space<hbm>>
    %dma_wait3A_162 = arith.constant 0 : i32
    %dma_wait3A_163 = tpu.memref_slice %arg4[%add3A_155, %dma_wait3A_162] : memref<32768x128xf32, #tpu.memory_space<hbm>> -> memref<128x128xf32, #tpu.memory_space<hbm>>
    tpu.wait_dma2 semaphore(%arg7 : memref<!tpu.dma_semaphore, #tpu.memory_space<semaphore_mem>>) src(%arg6 : memref<128x128xf32, #tpu.memory_space<vmem>>) dst(%dma_wait3A_163 : memref<128x128xf32, #tpu.memory_space<hbm>>)
    return
  }
}

module attributes {stable_mosaic.version = 14 : i64} {
  func.func @body(%arg0: i32, %arg1: memref<4096x128xf32, #tpu.memory_space<vmem>>, %arg2: memref<4096x128xf32, #tpu.memory_space<vmem>>, %arg3: memref<16x32xf32, #tpu.memory_space<vmem>>, %arg4: memref<16x32xf32, #tpu.memory_space<vmem>>, %arg5: memref<1x32xf32, #tpu.memory_space<vmem>>, %arg6: memref<32x16xf32, #tpu.memory_space<vmem>>, %arg7: memref<1x16xf32, #tpu.memory_space<vmem>>, %arg8: memref<16x3xf32, #tpu.memory_space<vmem>>, %arg9: memref<1x3xf32, #tpu.memory_space<vmem>>, %arg10: memref<4096x3xf32, #tpu.memory_space<vmem>>) attributes {dimension_semantics = [#tpu.dimension_semantics<arbitrary>], iteration_bounds = array<i64: 4>, scalar_prefetch = 0 : i64, scratch_operands = 0 : i64, tpu.core_type = #tpu.core_type<tc>, window_params = [{transform_indices = @transform_0, window_bounds = array<i64: 4096, 128>}, {transform_indices = @transform_1, window_bounds = array<i64: 4096, 128>}, {pipeline_mode = #tpu.pipeline_mode<synchronous>, transform_indices = @transform_2, window_bounds = array<i64: 16, 32>}, {pipeline_mode = #tpu.pipeline_mode<synchronous>, transform_indices = @transform_3, window_bounds = array<i64: 16, 32>}, {pipeline_mode = #tpu.pipeline_mode<synchronous>, transform_indices = @transform_4, window_bounds = array<i64: 1, 32>}, {pipeline_mode = #tpu.pipeline_mode<synchronous>, transform_indices = @transform_5, window_bounds = array<i64: 32, 16>}, {pipeline_mode = #tpu.pipeline_mode<synchronous>, transform_indices = @transform_6, window_bounds = array<i64: 1, 16>}, {pipeline_mode = #tpu.pipeline_mode<synchronous>, transform_indices = @transform_7, window_bounds = array<i64: 16, 3>}, {pipeline_mode = #tpu.pipeline_mode<synchronous>, transform_indices = @transform_8, window_bounds = array<i64: 1, 3>}, {transform_indices = @transform_9, window_bounds = array<i64: 4096, 3>}]} {
    %get3A = arith.constant 0 : index
    %get3A_0 = arith.constant 0 : index
    %get3A_1 = vector.load %arg1[%get3A, %get3A_0] : memref<4096x128xf32, #tpu.memory_space<vmem>>, vector<4096x16xf32>
    %get3A_2 = arith.constant 0 : index
    %get3A_3 = arith.constant 0 : index
    %get3A_4 = vector.load %arg2[%get3A_2, %get3A_3] : memref<4096x128xf32, #tpu.memory_space<vmem>>, vector<4096x16xf32>
    %sub3A = arith.subf %get3A_1, %get3A_4 : vector<4096x16xf32>
    %abs3A = math.absf %sub3A : vector<4096x16xf32>
    %mul3A = arith.mulf %get3A_1, %get3A_4 : vector<4096x16xf32>
    %get3A_5 = arith.constant 0 : index
    %get3A_6 = arith.constant 0 : index
    %get3A_7 = vector.load %arg3[%get3A_5, %get3A_6] : memref<16x32xf32, #tpu.memory_space<vmem>>, vector<16x32xf32>
    %dot_general3A = arith.constant dense<0.000000e+00> : vector<4096x32xf32>
    %dot_general3A_8 = tpu.matmul %abs3A, %get3A_7, %dot_general3A {dimension_numbers = #tpu.dot_dimension_numbers<[1], [0], [0], [1], [0, 0, 1, 1], [], []>, transpose_lhs_hint = false} : vector<4096x16xf32>, vector<16x32xf32>, vector<4096x32xf32> -> vector<4096x32xf32>
    %get3A_9 = arith.constant 0 : index
    %get3A_10 = arith.constant 0 : index
    %get3A_11 = vector.load %arg4[%get3A_9, %get3A_10] : memref<16x32xf32, #tpu.memory_space<vmem>>, vector<16x32xf32>
    %dot_general3A_12 = arith.constant dense<0.000000e+00> : vector<4096x32xf32>
    %dot_general3A_13 = tpu.matmul %mul3A, %get3A_11, %dot_general3A_12 {dimension_numbers = #tpu.dot_dimension_numbers<[1], [0], [0], [1], [0, 0, 1, 1], [], []>, transpose_lhs_hint = false} : vector<4096x16xf32>, vector<16x32xf32>, vector<4096x32xf32> -> vector<4096x32xf32>
    %add3A = arith.addf %dot_general3A_8, %dot_general3A_13 : vector<4096x32xf32>
    %get3A_14 = arith.constant 0 : index
    %get3A_15 = arith.constant 0 : index
    %get3A_16 = vector.load %arg5[%get3A_14, %get3A_15] : memref<1x32xf32, #tpu.memory_space<vmem>>, vector<1x32xf32>
    %add3A_17 = vector.broadcast %get3A_16 : vector<1x32xf32> to vector<4096x32xf32>
    %add3A_18 = arith.addf %add3A, %add3A_17 : vector<4096x32xf32>
    %max3A = arith.constant 0.000000e+00 : f32
    %max3A_19 = vector.broadcast %max3A : f32 to vector<4096x32xf32>
    %max3A_20 = arith.maximumf %add3A_18, %max3A_19 : vector<4096x32xf32>
    %get3A_21 = arith.constant 0 : index
    %get3A_22 = arith.constant 0 : index
    %get3A_23 = vector.load %arg6[%get3A_21, %get3A_22] : memref<32x16xf32, #tpu.memory_space<vmem>>, vector<32x16xf32>
    %dot_general3A_24 = arith.constant dense<0.000000e+00> : vector<4096x16xf32>
    %dot_general3A_25 = tpu.matmul %max3A_20, %get3A_23, %dot_general3A_24 {dimension_numbers = #tpu.dot_dimension_numbers<[1], [0], [0], [1], [0, 0, 1, 1], [], []>, transpose_lhs_hint = false} : vector<4096x32xf32>, vector<32x16xf32>, vector<4096x16xf32> -> vector<4096x16xf32>
    %get3A_26 = arith.constant 0 : index
    %get3A_27 = arith.constant 0 : index
    %get3A_28 = vector.load %arg7[%get3A_26, %get3A_27] : memref<1x16xf32, #tpu.memory_space<vmem>>, vector<1x16xf32>
    %add3A_29 = vector.broadcast %get3A_28 : vector<1x16xf32> to vector<4096x16xf32>
    %add3A_30 = arith.addf %dot_general3A_25, %add3A_29 : vector<4096x16xf32>
    %max3A_31 = arith.constant 0.000000e+00 : f32
    %max3A_32 = vector.broadcast %max3A_31 : f32 to vector<4096x16xf32>
    %max3A_33 = arith.maximumf %add3A_30, %max3A_32 : vector<4096x16xf32>
    %get3A_34 = arith.constant 0 : index
    %get3A_35 = arith.constant 0 : index
    %get3A_36 = vector.load %arg8[%get3A_34, %get3A_35] : memref<16x3xf32, #tpu.memory_space<vmem>>, vector<16x3xf32>
    %dot_general3A_37 = arith.constant dense<0.000000e+00> : vector<4096x3xf32>
    %dot_general3A_38 = tpu.matmul %max3A_33, %get3A_36, %dot_general3A_37 {dimension_numbers = #tpu.dot_dimension_numbers<[1], [0], [0], [1], [0, 0, 1, 1], [], []>, transpose_lhs_hint = false} : vector<4096x16xf32>, vector<16x3xf32>, vector<4096x3xf32> -> vector<4096x3xf32>
    %get3A_39 = arith.constant 0 : index
    %get3A_40 = arith.constant 0 : index
    %get3A_41 = vector.load %arg9[%get3A_39, %get3A_40] : memref<1x3xf32, #tpu.memory_space<vmem>>, vector<1x3xf32>
    %add3A_42 = vector.broadcast %get3A_41 : vector<1x3xf32> to vector<4096x3xf32>
    %add3A_43 = arith.addf %dot_general3A_38, %add3A_42 : vector<4096x3xf32>
    %swap3A = arith.constant 0 : index
    %swap3A_44 = arith.constant 0 : index
    %swap3A_45 = vector.load %arg10[%swap3A, %swap3A_44] : memref<4096x3xf32, #tpu.memory_space<vmem>>, vector<4096x3xf32>
    tpu.vector_store %arg10[%swap3A, %swap3A_44], %add3A_43 {strides = array<i32>} : memref<4096x3xf32, #tpu.memory_space<vmem>>, vector<4096x3xf32>,
    return
  }
  func.func @transform_0(%arg0: i32) -> (i32, i32) {
    %c0_i32 = arith.constant 0 : i32
    %c0_i32_0 = arith.constant 0 : i32
    return %arg0, %c0_i32 : i32, i32
  }
  func.func @transform_1(%arg0: i32) -> (i32, i32) {
    %c0_i32 = arith.constant 0 : i32
    %c0_i32_0 = arith.constant 0 : i32
    return %arg0, %c0_i32 : i32, i32
  }
  func.func @transform_2(%arg0: i32) -> (i32, i32) {
    %c0_i32 = arith.constant 0 : i32
    %c0_i32_0 = arith.constant 0 : i32
    %c0_i32_1 = arith.constant 0 : i32
    return %c0_i32, %c0_i32_0 : i32, i32
  }
  func.func @transform_3(%arg0: i32) -> (i32, i32) {
    %c0_i32 = arith.constant 0 : i32
    %c0_i32_0 = arith.constant 0 : i32
    %c0_i32_1 = arith.constant 0 : i32
    return %c0_i32, %c0_i32_0 : i32, i32
  }
  func.func @transform_4(%arg0: i32) -> (i32, i32) {
    %c0_i32 = arith.constant 0 : i32
    %c0_i32_0 = arith.constant 0 : i32
    %c0_i32_1 = arith.constant 0 : i32
    return %c0_i32, %c0_i32_0 : i32, i32
  }
  func.func @transform_5(%arg0: i32) -> (i32, i32) {
    %c0_i32 = arith.constant 0 : i32
    %c0_i32_0 = arith.constant 0 : i32
    %c0_i32_1 = arith.constant 0 : i32
    return %c0_i32, %c0_i32_0 : i32, i32
  }
  func.func @transform_6(%arg0: i32) -> (i32, i32) {
    %c0_i32 = arith.constant 0 : i32
    %c0_i32_0 = arith.constant 0 : i32
    %c0_i32_1 = arith.constant 0 : i32
    return %c0_i32, %c0_i32_0 : i32, i32
  }
  func.func @transform_7(%arg0: i32) -> (i32, i32) {
    %c0_i32 = arith.constant 0 : i32
    %c0_i32_0 = arith.constant 0 : i32
    %c0_i32_1 = arith.constant 0 : i32
    return %c0_i32, %c0_i32_0 : i32, i32
  }
  func.func @transform_8(%arg0: i32) -> (i32, i32) {
    %c0_i32 = arith.constant 0 : i32
    %c0_i32_0 = arith.constant 0 : i32
    %c0_i32_1 = arith.constant 0 : i32
    return %c0_i32, %c0_i32_0 : i32, i32
  }
  func.func @transform_9(%arg0: i32) -> (i32, i32) {
    %c0_i32 = arith.constant 0 : i32
    %c0_i32_0 = arith.constant 0 : i32
    return %arg0, %c0_i32 : i32, i32
  }
}

</mosaic_0001>

<sc_bundles>
// kernel: kernel.4.cloned.1.call-start
scs
__scs_entry_jumppad:
0x0: {  	(pc) =	sbr.rel $0x88, $3  }
0x1: {  	(tag) =	ssettag $0x0;
	lr =	simm.s32 $0x1  }
0x2: {  	[smem:$0x3F98] =	sst lr;
	_ =	strace $0xD0000000  }
0x3: {  	_ = 	snop  }
0x4: {  	_ = 	snop  }
0x5: {  	_ = 	snop  }
0x6: {  	_ = 	snop  }
0x7: {  	_ = 	snop  }
__scs_overlays_trampoline_lowered:
0x8: {  	[smem:$0x3FA7] =	sst s0  }
0x9: {  	[smem:$0x3FA8] =	sst s1  }
0xa: {  	[smem:$0x3FA9] =	sst s2  }
0xb: {  	[smem:$0x3FAA] =	sst s3  }
0xc: {  	[smem:$0x3FAB] =	sst s4  }
0xd: {  	[smem:$0x3FAC] =	sst s5  }
0xe: {  	[smem:$0x3FAD] =	sst s6  }
0xf: {  	[smem:$0x3FAE] =	sst s7  }
0x10: {  	[smem:$0x3FAF] =	sst s8  }
0x11: {  	[smem:$0x3FB0] =	sst s9;
	s0 =	simm.s32 @!p0 $0x0  }
0x12: {  	s1 =	sld [smem:$0x3F96];
	s0 =	simm.s32 @p0 $0x1  }
0x13: {  	[smem:$0x3FB1] =	sst s0;
	s0 =	simm.s32 @!p1 $0x0  }
0x14: {  	s2 =	sld [smem:$0x3F95];
	s0 =	simm.s32 @p1 $0x1  }
0x15: {  	[smem:$0x3FB2] =	sst s0;
	s0 =	simm.s32 @!p2 $0x0  }
0x16: {  	s3 =	sld [smem:$0x3FDB];
	s0 =	simm.s32 @p2 $0x1  }
0x17: {  	s4 =	simm.s32 $0x1BF5;
	[smem:$0x3FB4] =	sst s0  }
0x18: {  	s0 =	sld [smem:$0x3F97];
	_ =	swait.ge [sflag:s4], $0x0  }
0x19: {  	s7 =	sld [smem:$0x3F98]  }
0x1a: {  	s8 =	sadd.s32 $0xFFFFE003, lr  }
0x1b: {  	s9 =	sadd.s32 $0xFFFFFEF7, lr;
	s5 =	simm.s32 $0xFFFFFFFF;
	p2 =	slt.u32 s8, $0xFFFFF086  }
0x1c: {  	p1 =	slt.u32 s9, $0xF7A;
	s5 =	simm.s32 @!p2 $0x0  }
0x1d: {  	s5 =	simm.s32 @p1 $0x1;
	p0 =	seq.s32 s7, s2  }
0x1e: {  	s7 =	smul.u32 @!p0 $0xF7A, s2;
	p2 =	seq.s32 @!p0 s5, $0x0  }
0x1f: {  	s9 =	smul.u32 $0xF7A, s1;
	s8 =	simm.s32 @!p0 $0x1BF5;
	p2 =	por !p2, p0  }
0x20: {  	[sflag:s8] =	ssyncset.s32 @!p0 $0xFFFFF086;
	s6 =	sadd.s32 @!p0 s3, s7;
	s7 =	simm.s32 @!p0 $0x108  }
0x21: {  	s3 =	sadd.s32 s3, s9;
	s6 =	sadd.s32 @!p0 $0x88, s6;
	s7 =	simm.s32 @p2 $0x1082  }
0x22: {  	[simem:s7], [sflag:s8] =	dma.local @!p0 [hbm:s6], $0xF7A  }
0x23: {  	s9 =	sor.u32 $0xD0000000, s2;
	s6 =	simm.s32 $0x108;
	_ =	swait.ge @!p0 [sflag:s8], $0x0  }
0x24: {  	s3 =	sadd.s32 $0x88, s3;
	s6 =	simm.s32 @!p1 $0x1082;
	[sflag:s4] =	ssyncset.s32 $0xFFFFF086  }
0x25: {  	[simem:s6], [sflag:s4] =	dma.local [hbm:s3], $0xF7A  }
0x26: {  	[smem:$0x3F98] =	sst s1;
	(tag) =	ssettag s2;
	_ =	strace s9  }
0x27: {  	s1 =	sld [smem:$0x3FA8]  }
0x28: {  	s2 =	sld [smem:$0x3FA9]  }
0x29: {  	s4 =	sld [smem:$0x3FAB]  }
0x2a: {  	p0 =	seq.s32 s5, $0x0;
	s5 =	sld [smem:$0x3FAC]  }
0x2b: {  	s6 =	sld [smem:$0x3FAD]  }
0x2c: {  	s7 =	sld [smem:$0x3FAE]  }
0x2d: {  	s3 =	simm.s32 $0x108;
	s8 =	sld [smem:$0x3FAF]  }
0x2e: {  	s3 =	simm.s32 @!p0 $0x1082;
	s9 =	sld [smem:$0x3FB0]  }
0x2f: {  	lr =	sadd.s32 s0, s3;
	s0 =	sld [smem:$0x3FA7]  }
0x30: {  	s3 =	sld [smem:$0x3FAA]  }
0x31: {  	[smem:$0x3FB3] =	sst s10  }
0x32: {  	s10 =	sld [smem:$0x3FB1];
	_ =	sdelay $0x3  }
0x33: {  	p0 =	seq.s32 s10, $0x1;
	s10 =	sld [smem:$0x3FB3];
	_ =	sdelay $0x3  }
0x34: {  	[smem:$0x3FB3] =	sst s10  }
0x35: {  	s10 =	sld [smem:$0x3FB2];
	_ =	sdelay $0x3  }
0x36: {  	p1 =	seq.s32 s10, $0x1;
	s10 =	sld [smem:$0x3FB3];
	_ =	sdelay $0x3  }
0x37: {  	[smem:$0x3FB3] =	sst s10  }
0x38: {  	s10 =	sld [smem:$0x3FB4]  }
0x39: {  	_ = 	snop;
	(pc) =	sbr.ind lr, $3  }
0x3a: {  	_ = 	snop  }
0x3b: {  	_ = 	snop  }
0x3c: {  	p2 =	seq.s32 s10, $0x1;
	s10 =	sld [smem:$0x3FB3]  }
0x3d: {  	_ =	shalt  }
0x3e: {  	_ =	shalt  }
0x3f: {  	_ =	shalt  }
0x40: {  	_ =	shalt  }
0x41: {  	_ =	shalt  }
0x42: {  	_ =	shalt  }
0x43: {  	_ =	shalt  }
0x44: {  	_ =	shalt  }
0x45: {  	_ =	shalt  }
0x46: {  	_ =	shalt  }
0x47: {  	_ =	shalt  }
0x48: {  	_ =	shalt  }
0x49: {  	_ =	shalt  }
0x4a: {  	_ =	shalt  }
0x4b: {  	_ =	shalt  }
0x4c: {  	_ =	shalt  }
0x4d: {  	_ =	shalt  }
0x4e: {  	_ =	shalt  }
0x4f: {  	_ =	shalt  }
0x50: {  	_ =	shalt  }
0x51: {  	_ =	shalt  }
0x52: {  	_ =	shalt  }
0x53: {  	_ =	shalt  }
0x54: {  	_ =	shalt  }
0x55: {  	_ =	shalt  }
0x56: {  	_ =	shalt  }
0x57: {  	_ =	shalt  }
0x58: {  	_ =	shalt  }
0x59: {  	_ =	shalt  }
0x5a: {  	_ =	shalt  }
0x5b: {  	_ =	shalt  }
0x5c: {  	_ =	shalt  }
0x5d: {  	_ =	shalt  }
0x5e: {  	_ =	shalt  }
0x5f: {  	_ =	shalt  }
0x60: {  	_ =	shalt  }
0x61: {  	_ =	shalt  }
0x62: {  	_ =	shalt  }
0x63: {  	_ =	shalt  }
0x64: {  	_ =	shalt  }
0x65: {  	_ =	shalt  }
0x66: {  	_ =	shalt  }
0x67: {  	_ =	shalt  }
0x68: {  	_ =	shalt  }
0x69: {  	_ =	shalt  }
0x6a: {  	_ =	shalt  }
0x6b: {  	_ =	shalt  }
0x6c: {  	_ =	shalt  }
0x6d: {  	_ =	shalt  }
0x6e: {  	_ =	shalt  }
0x6f: {  	_ =	shalt  }
0x70: {  	_ =	shalt  }
0x71: {  	_ =	shalt  }
0x72: {  	_ =	shalt  }
0x73: {  	_ =	shalt  }
0x74: {  	_ =	shalt  }
0x75: {  	_ =	shalt  }
0x76: {  	_ =	shalt  }
0x77: {  	_ =	shalt  }
0x78: {  	_ =	shalt  }
0x79: {  	_ =	shalt  }
0x7a: {  	_ =	shalt  }
0x7b: {  	_ =	shalt  }
0x7c: {  	_ =	shalt  }
0x7d: {  	_ =	shalt  }
0x7e: {  	_ =	shalt  }
0x7f: {  	_ =	shalt  }
0x80: {  	_ =	shalt  }
0x81: {  	_ =	shalt  }
0x82: {  	_ =	shalt  }
0x83: {  	_ =	shalt  }
0x84: {  	_ =	shalt  }
0x85: {  	_ =	shalt  }
0x86: {  	_ =	shalt  }
0x87: {  	_ =	shalt  }
.Lfunc_end0:
.L_simem_size_0:
called_computation_lowered:
.L_overlay_start_0:
0x88: {  	s2 =	sld [smem:$0x3FD9]  }
0x89: {  	s3 =	sld [smem:$0x3FFE];
	_ =	sdelay $0x1  }
0x8a: {  	s1 =	srdreg.scid  }
0x8b: {  	s0 =	sand.u32 $0x1, s1  }
0x8c: {  	s17 =	sshll.u32 s0, $0xA;
	s2 =	sadd.s32 s3, s2  }
0x8d: {  	s2 =	sadd.s32 s2, s17  }
0x8e: {  	[smem:$0x3FBF] =	sst s2  }
0x8f: {  	_ = 	snop  }
0x90: {  	s2 =	sld [smem:$0x3FD0];
	(tm) =	ssettm $0x1  }
0x91: {  	s18 =	sld [smem:$0x3FFB];
	_ =	sdelay $0x3  }
0x92: {  	_ =	strace s18  }
0x93: {  	s3 =	sld [smem:$0x3FFC];
	_ =	sdelay $0x3  }
0x94: {  	_ =	strace s3  }
0x95: {  	s3 =	sld [smem:$0x3FFD];
	_ =	sdelay $0x3  }
0x96: {  	_ =	strace s3  }
0x97: {  	_ =	strace $0x8FFFFFFF  }
0x98: {  	s19 =	sld [smem:$0x3FDB];
	_ =	sdelay $0x1  }
0x99: {  	s4 =	simm.s32 $_scs_section_size  }
0x9a: {  	s5 =	simm.s32 $_size__tile_overlayer_lowered;
	s6 =	simm.s32 $_tile_overlayer_lowered  }
0x9b: {  	s22 =	simm.s32 $0x1BFF;
	s21 =	sshll.u32 s6, $0x1;
	s3 =	sadd.s32 s4, s19  }
0x9c: {  	s7 =	simm.s32 $0x0;
	s20 =	sshll.u32 s5, $0x1;
	s5 =	sadd.s32 s21, s3  }
0x9d: {  	[timem:s7], [sflag:s22] =	dma.local [hbm:s5], s20  }
0x9e: {  	_ =	swait.ge [sflag:s22], s20  }
0x9f: {  	s4 =	ssub.s32 $0x0, s20;
	[sflag:s22] =	ssyncset.done $0x0  }
0xa0: {  	[sflag:s22] =	ssyncadd.s32 s4;
	_ =	sdelay $0x1  }
0xa1: {  	s23 =	simm.s32 $0x1B8B  }
0xa2: {  	_ =	swait.ge [sflag:s23], $0x1  }
0xa3: {  	[sflag:s23] =	ssyncset.done $0x0  }
0xa4: {  	s25 =	simm.s32 $0x1B8E;
	s24 =	sld [smem:$0x3FFE];
	[sflag:s23] =	ssyncadd.s32 $0xFFFFFFFF  }
0xa5: {  	s26 =	simm.s32 $execute0_lowered;
	[smem:$0x3FD2] =	sst s25  }
0xa6: {  	s5 =	sshll.u32 s26, $0x1;
	_ =	strace $0x80000046;
	[dreg:$0x1] =	wrdreg $0xFFFFFFFF  }
0xa7: {  	s28 =	simm.s32 $_size_execute0_lowered;
	s3 =	sadd.s32 s3, s5;
	[dreg:$0x0] =	wrdreg $0x0  }
0xa8: {  	s5 =	sshll.u32 s28, $0x1;
	[dreg:$0x2] =	wrdreg s3  }
0xa9: {  	[dreg:$0x3] =	wrdreg s5  }
0xaa: {  	[dreg:$0x4] =	wrdreg $0xC0  }
0xab: {  	_ =	task [dreg:s7], $0x5FFFF  }
0xac: {  	[dreg:$0x1] =	wrdreg $0xFFFFFFFF  }
0xad: {  	[dreg:$0x0] =	wrdreg $0x60  }
0xae: {  	[dreg:$0x2] =	wrdreg s24  }
0xaf: {  	[dreg:$0x3] =	wrdreg s2  }
0xb0: {  	[dreg:$0x4] =	wrdreg $0x9  }
0xb1: {  	_ =	task.clear_ibuf [dreg:s7], $0x5FFFF;
	_ =	strace $0x90000046  }
0xb2: {  	s29 =	simm.s32 $0x9;
	_ =	strace $0x80000048  }
0xb3: {  	_ =	swait.ge [sflag:s29], $0x1  }
0xb4: {  	[sflag:s29] =	ssyncadd.s32 $0xFFFFFFFF  }
0xb5: {  	_ =	strace $0x90000048  }
0xb6: {  	_ =	sfence  }
0xb7: {  	s30 =	sld [smem:$0x0];
	_ =	sdelay $0x2  }
0xb8: {  	s31 =	sshll.u32 s1, $0xD;
	s1 =	sshrl.u32 s1, $0x2  }
0xb9: {  	s3 =	sand.u32 $0x4000, s31;
	s1 =	sadd.s32 s1, s30  }
0xba: {  	s0 =	sor.u32 s3, s0;
	s1 =	sshll.u32 s1, $0x11  }
0xbb: {  	s0 =	sor.u32 s1, s0  }
0xbc: {  	s0 =	sadd.s32 $0x8F2B, s0  }
0xbd: {  	[sflag:s0] =	ssyncadd.remote.s32 $0x1  }
0xbe: {  	_ =	sfence.sel $0xFFFF  }
0xbf: {  	[dreg:$0x0] =	wrdreg $0xFFFFFFFF;
	(pc) =	sbr.abs _section_cstart, $3  }
0xc0: {  	[dreg:$0x1] =	wrdreg $0xFFFFFFFF  }
0xc1: {  	_ =	task.clear_ibuf [dreg:s7], $0x2FFFF;
	_ =	strace $0x9FFFFFFF  }
0xc2: {  	(tm) =	ssettm $0x7FFFFFFF  }
0xc3: {  	_ =	shalt  }
tec
execute0_lowered:
.L_overlay_start_1:
0x0: {  	(tag) =	ssettag $0x1  }
0x1: {  	s1 =	srdreg.scid;
	s3 =	rddreg [dreg:$0x0]  }
0x2: {  	s0 =	stileid.u32;
	s9 =	rddreg [dreg:$0x1];
	s2 =	simm.s32 $0x0  }
0x3: {  	s14 =	simm.s32 $0x1;
	s15 =	simm.s32 $0x400;
	s4 =	sand.u32 $0x1, s1  }
0x4: {  	s16 =	simm.s32 $0x2;
	s6 =	sshll.u32 s0, $0xA;
	s5 =	sshll.u32 s4, $0xE  }
0x5: {  	s17 =	simm.s32 $0x0;
	[smem:$0x7FF] =	sst s2;
	s7 =	sor.u32 s6, s5  }
0x6: {  	_ =	strace $0x80000047;
	s30 =	ssub.s32 $0x2, s4;
	s5 =	sshll.u32 s7, $0x4  }
0x7: {  	s31 =	sshrl.u32 s30, $0x1;
	s12 =	sadd.s32 s5, s3;
	s3 =	sadd.s32 $0x1800, s3  }
0x8: {  	s13 =	ssub.s32 s30, s31;
	s4 =	sadd.s32 $0xF43C00, s12;
	s5 =	sadd.s32 $0xF44400, s12  }
0x9: {  	s10 =	sshrl.u32 s7, $0x3;
	s6 =	sadd.s32 $0xF44C00, s12;
	s7 =	sadd.s32 $0xF45400, s12  }
0xa: {  	s9 =	sadd.s32 s9, s10;
	s8 =	sadd.s32 $0xF45C00, s12;
	s10 =	sadd.s32 $0xF46400, s12  }
0xb: {  	s13 =	smax.u32 s13, $0x1;
	s11 =	sadd.s32 $0xF46C00, s12;
	s12 =	sadd.s32 $0xF47400, s12  }
.LBB2_1:
0xc: {  	[tilespmem:s2], [sflag:$0x1] =	stream.linear.gather [hbm4b:s9+s2], $0x400, $0x38;
	[tilespmem:$0x4400] =	vst v63  }
0xd: {  	_ =	swait.ge [sflag:s14], $0x400  }
0xe: {  	[sflag:s14] =	ssyncset.done $0x0  }
0xf: {  	[sflag:s14] =	ssyncadd.s32 $0xFFFFFC00  }
0x10: {  	v0 =	vld [tilespmem:s2+$0x0];
	_ =	sdelay $0x4  }
0x11: {  	v0 =	vshll.u32 v0, $0x4  }
0x12: {  	(v2sf) =	vpush v0, $0x0;
	_ =	sdelay $0x1  }
0x13: {  	(v2sf) =	vpush v0, $0x1;
	_ =	sdelay $0x3  }
0x14: {  	(v2sf) =	vpush v0, $0x2;
	_ =	sdelay $0x3  }
0x15: {  	(v2sf) =	vpush v0, $0x3;
	_ =	sdelay $0x3  }
0x16: {  	(v2sf) =	vpush v0, $0x4  }
0x17: {  	s19 =	spop (v2sf)  }
0x18: {  	s18 =	simm.s32 $0x80;
	s19 =	sand.u32 $0x1FFFFFF0, s19  }
0x19: {  	s21 =	simm.s32 $0x400;
	s20 =	spop (v2sf);
	s19 =	sadd.s32 s3, s19  }
0x1a: {  	(v2sf) =	vpush v0, $0x5;
	[tilespmem:s21], [sflag:$0x2] =	stream.strided.gather [hbm4b:s19+s18], $0x0, s15, s18, $0x38;
	[tilespmem:$0x4400] =	vst v63  }
0x1b: {  	s20 =	sand.u32 $0x1FFFFFF0, s20  }
0x1c: {  	[tilespmem:s21], [sflag:$0x2] =	stream.linear.gather [hbm4b:s19+s2], $0x10, $0x38;
	[tilespmem:$0x4400] =	vst v63  }
0x1d: {  	s24 =	simm.s32 $0x480;
	s25 =	spop (v2sf);
	s20 =	sadd.s32 s3, s20  }
0x1e: {  	(v2sf) =	vpush v0, $0x6;
	[tilespmem:s24], [sflag:$0x2] =	stream.strided.gather [hbm4b:s20+s18], $0x0, s15, s18, $0x38;
	[tilespmem:$0x4400] =	vst v63  }
0x1f: {  	s21 =	sand.u32 $0x1FFFFFF0, s25  }
0x20: {  	[tilespmem:s24], [sflag:$0x2] =	stream.linear.gather [hbm4b:s20+s2], $0x10, $0x38;
	[tilespmem:$0x4400] =	vst v63  }
0x21: {  	s28 =	simm.s32 $0x500;
	s26 =	spop (v2sf);
	s21 =	sadd.s32 s3, s21  }
0x22: {  	(v2sf) =	vpush v0, $0x7;
	[tilespmem:s28], [sflag:$0x2] =	stream.strided.gather [hbm4b:s21+s18], $0x0, s15, s18, $0x38;
	[tilespmem:$0x4400] =	vst v63  }
0x23: {  	s19 =	sand.u32 $0x1FFFFFF0, s26  }
0x24: {  	[tilespmem:s28], [sflag:$0x2] =	stream.linear.gather [hbm4b:s21+s2], $0x10, $0x38;
	[tilespmem:$0x4400] =	vst v63  }
0x25: {  	s30 =	simm.s32 $0x580;
	s29 =	spop (v2sf);
	s19 =	sadd.s32 s3, s19  }
0x26: {  	(v2sf) =	vpush v0, $0x8;
	[tilespmem:s30], [sflag:$0x2] =	stream.strided.gather [hbm4b:s19+s18], $0x0, s15, s18, $0x38;
	[tilespmem:$0x4400] =	vst v63  }
0x27: {  	s20 =	sand.u32 $0x1FFFFFF0, s29  }
0x28: {  	[tilespmem:s30], [sflag:$0x2] =	stream.linear.gather [hbm4b:s19+s2], $0x10, $0x38;
	[tilespmem:$0x4400] =	vst v63  }
0x29: {  	s1 =	simm.s32 $0x600;
	s20 =	sadd.s32 s3, s20;
	s31 =	spop (v2sf)  }
0x2a: {  	(v2sf) =	vpush v0, $0x9;
	[tilespmem:s1], [sflag:$0x2] =	stream.strided.gather [hbm4b:s20+s18], $0x0, s15, s18, $0x38;
	[tilespmem:$0x4400] =	vst v63  }
0x2b: {  	s19 =	sand.u32 $0x1FFFFFF0, s31  }
0x2c: {  	[tilespmem:s1], [sflag:$0x2] =	stream.linear.gather [hbm4b:s20+s2], $0x10, $0x38;
	[tilespmem:$0x4400] =	vst v63  }
0x2d: {  	s23 =	simm.s32 $0x680;
	s22 =	spop (v2sf);
	s19 =	sadd.s32 s3, s19  }
0x2e: {  	(v2sf) =	vpush v0, $0xA;
	[tilespmem:s23], [sflag:$0x2] =	stream.strided.gather [hbm4b:s19+s18], $0x0, s15, s18, $0x38;
	[tilespmem:$0x4400] =	vst v63  }
0x2f: {  	s20 =	sand.u32 $0x1FFFFFF0, s22  }
0x30: {  	[tilespmem:s23], [sflag:$0x2] =	stream.linear.gather [hbm4b:s19+s2], $0x10, $0x38;
	[tilespmem:$0x4400] =	vst v63  }
0x31: {  	s25 =	simm.s32 $0x700;
	s24 =	spop (v2sf);
	s20 =	sadd.s32 s3, s20  }
0x32: {  	(v2sf) =	vpush v0, $0xB;
	[tilespmem:s25], [sflag:$0x2] =	stream.strided.gather [hbm4b:s20+s18], $0x0, s15, s18, $0x38;
	[tilespmem:$0x4400] =	vst v63  }
0x33: {  	s19 =	sand.u32 $0x1FFFFFF0, s24  }
0x34: {  	[tilespmem:s25], [sflag:$0x2] =	stream.linear.gather [hbm4b:s20+s2], $0x10, $0x38;
	[tilespmem:$0x4400] =	vst v63  }
0x35: {  	s28 =	simm.s32 $0x780;
	s26 =	spop (v2sf);
	s19 =	sadd.s32 s3, s19  }
0x36: {  	(v2sf) =	vpush v0, $0xC;
	[tilespmem:s28], [sflag:$0x2] =	stream.strided.gather [hbm4b:s19+s18], $0x0, s15, s18, $0x38;
	[tilespmem:$0x4400] =	vst v63  }
0x37: {  	s20 =	sand.u32 $0x1FFFFFF0, s26  }
0x38: {  	[tilespmem:s28], [sflag:$0x2] =	stream.linear.gather [hbm4b:s19+s2], $0x10, $0x38;
	[tilespmem:$0x4400] =	vst v63  }
0x39: {  	s30 =	simm.s32 $0x800;
	s29 =	spop (v2sf);
	s20 =	sadd.s32 s3, s20  }
0x3a: {  	(v2sf) =	vpush v0, $0xD;
	[tilespmem:s30], [sflag:$0x2] =	stream.strided.gather [hbm4b:s20+s18], $0x0, s15, s18, $0x38;
	[tilespmem:$0x4400] =	vst v63  }
0x3b: {  	s19 =	sand.u32 $0x1FFFFFF0, s29  }
0x3c: {  	[tilespmem:s30], [sflag:$0x2] =	stream.linear.gather [hbm4b:s20+s2], $0x10, $0x38;
	[tilespmem:$0x4400] =	vst v63  }
0x3d: {  	s1 =	simm.s32 $0x880;
	s31 =	spop (v2sf);
	s19 =	sadd.s32 s3, s19  }
0x3e: {  	(v2sf) =	vpush v0, $0xE;
	[tilespmem:s1], [sflag:$0x2] =	stream.strided.gather [hbm4b:s19+s18], $0x0, s15, s18, $0x38;
	[tilespmem:$0x4400] =	vst v63  }
0x3f: {  	s20 =	sand.u32 $0x1FFFFFF0, s31  }
0x40: {  	[tilespmem:s1], [sflag:$0x2] =	stream.linear.gather [hbm4b:s19+s2], $0x10, $0x38;
	[tilespmem:$0x4400] =	vst v63  }
0x41: {  	s22 =	simm.s32 $0x900;
	s21 =	spop (v2sf);
	s20 =	sadd.s32 s3, s20  }
0x42: {  	(v2sf) =	vpush v0, $0xF;
	[tilespmem:s22], [sflag:$0x2] =	stream.strided.gather [hbm4b:s20+s18], $0x0, s15, s18, $0x38;
	[tilespmem:$0x4400] =	vst v63  }
0x43: {  	s19 =	sand.u32 $0x1FFFFFF0, s21  }
0x44: {  	[tilespmem:s22], [sflag:$0x2] =	stream.linear.gather [hbm4b:s20+s2], $0x10, $0x38;
	[tilespmem:$0x4400] =	vst v63  }
0x45: {  	s24 =	simm.s32 $0x980;
	s23 =	spop (v2sf);
	s19 =	sadd.s32 s3, s19  }
0x46: {  	[tilespmem:s24], [sflag:$0x2] =	stream.strided.gather [hbm4b:s19+s18], $0x0, s15, s18, $0x38;
	[tilespmem:$0x4400] =	vst v63  }
0x47: {  	s20 =	sand.u32 $0x1FFFFFF0, s23  }
0x48: {  	[tilespmem:s24], [sflag:$0x2] =	stream.linear.gather [hbm4b:s19+s2], $0x10, $0x38;
	[tilespmem:$0x4400] =	vst v63  }
0x49: {  	s26 =	simm.s32 $0xA00;
	s25 =	spop (v2sf);
	s20 =	sadd.s32 s3, s20  }
0x4a: {  	[tilespmem:s26], [sflag:$0x2] =	stream.strided.gather [hbm4b:s20+s18], $0x0, s15, s18, $0x38;
	[tilespmem:$0x4400] =	vst v63  }
0x4b: {  	s19 =	sand.u32 $0x1FFFFFF0, s25  }
0x4c: {  	[tilespmem:s26], [sflag:$0x2] =	stream.linear.gather [hbm4b:s20+s2], $0x10, $0x38;
	[tilespmem:$0x4400] =	vst v63  }
0x4d: {  	s29 =	simm.s32 $0xA80;
	s28 =	spop (v2sf);
	s19 =	sadd.s32 s3, s19  }
0x4e: {  	[tilespmem:s29], [sflag:$0x2] =	stream.strided.gather [hbm4b:s19+s18], $0x0, s15, s18, $0x38;
	[tilespmem:$0x4400] =	vst v63  }
0x4f: {  	s20 =	sand.u32 $0x1FFFFFF0, s28  }
0x50: {  	[tilespmem:s29], [sflag:$0x2] =	stream.linear.gather [hbm4b:s19+s2], $0x10, $0x38;
	[tilespmem:$0x4400] =	vst v63  }
0x51: {  	s31 =	simm.s32 $0xB00;
	s30 =	spop (v2sf);
	s20 =	sadd.s32 s3, s20  }
0x52: {  	[tilespmem:s31], [sflag:$0x2] =	stream.strided.gather [hbm4b:s20+s18], $0x0, s15, s18, $0x38;
	[tilespmem:$0x4400] =	vst v63  }
0x53: {  	s21 =	simm.s32 $0xB80;
	s19 =	sand.u32 $0x1FFFFFF0, s30  }
0x54: {  	[tilespmem:s31], [sflag:$0x2] =	stream.linear.gather [hbm4b:s20+s2], $0x10, $0x38;
	[tilespmem:$0x4400] =	vst v63  }
0x55: {  	s22 =	sadd.s32 s3, s19;
	s19 =	simm.s32 $0x2000;
	s20 =	simm.s32 $0x0  }
0x56: {  	[tilespmem:s21], [sflag:$0x2] =	stream.strided.gather [hbm4b:s22+s18], $0x0, s15, s18, $0x38;
	[tilespmem:$0x4400] =	vst v63  }
.LBB2_2:
0x57: {  	p0 =	sne.s32 s19, $0xE000  }
0x58: {  	s20 =	sadd.s32 $0x10, s20;
	s23 =	smov.u32 s19;
	s19 =	sadd.s32 $0x2000, s19  }
0x59: {  	[tilespmem:s21], [sflag:$0x2] =	stream.linear.gather [hbm4b:s22+s2], $0x10, $0x38;
	[tilespmem:$0x4400] =	vst v63  }
0x5a: {  	v0 =	vld [tilespmem:s20+$0x0];
	_ =	sdelay $0x4  }
0x5b: {  	v0 =	vshll.u32 v0, $0x4  }
0x5c: {  	(v2sf) =	vpush v0, $0x0  }
0x5d: {  	(v2sf) =	vpush v0, $0x1  }
0x5e: {  	(v2sf) =	vpush v0, $0x2;
	_ =	sdelay $0x2  }
0x5f: {  	(v2sf) =	vpush v0, $0x3;
	_ =	sdelay $0x1  }
0x60: {  	(v2sf) =	vpush v0, $0x4;
	_ =	sdelay $0x1  }
0x61: {  	(v2sf) =	vpush v0, $0x5;
	_ =	sdelay $0x1  }
0x62: {  	(v2sf) =	vpush v0, $0x6;
	_ =	sdelay $0x1  }
0x63: {  	(v2sf) =	vpush v0, $0x7;
	_ =	sdelay $0x1  }
0x64: {  	s22 =	spop (v2sf);
	(v2sf) =	vpush v0, $0x8  }
0x65: {  	s21 =	sshra.s32 s23, $0x2;
	s22 =	sand.u32 $0x1FFFFFF0, s22;
	s23 =	spop (v2sf)  }
0x66: {  	s24 =	sadd.s32 $0x480, s21;
	s22 =	sadd.s32 s3, s22;
	s25 =	spop (v2sf);
	(v2sf) =	vpush v0, $0x9  }
0x67: {  	s26 =	sadd.s32 $0x400, s21;
	s23 =	sand.u32 $0x1FFFFFF0, s23;
	s25 =	sand.u32 $0x1FFFFFF0, s25  }
0x68: {  	[tilespmem:s26], [sflag:$0x2] =	stream.strided.gather [hbm4b:s22+s18], $0x0, s15, s18, $0x38;
	(v2sf) =	vpush v0, $0xA;
	[tilespmem:$0x4400] =	vst v63  }
0x69: {  	s28 =	spop (v2sf)  }
0x6a: {  	[tilespmem:s26], [sflag:$0x2] =	stream.linear.gather [hbm4b:s22+s2], $0x10, $0x38;
	(v2sf) =	vpush v0, $0xB;
	[tilespmem:$0x4400] =	vst v63  }
0x6b: {  	s22 =	sadd.s32 s3, s23;
	s23 =	sand.u32 $0x1FFFFFF0, s28;
	s26 =	spop (v2sf)  }
0x6c: {  	[tilespmem:s24], [sflag:$0x2] =	stream.strided.gather [hbm4b:s22+s18], $0x0, s15, s18, $0x38;
	(v2sf) =	vpush v0, $0xC;
	[tilespmem:$0x4400] =	vst v63  }
0x6d: {  	s28 =	sadd.s32 $0x500, s21;
	s26 =	sand.u32 $0x1FFFFFF0, s26;
	s29 =	spop (v2sf)  }
0x6e: {  	[tilespmem:s24], [sflag:$0x2] =	stream.linear.gather [hbm4b:s22+s2], $0x10, $0x38;
	[tilespmem:$0x4400] =	vst v63  }
0x6f: {  	s22 =	sadd.s32 s3, s25;
	s24 =	sand.u32 $0x1FFFFFF0, s29;
	s25 =	spop (v2sf)  }
0x70: {  	[tilespmem:s28], [sflag:$0x2] =	stream.strided.gather [hbm4b:s22+s18], $0x0, s15, s18, $0x38;
	(v2sf) =	vpush v0, $0xD;
	[tilespmem:$0x4400] =	vst v63  }
0x71: {  	s29 =	sadd.s32 $0x580, s21;
	s25 =	sand.u32 $0x1FFFFFF0, s25;
	s30 =	spop (v2sf)  }
0x72: {  	[tilespmem:s28], [sflag:$0x2] =	stream.linear.gather [hbm4b:s22+s2], $0x10, $0x38;
	[tilespmem:$0x4400] =	vst v63  }
0x73: {  	s22 =	sadd.s32 s3, s23;
	s23 =	sand.u32 $0x1FFFFFF0, s30;
	s28 =	spop (v2sf)  }
0x74: {  	[tilespmem:s29], [sflag:$0x2] =	stream.strided.gather [hbm4b:s22+s18], $0x0, s15, s18, $0x38;
	(v2sf) =	vpush v0, $0xE;
	[tilespmem:$0x4400] =	vst v63  }
0x75: {  	s30 =	sadd.s32 $0x600, s21;
	s28 =	sand.u32 $0x1FFFFFF0, s28;
	s31 =	spop (v2sf)  }
0x76: {  	[tilespmem:s29], [sflag:$0x2] =	stream.linear.gather [hbm4b:s22+s2], $0x10, $0x38;
	[tilespmem:$0x4400] =	vst v63  }
0x77: {  	s22 =	sadd.s32 s3, s26;
	s26 =	sand.u32 $0x1FFFFFF0, s31;
	s29 =	spop (v2sf)  }
0x78: {  	[tilespmem:s30], [sflag:$0x2] =	stream.strided.gather [hbm4b:s22+s18], $0x0, s15, s18, $0x38;
	(v2sf) =	vpush v0, $0xF;
	[tilespmem:$0x4400] =	vst v63  }
0x79: {  	s31 =	sadd.s32 $0x680, s21;
	s29 =	sand.u32 $0x1FFFFFF0, s29;
	s1 =	spop (v2sf)  }
0x7a: {  	[tilespmem:s30], [sflag:$0x2] =	stream.linear.gather [hbm4b:s22+s2], $0x10, $0x38;
	[tilespmem:$0x4400] =	vst v63  }
0x7b: {  	s22 =	sadd.s32 s3, s24;
	s1 =	sand.u32 $0x1FFFFFF0, s1;
	s24 =	spop (v2sf)  }
0x7c: {  	[tilespmem:s31], [sflag:$0x2] =	stream.strided.gather [hbm4b:s22+s18], $0x0, s15, s18, $0x38;
	[tilespmem:$0x4400] =	vst v63  }
0x7d: {  	s25 =	sadd.s32 s3, s25;
	s30 =	sadd.s32 $0x700, s21;
	s24 =	sand.u32 $0x1FFFFFF0, s24  }
0x7e: {  	[tilespmem:s31], [sflag:$0x2] =	stream.linear.gather [hbm4b:s22+s2], $0x10, $0x38;
	[tilespmem:$0x4400] =	vst v63  }
0x7f: {  	s22 =	spop (v2sf)  }
0x80: {  	[tilespmem:s30], [sflag:$0x2] =	stream.strided.gather [hbm4b:s25+s18], $0x0, s15, s18, $0x38;
	[tilespmem:$0x4400] =	vst v63  }
0x81: {  	s23 =	sadd.s32 s3, s23;
	s31 =	sadd.s32 $0x780, s21;
	s22 =	sand.u32 $0x1FFFFFF0, s22  }
0x82: {  	[tilespmem:s30], [sflag:$0x2] =	stream.linear.gather [hbm4b:s25+s2], $0x10, $0x38;
	[tilespmem:$0x4400] =	vst v63  }
0x83: {  	s25 =	spop (v2sf)  }
0x84: {  	[tilespmem:s31], [sflag:$0x2] =	stream.strided.gather [hbm4b:s23+s18], $0x0, s15, s18, $0x38;
	[tilespmem:$0x4400] =	vst v63  }
0x85: {  	s28 =	sadd.s32 s3, s28;
	s30 =	sadd.s32 $0x800, s21;
	s25 =	sand.u32 $0x1FFFFFF0, s25  }
0x86: {  	[tilespmem:s31], [sflag:$0x2] =	stream.linear.gather [hbm4b:s23+s2], $0x10, $0x38;
	[tilespmem:$0x4400] =	vst v63  }
0x87: {  	s23 =	spop (v2sf)  }
0x88: {  	[tilespmem:s30], [sflag:$0x2] =	stream.strided.gather [hbm4b:s28+s18], $0x0, s15, s18, $0x38;
	[tilespmem:$0x4400] =	vst v63  }
0x89: {  	s26 =	sadd.s32 s3, s26;
	s31 =	sadd.s32 $0x880, s21;
	s23 =	sand.u32 $0x1FFFFFF0, s23  }
0x8a: {  	[tilespmem:s30], [sflag:$0x2] =	stream.linear.gather [hbm4b:s28+s2], $0x10, $0x38;
	[tilespmem:$0x4400] =	vst v63  }
0x8b: {  	_ = 	snop  }
0x8c: {  	[tilespmem:s31], [sflag:$0x2] =	stream.strided.gather [hbm4b:s26+s18], $0x0, s15, s18, $0x38;
	[tilespmem:$0x4400] =	vst v63  }
0x8d: {  	s29 =	sadd.s32 s3, s29;
	s28 =	sadd.s32 $0x900, s21  }
0x8e: {  	[tilespmem:s31], [sflag:$0x2] =	stream.linear.gather [hbm4b:s26+s2], $0x10, $0x38;
	[tilespmem:$0x4400] =	vst v63  }
0x8f: {  	_ = 	snop  }
0x90: {  	[tilespmem:s28], [sflag:$0x2] =	stream.strided.gather [hbm4b:s29+s18], $0x0, s15, s18, $0x38;
	[tilespmem:$0x4400] =	vst v63  }
0x91: {  	s1 =	sadd.s32 s3, s1;
	s26 =	sadd.s32 $0x980, s21  }
0x92: {  	[tilespmem:s28], [sflag:$0x2] =	stream.linear.gather [hbm4b:s29+s2], $0x10, $0x38;
	[tilespmem:$0x4400] =	vst v63  }
0x93: {  	_ = 	snop  }
0x94: {  	[tilespmem:s26], [sflag:$0x2] =	stream.strided.gather [hbm4b:s1+s18], $0x0, s15, s18, $0x38;
	[tilespmem:$0x4400] =	vst v63  }
0x95: {  	s24 =	sadd.s32 s3, s24;
	s28 =	sadd.s32 $0xA00, s21  }
0x96: {  	[tilespmem:s26], [sflag:$0x2] =	stream.linear.gather [hbm4b:s1+s2], $0x10, $0x38;
	[tilespmem:$0x4400] =	vst v63  }
0x97: {  	_ = 	snop  }
0x98: {  	[tilespmem:s28], [sflag:$0x2] =	stream.strided.gather [hbm4b:s24+s18], $0x0, s15, s18, $0x38;
	[tilespmem:$0x4400] =	vst v63  }
0x99: {  	s22 =	sadd.s32 s3, s22;
	s1 =	sadd.s32 $0xA80, s21  }
0x9a: {  	[tilespmem:s28], [sflag:$0x2] =	stream.linear.gather [hbm4b:s24+s2], $0x10, $0x38;
	[tilespmem:$0x4400] =	vst v63  }
0x9b: {  	_ = 	snop  }
0x9c: {  	[tilespmem:s1], [sflag:$0x2] =	stream.strided.gather [hbm4b:s22+s18], $0x0, s15, s18, $0x38;
	[tilespmem:$0x4400] =	vst v63  }
0x9d: {  	s25 =	sadd.s32 s3, s25;
	s24 =	sadd.s32 $0xB00, s21  }
0x9e: {  	[tilespmem:s1], [sflag:$0x2] =	stream.linear.gather [hbm4b:s22+s2], $0x10, $0x38;
	[tilespmem:$0x4400] =	vst v63  }
0x9f: {  	_ = 	snop  }
0xa0: {  	[tilespmem:s24], [sflag:$0x2] =	stream.strided.gather [hbm4b:s25+s18], $0x0, s15, s18, $0x38;
	[tilespmem:$0x4400] =	vst v63  }
.Ltmp0:
0xa1: {  	_ = 	snop;
	(pc) =	sbr.rel @p0 .LBB2_2-.Ltmp0, $4  }
0xa2: {  	s21 =	sadd.s32 $0xB80, s21;
	s22 =	sadd.s32 s3, s23  }
0xa3: {  	[tilespmem:s24], [sflag:$0x2] =	stream.linear.gather [hbm4b:s25+s2], $0x10, $0x38;
	[tilespmem:$0x4400] =	vst v63  }
0xa4: {  	_ = 	snop  }
0xa5: {  	[tilespmem:s21], [sflag:$0x2] =	stream.strided.gather [hbm4b:s22+s18], $0x0, s15, s18, $0x38;
	[tilespmem:$0x4400] =	vst v63  }
0xa6: {  	[tilespmem:s21], [sflag:$0x2] =	stream.linear.gather [hbm4b:s22+s2], $0x10, $0x38;
	[tilespmem:$0x4400] =	vst v63  }
0xa7: {  	_ =	swait.ge [sflag:s16], $0x10  }
0xa8: {  	s18 =	simm.s32 $0x7F;
	[sflag:s16] =	ssyncset.done $0x0  }
.LBB2_4:
0xa9: {  	p0 =	sne.s32 s18, $0x1;
	s18 =	sadd.s32 $0xFFFFFFFF, s18;
	[sflag:s16] =	ssyncadd.s32 $0xFFFFFFF0  }
.Ltmp1:
0xaa: {  	(pc) =	sbr.rel @p0 .LBB2_4-.Ltmp1, $3  }
0xab: {  	_ =	sdelay $0x1  }
0xac: {  	_ =	swait.ge [sflag:s16], $0x10  }
0xad: {  	[sflag:s16] =	ssyncset.done $0x0  }
0xae: {  	[sflag:s16] =	ssyncadd.s32 $0xFFFFFFF0;
	s1 =	simm.s32 $0x0  }
0xaf: {  	[hbm4b:s4+s1] =	stream.linear.scatter [tilespmem:s15], [sflag:$0x1], $0x4000, $0x38;
	[tilespmem:$0x4400] =	vst v63  }
0xb0: {  	_ =	swait.ge [sflag:s14], $0x4000  }
0xb1: {  	[sflag:s14] =	ssyncset.done $0x0  }
0xb2: {  	s18 =	simm.s32 $0x80;
	[sflag:s14] =	ssyncadd.s32 $0xFFFFC000  }
0xb3: {  	v0 =	vld [tilespmem:s18+$0x0];
	_ =	sdelay $0x4  }
0xb4: {  	v0 =	vshll.u32 v0, $0x4  }
0xb5: {  	(v2sf) =	vpush v0, $0x0;
	_ =	sdelay $0x1  }
0xb6: {  	(v2sf) =	vpush v0, $0x1;
	_ =	sdelay $0x3  }
0xb7: {  	(v2sf) =	vpush v0, $0x2;
	_ =	sdelay $0x3  }
0xb8: {  	(v2sf) =	vpush v0, $0x3;
	_ =	sdelay $0x3  }
0xb9: {  	(v2sf) =	vpush v0, $0x4  }
0xba: {  	s22 =	spop (v2sf)  }
0xbb: {  	s1 =	sand.u32 $0x1FFFFFF0, s22  }
0xbc: {  	s20 =	simm.s32 $0x400;
	s19 =	spop (v2sf);
	s1 =	sadd.s32 s3, s1  }
0xbd: {  	(v2sf) =	vpush v0, $0x5;
	[tilespmem:s20], [sflag:$0x2] =	stream.strided.gather [hbm4b:s1+s18], $0x0, s15, s18, $0x38;
	[tilespmem:$0x4400] =	vst v63  }
0xbe: {  	s19 =	sand.u32 $0x1FFFFFF0, s19  }
0xbf: {  	[tilespmem:s20], [sflag:$0x2] =	stream.linear.gather [hbm4b:s1+s2], $0x10, $0x38;
	[tilespmem:$0x4400] =	vst v63  }
0xc0: {  	s23 =	simm.s32 $0x480;
	s24 =	spop (v2sf);
	s19 =	sadd.s32 s3, s19  }
0xc1: {  	(v2sf) =	vpush v0, $0x6;
	[tilespmem:s23], [sflag:$0x2] =	stream.strided.gather [hbm4b:s19+s18], $0x0, s15, s18, $0x38;
	[tilespmem:$0x4400] =	vst v63  }
0xc2: {  	s20 =	sand.u32 $0x1FFFFFF0, s24  }
0xc3: {  	[tilespmem:s23], [sflag:$0x2] =	stream.linear.gather [hbm4b:s19+s2], $0x10, $0x38;
	[tilespmem:$0x4400] =	vst v63  }
0xc4: {  	s26 =	simm.s32 $0x500;
	s25 =	spop (v2sf);
	s20 =	sadd.s32 s3, s20  }
0xc5: {  	(v2sf) =	vpush v0, $0x7;
	[tilespmem:s26], [sflag:$0x2] =	stream.strided.gather [hbm4b:s20+s18], $0x0, s15, s18, $0x38;
	[tilespmem:$0x4400] =	vst v63  }
0xc6: {  	s1 =	sand.u32 $0x1FFFFFF0, s25  }
0xc7: {  	[tilespmem:s26], [sflag:$0x2] =	stream.linear.gather [hbm4b:s20+s2], $0x10, $0x38;
	[tilespmem:$0x4400] =	vst v63  }
0xc8: {  	s29 =	simm.s32 $0x580;
	s28 =	spop (v2sf);
	s1 =	sadd.s32 s3, s1  }
0xc9: {  	(v2sf) =	vpush v0, $0x8;
	[tilespmem:s29], [sflag:$0x2] =	stream.strided.gather [hbm4b:s1+s18], $0x0, s15, s18, $0x38;
	[tilespmem:$0x4400] =	vst v63  }
0xca: {  	s19 =	sand.u32 $0x1FFFFFF0, s28  }
0xcb: {  	[tilespmem:s29], [sflag:$0x2] =	stream.linear.gather [hbm4b:s1+s2], $0x10, $0x38;
	[tilespmem:$0x4400] =	vst v63  }
0xcc: {  	s31 =	simm.s32 $0x600;
	s19 =	sadd.s32 s3, s19;
	s30 =	spop (v2sf)  }
0xcd: {  	(v2sf) =	vpush v0, $0x9;
	[tilespmem:s31], [sflag:$0x2] =	stream.strided.gather [hbm4b:s19+s18], $0x0, s15, s18, $0x38;
	[tilespmem:$0x4400] =	vst v63  }
0xce: {  	s1 =	sand.u32 $0x1FFFFFF0, s30  }
0xcf: {  	[tilespmem:s31], [sflag:$0x2] =	stream.linear.gather [hbm4b:s19+s2], $0x10, $0x38;
	[tilespmem:$0x4400] =	vst v63  }
0xd0: {  	s22 =	simm.s32 $0x680;
	s21 =	spop (v2sf);
	s1 =	sadd.s32 s3, s1  }
0xd1: {  	(v2sf) =	vpush v0, $0xA;
	[tilespmem:s22], [sflag:$0x2] =	stream.strided.gather [hbm4b:s1+s18], $0x0, s15, s18, $0x38;
	[tilespmem:$0x4400] =	vst v63  }
0xd2: {  	s19 =	sand.u32 $0x1FFFFFF0, s21  }
0xd3: {  	[tilespmem:s22], [sflag:$0x2] =	stream.linear.gather [hbm4b:s1+s2], $0x10, $0x38;
	[tilespmem:$0x4400] =	vst v63  }
0xd4: {  	s24 =	simm.s32 $0x700;
	s23 =	spop (v2sf);
	s19 =	sadd.s32 s3, s19  }
0xd5: {  	(v2sf) =	vpush v0, $0xB;
	[tilespmem:s24], [sflag:$0x2] =	stream.strided.gather [hbm4b:s19+s18], $0x0, s15, s18, $0x38;
	[tilespmem:$0x4400] =	vst v63  }
0xd6: {  	s1 =	sand.u32 $0x1FFFFFF0, s23  }
0xd7: {  	[tilespmem:s24], [sflag:$0x2] =	stream.linear.gather [hbm4b:s19+s2], $0x10, $0x38;
	[tilespmem:$0x4400] =	vst v63  }
0xd8: {  	s26 =	simm.s32 $0x780;
	s25 =	spop (v2sf);
	s1 =	sadd.s32 s3, s1  }
0xd9: {  	(v2sf) =	vpush v0, $0xC;
	[tilespmem:s26], [sflag:$0x2] =	stream.strided.gather [hbm4b:s1+s18], $0x0, s15, s18, $0x38;
	[tilespmem:$0x4400] =	vst v63  }
0xda: {  	s19 =	sand.u32 $0x1FFFFFF0, s25  }
0xdb: {  	[tilespmem:s26], [sflag:$0x2] =	stream.linear.gather [hbm4b:s1+s2], $0x10, $0x38;
	[tilespmem:$0x4400] =	vst v63  }
0xdc: {  	s29 =	simm.s32 $0x800;
	s28 =	spop (v2sf);
	s19 =	sadd.s32 s3, s19  }
0xdd: {  	(v2sf) =	vpush v0, $0xD;
	[tilespmem:s29], [sflag:$0x2] =	stream.strided.gather [hbm4b:s19+s18], $0x0, s15, s18, $0x38;
	[tilespmem:$0x4400] =	vst v63  }
0xde: {  	s1 =	sand.u32 $0x1FFFFFF0, s28  }
0xdf: {  	[tilespmem:s29], [sflag:$0x2] =	stream.linear.gather [hbm4b:s19+s2], $0x10, $0x38;
	[tilespmem:$0x4400] =	vst v63  }
0xe0: {  	s31 =	simm.s32 $0x880;
	s30 =	spop (v2sf);
	s1 =	sadd.s32 s3, s1  }
0xe1: {  	(v2sf) =	vpush v0, $0xE;
	[tilespmem:s31], [sflag:$0x2] =	stream.strided.gather [hbm4b:s1+s18], $0x0, s15, s18, $0x38;
	[tilespmem:$0x4400] =	vst v63  }
0xe2: {  	s19 =	sand.u32 $0x1FFFFFF0, s30  }
0xe3: {  	[tilespmem:s31], [sflag:$0x2] =	stream.linear.gather [hbm4b:s1+s2], $0x10, $0x38;
	[tilespmem:$0x4400] =	vst v63  }
0xe4: {  	s22 =	simm.s32 $0x900;
	s21 =	spop (v2sf);
	s19 =	sadd.s32 s3, s19  }
0xe5: {  	(v2sf) =	vpush v0, $0xF;
	[tilespmem:s22], [sflag:$0x2] =	stream.strided.gather [hbm4b:s19+s18], $0x0, s15, s18, $0x38;
	[tilespmem:$0x4400] =	vst v63  }
0xe6: {  	s1 =	sand.u32 $0x1FFFFFF0, s21  }
0xe7: {  	[tilespmem:s22], [sflag:$0x2] =	stream.linear.gather [hbm4b:s19+s2], $0x10, $0x38;
	[tilespmem:$0x4400] =	vst v63  }
0xe8: {  	s24 =	simm.s32 $0x980;
	s23 =	spop (v2sf);
	s1 =	sadd.s32 s3, s1  }
0xe9: {  	[tilespmem:s24], [sflag:$0x2] =	stream.strided.gather [hbm4b:s1+s18], $0x0, s15, s18, $0x38;
	[tilespmem:$0x4400] =	vst v63  }
0xea: {  	s19 =	sand.u32 $0x1FFFFFF0, s23  }
0xeb: {  	[tilespmem:s24], [sflag:$0x2] =	stream.linear.gather [hbm4b:s1+s2], $0x10, $0x38;
	[tilespmem:$0x4400] =	vst v63  }
0xec: {  	s26 =	simm.s32 $0xA00;
	s25 =	spop (v2sf);
	s19 =	sadd.s32 s3, s19  }
0xed: {  	[tilespmem:s26], [sflag:$0x2] =	stream.strided.gather [hbm4b:s19+s18], $0x0, s15, s18, $0x38;
	[tilespmem:$0x4400] =	vst v63  }
0xee: {  	s1 =	sand.u32 $0x1FFFFFF0, s25  }
0xef: {  	[tilespmem:s26], [sflag:$0x2] =	stream.linear.gather [hbm4b:s19+s2], $0x10, $0x38;
	[tilespmem:$0x4400] =	vst v63  }
0xf0: {  	s29 =	simm.s32 $0xA80;
	s28 =	spop (v2sf);
	s1 =	sadd.s32 s3, s1  }
0xf1: {  	[tilespmem:s29], [sflag:$0x2] =	stream.strided.gather [hbm4b:s1+s18], $0x0, s15, s18, $0x38;
	[tilespmem:$0x4400] =	vst v63  }
0xf2: {  	s19 =	sand.u32 $0x1FFFFFF0, s28  }
0xf3: {  	[tilespmem:s29], [sflag:$0x2] =	stream.linear.gather [hbm4b:s1+s2], $0x10, $0x38;
	[tilespmem:$0x4400] =	vst v63  }
0xf4: {  	s31 =	simm.s32 $0xB00;
	s30 =	spop (v2sf);
	s19 =	sadd.s32 s3, s19  }
0xf5: {  	[tilespmem:s31], [sflag:$0x2] =	stream.strided.gather [hbm4b:s19+s18], $0x0, s15, s18, $0x38;
	[tilespmem:$0x4400] =	vst v63  }
0xf6: {  	s20 =	simm.s32 $0x80;
	s1 =	sand.u32 $0x1FFFFFF0, s30  }
0xf7: {  	[tilespmem:s31], [sflag:$0x2] =	stream.linear.gather [hbm4b:s19+s2], $0x10, $0x38;
	[tilespmem:$0x4400] =	vst v63  }
0xf8: {  	s21 =	simm.s32 $0xB80;
	s22 =	sadd.s32 s3, s1;
	s19 =	simm.s32 $0x2000  }
0xf9: {  	[tilespmem:s21], [sflag:$0x2] =	stream.strided.gather [hbm4b:s22+s18], $0x0, s15, s18, $0x38;
	[tilespmem:$0x4400] =	vst v63  }
.LBB2_6:
0xfa: {  	p0 =	sne.s32 s19, $0xE000  }
0xfb: {  	s20 =	sadd.s32 $0x10, s20;
	s1 =	smov.u32 s19;
	s19 =	sadd.s32 $0x2000, s19  }
0xfc: {  	[tilespmem:s21], [sflag:$0x2] =	stream.linear.gather [hbm4b:s22+s2], $0x10, $0x38;
	[tilespmem:$0x4400] =	vst v63  }
0xfd: {  	v0 =	vld [tilespmem:s20+$0x0];
	_ =	sdelay $0x4  }
0xfe: {  	v0 =	vshll.u32 v0, $0x4  }
0xff: {  	(v2sf) =	vpush v0, $0x0  }
0x100: {  	(v2sf) =	vpush v0, $0x1  }
0x101: {  	(v2sf) =	vpush v0, $0x2;
	_ =	sdelay $0x2  }
0x102: {  	(v2sf) =	vpush v0, $0x3;
	_ =	sdelay $0x1  }
0x103: {  	(v2sf) =	vpush v0, $0x4;
	_ =	sdelay $0x1  }
0x104: {  	(v2sf) =	vpush v0, $0x5;
	_ =	sdelay $0x1  }
0x105: {  	(v2sf) =	vpush v0, $0x6;
	_ =	sdelay $0x1  }
0x106: {  	(v2sf) =	vpush v0, $0x7;
	_ =	sdelay $0x1  }
0x107: {  	s22 =	spop (v2sf);
	(v2sf) =	vpush v0, $0x8  }
0x108: {  	s21 =	sshra.s32 s1, $0x2;
	s1 =	sand.u32 $0x1FFFFFF0, s22;
	s22 =	spop (v2sf)  }
0x109: {  	s23 =	sadd.s32 $0x480, s21;
	s1 =	sadd.s32 s3, s1;
	s24 =	spop (v2sf);
	(v2sf) =	vpush v0, $0x9  }
0x10a: {  	s25 =	sadd.s32 $0x400, s21;
	s22 =	sand.u32 $0x1FFFFFF0, s22;
	s24 =	sand.u32 $0x1FFFFFF0, s24  }
0x10b: {  	[tilespmem:s25], [sflag:$0x2] =	stream.strided.gather [hbm4b:s1+s18], $0x0, s15, s18, $0x38;
	(v2sf) =	vpush v0, $0xA;
	[tilespmem:$0x4400] =	vst v63  }
0x10c: {  	s26 =	spop (v2sf)  }
0x10d: {  	[tilespmem:s25], [sflag:$0x2] =	stream.linear.gather [hbm4b:s1+s2], $0x10, $0x38;
	(v2sf) =	vpush v0, $0xB;
	[tilespmem:$0x4400] =	vst v63  }
0x10e: {  	s1 =	sadd.s32 s3, s22;
	s22 =	sand.u32 $0x1FFFFFF0, s26;
	s25 =	spop (v2sf)  }
0x10f: {  	[tilespmem:s23], [sflag:$0x2] =	stream.strided.gather [hbm4b:s1+s18], $0x0, s15, s18, $0x38;
	(v2sf) =	vpush v0, $0xC;
	[tilespmem:$0x4400] =	vst v63  }
0x110: {  	s26 =	sadd.s32 $0x500, s21;
	s25 =	sand.u32 $0x1FFFFFF0, s25;
	s28 =	spop (v2sf)  }
0x111: {  	[tilespmem:s23], [sflag:$0x2] =	stream.linear.gather [hbm4b:s1+s2], $0x10, $0x38;
	[tilespmem:$0x4400] =	vst v63  }
0x112: {  	s1 =	sadd.s32 s3, s24;
	s23 =	sand.u32 $0x1FFFFFF0, s28;
	s24 =	spop (v2sf)  }
0x113: {  	[tilespmem:s26], [sflag:$0x2] =	stream.strided.gather [hbm4b:s1+s18], $0x0, s15, s18, $0x38;
	(v2sf) =	vpush v0, $0xD;
	[tilespmem:$0x4400] =	vst v63  }
0x114: {  	s28 =	sadd.s32 $0x580, s21;
	s24 =	sand.u32 $0x1FFFFFF0, s24;
	s29 =	spop (v2sf)  }
0x115: {  	[tilespmem:s26], [sflag:$0x2] =	stream.linear.gather [hbm4b:s1+s2], $0x10, $0x38;
	[tilespmem:$0x4400] =	vst v63  }
0x116: {  	s1 =	sadd.s32 s3, s22;
	s22 =	sand.u32 $0x1FFFFFF0, s29;
	s26 =	spop (v2sf)  }
0x117: {  	[tilespmem:s28], [sflag:$0x2] =	stream.strided.gather [hbm4b:s1+s18], $0x0, s15, s18, $0x38;
	(v2sf) =	vpush v0, $0xE;
	[tilespmem:$0x4400] =	vst v63  }
0x118: {  	s29 =	sadd.s32 $0x600, s21;
	s26 =	sand.u32 $0x1FFFFFF0, s26;
	s30 =	spop (v2sf)  }
0x119: {  	[tilespmem:s28], [sflag:$0x2] =	stream.linear.gather [hbm4b:s1+s2], $0x10, $0x38;
	[tilespmem:$0x4400] =	vst v63  }
0x11a: {  	s1 =	sadd.s32 s3, s25;
	s25 =	sand.u32 $0x1FFFFFF0, s30;
	s28 =	spop (v2sf)  }
0x11b: {  	[tilespmem:s29], [sflag:$0x2] =	stream.strided.gather [hbm4b:s1+s18], $0x0, s15, s18, $0x38;
	(v2sf) =	vpush v0, $0xF;
	[tilespmem:$0x4400] =	vst v63  }
0x11c: {  	s30 =	sadd.s32 $0x680, s21;
	s28 =	sand.u32 $0x1FFFFFF0, s28;
	s31 =	spop (v2sf)  }
0x11d: {  	[tilespmem:s29], [sflag:$0x2] =	stream.linear.gather [hbm4b:s1+s2], $0x10, $0x38;
	[tilespmem:$0x4400] =	vst v63  }
0x11e: {  	s1 =	sadd.s32 s3, s23;
	s23 =	sand.u32 $0x1FFFFFF0, s31;
	s29 =	spop (v2sf)  }
0x11f: {  	[tilespmem:s30], [sflag:$0x2] =	stream.strided.gather [hbm4b:s1+s18], $0x0, s15, s18, $0x38;
	[tilespmem:$0x4400] =	vst v63  }
0x120: {  	s24 =	sadd.s32 s3, s24;
	s31 =	sadd.s32 $0x700, s21;
	s29 =	sand.u32 $0x1FFFFFF0, s29  }
0x121: {  	[tilespmem:s30], [sflag:$0x2] =	stream.linear.gather [hbm4b:s1+s2], $0x10, $0x38;
	[tilespmem:$0x4400] =	vst v63  }
0x122: {  	s1 =	spop (v2sf)  }
0x123: {  	[tilespmem:s31], [sflag:$0x2] =	stream.strided.gather [hbm4b:s24+s18], $0x0, s15, s18, $0x38;
	[tilespmem:$0x4400] =	vst v63  }
0x124: {  	s22 =	sadd.s32 s3, s22;
	s30 =	sadd.s32 $0x780, s21;
	s1 =	sand.u32 $0x1FFFFFF0, s1  }
0x125: {  	[tilespmem:s31], [sflag:$0x2] =	stream.linear.gather [hbm4b:s24+s2], $0x10, $0x38;
	[tilespmem:$0x4400] =	vst v63  }
0x126: {  	s24 =	spop (v2sf)  }
0x127: {  	[tilespmem:s30], [sflag:$0x2] =	stream.strided.gather [hbm4b:s22+s18], $0x0, s15, s18, $0x38;
	[tilespmem:$0x4400] =	vst v63  }
0x128: {  	s26 =	sadd.s32 s3, s26;
	s31 =	sadd.s32 $0x800, s21;
	s24 =	sand.u32 $0x1FFFFFF0, s24  }
0x129: {  	[tilespmem:s30], [sflag:$0x2] =	stream.linear.gather [hbm4b:s22+s2], $0x10, $0x38;
	[tilespmem:$0x4400] =	vst v63  }
0x12a: {  	s22 =	spop (v2sf)  }
0x12b: {  	[tilespmem:s31], [sflag:$0x2] =	stream.strided.gather [hbm4b:s26+s18], $0x0, s15, s18, $0x38;
	[tilespmem:$0x4400] =	vst v63  }
0x12c: {  	s25 =	sadd.s32 s3, s25;
	s30 =	sadd.s32 $0x880, s21;
	s22 =	sand.u32 $0x1FFFFFF0, s22  }
0x12d: {  	[tilespmem:s31], [sflag:$0x2] =	stream.linear.gather [hbm4b:s26+s2], $0x10, $0x38;
	[tilespmem:$0x4400] =	vst v63  }
0x12e: {  	_ = 	snop  }
0x12f: {  	[tilespmem:s30], [sflag:$0x2] =	stream.strided.gather [hbm4b:s25+s18], $0x0, s15, s18, $0x38;
	[tilespmem:$0x4400] =	vst v63  }
0x130: {  	s28 =	sadd.s32 s3, s28;
	s26 =	sadd.s32 $0x900, s21  }
0x131: {  	[tilespmem:s30], [sflag:$0x2] =	stream.linear.gather [hbm4b:s25+s2], $0x10, $0x38;
	[tilespmem:$0x4400] =	vst v63  }
0x132: {  	_ = 	snop  }
0x133: {  	[tilespmem:s26], [sflag:$0x2] =	stream.strided.gather [hbm4b:s28+s18], $0x0, s15, s18, $0x38;
	[tilespmem:$0x4400] =	vst v63  }
0x134: {  	s23 =	sadd.s32 s3, s23;
	s25 =	sadd.s32 $0x980, s21  }
0x135: {  	[tilespmem:s26], [sflag:$0x2] =	stream.linear.gather [hbm4b:s28+s2], $0x10, $0x38;
	[tilespmem:$0x4400] =	vst v63  }
0x136: {  	_ = 	snop  }
0x137: {  	[tilespmem:s25], [sflag:$0x2] =	stream.strided.gather [hbm4b:s23+s18], $0x0, s15, s18, $0x38;
	[tilespmem:$0x4400] =	vst v63  }
0x138: {  	s26 =	sadd.s32 $0xA00, s21;
	s28 =	sadd.s32 s3, s29  }
0x139: {  	[tilespmem:s25], [sflag:$0x2] =	stream.linear.gather [hbm4b:s23+s2], $0x10, $0x38;
	[tilespmem:$0x4400] =	vst v63  }
0x13a: {  	_ = 	snop  }
0x13b: {  	[tilespmem:s26], [sflag:$0x2] =	stream.strided.gather [hbm4b:s28+s18], $0x0, s15, s18, $0x38;
	[tilespmem:$0x4400] =	vst v63  }
0x13c: {  	s1 =	sadd.s32 s3, s1;
	s23 =	sadd.s32 $0xA80, s21  }
0x13d: {  	[tilespmem:s26], [sflag:$0x2] =	stream.linear.gather [hbm4b:s28+s2], $0x10, $0x38;
	[tilespmem:$0x4400] =	vst v63  }
0x13e: {  	_ = 	snop  }
0x13f: {  	[tilespmem:s23], [sflag:$0x2] =	stream.strided.gather [hbm4b:s1+s18], $0x0, s15, s18, $0x38;
	[tilespmem:$0x4400] =	vst v63  }
0x140: {  	s24 =	sadd.s32 s3, s24;
	s25 =	sadd.s32 $0xB00, s21  }
0x141: {  	[tilespmem:s23], [sflag:$0x2] =	stream.linear.gather [hbm4b:s1+s2], $0x10, $0x38;
	[tilespmem:$0x4400] =	vst v63  }
0x142: {  	_ = 	snop  }
0x143: {  	[tilespmem:s25], [sflag:$0x2] =	stream.strided.gather [hbm4b:s24+s18], $0x0, s15, s18, $0x38;
	[tilespmem:$0x4400] =	vst v63  }
.Ltmp2:
0x144: {  	_ = 	snop;
	(pc) =	sbr.rel @p0 .LBB2_6-.Ltmp2, $4  }
0x145: {  	s22 =	sadd.s32 s3, s22;
	s21 =	sadd.s32 $0xB80, s21  }
0x146: {  	[tilespmem:s25], [sflag:$0x2] =	stream.linear.gather [hbm4b:s24+s2], $0x10, $0x38;
	[tilespmem:$0x4400] =	vst v63  }
0x147: {  	_ = 	snop  }
0x148: {  	[tilespmem:s21], [sflag:$0x2] =	stream.strided.gather [hbm4b:s22+s18], $0x0, s15, s18, $0x38;
	[tilespmem:$0x4400] =	vst v63  }
0x149: {  	[tilespmem:s21], [sflag:$0x2] =	stream.linear.gather [hbm4b:s22+s2], $0x10, $0x38;
	[tilespmem:$0x4400] =	vst v63  }
0x14a: {  	_ =	swait.ge [sflag:s16], $0x10  }
0x14b: {  	s18 =	simm.s32 $0x7F;
	[sflag:s16] =	ssyncset.done $0x0  }
.LBB2_8:
0x14c: {  	p0 =	sne.s32 s18, $0x1;
	s18 =	sadd.s32 $0xFFFFFFFF, s18;
	[sflag:s16] =	ssyncadd.s32 $0xFFFFFFF0  }
.Ltmp3:
0x14d: {  	(pc) =	sbr.rel @p0 .LBB2_8-.Ltmp3, $3  }
0x14e: {  	_ =	sdelay $0x1  }
0x14f: {  	_ =	swait.ge [sflag:s16], $0x10  }
0x150: {  	[sflag:s16] =	ssyncset.done $0x0  }
0x151: {  	[sflag:s16] =	ssyncadd.s32 $0xFFFFFFF0;
	s1 =	simm.s32 $0x0  }
0x152: {  	[hbm4b:s5+s1] =	stream.linear.scatter [tilespmem:s15], [sflag:$0x1], $0x4000, $0x38;
	[tilespmem:$0x4400] =	vst v63  }
0x153: {  	_ =	swait.ge [sflag:s14], $0x4000  }
0x154: {  	[sflag:s14] =	ssyncset.done $0x0  }
0x155: {  	s18 =	simm.s32 $0x100;
	[sflag:s14] =	ssyncadd.s32 $0xFFFFC000  }
0x156: {  	v0 =	vld [tilespmem:s18+$0x0];
	_ =	sdelay $0x4  }
0x157: {  	v0 =	vshll.u32 v0, $0x4  }
0x158: {  	(v2sf) =	vpush v0, $0x0;
	_ =	sdelay $0x1  }
0x159: {  	(v2sf) =	vpush v0, $0x1;
	_ =	sdelay $0x3  }
0x15a: {  	(v2sf) =	vpush v0, $0x2;
	_ =	sdelay $0x3  }
0x15b: {  	(v2sf) =	vpush v0, $0x3;
	_ =	sdelay $0x3  }
0x15c: {  	(v2sf) =	vpush v0, $0x4  }
0x15d: {  	s22 =	spop (v2sf)  }
0x15e: {  	s19 =	simm.s32 $0x80;
	s1 =	sand.u32 $0x1FFFFFF0, s22  }
0x15f: {  	s21 =	simm.s32 $0x400;
	s20 =	spop (v2sf);
	s1 =	sadd.s32 s3, s1  }
0x160: {  	(v2sf) =	vpush v0, $0x5;
	[tilespmem:s21], [sflag:$0x2] =	stream.strided.gather [hbm4b:s1+s19], $0x0, s15, s19, $0x38;
	[tilespmem:$0x4400] =	vst v63  }
0x161: {  	s20 =	sand.u32 $0x1FFFFFF0, s20  }
0x162: {  	[tilespmem:s21], [sflag:$0x2] =	stream.linear.gather [hbm4b:s1+s2], $0x10, $0x38;
	[tilespmem:$0x4400] =	vst v63  }
0x163: {  	s23 =	simm.s32 $0x480;
	s24 =	spop (v2sf);
	s20 =	sadd.s32 s3, s20  }
0x164: {  	(v2sf) =	vpush v0, $0x6;
	[tilespmem:s23], [sflag:$0x2] =	stream.strided.gather [hbm4b:s20+s19], $0x0, s15, s19, $0x38;
	[tilespmem:$0x4400] =	vst v63  }
0x165: {  	s21 =	sand.u32 $0x1FFFFFF0, s24  }
0x166: {  	[tilespmem:s23], [sflag:$0x2] =	stream.linear.gather [hbm4b:s20+s2], $0x10, $0x38;
	[tilespmem:$0x4400] =	vst v63  }
0x167: {  	s26 =	simm.s32 $0x500;
	s25 =	spop (v2sf);
	s21 =	sadd.s32 s3, s21  }
0x168: {  	(v2sf) =	vpush v0, $0x7;
	[tilespmem:s26], [sflag:$0x2] =	stream.strided.gather [hbm4b:s21+s19], $0x0, s15, s19, $0x38;
	[tilespmem:$0x4400] =	vst v63  }
0x169: {  	s1 =	sand.u32 $0x1FFFFFF0, s25  }
0x16a: {  	[tilespmem:s26], [sflag:$0x2] =	stream.linear.gather [hbm4b:s21+s2], $0x10, $0x38;
	[tilespmem:$0x4400] =	vst v63  }
0x16b: {  	s29 =	simm.s32 $0x580;
	s28 =	spop (v2sf);
	s1 =	sadd.s32 s3, s1  }
0x16c: {  	(v2sf) =	vpush v0, $0x8;
	[tilespmem:s29], [sflag:$0x2] =	stream.strided.gather [hbm4b:s1+s19], $0x0, s15, s19, $0x38;
	[tilespmem:$0x4400] =	vst v63  }
0x16d: {  	s20 =	sand.u32 $0x1FFFFFF0, s28  }
0x16e: {  	[tilespmem:s29], [sflag:$0x2] =	stream.linear.gather [hbm4b:s1+s2], $0x10, $0x38;
	[tilespmem:$0x4400] =	vst v63  }
0x16f: {  	s31 =	simm.s32 $0x600;
	s20 =	sadd.s32 s3, s20;
	s30 =	spop (v2sf)  }
0x170: {  	(v2sf) =	vpush v0, $0x9;
	[tilespmem:s31], [sflag:$0x2] =	stream.strided.gather [hbm4b:s20+s19], $0x0, s15, s19, $0x38;
	[tilespmem:$0x4400] =	vst v63  }
0x171: {  	s1 =	sand.u32 $0x1FFFFFF0, s30  }
0x172: {  	[tilespmem:s31], [sflag:$0x2] =	stream.linear.gather [hbm4b:s20+s2], $0x10, $0x38;
	[tilespmem:$0x4400] =	vst v63  }
0x173: {  	s22 =	simm.s32 $0x680;
	s21 =	spop (v2sf);
	s1 =	sadd.s32 s3, s1  }
0x174: {  	(v2sf) =	vpush v0, $0xA;
	[tilespmem:s22], [sflag:$0x2] =	stream.strided.gather [hbm4b:s1+s19], $0x0, s15, s19, $0x38;
	[tilespmem:$0x4400] =	vst v63  }
0x175: {  	s20 =	sand.u32 $0x1FFFFFF0, s21  }
0x176: {  	[tilespmem:s22], [sflag:$0x2] =	stream.linear.gather [hbm4b:s1+s2], $0x10, $0x38;
	[tilespmem:$0x4400] =	vst v63  }
0x177: {  	s24 =	simm.s32 $0x700;
	s23 =	spop (v2sf);
	s20 =	sadd.s32 s3, s20  }
0x178: {  	(v2sf) =	vpush v0, $0xB;
	[tilespmem:s24], [sflag:$0x2] =	stream.strided.gather [hbm4b:s20+s19], $0x0, s15, s19, $0x38;
	[tilespmem:$0x4400] =	vst v63  }
0x179: {  	s1 =	sand.u32 $0x1FFFFFF0, s23  }
0x17a: {  	[tilespmem:s24], [sflag:$0x2] =	stream.linear.gather [hbm4b:s20+s2], $0x10, $0x38;
	[tilespmem:$0x4400] =	vst v63  }
0x17b: {  	s26 =	simm.s32 $0x780;
	s25 =	spop (v2sf);
	s1 =	sadd.s32 s3, s1  }
0x17c: {  	(v2sf) =	vpush v0, $0xC;
	[tilespmem:s26], [sflag:$0x2] =	stream.strided.gather [hbm4b:s1+s19], $0x0, s15, s19, $0x38;
	[tilespmem:$0x4400] =	vst v63  }
0x17d: {  	s20 =	sand.u32 $0x1FFFFFF0, s25  }
0x17e: {  	[tilespmem:s26], [sflag:$0x2] =	stream.linear.gather [hbm4b:s1+s2], $0x10, $0x38;
	[tilespmem:$0x4400] =	vst v63  }
0x17f: {  	s29 =	simm.s32 $0x800;
	s28 =	spop (v2sf);
	s20 =	sadd.s32 s3, s20  }
0x180: {  	(v2sf) =	vpush v0, $0xD;
	[tilespmem:s29], [sflag:$0x2] =	stream.strided.gather [hbm4b:s20+s19], $0x0, s15, s19, $0x38;
	[tilespmem:$0x4400] =	vst v63  }
0x181: {  	s1 =	sand.u32 $0x1FFFFFF0, s28  }
0x182: {  	[tilespmem:s29], [sflag:$0x2] =	stream.linear.gather [hbm4b:s20+s2], $0x10, $0x38;
	[tilespmem:$0x4400] =	vst v63  }
0x183: {  	s31 =	simm.s32 $0x880;
	s30 =	spop (v2sf);
	s1 =	sadd.s32 s3, s1  }
0x184: {  	(v2sf) =	vpush v0, $0xE;
	[tilespmem:s31], [sflag:$0x2] =	stream.strided.gather [hbm4b:s1+s19], $0x0, s15, s19, $0x38;
	[tilespmem:$0x4400] =	vst v63  }
0x185: {  	s20 =	sand.u32 $0x1FFFFFF0, s30  }
0x186: {  	[tilespmem:s31], [sflag:$0x2] =	stream.linear.gather [hbm4b:s1+s2], $0x10, $0x38;
	[tilespmem:$0x4400] =	vst v63  }
0x187: {  	s22 =	simm.s32 $0x900;
	s21 =	spop (v2sf);
	s20 =	sadd.s32 s3, s20  }
0x188: {  	(v2sf) =	vpush v0, $0xF;
	[tilespmem:s22], [sflag:$0x2] =	stream.strided.gather [hbm4b:s20+s19], $0x0, s15, s19, $0x38;
	[tilespmem:$0x4400] =	vst v63  }
0x189: {  	s1 =	sand.u32 $0x1FFFFFF0, s21  }
0x18a: {  	[tilespmem:s22], [sflag:$0x2] =	stream.linear.gather [hbm4b:s20+s2], $0x10, $0x38;
	[tilespmem:$0x4400] =	vst v63  }
0x18b: {  	s24 =	simm.s32 $0x980;
	s23 =	spop (v2sf);
	s1 =	sadd.s32 s3, s1  }
0x18c: {  	[tilespmem:s24], [sflag:$0x2] =	stream.strided.gather [hbm4b:s1+s19], $0x0, s15, s19, $0x38;
	[tilespmem:$0x4400] =	vst v63  }
0x18d: {  	s20 =	sand.u32 $0x1FFFFFF0, s23  }
0x18e: {  	[tilespmem:s24], [sflag:$0x2] =	stream.linear.gather [hbm4b:s1+s2], $0x10, $0x38;
	[tilespmem:$0x4400] =	vst v63  }
0x18f: {  	s26 =	simm.s32 $0xA00;
	s25 =	spop (v2sf);
	s20 =	sadd.s32 s3, s20  }
0x190: {  	[tilespmem:s26], [sflag:$0x2] =	stream.strided.gather [hbm4b:s20+s19], $0x0, s15, s19, $0x38;
	[tilespmem:$0x4400] =	vst v63  }
0x191: {  	s1 =	sand.u32 $0x1FFFFFF0, s25  }
0x192: {  	[tilespmem:s26], [sflag:$0x2] =	stream.linear.gather [hbm4b:s20+s2], $0x10, $0x38;
	[tilespmem:$0x4400] =	vst v63  }
0x193: {  	s29 =	simm.s32 $0xA80;
	s28 =	spop (v2sf);
	s1 =	sadd.s32 s3, s1  }
0x194: {  	[tilespmem:s29], [sflag:$0x2] =	stream.strided.gather [hbm4b:s1+s19], $0x0, s15, s19, $0x38;
	[tilespmem:$0x4400] =	vst v63  }
0x195: {  	s20 =	sand.u32 $0x1FFFFFF0, s28  }
0x196: {  	[tilespmem:s29], [sflag:$0x2] =	stream.linear.gather [hbm4b:s1+s2], $0x10, $0x38;
	[tilespmem:$0x4400] =	vst v63  }
0x197: {  	s31 =	simm.s32 $0xB00;
	s30 =	spop (v2sf);
	s20 =	sadd.s32 s3, s20  }
0x198: {  	[tilespmem:s31], [sflag:$0x2] =	stream.strided.gather [hbm4b:s20+s19], $0x0, s15, s19, $0x38;
	[tilespmem:$0x4400] =	vst v63  }
0x199: {  	s1 =	sand.u32 $0x1FFFFFF0, s30  }
0x19a: {  	[tilespmem:s31], [sflag:$0x2] =	stream.linear.gather [hbm4b:s20+s2], $0x10, $0x38;
	[tilespmem:$0x4400] =	vst v63  }
0x19b: {  	s21 =	simm.s32 $0xB80;
	s22 =	sadd.s32 s3, s1;
	s20 =	simm.s32 $0x2000  }
0x19c: {  	[tilespmem:s21], [sflag:$0x2] =	stream.strided.gather [hbm4b:s22+s19], $0x0, s15, s19, $0x38;
	[tilespmem:$0x4400] =	vst v63  }
.LBB2_10:
0x19d: {  	p0 =	sne.s32 s20, $0xE000  }
0x19e: {  	s18 =	sadd.s32 $0x10, s18;
	s1 =	smov.u32 s20;
	s20 =	sadd.s32 $0x2000, s20  }
0x19f: {  	[tilespmem:s21], [sflag:$0x2] =	stream.linear.gather [hbm4b:s22+s2], $0x10, $0x38;
	[tilespmem:$0x4400] =	vst v63  }
0x1a0: {  	v0 =	vld [tilespmem:s18+$0x0];
	_ =	sdelay $0x4  }
0x1a1: {  	v0 =	vshll.u32 v0, $0x4  }
0x1a2: {  	(v2sf) =	vpush v0, $0x0  }
0x1a3: {  	(v2sf) =	vpush v0, $0x1  }
0x1a4: {  	(v2sf) =	vpush v0, $0x2;
	_ =	sdelay $0x2  }
0x1a5: {  	(v2sf) =	vpush v0, $0x3;
	_ =	sdelay $0x1  }
0x1a6: {  	(v2sf) =	vpush v0, $0x4;
	_ =	sdelay $0x1  }
0x1a7: {  	(v2sf) =	vpush v0, $0x5;
	_ =	sdelay $0x1  }
0x1a8: {  	(v2sf) =	vpush v0, $0x6;
	_ =	sdelay $0x1  }
0x1a9: {  	(v2sf) =	vpush v0, $0x7;
	_ =	sdelay $0x1  }
0x1aa: {  	s22 =	spop (v2sf);
	(v2sf) =	vpush v0, $0x8  }
0x1ab: {  	s21 =	sshra.s32 s1, $0x2;
	s1 =	sand.u32 $0x1FFFFFF0, s22;
	s22 =	spop (v2sf)  }
0x1ac: {  	s23 =	sadd.s32 $0x480, s21;
	s1 =	sadd.s32 s3, s1;
	s24 =	spop (v2sf);
	(v2sf) =	vpush v0, $0x9  }
0x1ad: {  	s25 =	sadd.s32 $0x400, s21;
	s22 =	sand.u32 $0x1FFFFFF0, s22;
	s24 =	sand.u32 $0x1FFFFFF0, s24  }
0x1ae: {  	[tilespmem:s25], [sflag:$0x2] =	stream.strided.gather [hbm4b:s1+s19], $0x0, s15, s19, $0x38;
	(v2sf) =	vpush v0, $0xA;
	[tilespmem:$0x4400] =	vst v63  }
0x1af: {  	s26 =	spop (v2sf)  }
0x1b0: {  	[tilespmem:s25], [sflag:$0x2] =	stream.linear.gather [hbm4b:s1+s2], $0x10, $0x38;
	(v2sf) =	vpush v0, $0xB;
	[tilespmem:$0x4400] =	vst v63  }
0x1b1: {  	s1 =	sadd.s32 s3, s22;
	s22 =	sand.u32 $0x1FFFFFF0, s26;
	s25 =	spop (v2sf)  }
0x1b2: {  	[tilespmem:s23], [sflag:$0x2] =	stream.strided.gather [hbm4b:s1+s19], $0x0, s15, s19, $0x38;
	(v2sf) =	vpush v0, $0xC;
	[tilespmem:$0x4400] =	vst v63  }
0x1b3: {  	s26 =	sadd.s32 $0x500, s21;
	s25 =	sand.u32 $0x1FFFFFF0, s25;
	s28 =	spop (v2sf)  }
0x1b4: {  	[tilespmem:s23], [sflag:$0x2] =	stream.linear.gather [hbm4b:s1+s2], $0x10, $0x38;
	[tilespmem:$0x4400] =	vst v63  }
0x1b5: {  	s1 =	sadd.s32 s3, s24;
	s23 =	sand.u32 $0x1FFFFFF0, s28;
	s24 =	spop (v2sf)  }
0x1b6: {  	[tilespmem:s26], [sflag:$0x2] =	stream.strided.gather [hbm4b:s1+s19], $0x0, s15, s19, $0x38;
	(v2sf) =	vpush v0, $0xD;
	[tilespmem:$0x4400] =	vst v63  }
0x1b7: {  	s28 =	sadd.s32 $0x580, s21;
	s24 =	sand.u32 $0x1FFFFFF0, s24;
	s29 =	spop (v2sf)  }
0x1b8: {  	[tilespmem:s26], [sflag:$0x2] =	stream.linear.gather [hbm4b:s1+s2], $0x10, $0x38;
	[tilespmem:$0x4400] =	vst v63  }
0x1b9: {  	s1 =	sadd.s32 s3, s22;
	s22 =	sand.u32 $0x1FFFFFF0, s29;
	s26 =	spop (v2sf)  }
0x1ba: {  	[tilespmem:s28], [sflag:$0x2] =	stream.strided.gather [hbm4b:s1+s19], $0x0, s15, s19, $0x38;
	(v2sf) =	vpush v0, $0xE;
	[tilespmem:$0x4400] =	vst v63  }
0x1bb: {  	s29 =	sadd.s32 $0x600, s21;
	s26 =	sand.u32 $0x1FFFFFF0, s26;
	s30 =	spop (v2sf)  }
0x1bc: {  	[tilespmem:s28], [sflag:$0x2] =	stream.linear.gather [hbm4b:s1+s2], $0x10, $0x38;
	[tilespmem:$0x4400] =	vst v63  }
0x1bd: {  	s1 =	sadd.s32 s3, s25;
	s25 =	sand.u32 $0x1FFFFFF0, s30;
	s28 =	spop (v2sf)  }
0x1be: {  	[tilespmem:s29], [sflag:$0x2] =	stream.strided.gather [hbm4b:s1+s19], $0x0, s15, s19, $0x38;
	(v2sf) =	vpush v0, $0xF;
	[tilespmem:$0x4400] =	vst v63  }
0x1bf: {  	s30 =	sadd.s32 $0x680, s21;
	s28 =	sand.u32 $0x1FFFFFF0, s28;
	s31 =	spop (v2sf)  }
0x1c0: {  	[tilespmem:s29], [sflag:$0x2] =	stream.linear.gather [hbm4b:s1+s2], $0x10, $0x38;
	[tilespmem:$0x4400] =	vst v63  }
0x1c1: {  	s1 =	sadd.s32 s3, s23;
	s23 =	sand.u32 $0x1FFFFFF0, s31;
	s29 =	spop (v2sf)  }
0x1c2: {  	[tilespmem:s30], [sflag:$0x2] =	stream.strided.gather [hbm4b:s1+s19], $0x0, s15, s19, $0x38;
	[tilespmem:$0x4400] =	vst v63  }
0x1c3: {  	s24 =	sadd.s32 s3, s24;
	s31 =	sadd.s32 $0x700, s21;
	s29 =	sand.u32 $0x1FFFFFF0, s29  }
0x1c4: {  	[tilespmem:s30], [sflag:$0x2] =	stream.linear.gather [hbm4b:s1+s2], $0x10, $0x38;
	[tilespmem:$0x4400] =	vst v63  }
0x1c5: {  	s1 =	spop (v2sf)  }
0x1c6: {  	[tilespmem:s31], [sflag:$0x2] =	stream.strided.gather [hbm4b:s24+s19], $0x0, s15, s19, $0x38;
	[tilespmem:$0x4400] =	vst v63  }
0x1c7: {  	s22 =	sadd.s32 s3, s22;
	s30 =	sadd.s32 $0x780, s21;
	s1 =	sand.u32 $0x1FFFFFF0, s1  }
0x1c8: {  	[tilespmem:s31], [sflag:$0x2] =	stream.linear.gather [hbm4b:s24+s2], $0x10, $0x38;
	[tilespmem:$0x4400] =	vst v63  }
0x1c9: {  	s24 =	spop (v2sf)  }
0x1ca: {  	[tilespmem:s30], [sflag:$0x2] =	stream.strided.gather [hbm4b:s22+s19], $0x0, s15, s19, $0x38;
	[tilespmem:$0x4400] =	vst v63  }
0x1cb: {  	s26 =	sadd.s32 s3, s26;
	s31 =	sadd.s32 $0x800, s21;
	s24 =	sand.u32 $0x1FFFFFF0, s24  }
0x1cc: {  	[tilespmem:s30], [sflag:$0x2] =	stream.linear.gather [hbm4b:s22+s2], $0x10, $0x38;
	[tilespmem:$0x4400] =	vst v63  }
0x1cd: {  	s22 =	spop (v2sf)  }
0x1ce: {  	[tilespmem:s31], [sflag:$0x2] =	stream.strided.gather [hbm4b:s26+s19], $0x0, s15, s19, $0x38;
	[tilespmem:$0x4400] =	vst v63  }
0x1cf: {  	s25 =	sadd.s32 s3, s25;
	s30 =	sadd.s32 $0x880, s21;
	s22 =	sand.u32 $0x1FFFFFF0, s22  }
0x1d0: {  	[tilespmem:s31], [sflag:$0x2] =	stream.linear.gather [hbm4b:s26+s2], $0x10, $0x38;
	[tilespmem:$0x4400] =	vst v63  }
0x1d1: {  	_ = 	snop  }
0x1d2: {  	[tilespmem:s30], [sflag:$0x2] =	stream.strided.gather [hbm4b:s25+s19], $0x0, s15, s19, $0x38;
	[tilespmem:$0x4400] =	vst v63  }
0x1d3: {  	s28 =	sadd.s32 s3, s28;
	s26 =	sadd.s32 $0x900, s21  }
0x1d4: {  	[tilespmem:s30], [sflag:$0x2] =	stream.linear.gather [hbm4b:s25+s2], $0x10, $0x38;
	[tilespmem:$0x4400] =	vst v63  }
0x1d5: {  	_ = 	snop  }
0x1d6: {  	[tilespmem:s26], [sflag:$0x2] =	stream.strided.gather [hbm4b:s28+s19], $0x0, s15, s19, $0x38;
	[tilespmem:$0x4400] =	vst v63  }
0x1d7: {  	s23 =	sadd.s32 s3, s23;
	s25 =	sadd.s32 $0x980, s21  }
0x1d8: {  	[tilespmem:s26], [sflag:$0x2] =	stream.linear.gather [hbm4b:s28+s2], $0x10, $0x38;
	[tilespmem:$0x4400] =	vst v63  }
0x1d9: {  	_ = 	snop  }
0x1da: {  	[tilespmem:s25], [sflag:$0x2] =	stream.strided.gather [hbm4b:s23+s19], $0x0, s15, s19, $0x38;
	[tilespmem:$0x4400] =	vst v63  }
0x1db: {  	s26 =	sadd.s32 $0xA00, s21;
	s28 =	sadd.s32 s3, s29  }
0x1dc: {  	[tilespmem:s25], [sflag:$0x2] =	stream.linear.gather [hbm4b:s23+s2], $0x10, $0x38;
	[tilespmem:$0x4400] =	vst v63  }
0x1dd: {  	_ = 	snop  }
0x1de: {  	[tilespmem:s26], [sflag:$0x2] =	stream.strided.gather [hbm4b:s28+s19], $0x0, s15, s19, $0x38;
	[tilespmem:$0x4400] =	vst v63  }
0x1df: {  	s1 =	sadd.s32 s3, s1;
	s23 =	sadd.s32 $0xA80, s21  }
0x1e0: {  	[tilespmem:s26], [sflag:$0x2] =	stream.linear.gather [hbm4b:s28+s2], $0x10, $0x38;
	[tilespmem:$0x4400] =	vst v63  }
0x1e1: {  	_ = 	snop  }
0x1e2: {  	[tilespmem:s23], [sflag:$0x2] =	stream.strided.gather [hbm4b:s1+s19], $0x0, s15, s19, $0x38;
	[tilespmem:$0x4400] =	vst v63  }
0x1e3: {  	s24 =	sadd.s32 s3, s24;
	s25 =	sadd.s32 $0xB00, s21  }
0x1e4: {  	[tilespmem:s23], [sflag:$0x2] =	stream.linear.gather [hbm4b:s1+s2], $0x10, $0x38;
	[tilespmem:$0x4400] =	vst v63  }
0x1e5: {  	_ = 	snop  }
0x1e6: {  	[tilespmem:s25], [sflag:$0x2] =	stream.strided.gather [hbm4b:s24+s19], $0x0, s15, s19, $0x38;
	[tilespmem:$0x4400] =	vst v63  }
.Ltmp4:
0x1e7: {  	_ = 	snop;
	(pc) =	sbr.rel @p0 .LBB2_10-.Ltmp4, $4  }
0x1e8: {  	s22 =	sadd.s32 s3, s22;
	s21 =	sadd.s32 $0xB80, s21  }
0x1e9: {  	[tilespmem:s25], [sflag:$0x2] =	stream.linear.gather [hbm4b:s24+s2], $0x10, $0x38;
	[tilespmem:$0x4400] =	vst v63  }
0x1ea: {  	_ = 	snop  }
0x1eb: {  	[tilespmem:s21], [sflag:$0x2] =	stream.strided.gather [hbm4b:s22+s19], $0x0, s15, s19, $0x38;
	[tilespmem:$0x4400] =	vst v63  }
0x1ec: {  	[tilespmem:s21], [sflag:$0x2] =	stream.linear.gather [hbm4b:s22+s2], $0x10, $0x38;
	[tilespmem:$0x4400] =	vst v63  }
0x1ed: {  	_ =	swait.ge [sflag:s16], $0x10  }
0x1ee: {  	s18 =	simm.s32 $0x7F;
	[sflag:s16] =	ssyncset.done $0x0  }
.LBB2_12:
0x1ef: {  	p0 =	sne.s32 s18, $0x1;
	s18 =	sadd.s32 $0xFFFFFFFF, s18;
	[sflag:s16] =	ssyncadd.s32 $0xFFFFFFF0  }
.Ltmp5:
0x1f0: {  	(pc) =	sbr.rel @p0 .LBB2_12-.Ltmp5, $3  }
0x1f1: {  	_ =	sdelay $0x1  }
0x1f2: {  	_ =	swait.ge [sflag:s16], $0x10  }
0x1f3: {  	[sflag:s16] =	ssyncset.done $0x0  }
0x1f4: {  	[sflag:s16] =	ssyncadd.s32 $0xFFFFFFF0;
	s1 =	simm.s32 $0x0  }
0x1f5: {  	[hbm4b:s6+s1] =	stream.linear.scatter [tilespmem:s15], [sflag:$0x1], $0x4000, $0x38;
	[tilespmem:$0x4400] =	vst v63  }
0x1f6: {  	_ =	swait.ge [sflag:s14], $0x4000  }
0x1f7: {  	[sflag:s14] =	ssyncset.done $0x0  }
0x1f8: {  	s18 =	simm.s32 $0x180;
	[sflag:s14] =	ssyncadd.s32 $0xFFFFC000  }
0x1f9: {  	v0 =	vld [tilespmem:s18+$0x0];
	_ =	sdelay $0x4  }
0x1fa: {  	v0 =	vshll.u32 v0, $0x4  }
0x1fb: {  	(v2sf) =	vpush v0, $0x0;
	_ =	sdelay $0x1  }
0x1fc: {  	(v2sf) =	vpush v0, $0x1;
	_ =	sdelay $0x3  }
0x1fd: {  	(v2sf) =	vpush v0, $0x2;
	_ =	sdelay $0x3  }
0x1fe: {  	(v2sf) =	vpush v0, $0x3;
	_ =	sdelay $0x3  }
0x1ff: {  	(v2sf) =	vpush v0, $0x4  }
0x200: {  	s22 =	spop (v2sf)  }
0x201: {  	s19 =	simm.s32 $0x80;
	s1 =	sand.u32 $0x1FFFFFF0, s22  }
0x202: {  	s21 =	simm.s32 $0x400;
	s20 =	spop (v2sf);
	s1 =	sadd.s32 s3, s1  }
0x203: {  	(v2sf) =	vpush v0, $0x5;
	[tilespmem:s21], [sflag:$0x2] =	stream.strided.gather [hbm4b:s1+s19], $0x0, s15, s19, $0x38;
	[tilespmem:$0x4400] =	vst v63  }
0x204: {  	s20 =	sand.u32 $0x1FFFFFF0, s20  }
0x205: {  	[tilespmem:s21], [sflag:$0x2] =	stream.linear.gather [hbm4b:s1+s2], $0x10, $0x38;
	[tilespmem:$0x4400] =	vst v63  }
0x206: {  	s23 =	simm.s32 $0x480;
	s24 =	spop (v2sf);
	s20 =	sadd.s32 s3, s20  }
0x207: {  	(v2sf) =	vpush v0, $0x6;
	[tilespmem:s23], [sflag:$0x2] =	stream.strided.gather [hbm4b:s20+s19], $0x0, s15, s19, $0x38;
	[tilespmem:$0x4400] =	vst v63  }
0x208: {  	s21 =	sand.u32 $0x1FFFFFF0, s24  }
0x209: {  	[tilespmem:s23], [sflag:$0x2] =	stream.linear.gather [hbm4b:s20+s2], $0x10, $0x38;
	[tilespmem:$0x4400] =	vst v63  }
0x20a: {  	s26 =	simm.s32 $0x500;
	s25 =	spop (v2sf);
	s21 =	sadd.s32 s3, s21  }
0x20b: {  	(v2sf) =	vpush v0, $0x7;
	[tilespmem:s26], [sflag:$0x2] =	stream.strided.gather [hbm4b:s21+s19], $0x0, s15, s19, $0x38;
	[tilespmem:$0x4400] =	vst v63  }
0x20c: {  	s1 =	sand.u32 $0x1FFFFFF0, s25  }
0x20d: {  	[tilespmem:s26], [sflag:$0x2] =	stream.linear.gather [hbm4b:s21+s2], $0x10, $0x38;
	[tilespmem:$0x4400] =	vst v63  }
0x20e: {  	s29 =	simm.s32 $0x580;
	s28 =	spop (v2sf);
	s1 =	sadd.s32 s3, s1  }
0x20f: {  	(v2sf) =	vpush v0, $0x8;
	[tilespmem:s29], [sflag:$0x2] =	stream.strided.gather [hbm4b:s1+s19], $0x0, s15, s19, $0x38;
	[tilespmem:$0x4400] =	vst v63  }
0x210: {  	s20 =	sand.u32 $0x1FFFFFF0, s28  }
0x211: {  	[tilespmem:s29], [sflag:$0x2] =	stream.linear.gather [hbm4b:s1+s2], $0x10, $0x38;
	[tilespmem:$0x4400] =	vst v63  }
0x212: {  	s31 =	simm.s32 $0x600;
	s20 =	sadd.s32 s3, s20;
	s30 =	spop (v2sf)  }
0x213: {  	(v2sf) =	vpush v0, $0x9;
	[tilespmem:s31], [sflag:$0x2] =	stream.strided.gather [hbm4b:s20+s19], $0x0, s15, s19, $0x38;
	[tilespmem:$0x4400] =	vst v63  }
0x214: {  	s1 =	sand.u32 $0x1FFFFFF0, s30  }
0x215: {  	[tilespmem:s31], [sflag:$0x2] =	stream.linear.gather [hbm4b:s20+s2], $0x10, $0x38;
	[tilespmem:$0x4400] =	vst v63  }
0x216: {  	s22 =	simm.s32 $0x680;
	s21 =	spop (v2sf);
	s1 =	sadd.s32 s3, s1  }
0x217: {  	(v2sf) =	vpush v0, $0xA;
	[tilespmem:s22], [sflag:$0x2] =	stream.strided.gather [hbm4b:s1+s19], $0x0, s15, s19, $0x38;
	[tilespmem:$0x4400] =	vst v63  }
0x218: {  	s20 =	sand.u32 $0x1FFFFFF0, s21  }
0x219: {  	[tilespmem:s22], [sflag:$0x2] =	stream.linear.gather [hbm4b:s1+s2], $0x10, $0x38;
	[tilespmem:$0x4400] =	vst v63  }
0x21a: {  	s24 =	simm.s32 $0x700;
	s23 =	spop (v2sf);
	s20 =	sadd.s32 s3, s20  }
0x21b: {  	(v2sf) =	vpush v0, $0xB;
	[tilespmem:s24], [sflag:$0x2] =	stream.strided.gather [hbm4b:s20+s19], $0x0, s15, s19, $0x38;
	[tilespmem:$0x4400] =	vst v63  }
0x21c: {  	s1 =	sand.u32 $0x1FFFFFF0, s23  }
0x21d: {  	[tilespmem:s24], [sflag:$0x2] =	stream.linear.gather [hbm4b:s20+s2], $0x10, $0x38;
	[tilespmem:$0x4400] =	vst v63  }
0x21e: {  	s26 =	simm.s32 $0x780;
	s25 =	spop (v2sf);
	s1 =	sadd.s32 s3, s1  }
0x21f: {  	(v2sf) =	vpush v0, $0xC;
	[tilespmem:s26], [sflag:$0x2] =	stream.strided.gather [hbm4b:s1+s19], $0x0, s15, s19, $0x38;
	[tilespmem:$0x4400] =	vst v63  }
0x220: {  	s20 =	sand.u32 $0x1FFFFFF0, s25  }
0x221: {  	[tilespmem:s26], [sflag:$0x2] =	stream.linear.gather [hbm4b:s1+s2], $0x10, $0x38;
	[tilespmem:$0x4400] =	vst v63  }
0x222: {  	s29 =	simm.s32 $0x800;
	s28 =	spop (v2sf);
	s20 =	sadd.s32 s3, s20  }
0x223: {  	(v2sf) =	vpush v0, $0xD;
	[tilespmem:s29], [sflag:$0x2] =	stream.strided.gather [hbm4b:s20+s19], $0x0, s15, s19, $0x38;
	[tilespmem:$0x4400] =	vst v63  }
0x224: {  	s1 =	sand.u32 $0x1FFFFFF0, s28  }
0x225: {  	[tilespmem:s29], [sflag:$0x2] =	stream.linear.gather [hbm4b:s20+s2], $0x10, $0x38;
	[tilespmem:$0x4400] =	vst v63  }
0x226: {  	s31 =	simm.s32 $0x880;
	s30 =	spop (v2sf);
	s1 =	sadd.s32 s3, s1  }
0x227: {  	(v2sf) =	vpush v0, $0xE;
	[tilespmem:s31], [sflag:$0x2] =	stream.strided.gather [hbm4b:s1+s19], $0x0, s15, s19, $0x38;
	[tilespmem:$0x4400] =	vst v63  }
0x228: {  	s20 =	sand.u32 $0x1FFFFFF0, s30  }
0x229: {  	[tilespmem:s31], [sflag:$0x2] =	stream.linear.gather [hbm4b:s1+s2], $0x10, $0x38;
	[tilespmem:$0x4400] =	vst v63  }
0x22a: {  	s22 =	simm.s32 $0x900;
	s21 =	spop (v2sf);
	s20 =	sadd.s32 s3, s20  }
0x22b: {  	(v2sf) =	vpush v0, $0xF;
	[tilespmem:s22], [sflag:$0x2] =	stream.strided.gather [hbm4b:s20+s19], $0x0, s15, s19, $0x38;
	[tilespmem:$0x4400] =	vst v63  }
0x22c: {  	s1 =	sand.u32 $0x1FFFFFF0, s21  }
0x22d: {  	[tilespmem:s22], [sflag:$0x2] =	stream.linear.gather [hbm4b:s20+s2], $0x10, $0x38;
	[tilespmem:$0x4400] =	vst v63  }
0x22e: {  	s24 =	simm.s32 $0x980;
	s23 =	spop (v2sf);
	s1 =	sadd.s32 s3, s1  }
0x22f: {  	[tilespmem:s24], [sflag:$0x2] =	stream.strided.gather [hbm4b:s1+s19], $0x0, s15, s19, $0x38;
	[tilespmem:$0x4400] =	vst v63  }
0x230: {  	s20 =	sand.u32 $0x1FFFFFF0, s23  }
0x231: {  	[tilespmem:s24], [sflag:$0x2] =	stream.linear.gather [hbm4b:s1+s2], $0x10, $0x38;
	[tilespmem:$0x4400] =	vst v63  }
0x232: {  	s26 =	simm.s32 $0xA00;
	s25 =	spop (v2sf);
	s20 =	sadd.s32 s3, s20  }
0x233: {  	[tilespmem:s26], [sflag:$0x2] =	stream.strided.gather [hbm4b:s20+s19], $0x0, s15, s19, $0x38;
	[tilespmem:$0x4400] =	vst v63  }
0x234: {  	s1 =	sand.u32 $0x1FFFFFF0, s25  }
0x235: {  	[tilespmem:s26], [sflag:$0x2] =	stream.linear.gather [hbm4b:s20+s2], $0x10, $0x38;
	[tilespmem:$0x4400] =	vst v63  }
0x236: {  	s29 =	simm.s32 $0xA80;
	s28 =	spop (v2sf);
	s1 =	sadd.s32 s3, s1  }
0x237: {  	[tilespmem:s29], [sflag:$0x2] =	stream.strided.gather [hbm4b:s1+s19], $0x0, s15, s19, $0x38;
	[tilespmem:$0x4400] =	vst v63  }
0x238: {  	s20 =	sand.u32 $0x1FFFFFF0, s28  }
0x239: {  	[tilespmem:s29], [sflag:$0x2] =	stream.linear.gather [hbm4b:s1+s2], $0x10, $0x38;
	[tilespmem:$0x4400] =	vst v63  }
0x23a: {  	s31 =	simm.s32 $0xB00;
	s30 =	spop (v2sf);
	s20 =	sadd.s32 s3, s20  }
0x23b: {  	[tilespmem:s31], [sflag:$0x2] =	stream.strided.gather [hbm4b:s20+s19], $0x0, s15, s19, $0x38;
	[tilespmem:$0x4400] =	vst v63  }
0x23c: {  	s1 =	sand.u32 $0x1FFFFFF0, s30  }
0x23d: {  	[tilespmem:s31], [sflag:$0x2] =	stream.linear.gather [hbm4b:s20+s2], $0x10, $0x38;
	[tilespmem:$0x4400] =	vst v63  }
0x23e: {  	s21 =	simm.s32 $0xB80;
	s22 =	sadd.s32 s3, s1;
	s20 =	simm.s32 $0x2000  }
0x23f: {  	[tilespmem:s21], [sflag:$0x2] =	stream.strided.gather [hbm4b:s22+s19], $0x0, s15, s19, $0x38;
	[tilespmem:$0x4400] =	vst v63  }
.LBB2_14:
0x240: {  	p0 =	sne.s32 s20, $0xE000  }
0x241: {  	s18 =	sadd.s32 $0x10, s18;
	s1 =	smov.u32 s20;
	s20 =	sadd.s32 $0x2000, s20  }
0x242: {  	[tilespmem:s21], [sflag:$0x2] =	stream.linear.gather [hbm4b:s22+s2], $0x10, $0x38;
	[tilespmem:$0x4400] =	vst v63  }
0x243: {  	v0 =	vld [tilespmem:s18+$0x0];
	_ =	sdelay $0x4  }
0x244: {  	v0 =	vshll.u32 v0, $0x4  }
0x245: {  	(v2sf) =	vpush v0, $0x0  }
0x246: {  	(v2sf) =	vpush v0, $0x1  }
0x247: {  	(v2sf) =	vpush v0, $0x2;
	_ =	sdelay $0x2  }
0x248: {  	(v2sf) =	vpush v0, $0x3;
	_ =	sdelay $0x1  }
0x249: {  	(v2sf) =	vpush v0, $0x4;
	_ =	sdelay $0x1  }
0x24a: {  	(v2sf) =	vpush v0, $0x5;
	_ =	sdelay $0x1  }
0x24b: {  	(v2sf) =	vpush v0, $0x6;
	_ =	sdelay $0x1  }
0x24c: {  	(v2sf) =	vpush v0, $0x7;
	_ =	sdelay $0x1  }
0x24d: {  	s22 =	spop (v2sf);
	(v2sf) =	vpush v0, $0x8  }
0x24e: {  	s21 =	sshra.s32 s1, $0x2;
	s1 =	sand.u32 $0x1FFFFFF0, s22;
	s22 =	spop (v2sf)  }
0x24f: {  	s23 =	sadd.s32 $0x480, s21;
	s1 =	sadd.s32 s3, s1;
	s24 =	spop (v2sf);
	(v2sf) =	vpush v0, $0x9  }
0x250: {  	s25 =	sadd.s32 $0x400, s21;
	s22 =	sand.u32 $0x1FFFFFF0, s22;
	s24 =	sand.u32 $0x1FFFFFF0, s24  }
0x251: {  	[tilespmem:s25], [sflag:$0x2] =	stream.strided.gather [hbm4b:s1+s19], $0x0, s15, s19, $0x38;
	(v2sf) =	vpush v0, $0xA;
	[tilespmem:$0x4400] =	vst v63  }
0x252: {  	s26 =	spop (v2sf)  }
0x253: {  	[tilespmem:s25], [sflag:$0x2] =	stream.linear.gather [hbm4b:s1+s2], $0x10, $0x38;
	(v2sf) =	vpush v0, $0xB;
	[tilespmem:$0x4400] =	vst v63  }
0x254: {  	s1 =	sadd.s32 s3, s22;
	s22 =	sand.u32 $0x1FFFFFF0, s26;
	s25 =	spop (v2sf)  }
0x255: {  	[tilespmem:s23], [sflag:$0x2] =	stream.strided.gather [hbm4b:s1+s19], $0x0, s15, s19, $0x38;
	(v2sf) =	vpush v0, $0xC;
	[tilespmem:$0x4400] =	vst v63  }
0x256: {  	s26 =	sadd.s32 $0x500, s21;
	s25 =	sand.u32 $0x1FFFFFF0, s25;
	s28 =	spop (v2sf)  }
0x257: {  	[tilespmem:s23], [sflag:$0x2] =	stream.linear.gather [hbm4b:s1+s2], $0x10, $0x38;
	[tilespmem:$0x4400] =	vst v63  }
0x258: {  	s1 =	sadd.s32 s3, s24;
	s23 =	sand.u32 $0x1FFFFFF0, s28;
	s24 =	spop (v2sf)  }
0x259: {  	[tilespmem:s26], [sflag:$0x2] =	stream.strided.gather [hbm4b:s1+s19], $0x0, s15, s19, $0x38;
	(v2sf) =	vpush v0, $0xD;
	[tilespmem:$0x4400] =	vst v63  }
0x25a: {  	s28 =	sadd.s32 $0x580, s21;
	s24 =	sand.u32 $0x1FFFFFF0, s24;
	s29 =	spop (v2sf)  }
0x25b: {  	[tilespmem:s26], [sflag:$0x2] =	stream.linear.gather [hbm4b:s1+s2], $0x10, $0x38;
	[tilespmem:$0x4400] =	vst v63  }
0x25c: {  	s1 =	sadd.s32 s3, s22;
	s22 =	sand.u32 $0x1FFFFFF0, s29;
	s26 =	spop (v2sf)  }
0x25d: {  	[tilespmem:s28], [sflag:$0x2] =	stream.strided.gather [hbm4b:s1+s19], $0x0, s15, s19, $0x38;
	(v2sf) =	vpush v0, $0xE;
	[tilespmem:$0x4400] =	vst v63  }
0x25e: {  	s29 =	sadd.s32 $0x600, s21;
	s26 =	sand.u32 $0x1FFFFFF0, s26;
	s30 =	spop (v2sf)  }
0x25f: {  	[tilespmem:s28], [sflag:$0x2] =	stream.linear.gather [hbm4b:s1+s2], $0x10, $0x38;
	[tilespmem:$0x4400] =	vst v63  }
0x260: {  	s1 =	sadd.s32 s3, s25;
	s25 =	sand.u32 $0x1FFFFFF0, s30;
	s28 =	spop (v2sf)  }
0x261: {  	[tilespmem:s29], [sflag:$0x2] =	stream.strided.gather [hbm4b:s1+s19], $0x0, s15, s19, $0x38;
	(v2sf) =	vpush v0, $0xF;
	[tilespmem:$0x4400] =	vst v63  }
0x262: {  	s30 =	sadd.s32 $0x680, s21;
	s28 =	sand.u32 $0x1FFFFFF0, s28;
	s31 =	spop (v2sf)  }
0x263: {  	[tilespmem:s29], [sflag:$0x2] =	stream.linear.gather [hbm4b:s1+s2], $0x10, $0x38;
	[tilespmem:$0x4400] =	vst v63  }
0x264: {  	s1 =	sadd.s32 s3, s23;
	s23 =	sand.u32 $0x1FFFFFF0, s31;
	s29 =	spop (v2sf)  }
0x265: {  	[tilespmem:s30], [sflag:$0x2] =	stream.strided.gather [hbm4b:s1+s19], $0x0, s15, s19, $0x38;
	[tilespmem:$0x4400] =	vst v63  }
0x266: {  	s24 =	sadd.s32 s3, s24;
	s31 =	sadd.s32 $0x700, s21;
	s29 =	sand.u32 $0x1FFFFFF0, s29  }
0x267: {  	[tilespmem:s30], [sflag:$0x2] =	stream.linear.gather [hbm4b:s1+s2], $0x10, $0x38;
	[tilespmem:$0x4400] =	vst v63  }
0x268: {  	s1 =	spop (v2sf)  }
0x269: {  	[tilespmem:s31], [sflag:$0x2] =	stream.strided.gather [hbm4b:s24+s19], $0x0, s15, s19, $0x38;
	[tilespmem:$0x4400] =	vst v63  }
0x26a: {  	s22 =	sadd.s32 s3, s22;
	s30 =	sadd.s32 $0x780, s21;
	s1 =	sand.u32 $0x1FFFFFF0, s1  }
0x26b: {  	[tilespmem:s31], [sflag:$0x2] =	stream.linear.gather [hbm4b:s24+s2], $0x10, $0x38;
	[tilespmem:$0x4400] =	vst v63  }
0x26c: {  	s24 =	spop (v2sf)  }
0x26d: {  	[tilespmem:s30], [sflag:$0x2] =	stream.strided.gather [hbm4b:s22+s19], $0x0, s15, s19, $0x38;
	[tilespmem:$0x4400] =	vst v63  }
0x26e: {  	s26 =	sadd.s32 s3, s26;
	s31 =	sadd.s32 $0x800, s21;
	s24 =	sand.u32 $0x1FFFFFF0, s24  }
0x26f: {  	[tilespmem:s30], [sflag:$0x2] =	stream.linear.gather [hbm4b:s22+s2], $0x10, $0x38;
	[tilespmem:$0x4400] =	vst v63  }
0x270: {  	s22 =	spop (v2sf)  }
0x271: {  	[tilespmem:s31], [sflag:$0x2] =	stream.strided.gather [hbm4b:s26+s19], $0x0, s15, s19, $0x38;
	[tilespmem:$0x4400] =	vst v63  }
0x272: {  	s25 =	sadd.s32 s3, s25;
	s30 =	sadd.s32 $0x880, s21;
	s22 =	sand.u32 $0x1FFFFFF0, s22  }
0x273: {  	[tilespmem:s31], [sflag:$0x2] =	stream.linear.gather [hbm4b:s26+s2], $0x10, $0x38;
	[tilespmem:$0x4400] =	vst v63  }
0x274: {  	_ = 	snop  }
0x275: {  	[tilespmem:s30], [sflag:$0x2] =	stream.strided.gather [hbm4b:s25+s19], $0x0, s15, s19, $0x38;
	[tilespmem:$0x4400] =	vst v63  }
0x276: {  	s28 =	sadd.s32 s3, s28;
	s26 =	sadd.s32 $0x900, s21  }
0x277: {  	[tilespmem:s30], [sflag:$0x2] =	stream.linear.gather [hbm4b:s25+s2], $0x10, $0x38;
	[tilespmem:$0x4400] =	vst v63  }
0x278: {  	_ = 	snop  }
0x279: {  	[tilespmem:s26], [sflag:$0x2] =	stream.strided.gather [hbm4b:s28+s19], $0x0, s15, s19, $0x38;
	[tilespmem:$0x4400] =	vst v63  }
0x27a: {  	s23 =	sadd.s32 s3, s23;
	s25 =	sadd.s32 $0x980, s21  }
0x27b: {  	[tilespmem:s26], [sflag:$0x2] =	stream.linear.gather [hbm4b:s28+s2], $0x10, $0x38;
	[tilespmem:$0x4400] =	vst v63  }
0x27c: {  	_ = 	snop  }
0x27d: {  	[tilespmem:s25], [sflag:$0x2] =	stream.strided.gather [hbm4b:s23+s19], $0x0, s15, s19, $0x38;
	[tilespmem:$0x4400] =	vst v63  }
0x27e: {  	s26 =	sadd.s32 $0xA00, s21;
	s28 =	sadd.s32 s3, s29  }
0x27f: {  	[tilespmem:s25], [sflag:$0x2] =	stream.linear.gather [hbm4b:s23+s2], $0x10, $0x38;
	[tilespmem:$0x4400] =	vst v63  }
0x280: {  	_ = 	snop  }
0x281: {  	[tilespmem:s26], [sflag:$0x2] =	stream.strided.gather [hbm4b:s28+s19], $0x0, s15, s19, $0x38;
	[tilespmem:$0x4400] =	vst v63  }
0x282: {  	s1 =	sadd.s32 s3, s1;
	s23 =	sadd.s32 $0xA80, s21  }
0x283: {  	[tilespmem:s26], [sflag:$0x2] =	stream.linear.gather [hbm4b:s28+s2], $0x10, $0x38;
	[tilespmem:$0x4400] =	vst v63  }
0x284: {  	_ = 	snop  }
0x285: {  	[tilespmem:s23], [sflag:$0x2] =	stream.strided.gather [hbm4b:s1+s19], $0x0, s15, s19, $0x38;
	[tilespmem:$0x4400] =	vst v63  }
0x286: {  	s24 =	sadd.s32 s3, s24;
	s25 =	sadd.s32 $0xB00, s21  }
0x287: {  	[tilespmem:s23], [sflag:$0x2] =	stream.linear.gather [hbm4b:s1+s2], $0x10, $0x38;
	[tilespmem:$0x4400] =	vst v63  }
0x288: {  	_ = 	snop  }
0x289: {  	[tilespmem:s25], [sflag:$0x2] =	stream.strided.gather [hbm4b:s24+s19], $0x0, s15, s19, $0x38;
	[tilespmem:$0x4400] =	vst v63  }
.Ltmp6:
0x28a: {  	_ = 	snop;
	(pc) =	sbr.rel @p0 .LBB2_14-.Ltmp6, $4  }
0x28b: {  	s22 =	sadd.s32 s3, s22;
	s21 =	sadd.s32 $0xB80, s21  }
0x28c: {  	[tilespmem:s25], [sflag:$0x2] =	stream.linear.gather [hbm4b:s24+s2], $0x10, $0x38;
	[tilespmem:$0x4400] =	vst v63  }
0x28d: {  	_ = 	snop  }
0x28e: {  	[tilespmem:s21], [sflag:$0x2] =	stream.strided.gather [hbm4b:s22+s19], $0x0, s15, s19, $0x38;
	[tilespmem:$0x4400] =	vst v63  }
0x28f: {  	[tilespmem:s21], [sflag:$0x2] =	stream.linear.gather [hbm4b:s22+s2], $0x10, $0x38;
	[tilespmem:$0x4400] =	vst v63  }
0x290: {  	_ =	swait.ge [sflag:s16], $0x10  }
0x291: {  	s18 =	simm.s32 $0x7F;
	[sflag:s16] =	ssyncset.done $0x0  }
.LBB2_16:
0x292: {  	p0 =	sne.s32 s18, $0x1;
	s18 =	sadd.s32 $0xFFFFFFFF, s18;
	[sflag:s16] =	ssyncadd.s32 $0xFFFFFFF0  }
.Ltmp7:
0x293: {  	(pc) =	sbr.rel @p0 .LBB2_16-.Ltmp7, $3  }
0x294: {  	_ =	sdelay $0x1  }
0x295: {  	_ =	swait.ge [sflag:s16], $0x10  }
0x296: {  	[sflag:s16] =	ssyncset.done $0x0  }
0x297: {  	[sflag:s16] =	ssyncadd.s32 $0xFFFFFFF0;
	s1 =	simm.s32 $0x0  }
0x298: {  	[hbm4b:s7+s1] =	stream.linear.scatter [tilespmem:s15], [sflag:$0x1], $0x4000, $0x38;
	[tilespmem:$0x4400] =	vst v63  }
0x299: {  	_ =	swait.ge [sflag:s14], $0x4000  }
0x29a: {  	[sflag:s14] =	ssyncset.done $0x0  }
0x29b: {  	s18 =	simm.s32 $0x200;
	[sflag:s14] =	ssyncadd.s32 $0xFFFFC000  }
0x29c: {  	v0 =	vld [tilespmem:s18+$0x0];
	_ =	sdelay $0x4  }
0x29d: {  	v0 =	vshll.u32 v0, $0x4  }
0x29e: {  	(v2sf) =	vpush v0, $0x0;
	_ =	sdelay $0x1  }
0x29f: {  	(v2sf) =	vpush v0, $0x1;
	_ =	sdelay $0x3  }
0x2a0: {  	(v2sf) =	vpush v0, $0x2;
	_ =	sdelay $0x3  }
0x2a1: {  	(v2sf) =	vpush v0, $0x3;
	_ =	sdelay $0x3  }
0x2a2: {  	(v2sf) =	vpush v0, $0x4  }
0x2a3: {  	s22 =	spop (v2sf)  }
0x2a4: {  	s19 =	simm.s32 $0x80;
	s1 =	sand.u32 $0x1FFFFFF0, s22  }
0x2a5: {  	s21 =	simm.s32 $0x400;
	s20 =	spop (v2sf);
	s1 =	sadd.s32 s3, s1  }
0x2a6: {  	(v2sf) =	vpush v0, $0x5;
	[tilespmem:s21], [sflag:$0x2] =	stream.strided.gather [hbm4b:s1+s19], $0x0, s15, s19, $0x38;
	[tilespmem:$0x4400] =	vst v63  }
0x2a7: {  	s20 =	sand.u32 $0x1FFFFFF0, s20  }
0x2a8: {  	[tilespmem:s21], [sflag:$0x2] =	stream.linear.gather [hbm4b:s1+s2], $0x10, $0x38;
	[tilespmem:$0x4400] =	vst v63  }
0x2a9: {  	s23 =	simm.s32 $0x480;
	s24 =	spop (v2sf);
	s20 =	sadd.s32 s3, s20  }
0x2aa: {  	(v2sf) =	vpush v0, $0x6;
	[tilespmem:s23], [sflag:$0x2] =	stream.strided.gather [hbm4b:s20+s19], $0x0, s15, s19, $0x38;
	[tilespmem:$0x4400] =	vst v63  }
0x2ab: {  	s21 =	sand.u32 $0x1FFFFFF0, s24  }
0x2ac: {  	[tilespmem:s23], [sflag:$0x2] =	stream.linear.gather [hbm4b:s20+s2], $0x10, $0x38;
	[tilespmem:$0x4400] =	vst v63  }
0x2ad: {  	s26 =	simm.s32 $0x500;
	s25 =	spop (v2sf);
	s21 =	sadd.s32 s3, s21  }
0x2ae: {  	(v2sf) =	vpush v0, $0x7;
	[tilespmem:s26], [sflag:$0x2] =	stream.strided.gather [hbm4b:s21+s19], $0x0, s15, s19, $0x38;
	[tilespmem:$0x4400] =	vst v63  }
0x2af: {  	s1 =	sand.u32 $0x1FFFFFF0, s25  }
0x2b0: {  	[tilespmem:s26], [sflag:$0x2] =	stream.linear.gather [hbm4b:s21+s2], $0x10, $0x38;
	[tilespmem:$0x4400] =	vst v63  }
0x2b1: {  	s29 =	simm.s32 $0x580;
	s28 =	spop (v2sf);
	s1 =	sadd.s32 s3, s1  }
0x2b2: {  	(v2sf) =	vpush v0, $0x8;
	[tilespmem:s29], [sflag:$0x2] =	stream.strided.gather [hbm4b:s1+s19], $0x0, s15, s19, $0x38;
	[tilespmem:$0x4400] =	vst v63  }
0x2b3: {  	s20 =	sand.u32 $0x1FFFFFF0, s28  }
0x2b4: {  	[tilespmem:s29], [sflag:$0x2] =	stream.linear.gather [hbm4b:s1+s2], $0x10, $0x38;
	[tilespmem:$0x4400] =	vst v63  }
0x2b5: {  	s31 =	simm.s32 $0x600;
	s20 =	sadd.s32 s3, s20;
	s30 =	spop (v2sf)  }
0x2b6: {  	(v2sf) =	vpush v0, $0x9;
	[tilespmem:s31], [sflag:$0x2] =	stream.strided.gather [hbm4b:s20+s19], $0x0, s15, s19, $0x38;
	[tilespmem:$0x4400] =	vst v63  }
0x2b7: {  	s1 =	sand.u32 $0x1FFFFFF0, s30  }
0x2b8: {  	[tilespmem:s31], [sflag:$0x2] =	stream.linear.gather [hbm4b:s20+s2], $0x10, $0x38;
	[tilespmem:$0x4400] =	vst v63  }
0x2b9: {  	s22 =	simm.s32 $0x680;
	s21 =	spop (v2sf);
	s1 =	sadd.s32 s3, s1  }
0x2ba: {  	(v2sf) =	vpush v0, $0xA;
	[tilespmem:s22], [sflag:$0x2] =	stream.strided.gather [hbm4b:s1+s19], $0x0, s15, s19, $0x38;
	[tilespmem:$0x4400] =	vst v63  }
0x2bb: {  	s20 =	sand.u32 $0x1FFFFFF0, s21  }
0x2bc: {  	[tilespmem:s22], [sflag:$0x2] =	stream.linear.gather [hbm4b:s1+s2], $0x10, $0x38;
	[tilespmem:$0x4400] =	vst v63  }
0x2bd: {  	s24 =	simm.s32 $0x700;
	s23 =	spop (v2sf);
	s20 =	sadd.s32 s3, s20  }
0x2be: {  	(v2sf) =	vpush v0, $0xB;
	[tilespmem:s24], [sflag:$0x2] =	stream.strided.gather [hbm4b:s20+s19], $0x0, s15, s19, $0x38;
	[tilespmem:$0x4400] =	vst v63  }
0x2bf: {  	s1 =	sand.u32 $0x1FFFFFF0, s23  }
0x2c0: {  	[tilespmem:s24], [sflag:$0x2] =	stream.linear.gather [hbm4b:s20+s2], $0x10, $0x38;
	[tilespmem:$0x4400] =	vst v63  }
0x2c1: {  	s26 =	simm.s32 $0x780;
	s25 =	spop (v2sf);
	s1 =	sadd.s32 s3, s1  }
0x2c2: {  	(v2sf) =	vpush v0, $0xC;
	[tilespmem:s26], [sflag:$0x2] =	stream.strided.gather [hbm4b:s1+s19], $0x0, s15, s19, $0x38;
	[tilespmem:$0x4400] =	vst v63  }
0x2c3: {  	s20 =	sand.u32 $0x1FFFFFF0, s25  }
0x2c4: {  	[tilespmem:s26], [sflag:$0x2] =	stream.linear.gather [hbm4b:s1+s2], $0x10, $0x38;
	[tilespmem:$0x4400] =	vst v63  }
0x2c5: {  	s29 =	simm.s32 $0x800;
	s28 =	spop (v2sf);
	s20 =	sadd.s32 s3, s20  }
0x2c6: {  	(v2sf) =	vpush v0, $0xD;
	[tilespmem:s29], [sflag:$0x2] =	stream.strided.gather [hbm4b:s20+s19], $0x0, s15, s19, $0x38;
	[tilespmem:$0x4400] =	vst v63  }
0x2c7: {  	s1 =	sand.u32 $0x1FFFFFF0, s28  }
0x2c8: {  	[tilespmem:s29], [sflag:$0x2] =	stream.linear.gather [hbm4b:s20+s2], $0x10, $0x38;
	[tilespmem:$0x4400] =	vst v63  }
0x2c9: {  	s31 =	simm.s32 $0x880;
	s30 =	spop (v2sf);
	s1 =	sadd.s32 s3, s1  }
0x2ca: {  	(v2sf) =	vpush v0, $0xE;
	[tilespmem:s31], [sflag:$0x2] =	stream.strided.gather [hbm4b:s1+s19], $0x0, s15, s19, $0x38;
	[tilespmem:$0x4400] =	vst v63  }
0x2cb: {  	s20 =	sand.u32 $0x1FFFFFF0, s30  }
0x2cc: {  	[tilespmem:s31], [sflag:$0x2] =	stream.linear.gather [hbm4b:s1+s2], $0x10, $0x38;
	[tilespmem:$0x4400] =	vst v63  }
0x2cd: {  	s22 =	simm.s32 $0x900;
	s21 =	spop (v2sf);
	s20 =	sadd.s32 s3, s20  }
0x2ce: {  	(v2sf) =	vpush v0, $0xF;
	[tilespmem:s22], [sflag:$0x2] =	stream.strided.gather [hbm4b:s20+s19], $0x0, s15, s19, $0x38;
	[tilespmem:$0x4400] =	vst v63  }
0x2cf: {  	s1 =	sand.u32 $0x1FFFFFF0, s21  }
0x2d0: {  	[tilespmem:s22], [sflag:$0x2] =	stream.linear.gather [hbm4b:s20+s2], $0x10, $0x38;
	[tilespmem:$0x4400] =	vst v63  }
0x2d1: {  	s24 =	simm.s32 $0x980;
	s23 =	spop (v2sf);
	s1 =	sadd.s32 s3, s1  }
0x2d2: {  	[tilespmem:s24], [sflag:$0x2] =	stream.strided.gather [hbm4b:s1+s19], $0x0, s15, s19, $0x38;
	[tilespmem:$0x4400] =	vst v63  }
0x2d3: {  	s20 =	sand.u32 $0x1FFFFFF0, s23  }
0x2d4: {  	[tilespmem:s24], [sflag:$0x2] =	stream.linear.gather [hbm4b:s1+s2], $0x10, $0x38;
	[tilespmem:$0x4400] =	vst v63  }
0x2d5: {  	s26 =	simm.s32 $0xA00;
	s25 =	spop (v2sf);
	s20 =	sadd.s32 s3, s20  }
0x2d6: {  	[tilespmem:s26], [sflag:$0x2] =	stream.strided.gather [hbm4b:s20+s19], $0x0, s15, s19, $0x38;
	[tilespmem:$0x4400] =	vst v63  }
0x2d7: {  	s1 =	sand.u32 $0x1FFFFFF0, s25  }
0x2d8: {  	[tilespmem:s26], [sflag:$0x2] =	stream.linear.gather [hbm4b:s20+s2], $0x10, $0x38;
	[tilespmem:$0x4400] =	vst v63  }
0x2d9: {  	s29 =	simm.s32 $0xA80;
	s28 =	spop (v2sf);
	s1 =	sadd.s32 s3, s1  }
0x2da: {  	[tilespmem:s29], [sflag:$0x2] =	stream.strided.gather [hbm4b:s1+s19], $0x0, s15, s19, $0x38;
	[tilespmem:$0x4400] =	vst v63  }
0x2db: {  	s20 =	sand.u32 $0x1FFFFFF0, s28  }
0x2dc: {  	[tilespmem:s29], [sflag:$0x2] =	stream.linear.gather [hbm4b:s1+s2], $0x10, $0x38;
	[tilespmem:$0x4400] =	vst v63  }
0x2dd: {  	s31 =	simm.s32 $0xB00;
	s30 =	spop (v2sf);
	s20 =	sadd.s32 s3, s20  }
0x2de: {  	[tilespmem:s31], [sflag:$0x2] =	stream.strided.gather [hbm4b:s20+s19], $0x0, s15, s19, $0x38;
	[tilespmem:$0x4400] =	vst v63  }
0x2df: {  	s1 =	sand.u32 $0x1FFFFFF0, s30  }
0x2e0: {  	[tilespmem:s31], [sflag:$0x2] =	stream.linear.gather [hbm4b:s20+s2], $0x10, $0x38;
	[tilespmem:$0x4400] =	vst v63  }
0x2e1: {  	s21 =	simm.s32 $0xB80;
	s22 =	sadd.s32 s3, s1;
	s20 =	simm.s32 $0x2000  }
0x2e2: {  	[tilespmem:s21], [sflag:$0x2] =	stream.strided.gather [hbm4b:s22+s19], $0x0, s15, s19, $0x38;
	[tilespmem:$0x4400] =	vst v63  }
.LBB2_18:
0x2e3: {  	p0 =	sne.s32 s20, $0xE000  }
0x2e4: {  	s18 =	sadd.s32 $0x10, s18;
	s1 =	smov.u32 s20;
	s20 =	sadd.s32 $0x2000, s20  }
0x2e5: {  	[tilespmem:s21], [sflag:$0x2] =	stream.linear.gather [hbm4b:s22+s2], $0x10, $0x38;
	[tilespmem:$0x4400] =	vst v63  }
0x2e6: {  	v0 =	vld [tilespmem:s18+$0x0];
	_ =	sdelay $0x4  }
0x2e7: {  	v0 =	vshll.u32 v0, $0x4  }
0x2e8: {  	(v2sf) =	vpush v0, $0x0  }
0x2e9: {  	(v2sf) =	vpush v0, $0x1  }
0x2ea: {  	(v2sf) =	vpush v0, $0x2;
	_ =	sdelay $0x2  }
0x2eb: {  	(v2sf) =	vpush v0, $0x3;
	_ =	sdelay $0x1  }
0x2ec: {  	(v2sf) =	vpush v0, $0x4;
	_ =	sdelay $0x1  }
0x2ed: {  	(v2sf) =	vpush v0, $0x5;
	_ =	sdelay $0x1  }
0x2ee: {  	(v2sf) =	vpush v0, $0x6;
	_ =	sdelay $0x1  }
0x2ef: {  	(v2sf) =	vpush v0, $0x7;
	_ =	sdelay $0x1  }
0x2f0: {  	s22 =	spop (v2sf);
	(v2sf) =	vpush v0, $0x8  }
0x2f1: {  	s21 =	sshra.s32 s1, $0x2;
	s1 =	sand.u32 $0x1FFFFFF0, s22;
	s22 =	spop (v2sf)  }
0x2f2: {  	s23 =	sadd.s32 $0x480, s21;
	s1 =	sadd.s32 s3, s1;
	s24 =	spop (v2sf);
	(v2sf) =	vpush v0, $0x9  }
0x2f3: {  	s25 =	sadd.s32 $0x400, s21;
	s22 =	sand.u32 $0x1FFFFFF0, s22;
	s24 =	sand.u32 $0x1FFFFFF0, s24  }
0x2f4: {  	[tilespmem:s25], [sflag:$0x2] =	stream.strided.gather [hbm4b:s1+s19], $0x0, s15, s19, $0x38;
	(v2sf) =	vpush v0, $0xA;
	[tilespmem:$0x4400] =	vst v63  }
0x2f5: {  	s26 =	spop (v2sf)  }
0x2f6: {  	[tilespmem:s25], [sflag:$0x2] =	stream.linear.gather [hbm4b:s1+s2], $0x10, $0x38;
	(v2sf) =	vpush v0, $0xB;
	[tilespmem:$0x4400] =	vst v63  }
0x2f7: {  	s1 =	sadd.s32 s3, s22;
	s22 =	sand.u32 $0x1FFFFFF0, s26;
	s25 =	spop (v2sf)  }
0x2f8: {  	[tilespmem:s23], [sflag:$0x2] =	stream.strided.gather [hbm4b:s1+s19], $0x0, s15, s19, $0x38;
	(v2sf) =	vpush v0, $0xC;
	[tilespmem:$0x4400] =	vst v63  }
0x2f9: {  	s26 =	sadd.s32 $0x500, s21;
	s25 =	sand.u32 $0x1FFFFFF0, s25;
	s28 =	spop (v2sf)  }
0x2fa: {  	[tilespmem:s23], [sflag:$0x2] =	stream.linear.gather [hbm4b:s1+s2], $0x10, $0x38;
	[tilespmem:$0x4400] =	vst v63  }
0x2fb: {  	s1 =	sadd.s32 s3, s24;
	s23 =	sand.u32 $0x1FFFFFF0, s28;
	s24 =	spop (v2sf)  }
0x2fc: {  	[tilespmem:s26], [sflag:$0x2] =	stream.strided.gather [hbm4b:s1+s19], $0x0, s15, s19, $0x38;
	(v2sf) =	vpush v0, $0xD;
	[tilespmem:$0x4400] =	vst v63  }
0x2fd: {  	s28 =	sadd.s32 $0x580, s21;
	s24 =	sand.u32 $0x1FFFFFF0, s24;
	s29 =	spop (v2sf)  }
0x2fe: {  	[tilespmem:s26], [sflag:$0x2] =	stream.linear.gather [hbm4b:s1+s2], $0x10, $0x38;
	[tilespmem:$0x4400] =	vst v63  }
0x2ff: {  	s1 =	sadd.s32 s3, s22;
	s22 =	sand.u32 $0x1FFFFFF0, s29;
	s26 =	spop (v2sf)  }
0x300: {  	[tilespmem:s28], [sflag:$0x2] =	stream.strided.gather [hbm4b:s1+s19], $0x0, s15, s19, $0x38;
	(v2sf) =	vpush v0, $0xE;
	[tilespmem:$0x4400] =	vst v63  }
0x301: {  	s29 =	sadd.s32 $0x600, s21;
	s26 =	sand.u32 $0x1FFFFFF0, s26;
	s30 =	spop (v2sf)  }
0x302: {  	[tilespmem:s28], [sflag:$0x2] =	stream.linear.gather [hbm4b:s1+s2], $0x10, $0x38;
	[tilespmem:$0x4400] =	vst v63  }
0x303: {  	s1 =	sadd.s32 s3, s25;
	s25 =	sand.u32 $0x1FFFFFF0, s30;
	s28 =	spop (v2sf)  }
0x304: {  	[tilespmem:s29], [sflag:$0x2] =	stream.strided.gather [hbm4b:s1+s19], $0x0, s15, s19, $0x38;
	(v2sf) =	vpush v0, $0xF;
	[tilespmem:$0x4400] =	vst v63  }
0x305: {  	s30 =	sadd.s32 $0x680, s21;
	s28 =	sand.u32 $0x1FFFFFF0, s28;
	s31 =	spop (v2sf)  }
0x306: {  	[tilespmem:s29], [sflag:$0x2] =	stream.linear.gather [hbm4b:s1+s2], $0x10, $0x38;
	[tilespmem:$0x4400] =	vst v63  }
0x307: {  	s1 =	sadd.s32 s3, s23;
	s23 =	sand.u32 $0x1FFFFFF0, s31;
	s29 =	spop (v2sf)  }
0x308: {  	[tilespmem:s30], [sflag:$0x2] =	stream.strided.gather [hbm4b:s1+s19], $0x0, s15, s19, $0x38;
	[tilespmem:$0x4400] =	vst v63  }
0x309: {  	s24 =	sadd.s32 s3, s24;
	s31 =	sadd.s32 $0x700, s21;
	s29 =	sand.u32 $0x1FFFFFF0, s29  }
0x30a: {  	[tilespmem:s30], [sflag:$0x2] =	stream.linear.gather [hbm4b:s1+s2], $0x10, $0x38;
	[tilespmem:$0x4400] =	vst v63  }
0x30b: {  	s1 =	spop (v2sf)  }
0x30c: {  	[tilespmem:s31], [sflag:$0x2] =	stream.strided.gather [hbm4b:s24+s19], $0x0, s15, s19, $0x38;
	[tilespmem:$0x4400] =	vst v63  }
0x30d: {  	s22 =	sadd.s32 s3, s22;
	s30 =	sadd.s32 $0x780, s21;
	s1 =	sand.u32 $0x1FFFFFF0, s1  }
0x30e: {  	[tilespmem:s31], [sflag:$0x2] =	stream.linear.gather [hbm4b:s24+s2], $0x10, $0x38;
	[tilespmem:$0x4400] =	vst v63  }
0x30f: {  	s24 =	spop (v2sf)  }
0x310: {  	[tilespmem:s30], [sflag:$0x2] =	stream.strided.gather [hbm4b:s22+s19], $0x0, s15, s19, $0x38;
	[tilespmem:$0x4400] =	vst v63  }
0x311: {  	s26 =	sadd.s32 s3, s26;
	s31 =	sadd.s32 $0x800, s21;
	s24 =	sand.u32 $0x1FFFFFF0, s24  }
0x312: {  	[tilespmem:s30], [sflag:$0x2] =	stream.linear.gather [hbm4b:s22+s2], $0x10, $0x38;
	[tilespmem:$0x4400] =	vst v63  }
0x313: {  	s22 =	spop (v2sf)  }
0x314: {  	[tilespmem:s31], [sflag:$0x2] =	stream.strided.gather [hbm4b:s26+s19], $0x0, s15, s19, $0x38;
	[tilespmem:$0x4400] =	vst v63  }
0x315: {  	s25 =	sadd.s32 s3, s25;
	s30 =	sadd.s32 $0x880, s21;
	s22 =	sand.u32 $0x1FFFFFF0, s22  }
0x316: {  	[tilespmem:s31], [sflag:$0x2] =	stream.linear.gather [hbm4b:s26+s2], $0x10, $0x38;
	[tilespmem:$0x4400] =	vst v63  }
0x317: {  	_ = 	snop  }
0x318: {  	[tilespmem:s30], [sflag:$0x2] =	stream.strided.gather [hbm4b:s25+s19], $0x0, s15, s19, $0x38;
	[tilespmem:$0x4400] =	vst v63  }
0x319: {  	s28 =	sadd.s32 s3, s28;
	s26 =	sadd.s32 $0x900, s21  }
0x31a: {  	[tilespmem:s30], [sflag:$0x2] =	stream.linear.gather [hbm4b:s25+s2], $0x10, $0x38;
	[tilespmem:$0x4400] =	vst v63  }
0x31b: {  	_ = 	snop  }
0x31c: {  	[tilespmem:s26], [sflag:$0x2] =	stream.strided.gather [hbm4b:s28+s19], $0x0, s15, s19, $0x38;
	[tilespmem:$0x4400] =	vst v63  }
0x31d: {  	s23 =	sadd.s32 s3, s23;
	s25 =	sadd.s32 $0x980, s21  }
0x31e: {  	[tilespmem:s26], [sflag:$0x2] =	stream.linear.gather [hbm4b:s28+s2], $0x10, $0x38;
	[tilespmem:$0x4400] =	vst v63  }
0x31f: {  	_ = 	snop  }
0x320: {  	[tilespmem:s25], [sflag:$0x2] =	stream.strided.gather [hbm4b:s23+s19], $0x0, s15, s19, $0x38;
	[tilespmem:$0x4400] =	vst v63  }
0x321: {  	s26 =	sadd.s32 $0xA00, s21;
	s28 =	sadd.s32 s3, s29  }
0x322: {  	[tilespmem:s25], [sflag:$0x2] =	stream.linear.gather [hbm4b:s23+s2], $0x10, $0x38;
	[tilespmem:$0x4400] =	vst v63  }
0x323: {  	_ = 	snop  }
0x324: {  	[tilespmem:s26], [sflag:$0x2] =	stream.strided.gather [hbm4b:s28+s19], $0x0, s15, s19, $0x38;
	[tilespmem:$0x4400] =	vst v63  }
0x325: {  	s1 =	sadd.s32 s3, s1;
	s23 =	sadd.s32 $0xA80, s21  }
0x326: {  	[tilespmem:s26], [sflag:$0x2] =	stream.linear.gather [hbm4b:s28+s2], $0x10, $0x38;
	[tilespmem:$0x4400] =	vst v63  }
0x327: {  	_ = 	snop  }
0x328: {  	[tilespmem:s23], [sflag:$0x2] =	stream.strided.gather [hbm4b:s1+s19], $0x0, s15, s19, $0x38;
	[tilespmem:$0x4400] =	vst v63  }
0x329: {  	s24 =	sadd.s32 s3, s24;
	s25 =	sadd.s32 $0xB00, s21  }
0x32a: {  	[tilespmem:s23], [sflag:$0x2] =	stream.linear.gather [hbm4b:s1+s2], $0x10, $0x38;
	[tilespmem:$0x4400] =	vst v63  }
0x32b: {  	_ = 	snop  }
0x32c: {  	[tilespmem:s25], [sflag:$0x2] =	stream.strided.gather [hbm4b:s24+s19], $0x0, s15, s19, $0x38;
	[tilespmem:$0x4400] =	vst v63  }
.Ltmp8:
0x32d: {  	_ = 	snop;
	(pc) =	sbr.rel @p0 .LBB2_18-.Ltmp8, $4  }
0x32e: {  	s22 =	sadd.s32 s3, s22;
	s21 =	sadd.s32 $0xB80, s21  }
0x32f: {  	[tilespmem:s25], [sflag:$0x2] =	stream.linear.gather [hbm4b:s24+s2], $0x10, $0x38;
	[tilespmem:$0x4400] =	vst v63  }
0x330: {  	_ = 	snop  }
0x331: {  	[tilespmem:s21], [sflag:$0x2] =	stream.strided.gather [hbm4b:s22+s19], $0x0, s15, s19, $0x38;
	[tilespmem:$0x4400] =	vst v63  }
0x332: {  	[tilespmem:s21], [sflag:$0x2] =	stream.linear.gather [hbm4b:s22+s2], $0x10, $0x38;
	[tilespmem:$0x4400] =	vst v63  }
0x333: {  	_ =	swait.ge [sflag:s16], $0x10  }
0x334: {  	s18 =	simm.s32 $0x7F;
	[sflag:s16] =	ssyncset.done $0x0  }
.LBB2_20:
0x335: {  	p0 =	sne.s32 s18, $0x1;
	s18 =	sadd.s32 $0xFFFFFFFF, s18;
	[sflag:s16] =	ssyncadd.s32 $0xFFFFFFF0  }
.Ltmp9:
0x336: {  	(pc) =	sbr.rel @p0 .LBB2_20-.Ltmp9, $3  }
0x337: {  	_ =	sdelay $0x1  }
0x338: {  	_ =	swait.ge [sflag:s16], $0x10  }
0x339: {  	[sflag:s16] =	ssyncset.done $0x0  }
0x33a: {  	[sflag:s16] =	ssyncadd.s32 $0xFFFFFFF0;
	s1 =	simm.s32 $0x0  }
0x33b: {  	[hbm4b:s8+s1] =	stream.linear.scatter [tilespmem:s15], [sflag:$0x1], $0x4000, $0x38;
	[tilespmem:$0x4400] =	vst v63  }
0x33c: {  	_ =	swait.ge [sflag:s14], $0x4000  }
0x33d: {  	[sflag:s14] =	ssyncset.done $0x0  }
0x33e: {  	s18 =	simm.s32 $0x280;
	[sflag:s14] =	ssyncadd.s32 $0xFFFFC000  }
0x33f: {  	v0 =	vld [tilespmem:s18+$0x0];
	_ =	sdelay $0x4  }
0x340: {  	v0 =	vshll.u32 v0, $0x4  }
0x341: {  	(v2sf) =	vpush v0, $0x0;
	_ =	sdelay $0x1  }
0x342: {  	(v2sf) =	vpush v0, $0x1;
	_ =	sdelay $0x3  }
0x343: {  	(v2sf) =	vpush v0, $0x2;
	_ =	sdelay $0x3  }
0x344: {  	(v2sf) =	vpush v0, $0x3;
	_ =	sdelay $0x3  }
0x345: {  	(v2sf) =	vpush v0, $0x4  }
0x346: {  	s22 =	spop (v2sf)  }
0x347: {  	s19 =	simm.s32 $0x80;
	s1 =	sand.u32 $0x1FFFFFF0, s22  }
0x348: {  	s21 =	simm.s32 $0x400;
	s20 =	spop (v2sf);
	s1 =	sadd.s32 s3, s1  }
0x349: {  	(v2sf) =	vpush v0, $0x5;
	[tilespmem:s21], [sflag:$0x2] =	stream.strided.gather [hbm4b:s1+s19], $0x0, s15, s19, $0x38;
	[tilespmem:$0x4400] =	vst v63  }
0x34a: {  	s20 =	sand.u32 $0x1FFFFFF0, s20  }
0x34b: {  	[tilespmem:s21], [sflag:$0x2] =	stream.linear.gather [hbm4b:s1+s2], $0x10, $0x38;
	[tilespmem:$0x4400] =	vst v63  }
0x34c: {  	s23 =	simm.s32 $0x480;
	s24 =	spop (v2sf);
	s20 =	sadd.s32 s3, s20  }
0x34d: {  	(v2sf) =	vpush v0, $0x6;
	[tilespmem:s23], [sflag:$0x2] =	stream.strided.gather [hbm4b:s20+s19], $0x0, s15, s19, $0x38;
	[tilespmem:$0x4400] =	vst v63  }
0x34e: {  	s21 =	sand.u32 $0x1FFFFFF0, s24  }
0x34f: {  	[tilespmem:s23], [sflag:$0x2] =	stream.linear.gather [hbm4b:s20+s2], $0x10, $0x38;
	[tilespmem:$0x4400] =	vst v63  }
0x350: {  	s26 =	simm.s32 $0x500;
	s25 =	spop (v2sf);
	s21 =	sadd.s32 s3, s21  }
0x351: {  	(v2sf) =	vpush v0, $0x7;
	[tilespmem:s26], [sflag:$0x2] =	stream.strided.gather [hbm4b:s21+s19], $0x0, s15, s19, $0x38;
	[tilespmem:$0x4400] =	vst v63  }
0x352: {  	s1 =	sand.u32 $0x1FFFFFF0, s25  }
0x353: {  	[tilespmem:s26], [sflag:$0x2] =	stream.linear.gather [hbm4b:s21+s2], $0x10, $0x38;
	[tilespmem:$0x4400] =	vst v63  }
0x354: {  	s29 =	simm.s32 $0x580;
	s28 =	spop (v2sf);
	s1 =	sadd.s32 s3, s1  }
0x355: {  	(v2sf) =	vpush v0, $0x8;
	[tilespmem:s29], [sflag:$0x2] =	stream.strided.gather [hbm4b:s1+s19], $0x0, s15, s19, $0x38;
	[tilespmem:$0x4400] =	vst v63  }
0x356: {  	s20 =	sand.u32 $0x1FFFFFF0, s28  }
0x357: {  	[tilespmem:s29], [sflag:$0x2] =	stream.linear.gather [hbm4b:s1+s2], $0x10, $0x38;
	[tilespmem:$0x4400] =	vst v63  }
0x358: {  	s31 =	simm.s32 $0x600;
	s20 =	sadd.s32 s3, s20;
	s30 =	spop (v2sf)  }
0x359: {  	(v2sf) =	vpush v0, $0x9;
	[tilespmem:s31], [sflag:$0x2] =	stream.strided.gather [hbm4b:s20+s19], $0x0, s15, s19, $0x38;
	[tilespmem:$0x4400] =	vst v63  }
0x35a: {  	s1 =	sand.u32 $0x1FFFFFF0, s30  }
0x35b: {  	[tilespmem:s31], [sflag:$0x2] =	stream.linear.gather [hbm4b:s20+s2], $0x10, $0x38;
	[tilespmem:$0x4400] =	vst v63  }
0x35c: {  	s22 =	simm.s32 $0x680;
	s21 =	spop (v2sf);
	s1 =	sadd.s32 s3, s1  }
0x35d: {  	(v2sf) =	vpush v0, $0xA;
	[tilespmem:s22], [sflag:$0x2] =	stream.strided.gather [hbm4b:s1+s19], $0x0, s15, s19, $0x38;
	[tilespmem:$0x4400] =	vst v63  }
0x35e: {  	s20 =	sand.u32 $0x1FFFFFF0, s21  }
0x35f: {  	[tilespmem:s22], [sflag:$0x2] =	stream.linear.gather [hbm4b:s1+s2], $0x10, $0x38;
	[tilespmem:$0x4400] =	vst v63  }
0x360: {  	s24 =	simm.s32 $0x700;
	s23 =	spop (v2sf);
	s20 =	sadd.s32 s3, s20  }
0x361: {  	(v2sf) =	vpush v0, $0xB;
	[tilespmem:s24], [sflag:$0x2] =	stream.strided.gather [hbm4b:s20+s19], $0x0, s15, s19, $0x38;
	[tilespmem:$0x4400] =	vst v63  }
0x362: {  	s1 =	sand.u32 $0x1FFFFFF0, s23  }
0x363: {  	[tilespmem:s24], [sflag:$0x2] =	stream.linear.gather [hbm4b:s20+s2], $0x10, $0x38;
	[tilespmem:$0x4400] =	vst v63  }
0x364: {  	s26 =	simm.s32 $0x780;
	s25 =	spop (v2sf);
	s1 =	sadd.s32 s3, s1  }
0x365: {  	(v2sf) =	vpush v0, $0xC;
	[tilespmem:s26], [sflag:$0x2] =	stream.strided.gather [hbm4b:s1+s19], $0x0, s15, s19, $0x38;
	[tilespmem:$0x4400] =	vst v63  }
0x366: {  	s20 =	sand.u32 $0x1FFFFFF0, s25  }
0x367: {  	[tilespmem:s26], [sflag:$0x2] =	stream.linear.gather [hbm4b:s1+s2], $0x10, $0x38;
	[tilespmem:$0x4400] =	vst v63  }
0x368: {  	s29 =	simm.s32 $0x800;
	s28 =	spop (v2sf);
	s20 =	sadd.s32 s3, s20  }
0x369: {  	(v2sf) =	vpush v0, $0xD;
	[tilespmem:s29], [sflag:$0x2] =	stream.strided.gather [hbm4b:s20+s19], $0x0, s15, s19, $0x38;
	[tilespmem:$0x4400] =	vst v63  }
0x36a: {  	s1 =	sand.u32 $0x1FFFFFF0, s28  }
0x36b: {  	[tilespmem:s29], [sflag:$0x2] =	stream.linear.gather [hbm4b:s20+s2], $0x10, $0x38;
	[tilespmem:$0x4400] =	vst v63  }
0x36c: {  	s31 =	simm.s32 $0x880;
	s30 =	spop (v2sf);
	s1 =	sadd.s32 s3, s1  }
0x36d: {  	(v2sf) =	vpush v0, $0xE;
	[tilespmem:s31], [sflag:$0x2] =	stream.strided.gather [hbm4b:s1+s19], $0x0, s15, s19, $0x38;
	[tilespmem:$0x4400] =	vst v63  }
0x36e: {  	s20 =	sand.u32 $0x1FFFFFF0, s30  }
0x36f: {  	[tilespmem:s31], [sflag:$0x2] =	stream.linear.gather [hbm4b:s1+s2], $0x10, $0x38;
	[tilespmem:$0x4400] =	vst v63  }
0x370: {  	s22 =	simm.s32 $0x900;
	s21 =	spop (v2sf);
	s20 =	sadd.s32 s3, s20  }
0x371: {  	(v2sf) =	vpush v0, $0xF;
	[tilespmem:s22], [sflag:$0x2] =	stream.strided.gather [hbm4b:s20+s19], $0x0, s15, s19, $0x38;
	[tilespmem:$0x4400] =	vst v63  }
0x372: {  	s1 =	sand.u32 $0x1FFFFFF0, s21  }
0x373: {  	[tilespmem:s22], [sflag:$0x2] =	stream.linear.gather [hbm4b:s20+s2], $0x10, $0x38;
	[tilespmem:$0x4400] =	vst v63  }
0x374: {  	s24 =	simm.s32 $0x980;
	s23 =	spop (v2sf);
	s1 =	sadd.s32 s3, s1  }
0x375: {  	[tilespmem:s24], [sflag:$0x2] =	stream.strided.gather [hbm4b:s1+s19], $0x0, s15, s19, $0x38;
	[tilespmem:$0x4400] =	vst v63  }
0x376: {  	s20 =	sand.u32 $0x1FFFFFF0, s23  }
0x377: {  	[tilespmem:s24], [sflag:$0x2] =	stream.linear.gather [hbm4b:s1+s2], $0x10, $0x38;
	[tilespmem:$0x4400] =	vst v63  }
0x378: {  	s26 =	simm.s32 $0xA00;
	s25 =	spop (v2sf);
	s20 =	sadd.s32 s3, s20  }
0x379: {  	[tilespmem:s26], [sflag:$0x2] =	stream.strided.gather [hbm4b:s20+s19], $0x0, s15, s19, $0x38;
	[tilespmem:$0x4400] =	vst v63  }
0x37a: {  	s1 =	sand.u32 $0x1FFFFFF0, s25  }
0x37b: {  	[tilespmem:s26], [sflag:$0x2] =	stream.linear.gather [hbm4b:s20+s2], $0x10, $0x38;
	[tilespmem:$0x4400] =	vst v63  }
0x37c: {  	s29 =	simm.s32 $0xA80;
	s28 =	spop (v2sf);
	s1 =	sadd.s32 s3, s1  }
0x37d: {  	[tilespmem:s29], [sflag:$0x2] =	stream.strided.gather [hbm4b:s1+s19], $0x0, s15, s19, $0x38;
	[tilespmem:$0x4400] =	vst v63  }
0x37e: {  	s20 =	sand.u32 $0x1FFFFFF0, s28  }
0x37f: {  	[tilespmem:s29], [sflag:$0x2] =	stream.linear.gather [hbm4b:s1+s2], $0x10, $0x38;
	[tilespmem:$0x4400] =	vst v63  }
0x380: {  	s31 =	simm.s32 $0xB00;
	s30 =	spop (v2sf);
	s20 =	sadd.s32 s3, s20  }
0x381: {  	[tilespmem:s31], [sflag:$0x2] =	stream.strided.gather [hbm4b:s20+s19], $0x0, s15, s19, $0x38;
	[tilespmem:$0x4400] =	vst v63  }
0x382: {  	s1 =	sand.u32 $0x1FFFFFF0, s30  }
0x383: {  	[tilespmem:s31], [sflag:$0x2] =	stream.linear.gather [hbm4b:s20+s2], $0x10, $0x38;
	[tilespmem:$0x4400] =	vst v63  }
0x384: {  	s21 =	simm.s32 $0xB80;
	s22 =	sadd.s32 s3, s1;
	s20 =	simm.s32 $0x2000  }
0x385: {  	[tilespmem:s21], [sflag:$0x2] =	stream.strided.gather [hbm4b:s22+s19], $0x0, s15, s19, $0x38;
	[tilespmem:$0x4400] =	vst v63  }
.LBB2_22:
0x386: {  	p0 =	sne.s32 s20, $0xE000  }
0x387: {  	s18 =	sadd.s32 $0x10, s18;
	s1 =	smov.u32 s20;
	s20 =	sadd.s32 $0x2000, s20  }
0x388: {  	[tilespmem:s21], [sflag:$0x2] =	stream.linear.gather [hbm4b:s22+s2], $0x10, $0x38;
	[tilespmem:$0x4400] =	vst v63  }
0x389: {  	v0 =	vld [tilespmem:s18+$0x0];
	_ =	sdelay $0x4  }
0x38a: {  	v0 =	vshll.u32 v0, $0x4  }
0x38b: {  	(v2sf) =	vpush v0, $0x0  }
0x38c: {  	(v2sf) =	vpush v0, $0x1  }
0x38d: {  	(v2sf) =	vpush v0, $0x2;
	_ =	sdelay $0x2  }
0x38e: {  	(v2sf) =	vpush v0, $0x3;
	_ =	sdelay $0x1  }
0x38f: {  	(v2sf) =	vpush v0, $0x4;
	_ =	sdelay $0x1  }
0x390: {  	(v2sf) =	vpush v0, $0x5;
	_ =	sdelay $0x1  }
0x391: {  	(v2sf) =	vpush v0, $0x6;
	_ =	sdelay $0x1  }
0x392: {  	(v2sf) =	vpush v0, $0x7;
	_ =	sdelay $0x1  }
0x393: {  	s22 =	spop (v2sf);
	(v2sf) =	vpush v0, $0x8  }
0x394: {  	s21 =	sshra.s32 s1, $0x2;
	s1 =	sand.u32 $0x1FFFFFF0, s22;
	s22 =	spop (v2sf)  }
0x395: {  	s23 =	sadd.s32 $0x480, s21;
	s1 =	sadd.s32 s3, s1;
	s24 =	spop (v2sf);
	(v2sf) =	vpush v0, $0x9  }
0x396: {  	s25 =	sadd.s32 $0x400, s21;
	s22 =	sand.u32 $0x1FFFFFF0, s22;
	s24 =	sand.u32 $0x1FFFFFF0, s24  }
0x397: {  	[tilespmem:s25], [sflag:$0x2] =	stream.strided.gather [hbm4b:s1+s19], $0x0, s15, s19, $0x38;
	(v2sf) =	vpush v0, $0xA;
	[tilespmem:$0x4400] =	vst v63  }
0x398: {  	s26 =	spop (v2sf)  }
0x399: {  	[tilespmem:s25], [sflag:$0x2] =	stream.linear.gather [hbm4b:s1+s2], $0x10, $0x38;
	(v2sf) =	vpush v0, $0xB;
	[tilespmem:$0x4400] =	vst v63  }
0x39a: {  	s1 =	sadd.s32 s3, s22;
	s22 =	sand.u32 $0x1FFFFFF0, s26;
	s25 =	spop (v2sf)  }
0x39b: {  	[tilespmem:s23], [sflag:$0x2] =	stream.strided.gather [hbm4b:s1+s19], $0x0, s15, s19, $0x38;
	(v2sf) =	vpush v0, $0xC;
	[tilespmem:$0x4400] =	vst v63  }
0x39c: {  	s26 =	sadd.s32 $0x500, s21;
	s25 =	sand.u32 $0x1FFFFFF0, s25;
	s28 =	spop (v2sf)  }
0x39d: {  	[tilespmem:s23], [sflag:$0x2] =	stream.linear.gather [hbm4b:s1+s2], $0x10, $0x38;
	[tilespmem:$0x4400] =	vst v63  }
0x39e: {  	s1 =	sadd.s32 s3, s24;
	s23 =	sand.u32 $0x1FFFFFF0, s28;
	s24 =	spop (v2sf)  }
0x39f: {  	[tilespmem:s26], [sflag:$0x2] =	stream.strided.gather [hbm4b:s1+s19], $0x0, s15, s19, $0x38;
	(v2sf) =	vpush v0, $0xD;
	[tilespmem:$0x4400] =	vst v63  }
0x3a0: {  	s28 =	sadd.s32 $0x580, s21;
	s24 =	sand.u32 $0x1FFFFFF0, s24;
	s29 =	spop (v2sf)  }
0x3a1: {  	[tilespmem:s26], [sflag:$0x2] =	stream.linear.gather [hbm4b:s1+s2], $0x10, $0x38;
	[tilespmem:$0x4400] =	vst v63  }
0x3a2: {  	s1 =	sadd.s32 s3, s22;
	s22 =	sand.u32 $0x1FFFFFF0, s29;
	s26 =	spop (v2sf)  }
0x3a3: {  	[tilespmem:s28], [sflag:$0x2] =	stream.strided.gather [hbm4b:s1+s19], $0x0, s15, s19, $0x38;
	(v2sf) =	vpush v0, $0xE;
	[tilespmem:$0x4400] =	vst v63  }
0x3a4: {  	s29 =	sadd.s32 $0x600, s21;
	s26 =	sand.u32 $0x1FFFFFF0, s26;
	s30 =	spop (v2sf)  }
0x3a5: {  	[tilespmem:s28], [sflag:$0x2] =	stream.linear.gather [hbm4b:s1+s2], $0x10, $0x38;
	[tilespmem:$0x4400] =	vst v63  }
0x3a6: {  	s1 =	sadd.s32 s3, s25;
	s25 =	sand.u32 $0x1FFFFFF0, s30;
	s28 =	spop (v2sf)  }
0x3a7: {  	[tilespmem:s29], [sflag:$0x2] =	stream.strided.gather [hbm4b:s1+s19], $0x0, s15, s19, $0x38;
	(v2sf) =	vpush v0, $0xF;
	[tilespmem:$0x4400] =	vst v63  }
0x3a8: {  	s30 =	sadd.s32 $0x680, s21;
	s28 =	sand.u32 $0x1FFFFFF0, s28;
	s31 =	spop (v2sf)  }
0x3a9: {  	[tilespmem:s29], [sflag:$0x2] =	stream.linear.gather [hbm4b:s1+s2], $0x10, $0x38;
	[tilespmem:$0x4400] =	vst v63  }
0x3aa: {  	s1 =	sadd.s32 s3, s23;
	s23 =	sand.u32 $0x1FFFFFF0, s31;
	s29 =	spop (v2sf)  }
0x3ab: {  	[tilespmem:s30], [sflag:$0x2] =	stream.strided.gather [hbm4b:s1+s19], $0x0, s15, s19, $0x38;
	[tilespmem:$0x4400] =	vst v63  }
0x3ac: {  	s24 =	sadd.s32 s3, s24;
	s31 =	sadd.s32 $0x700, s21;
	s29 =	sand.u32 $0x1FFFFFF0, s29  }
0x3ad: {  	[tilespmem:s30], [sflag:$0x2] =	stream.linear.gather [hbm4b:s1+s2], $0x10, $0x38;
	[tilespmem:$0x4400] =	vst v63  }
0x3ae: {  	s1 =	spop (v2sf)  }
0x3af: {  	[tilespmem:s31], [sflag:$0x2] =	stream.strided.gather [hbm4b:s24+s19], $0x0, s15, s19, $0x38;
	[tilespmem:$0x4400] =	vst v63  }
0x3b0: {  	s22 =	sadd.s32 s3, s22;
	s30 =	sadd.s32 $0x780, s21;
	s1 =	sand.u32 $0x1FFFFFF0, s1  }
0x3b1: {  	[tilespmem:s31], [sflag:$0x2] =	stream.linear.gather [hbm4b:s24+s2], $0x10, $0x38;
	[tilespmem:$0x4400] =	vst v63  }
0x3b2: {  	s24 =	spop (v2sf)  }
0x3b3: {  	[tilespmem:s30], [sflag:$0x2] =	stream.strided.gather [hbm4b:s22+s19], $0x0, s15, s19, $0x38;
	[tilespmem:$0x4400] =	vst v63  }
0x3b4: {  	s26 =	sadd.s32 s3, s26;
	s31 =	sadd.s32 $0x800, s21;
	s24 =	sand.u32 $0x1FFFFFF0, s24  }
0x3b5: {  	[tilespmem:s30], [sflag:$0x2] =	stream.linear.gather [hbm4b:s22+s2], $0x10, $0x38;
	[tilespmem:$0x4400] =	vst v63  }
0x3b6: {  	s22 =	spop (v2sf)  }
0x3b7: {  	[tilespmem:s31], [sflag:$0x2] =	stream.strided.gather [hbm4b:s26+s19], $0x0, s15, s19, $0x38;
	[tilespmem:$0x4400] =	vst v63  }
0x3b8: {  	s25 =	sadd.s32 s3, s25;
	s30 =	sadd.s32 $0x880, s21;
	s22 =	sand.u32 $0x1FFFFFF0, s22  }
0x3b9: {  	[tilespmem:s31], [sflag:$0x2] =	stream.linear.gather [hbm4b:s26+s2], $0x10, $0x38;
	[tilespmem:$0x4400] =	vst v63  }
0x3ba: {  	_ = 	snop  }
0x3bb: {  	[tilespmem:s30], [sflag:$0x2] =	stream.strided.gather [hbm4b:s25+s19], $0x0, s15, s19, $0x38;
	[tilespmem:$0x4400] =	vst v63  }
0x3bc: {  	s28 =	sadd.s32 s3, s28;
	s26 =	sadd.s32 $0x900, s21  }
0x3bd: {  	[tilespmem:s30], [sflag:$0x2] =	stream.linear.gather [hbm4b:s25+s2], $0x10, $0x38;
	[tilespmem:$0x4400] =	vst v63  }
0x3be: {  	_ = 	snop  }
0x3bf: {  	[tilespmem:s26], [sflag:$0x2] =	stream.strided.gather [hbm4b:s28+s19], $0x0, s15, s19, $0x38;
	[tilespmem:$0x4400] =	vst v63  }
0x3c0: {  	s23 =	sadd.s32 s3, s23;
	s25 =	sadd.s32 $0x980, s21  }
0x3c1: {  	[tilespmem:s26], [sflag:$0x2] =	stream.linear.gather [hbm4b:s28+s2], $0x10, $0x38;
	[tilespmem:$0x4400] =	vst v63  }
0x3c2: {  	_ = 	snop  }
0x3c3: {  	[tilespmem:s25], [sflag:$0x2] =	stream.strided.gather [hbm4b:s23+s19], $0x0, s15, s19, $0x38;
	[tilespmem:$0x4400] =	vst v63  }
0x3c4: {  	s26 =	sadd.s32 $0xA00, s21;
	s28 =	sadd.s32 s3, s29  }
0x3c5: {  	[tilespmem:s25], [sflag:$0x2] =	stream.linear.gather [hbm4b:s23+s2], $0x10, $0x38;
	[tilespmem:$0x4400] =	vst v63  }
0x3c6: {  	_ = 	snop  }
0x3c7: {  	[tilespmem:s26], [sflag:$0x2] =	stream.strided.gather [hbm4b:s28+s19], $0x0, s15, s19, $0x38;
	[tilespmem:$0x4400] =	vst v63  }
0x3c8: {  	s1 =	sadd.s32 s3, s1;
	s23 =	sadd.s32 $0xA80, s21  }
0x3c9: {  	[tilespmem:s26], [sflag:$0x2] =	stream.linear.gather [hbm4b:s28+s2], $0x10, $0x38;
	[tilespmem:$0x4400] =	vst v63  }
0x3ca: {  	_ = 	snop  }
0x3cb: {  	[tilespmem:s23], [sflag:$0x2] =	stream.strided.gather [hbm4b:s1+s19], $0x0, s15, s19, $0x38;
	[tilespmem:$0x4400] =	vst v63  }
0x3cc: {  	s24 =	sadd.s32 s3, s24;
	s25 =	sadd.s32 $0xB00, s21  }
0x3cd: {  	[tilespmem:s23], [sflag:$0x2] =	stream.linear.gather [hbm4b:s1+s2], $0x10, $0x38;
	[tilespmem:$0x4400] =	vst v63  }
0x3ce: {  	_ = 	snop  }
0x3cf: {  	[tilespmem:s25], [sflag:$0x2] =	stream.strided.gather [hbm4b:s24+s19], $0x0, s15, s19, $0x38;
	[tilespmem:$0x4400] =	vst v63  }
.Ltmp10:
0x3d0: {  	_ = 	snop;
	(pc) =	sbr.rel @p0 .LBB2_22-.Ltmp10, $4  }
0x3d1: {  	s22 =	sadd.s32 s3, s22;
	s21 =	sadd.s32 $0xB80, s21  }
0x3d2: {  	[tilespmem:s25], [sflag:$0x2] =	stream.linear.gather [hbm4b:s24+s2], $0x10, $0x38;
	[tilespmem:$0x4400] =	vst v63  }
0x3d3: {  	_ = 	snop  }
0x3d4: {  	[tilespmem:s21], [sflag:$0x2] =	stream.strided.gather [hbm4b:s22+s19], $0x0, s15, s19, $0x38;
	[tilespmem:$0x4400] =	vst v63  }
0x3d5: {  	[tilespmem:s21], [sflag:$0x2] =	stream.linear.gather [hbm4b:s22+s2], $0x10, $0x38;
	[tilespmem:$0x4400] =	vst v63  }
0x3d6: {  	_ =	swait.ge [sflag:s16], $0x10  }
0x3d7: {  	s18 =	simm.s32 $0x7F;
	[sflag:s16] =	ssyncset.done $0x0  }
.LBB2_24:
0x3d8: {  	p0 =	sne.s32 s18, $0x1;
	s18 =	sadd.s32 $0xFFFFFFFF, s18;
	[sflag:s16] =	ssyncadd.s32 $0xFFFFFFF0  }
.Ltmp11:
0x3d9: {  	(pc) =	sbr.rel @p0 .LBB2_24-.Ltmp11, $3  }
0x3da: {  	_ =	sdelay $0x1  }
0x3db: {  	_ =	swait.ge [sflag:s16], $0x10  }
0x3dc: {  	[sflag:s16] =	ssyncset.done $0x0  }
0x3dd: {  	[sflag:s16] =	ssyncadd.s32 $0xFFFFFFF0;
	s1 =	simm.s32 $0x0  }
0x3de: {  	[hbm4b:s10+s1] =	stream.linear.scatter [tilespmem:s15], [sflag:$0x1], $0x4000, $0x38;
	[tilespmem:$0x4400] =	vst v63  }
0x3df: {  	_ =	swait.ge [sflag:s14], $0x4000  }
0x3e0: {  	[sflag:s14] =	ssyncset.done $0x0  }
0x3e1: {  	s18 =	simm.s32 $0x300;
	[sflag:s14] =	ssyncadd.s32 $0xFFFFC000  }
0x3e2: {  	v0 =	vld [tilespmem:s18+$0x0];
	_ =	sdelay $0x4  }
0x3e3: {  	v0 =	vshll.u32 v0, $0x4  }
0x3e4: {  	(v2sf) =	vpush v0, $0x0;
	_ =	sdelay $0x1  }
0x3e5: {  	(v2sf) =	vpush v0, $0x1;
	_ =	sdelay $0x3  }
0x3e6: {  	(v2sf) =	vpush v0, $0x2;
	_ =	sdelay $0x3  }
0x3e7: {  	(v2sf) =	vpush v0, $0x3;
	_ =	sdelay $0x3  }
0x3e8: {  	(v2sf) =	vpush v0, $0x4  }
0x3e9: {  	s22 =	spop (v2sf)  }
0x3ea: {  	s19 =	simm.s32 $0x80;
	s1 =	sand.u32 $0x1FFFFFF0, s22  }
0x3eb: {  	s21 =	simm.s32 $0x400;
	s20 =	spop (v2sf);
	s1 =	sadd.s32 s3, s1  }
0x3ec: {  	(v2sf) =	vpush v0, $0x5;
	[tilespmem:s21], [sflag:$0x2] =	stream.strided.gather [hbm4b:s1+s19], $0x0, s15, s19, $0x38;
	[tilespmem:$0x4400] =	vst v63  }
0x3ed: {  	s20 =	sand.u32 $0x1FFFFFF0, s20  }
0x3ee: {  	[tilespmem:s21], [sflag:$0x2] =	stream.linear.gather [hbm4b:s1+s2], $0x10, $0x38;
	[tilespmem:$0x4400] =	vst v63  }
0x3ef: {  	s23 =	simm.s32 $0x480;
	s24 =	spop (v2sf);
	s20 =	sadd.s32 s3, s20  }
0x3f0: {  	(v2sf) =	vpush v0, $0x6;
	[tilespmem:s23], [sflag:$0x2] =	stream.strided.gather [hbm4b:s20+s19], $0x0, s15, s19, $0x38;
	[tilespmem:$0x4400] =	vst v63  }
0x3f1: {  	s21 =	sand.u32 $0x1FFFFFF0, s24  }
0x3f2: {  	[tilespmem:s23], [sflag:$0x2] =	stream.linear.gather [hbm4b:s20+s2], $0x10, $0x38;
	[tilespmem:$0x4400] =	vst v63  }
0x3f3: {  	s26 =	simm.s32 $0x500;
	s25 =	spop (v2sf);
	s21 =	sadd.s32 s3, s21  }
0x3f4: {  	(v2sf) =	vpush v0, $0x7;
	[tilespmem:s26], [sflag:$0x2] =	stream.strided.gather [hbm4b:s21+s19], $0x0, s15, s19, $0x38;
	[tilespmem:$0x4400] =	vst v63  }
0x3f5: {  	s1 =	sand.u32 $0x1FFFFFF0, s25  }
0x3f6: {  	[tilespmem:s26], [sflag:$0x2] =	stream.linear.gather [hbm4b:s21+s2], $0x10, $0x38;
	[tilespmem:$0x4400] =	vst v63  }
0x3f7: {  	s29 =	simm.s32 $0x580;
	s28 =	spop (v2sf);
	s1 =	sadd.s32 s3, s1  }
0x3f8: {  	(v2sf) =	vpush v0, $0x8;
	[tilespmem:s29], [sflag:$0x2] =	stream.strided.gather [hbm4b:s1+s19], $0x0, s15, s19, $0x38;
	[tilespmem:$0x4400] =	vst v63  }
0x3f9: {  	s20 =	sand.u32 $0x1FFFFFF0, s28  }
0x3fa: {  	[tilespmem:s29], [sflag:$0x2] =	stream.linear.gather [hbm4b:s1+s2], $0x10, $0x38;
	[tilespmem:$0x4400] =	vst v63  }
0x3fb: {  	s31 =	simm.s32 $0x600;
	s20 =	sadd.s32 s3, s20;
	s30 =	spop (v2sf)  }
0x3fc: {  	(v2sf) =	vpush v0, $0x9;
	[tilespmem:s31], [sflag:$0x2] =	stream.strided.gather [hbm4b:s20+s19], $0x0, s15, s19, $0x38;
	[tilespmem:$0x4400] =	vst v63  }
0x3fd: {  	s1 =	sand.u32 $0x1FFFFFF0, s30  }
0x3fe: {  	[tilespmem:s31], [sflag:$0x2] =	stream.linear.gather [hbm4b:s20+s2], $0x10, $0x38;
	[tilespmem:$0x4400] =	vst v63  }
0x3ff: {  	s22 =	simm.s32 $0x680;
	s21 =	spop (v2sf);
	s1 =	sadd.s32 s3, s1  }
0x400: {  	(v2sf) =	vpush v0, $0xA;
	[tilespmem:s22], [sflag:$0x2] =	stream.strided.gather [hbm4b:s1+s19], $0x0, s15, s19, $0x38;
	[tilespmem:$0x4400] =	vst v63  }
0x401: {  	s20 =	sand.u32 $0x1FFFFFF0, s21  }
0x402: {  	[tilespmem:s22], [sflag:$0x2] =	stream.linear.gather [hbm4b:s1+s2], $0x10, $0x38;
	[tilespmem:$0x4400] =	vst v63  }
0x403: {  	s24 =	simm.s32 $0x700;
	s23 =	spop (v2sf);
	s20 =	sadd.s32 s3, s20  }
0x404: {  	(v2sf) =	vpush v0, $0xB;
	[tilespmem:s24], [sflag:$0x2] =	stream.strided.gather [hbm4b:s20+s19], $0x0, s15, s19, $0x38;
	[tilespmem:$0x4400] =	vst v63  }
0x405: {  	s1 =	sand.u32 $0x1FFFFFF0, s23  }
0x406: {  	[tilespmem:s24], [sflag:$0x2] =	stream.linear.gather [hbm4b:s20+s2], $0x10, $0x38;
	[tilespmem:$0x4400] =	vst v63  }
0x407: {  	s26 =	simm.s32 $0x780;
	s25 =	spop (v2sf);
	s1 =	sadd.s32 s3, s1  }
0x408: {  	(v2sf) =	vpush v0, $0xC;
	[tilespmem:s26], [sflag:$0x2] =	stream.strided.gather [hbm4b:s1+s19], $0x0, s15, s19, $0x38;
	[tilespmem:$0x4400] =	vst v63  }
0x409: {  	s20 =	sand.u32 $0x1FFFFFF0, s25  }
0x40a: {  	[tilespmem:s26], [sflag:$0x2] =	stream.linear.gather [hbm4b:s1+s2], $0x10, $0x38;
	[tilespmem:$0x4400] =	vst v63  }
0x40b: {  	s29 =	simm.s32 $0x800;
	s28 =	spop (v2sf);
	s20 =	sadd.s32 s3, s20  }
0x40c: {  	(v2sf) =	vpush v0, $0xD;
	[tilespmem:s29], [sflag:$0x2] =	stream.strided.gather [hbm4b:s20+s19], $0x0, s15, s19, $0x38;
	[tilespmem:$0x4400] =	vst v63  }
0x40d: {  	s1 =	sand.u32 $0x1FFFFFF0, s28  }
0x40e: {  	[tilespmem:s29], [sflag:$0x2] =	stream.linear.gather [hbm4b:s20+s2], $0x10, $0x38;
	[tilespmem:$0x4400] =	vst v63  }
0x40f: {  	s31 =	simm.s32 $0x880;
	s30 =	spop (v2sf);
	s1 =	sadd.s32 s3, s1  }
0x410: {  	(v2sf) =	vpush v0, $0xE;
	[tilespmem:s31], [sflag:$0x2] =	stream.strided.gather [hbm4b:s1+s19], $0x0, s15, s19, $0x38;
	[tilespmem:$0x4400] =	vst v63  }
0x411: {  	s20 =	sand.u32 $0x1FFFFFF0, s30  }
0x412: {  	[tilespmem:s31], [sflag:$0x2] =	stream.linear.gather [hbm4b:s1+s2], $0x10, $0x38;
	[tilespmem:$0x4400] =	vst v63  }
0x413: {  	s22 =	simm.s32 $0x900;
	s21 =	spop (v2sf);
	s20 =	sadd.s32 s3, s20  }
0x414: {  	(v2sf) =	vpush v0, $0xF;
	[tilespmem:s22], [sflag:$0x2] =	stream.strided.gather [hbm4b:s20+s19], $0x0, s15, s19, $0x38;
	[tilespmem:$0x4400] =	vst v63  }
0x415: {  	s1 =	sand.u32 $0x1FFFFFF0, s21  }
0x416: {  	[tilespmem:s22], [sflag:$0x2] =	stream.linear.gather [hbm4b:s20+s2], $0x10, $0x38;
	[tilespmem:$0x4400] =	vst v63  }
0x417: {  	s24 =	simm.s32 $0x980;
	s23 =	spop (v2sf);
	s1 =	sadd.s32 s3, s1  }
0x418: {  	[tilespmem:s24], [sflag:$0x2] =	stream.strided.gather [hbm4b:s1+s19], $0x0, s15, s19, $0x38;
	[tilespmem:$0x4400] =	vst v63  }
0x419: {  	s20 =	sand.u32 $0x1FFFFFF0, s23  }
0x41a: {  	[tilespmem:s24], [sflag:$0x2] =	stream.linear.gather [hbm4b:s1+s2], $0x10, $0x38;
	[tilespmem:$0x4400] =	vst v63  }
0x41b: {  	s26 =	simm.s32 $0xA00;
	s25 =	spop (v2sf);
	s20 =	sadd.s32 s3, s20  }
0x41c: {  	[tilespmem:s26], [sflag:$0x2] =	stream.strided.gather [hbm4b:s20+s19], $0x0, s15, s19, $0x38;
	[tilespmem:$0x4400] =	vst v63  }
0x41d: {  	s1 =	sand.u32 $0x1FFFFFF0, s25  }
0x41e: {  	[tilespmem:s26], [sflag:$0x2] =	stream.linear.gather [hbm4b:s20+s2], $0x10, $0x38;
	[tilespmem:$0x4400] =	vst v63  }
0x41f: {  	s29 =	simm.s32 $0xA80;
	s28 =	spop (v2sf);
	s1 =	sadd.s32 s3, s1  }
0x420: {  	[tilespmem:s29], [sflag:$0x2] =	stream.strided.gather [hbm4b:s1+s19], $0x0, s15, s19, $0x38;
	[tilespmem:$0x4400] =	vst v63  }
0x421: {  	s20 =	sand.u32 $0x1FFFFFF0, s28  }
0x422: {  	[tilespmem:s29], [sflag:$0x2] =	stream.linear.gather [hbm4b:s1+s2], $0x10, $0x38;
	[tilespmem:$0x4400] =	vst v63  }
0x423: {  	s31 =	simm.s32 $0xB00;
	s30 =	spop (v2sf);
	s20 =	sadd.s32 s3, s20  }
0x424: {  	[tilespmem:s31], [sflag:$0x2] =	stream.strided.gather [hbm4b:s20+s19], $0x0, s15, s19, $0x38;
	[tilespmem:$0x4400] =	vst v63  }
0x425: {  	s1 =	sand.u32 $0x1FFFFFF0, s30  }
0x426: {  	[tilespmem:s31], [sflag:$0x2] =	stream.linear.gather [hbm4b:s20+s2], $0x10, $0x38;
	[tilespmem:$0x4400] =	vst v63  }
0x427: {  	s21 =	simm.s32 $0xB80;
	s22 =	sadd.s32 s3, s1;
	s20 =	simm.s32 $0x2000  }
0x428: {  	[tilespmem:s21], [sflag:$0x2] =	stream.strided.gather [hbm4b:s22+s19], $0x0, s15, s19, $0x38;
	[tilespmem:$0x4400] =	vst v63  }
.LBB2_26:
0x429: {  	p0 =	sne.s32 s20, $0xE000  }
0x42a: {  	s18 =	sadd.s32 $0x10, s18;
	s1 =	smov.u32 s20;
	s20 =	sadd.s32 $0x2000, s20  }
0x42b: {  	[tilespmem:s21], [sflag:$0x2] =	stream.linear.gather [hbm4b:s22+s2], $0x10, $0x38;
	[tilespmem:$0x4400] =	vst v63  }
0x42c: {  	v0 =	vld [tilespmem:s18+$0x0];
	_ =	sdelay $0x4  }
0x42d: {  	v0 =	vshll.u32 v0, $0x4  }
0x42e: {  	(v2sf) =	vpush v0, $0x0  }
0x42f: {  	(v2sf) =	vpush v0, $0x1  }
0x430: {  	(v2sf) =	vpush v0, $0x2;
	_ =	sdelay $0x2  }
0x431: {  	(v2sf) =	vpush v0, $0x3;
	_ =	sdelay $0x1  }
0x432: {  	(v2sf) =	vpush v0, $0x4;
	_ =	sdelay $0x1  }
0x433: {  	(v2sf) =	vpush v0, $0x5;
	_ =	sdelay $0x1  }
0x434: {  	(v2sf) =	vpush v0, $0x6;
	_ =	sdelay $0x1  }
0x435: {  	(v2sf) =	vpush v0, $0x7;
	_ =	sdelay $0x1  }
0x436: {  	s22 =	spop (v2sf);
	(v2sf) =	vpush v0, $0x8  }
0x437: {  	s21 =	sshra.s32 s1, $0x2;
	s1 =	sand.u32 $0x1FFFFFF0, s22;
	s22 =	spop (v2sf)  }
0x438: {  	s23 =	sadd.s32 $0x480, s21;
	s1 =	sadd.s32 s3, s1;
	s24 =	spop (v2sf);
	(v2sf) =	vpush v0, $0x9  }
0x439: {  	s25 =	sadd.s32 $0x400, s21;
	s22 =	sand.u32 $0x1FFFFFF0, s22;
	s24 =	sand.u32 $0x1FFFFFF0, s24  }
0x43a: {  	[tilespmem:s25], [sflag:$0x2] =	stream.strided.gather [hbm4b:s1+s19], $0x0, s15, s19, $0x38;
	(v2sf) =	vpush v0, $0xA;
	[tilespmem:$0x4400] =	vst v63  }
0x43b: {  	s26 =	spop (v2sf)  }
0x43c: {  	[tilespmem:s25], [sflag:$0x2] =	stream.linear.gather [hbm4b:s1+s2], $0x10, $0x38;
	(v2sf) =	vpush v0, $0xB;
	[tilespmem:$0x4400] =	vst v63  }
0x43d: {  	s1 =	sadd.s32 s3, s22;
	s22 =	sand.u32 $0x1FFFFFF0, s26;
	s25 =	spop (v2sf)  }
0x43e: {  	[tilespmem:s23], [sflag:$0x2] =	stream.strided.gather [hbm4b:s1+s19], $0x0, s15, s19, $0x38;
	(v2sf) =	vpush v0, $0xC;
	[tilespmem:$0x4400] =	vst v63  }
0x43f: {  	s26 =	sadd.s32 $0x500, s21;
	s25 =	sand.u32 $0x1FFFFFF0, s25;
	s28 =	spop (v2sf)  }
0x440: {  	[tilespmem:s23], [sflag:$0x2] =	stream.linear.gather [hbm4b:s1+s2], $0x10, $0x38;
	[tilespmem:$0x4400] =	vst v63  }
0x441: {  	s1 =	sadd.s32 s3, s24;
	s23 =	sand.u32 $0x1FFFFFF0, s28;
	s24 =	spop (v2sf)  }
0x442: {  	[tilespmem:s26], [sflag:$0x2] =	stream.strided.gather [hbm4b:s1+s19], $0x0, s15, s19, $0x38;
	(v2sf) =	vpush v0, $0xD;
	[tilespmem:$0x4400] =	vst v63  }
0x443: {  	s28 =	sadd.s32 $0x580, s21;
	s24 =	sand.u32 $0x1FFFFFF0, s24;
	s29 =	spop (v2sf)  }
0x444: {  	[tilespmem:s26], [sflag:$0x2] =	stream.linear.gather [hbm4b:s1+s2], $0x10, $0x38;
	[tilespmem:$0x4400] =	vst v63  }
0x445: {  	s1 =	sadd.s32 s3, s22;
	s22 =	sand.u32 $0x1FFFFFF0, s29;
	s26 =	spop (v2sf)  }
0x446: {  	[tilespmem:s28], [sflag:$0x2] =	stream.strided.gather [hbm4b:s1+s19], $0x0, s15, s19, $0x38;
	(v2sf) =	vpush v0, $0xE;
	[tilespmem:$0x4400] =	vst v63  }
0x447: {  	s29 =	sadd.s32 $0x600, s21;
	s26 =	sand.u32 $0x1FFFFFF0, s26;
	s30 =	spop (v2sf)  }
0x448: {  	[tilespmem:s28], [sflag:$0x2] =	stream.linear.gather [hbm4b:s1+s2], $0x10, $0x38;
	[tilespmem:$0x4400] =	vst v63  }
0x449: {  	s1 =	sadd.s32 s3, s25;
	s25 =	sand.u32 $0x1FFFFFF0, s30;
	s28 =	spop (v2sf)  }
0x44a: {  	[tilespmem:s29], [sflag:$0x2] =	stream.strided.gather [hbm4b:s1+s19], $0x0, s15, s19, $0x38;
	(v2sf) =	vpush v0, $0xF;
	[tilespmem:$0x4400] =	vst v63  }
0x44b: {  	s30 =	sadd.s32 $0x680, s21;
	s28 =	sand.u32 $0x1FFFFFF0, s28;
	s31 =	spop (v2sf)  }
0x44c: {  	[tilespmem:s29], [sflag:$0x2] =	stream.linear.gather [hbm4b:s1+s2], $0x10, $0x38;
	[tilespmem:$0x4400] =	vst v63  }
0x44d: {  	s1 =	sadd.s32 s3, s23;
	s23 =	sand.u32 $0x1FFFFFF0, s31;
	s29 =	spop (v2sf)  }
0x44e: {  	[tilespmem:s30], [sflag:$0x2] =	stream.strided.gather [hbm4b:s1+s19], $0x0, s15, s19, $0x38;
	[tilespmem:$0x4400] =	vst v63  }
0x44f: {  	s24 =	sadd.s32 s3, s24;
	s31 =	sadd.s32 $0x700, s21;
	s29 =	sand.u32 $0x1FFFFFF0, s29  }
0x450: {  	[tilespmem:s30], [sflag:$0x2] =	stream.linear.gather [hbm4b:s1+s2], $0x10, $0x38;
	[tilespmem:$0x4400] =	vst v63  }
0x451: {  	s1 =	spop (v2sf)  }
0x452: {  	[tilespmem:s31], [sflag:$0x2] =	stream.strided.gather [hbm4b:s24+s19], $0x0, s15, s19, $0x38;
	[tilespmem:$0x4400] =	vst v63  }
0x453: {  	s22 =	sadd.s32 s3, s22;
	s30 =	sadd.s32 $0x780, s21;
	s1 =	sand.u32 $0x1FFFFFF0, s1  }
0x454: {  	[tilespmem:s31], [sflag:$0x2] =	stream.linear.gather [hbm4b:s24+s2], $0x10, $0x38;
	[tilespmem:$0x4400] =	vst v63  }
0x455: {  	s24 =	spop (v2sf)  }
0x456: {  	[tilespmem:s30], [sflag:$0x2] =	stream.strided.gather [hbm4b:s22+s19], $0x0, s15, s19, $0x38;
	[tilespmem:$0x4400] =	vst v63  }
0x457: {  	s26 =	sadd.s32 s3, s26;
	s31 =	sadd.s32 $0x800, s21;
	s24 =	sand.u32 $0x1FFFFFF0, s24  }
0x458: {  	[tilespmem:s30], [sflag:$0x2] =	stream.linear.gather [hbm4b:s22+s2], $0x10, $0x38;
	[tilespmem:$0x4400] =	vst v63  }
0x459: {  	s22 =	spop (v2sf)  }
0x45a: {  	[tilespmem:s31], [sflag:$0x2] =	stream.strided.gather [hbm4b:s26+s19], $0x0, s15, s19, $0x38;
	[tilespmem:$0x4400] =	vst v63  }
0x45b: {  	s25 =	sadd.s32 s3, s25;
	s30 =	sadd.s32 $0x880, s21;
	s22 =	sand.u32 $0x1FFFFFF0, s22  }
0x45c: {  	[tilespmem:s31], [sflag:$0x2] =	stream.linear.gather [hbm4b:s26+s2], $0x10, $0x38;
	[tilespmem:$0x4400] =	vst v63  }
0x45d: {  	_ = 	snop  }
0x45e: {  	[tilespmem:s30], [sflag:$0x2] =	stream.strided.gather [hbm4b:s25+s19], $0x0, s15, s19, $0x38;
	[tilespmem:$0x4400] =	vst v63  }
0x45f: {  	s28 =	sadd.s32 s3, s28;
	s26 =	sadd.s32 $0x900, s21  }
0x460: {  	[tilespmem:s30], [sflag:$0x2] =	stream.linear.gather [hbm4b:s25+s2], $0x10, $0x38;
	[tilespmem:$0x4400] =	vst v63  }
0x461: {  	_ = 	snop  }
0x462: {  	[tilespmem:s26], [sflag:$0x2] =	stream.strided.gather [hbm4b:s28+s19], $0x0, s15, s19, $0x38;
	[tilespmem:$0x4400] =	vst v63  }
0x463: {  	s23 =	sadd.s32 s3, s23;
	s25 =	sadd.s32 $0x980, s21  }
0x464: {  	[tilespmem:s26], [sflag:$0x2] =	stream.linear.gather [hbm4b:s28+s2], $0x10, $0x38;
	[tilespmem:$0x4400] =	vst v63  }
0x465: {  	_ = 	snop  }
0x466: {  	[tilespmem:s25], [sflag:$0x2] =	stream.strided.gather [hbm4b:s23+s19], $0x0, s15, s19, $0x38;
	[tilespmem:$0x4400] =	vst v63  }
0x467: {  	s26 =	sadd.s32 $0xA00, s21;
	s28 =	sadd.s32 s3, s29  }
0x468: {  	[tilespmem:s25], [sflag:$0x2] =	stream.linear.gather [hbm4b:s23+s2], $0x10, $0x38;
	[tilespmem:$0x4400] =	vst v63  }
0x469: {  	_ = 	snop  }
0x46a: {  	[tilespmem:s26], [sflag:$0x2] =	stream.strided.gather [hbm4b:s28+s19], $0x0, s15, s19, $0x38;
	[tilespmem:$0x4400] =	vst v63  }
0x46b: {  	s1 =	sadd.s32 s3, s1;
	s23 =	sadd.s32 $0xA80, s21  }
0x46c: {  	[tilespmem:s26], [sflag:$0x2] =	stream.linear.gather [hbm4b:s28+s2], $0x10, $0x38;
	[tilespmem:$0x4400] =	vst v63  }
0x46d: {  	_ = 	snop  }
0x46e: {  	[tilespmem:s23], [sflag:$0x2] =	stream.strided.gather [hbm4b:s1+s19], $0x0, s15, s19, $0x38;
	[tilespmem:$0x4400] =	vst v63  }
0x46f: {  	s24 =	sadd.s32 s3, s24;
	s25 =	sadd.s32 $0xB00, s21  }
0x470: {  	[tilespmem:s23], [sflag:$0x2] =	stream.linear.gather [hbm4b:s1+s2], $0x10, $0x38;
	[tilespmem:$0x4400] =	vst v63  }
0x471: {  	_ = 	snop  }
0x472: {  	[tilespmem:s25], [sflag:$0x2] =	stream.strided.gather [hbm4b:s24+s19], $0x0, s15, s19, $0x38;
	[tilespmem:$0x4400] =	vst v63  }
.Ltmp12:
0x473: {  	_ = 	snop;
	(pc) =	sbr.rel @p0 .LBB2_26-.Ltmp12, $4  }
0x474: {  	s22 =	sadd.s32 s3, s22;
	s21 =	sadd.s32 $0xB80, s21  }
0x475: {  	[tilespmem:s25], [sflag:$0x2] =	stream.linear.gather [hbm4b:s24+s2], $0x10, $0x38;
	[tilespmem:$0x4400] =	vst v63  }
0x476: {  	_ = 	snop  }
0x477: {  	[tilespmem:s21], [sflag:$0x2] =	stream.strided.gather [hbm4b:s22+s19], $0x0, s15, s19, $0x38;
	[tilespmem:$0x4400] =	vst v63  }
0x478: {  	[tilespmem:s21], [sflag:$0x2] =	stream.linear.gather [hbm4b:s22+s2], $0x10, $0x38;
	[tilespmem:$0x4400] =	vst v63  }
0x479: {  	_ =	swait.ge [sflag:s16], $0x10  }
0x47a: {  	s18 =	simm.s32 $0x7F;
	[sflag:s16] =	ssyncset.done $0x0  }
.LBB2_28:
0x47b: {  	p0 =	sne.s32 s18, $0x1;
	s18 =	sadd.s32 $0xFFFFFFFF, s18;
	[sflag:s16] =	ssyncadd.s32 $0xFFFFFFF0  }
.Ltmp13:
0x47c: {  	(pc) =	sbr.rel @p0 .LBB2_28-.Ltmp13, $3  }
0x47d: {  	_ =	sdelay $0x1  }
0x47e: {  	_ =	swait.ge [sflag:s16], $0x10  }
0x47f: {  	[sflag:s16] =	ssyncset.done $0x0  }
0x480: {  	[sflag:s16] =	ssyncadd.s32 $0xFFFFFFF0;
	s1 =	simm.s32 $0x0  }
0x481: {  	[hbm4b:s11+s1] =	stream.linear.scatter [tilespmem:s15], [sflag:$0x1], $0x4000, $0x38;
	[tilespmem:$0x4400] =	vst v63  }
0x482: {  	_ =	swait.ge [sflag:s14], $0x4000  }
0x483: {  	[sflag:s14] =	ssyncset.done $0x0  }
0x484: {  	s18 =	simm.s32 $0x380;
	[sflag:s14] =	ssyncadd.s32 $0xFFFFC000  }
0x485: {  	v0 =	vld [tilespmem:s18+$0x0];
	_ =	sdelay $0x4  }
0x486: {  	v0 =	vshll.u32 v0, $0x4  }
0x487: {  	(v2sf) =	vpush v0, $0x0;
	_ =	sdelay $0x1  }
0x488: {  	(v2sf) =	vpush v0, $0x1;
	_ =	sdelay $0x3  }
0x489: {  	(v2sf) =	vpush v0, $0x2;
	_ =	sdelay $0x3  }
0x48a: {  	(v2sf) =	vpush v0, $0x3;
	_ =	sdelay $0x3  }
0x48b: {  	(v2sf) =	vpush v0, $0x4  }
0x48c: {  	s22 =	spop (v2sf)  }
0x48d: {  	s19 =	simm.s32 $0x80;
	s1 =	sand.u32 $0x1FFFFFF0, s22  }
0x48e: {  	s21 =	simm.s32 $0x400;
	s20 =	spop (v2sf);
	s1 =	sadd.s32 s3, s1  }
0x48f: {  	(v2sf) =	vpush v0, $0x5;
	[tilespmem:s21], [sflag:$0x2] =	stream.strided.gather [hbm4b:s1+s19], $0x0, s15, s19, $0x38;
	[tilespmem:$0x4400] =	vst v63  }
0x490: {  	s20 =	sand.u32 $0x1FFFFFF0, s20  }
0x491: {  	[tilespmem:s21], [sflag:$0x2] =	stream.linear.gather [hbm4b:s1+s2], $0x10, $0x38;
	[tilespmem:$0x4400] =	vst v63  }
0x492: {  	s23 =	simm.s32 $0x480;
	s24 =	spop (v2sf);
	s20 =	sadd.s32 s3, s20  }
0x493: {  	(v2sf) =	vpush v0, $0x6;
	[tilespmem:s23], [sflag:$0x2] =	stream.strided.gather [hbm4b:s20+s19], $0x0, s15, s19, $0x38;
	[tilespmem:$0x4400] =	vst v63  }
0x494: {  	s21 =	sand.u32 $0x1FFFFFF0, s24  }
0x495: {  	[tilespmem:s23], [sflag:$0x2] =	stream.linear.gather [hbm4b:s20+s2], $0x10, $0x38;
	[tilespmem:$0x4400] =	vst v63  }
0x496: {  	s26 =	simm.s32 $0x500;
	s25 =	spop (v2sf);
	s21 =	sadd.s32 s3, s21  }
0x497: {  	(v2sf) =	vpush v0, $0x7;
	[tilespmem:s26], [sflag:$0x2] =	stream.strided.gather [hbm4b:s21+s19], $0x0, s15, s19, $0x38;
	[tilespmem:$0x4400] =	vst v63  }
0x498: {  	s1 =	sand.u32 $0x1FFFFFF0, s25  }
0x499: {  	[tilespmem:s26], [sflag:$0x2] =	stream.linear.gather [hbm4b:s21+s2], $0x10, $0x38;
	[tilespmem:$0x4400] =	vst v63  }
0x49a: {  	s29 =	simm.s32 $0x580;
	s28 =	spop (v2sf);
	s1 =	sadd.s32 s3, s1  }
0x49b: {  	(v2sf) =	vpush v0, $0x8;
	[tilespmem:s29], [sflag:$0x2] =	stream.strided.gather [hbm4b:s1+s19], $0x0, s15, s19, $0x38;
	[tilespmem:$0x4400] =	vst v63  }
0x49c: {  	s20 =	sand.u32 $0x1FFFFFF0, s28  }
0x49d: {  	[tilespmem:s29], [sflag:$0x2] =	stream.linear.gather [hbm4b:s1+s2], $0x10, $0x38;
	[tilespmem:$0x4400] =	vst v63  }
0x49e: {  	s31 =	simm.s32 $0x600;
	s20 =	sadd.s32 s3, s20;
	s30 =	spop (v2sf)  }
0x49f: {  	(v2sf) =	vpush v0, $0x9;
	[tilespmem:s31], [sflag:$0x2] =	stream.strided.gather [hbm4b:s20+s19], $0x0, s15, s19, $0x38;
	[tilespmem:$0x4400] =	vst v63  }
0x4a0: {  	s1 =	sand.u32 $0x1FFFFFF0, s30  }
0x4a1: {  	[tilespmem:s31], [sflag:$0x2] =	stream.linear.gather [hbm4b:s20+s2], $0x10, $0x38;
	[tilespmem:$0x4400] =	vst v63  }
0x4a2: {  	s22 =	simm.s32 $0x680;
	s21 =	spop (v2sf);
	s1 =	sadd.s32 s3, s1  }
0x4a3: {  	(v2sf) =	vpush v0, $0xA;
	[tilespmem:s22], [sflag:$0x2] =	stream.strided.gather [hbm4b:s1+s19], $0x0, s15, s19, $0x38;
	[tilespmem:$0x4400] =	vst v63  }
0x4a4: {  	s20 =	sand.u32 $0x1FFFFFF0, s21  }
0x4a5: {  	[tilespmem:s22], [sflag:$0x2] =	stream.linear.gather [hbm4b:s1+s2], $0x10, $0x38;
	[tilespmem:$0x4400] =	vst v63  }
0x4a6: {  	s24 =	simm.s32 $0x700;
	s23 =	spop (v2sf);
	s20 =	sadd.s32 s3, s20  }
0x4a7: {  	(v2sf) =	vpush v0, $0xB;
	[tilespmem:s24], [sflag:$0x2] =	stream.strided.gather [hbm4b:s20+s19], $0x0, s15, s19, $0x38;
	[tilespmem:$0x4400] =	vst v63  }
0x4a8: {  	s1 =	sand.u32 $0x1FFFFFF0, s23  }
0x4a9: {  	[tilespmem:s24], [sflag:$0x2] =	stream.linear.gather [hbm4b:s20+s2], $0x10, $0x38;
	[tilespmem:$0x4400] =	vst v63  }
0x4aa: {  	s26 =	simm.s32 $0x780;
	s25 =	spop (v2sf);
	s1 =	sadd.s32 s3, s1  }
0x4ab: {  	(v2sf) =	vpush v0, $0xC;
	[tilespmem:s26], [sflag:$0x2] =	stream.strided.gather [hbm4b:s1+s19], $0x0, s15, s19, $0x38;
	[tilespmem:$0x4400] =	vst v63  }
0x4ac: {  	s20 =	sand.u32 $0x1FFFFFF0, s25  }
0x4ad: {  	[tilespmem:s26], [sflag:$0x2] =	stream.linear.gather [hbm4b:s1+s2], $0x10, $0x38;
	[tilespmem:$0x4400] =	vst v63  }
0x4ae: {  	s29 =	simm.s32 $0x800;
	s28 =	spop (v2sf);
	s20 =	sadd.s32 s3, s20  }
0x4af: {  	(v2sf) =	vpush v0, $0xD;
	[tilespmem:s29], [sflag:$0x2] =	stream.strided.gather [hbm4b:s20+s19], $0x0, s15, s19, $0x38;
	[tilespmem:$0x4400] =	vst v63  }
0x4b0: {  	s1 =	sand.u32 $0x1FFFFFF0, s28  }
0x4b1: {  	[tilespmem:s29], [sflag:$0x2] =	stream.linear.gather [hbm4b:s20+s2], $0x10, $0x38;
	[tilespmem:$0x4400] =	vst v63  }
0x4b2: {  	s31 =	simm.s32 $0x880;
	s30 =	spop (v2sf);
	s1 =	sadd.s32 s3, s1  }
0x4b3: {  	(v2sf) =	vpush v0, $0xE;
	[tilespmem:s31], [sflag:$0x2] =	stream.strided.gather [hbm4b:s1+s19], $0x0, s15, s19, $0x38;
	[tilespmem:$0x4400] =	vst v63  }
0x4b4: {  	s20 =	sand.u32 $0x1FFFFFF0, s30  }
0x4b5: {  	[tilespmem:s31], [sflag:$0x2] =	stream.linear.gather [hbm4b:s1+s2], $0x10, $0x38;
	[tilespmem:$0x4400] =	vst v63  }
0x4b6: {  	s22 =	simm.s32 $0x900;
	s21 =	spop (v2sf);
	s20 =	sadd.s32 s3, s20  }
0x4b7: {  	(v2sf) =	vpush v0, $0xF;
	[tilespmem:s22], [sflag:$0x2] =	stream.strided.gather [hbm4b:s20+s19], $0x0, s15, s19, $0x38;
	[tilespmem:$0x4400] =	vst v63  }
0x4b8: {  	s1 =	sand.u32 $0x1FFFFFF0, s21  }
0x4b9: {  	[tilespmem:s22], [sflag:$0x2] =	stream.linear.gather [hbm4b:s20+s2], $0x10, $0x38;
	[tilespmem:$0x4400] =	vst v63  }
0x4ba: {  	s24 =	simm.s32 $0x980;
	s23 =	spop (v2sf);
	s1 =	sadd.s32 s3, s1  }
0x4bb: {  	[tilespmem:s24], [sflag:$0x2] =	stream.strided.gather [hbm4b:s1+s19], $0x0, s15, s19, $0x38;
	[tilespmem:$0x4400] =	vst v63  }
0x4bc: {  	s20 =	sand.u32 $0x1FFFFFF0, s23  }
0x4bd: {  	[tilespmem:s24], [sflag:$0x2] =	stream.linear.gather [hbm4b:s1+s2], $0x10, $0x38;
	[tilespmem:$0x4400] =	vst v63  }
0x4be: {  	s26 =	simm.s32 $0xA00;
	s25 =	spop (v2sf);
	s20 =	sadd.s32 s3, s20  }
0x4bf: {  	[tilespmem:s26], [sflag:$0x2] =	stream.strided.gather [hbm4b:s20+s19], $0x0, s15, s19, $0x38;
	[tilespmem:$0x4400] =	vst v63  }
0x4c0: {  	s1 =	sand.u32 $0x1FFFFFF0, s25  }
0x4c1: {  	[tilespmem:s26], [sflag:$0x2] =	stream.linear.gather [hbm4b:s20+s2], $0x10, $0x38;
	[tilespmem:$0x4400] =	vst v63  }
0x4c2: {  	s29 =	simm.s32 $0xA80;
	s28 =	spop (v2sf);
	s1 =	sadd.s32 s3, s1  }
0x4c3: {  	[tilespmem:s29], [sflag:$0x2] =	stream.strided.gather [hbm4b:s1+s19], $0x0, s15, s19, $0x38;
	[tilespmem:$0x4400] =	vst v63  }
0x4c4: {  	s20 =	sand.u32 $0x1FFFFFF0, s28  }
0x4c5: {  	[tilespmem:s29], [sflag:$0x2] =	stream.linear.gather [hbm4b:s1+s2], $0x10, $0x38;
	[tilespmem:$0x4400] =	vst v63  }
0x4c6: {  	s31 =	simm.s32 $0xB00;
	s30 =	spop (v2sf);
	s20 =	sadd.s32 s3, s20  }
0x4c7: {  	[tilespmem:s31], [sflag:$0x2] =	stream.strided.gather [hbm4b:s20+s19], $0x0, s15, s19, $0x38;
	[tilespmem:$0x4400] =	vst v63  }
0x4c8: {  	s1 =	sand.u32 $0x1FFFFFF0, s30  }
0x4c9: {  	[tilespmem:s31], [sflag:$0x2] =	stream.linear.gather [hbm4b:s20+s2], $0x10, $0x38;
	[tilespmem:$0x4400] =	vst v63  }
0x4ca: {  	s21 =	simm.s32 $0xB80;
	s22 =	sadd.s32 s3, s1;
	s20 =	simm.s32 $0x2000  }
0x4cb: {  	[tilespmem:s21], [sflag:$0x2] =	stream.strided.gather [hbm4b:s22+s19], $0x0, s15, s19, $0x38;
	[tilespmem:$0x4400] =	vst v63  }
.LBB2_30:
0x4cc: {  	p0 =	sne.s32 s20, $0xE000  }
0x4cd: {  	s18 =	sadd.s32 $0x10, s18;
	s1 =	smov.u32 s20;
	s20 =	sadd.s32 $0x2000, s20  }
0x4ce: {  	[tilespmem:s21], [sflag:$0x2] =	stream.linear.gather [hbm4b:s22+s2], $0x10, $0x38;
	[tilespmem:$0x4400] =	vst v63  }
0x4cf: {  	v0 =	vld [tilespmem:s18+$0x0];
	_ =	sdelay $0x4  }
0x4d0: {  	v0 =	vshll.u32 v0, $0x4  }
0x4d1: {  	(v2sf) =	vpush v0, $0x0  }
0x4d2: {  	(v2sf) =	vpush v0, $0x1  }
0x4d3: {  	(v2sf) =	vpush v0, $0x2;
	_ =	sdelay $0x2  }
0x4d4: {  	(v2sf) =	vpush v0, $0x3;
	_ =	sdelay $0x1  }
0x4d5: {  	(v2sf) =	vpush v0, $0x4;
	_ =	sdelay $0x1  }
0x4d6: {  	(v2sf) =	vpush v0, $0x5;
	_ =	sdelay $0x1  }
0x4d7: {  	(v2sf) =	vpush v0, $0x6;
	_ =	sdelay $0x1  }
0x4d8: {  	(v2sf) =	vpush v0, $0x7;
	_ =	sdelay $0x1  }
0x4d9: {  	s22 =	spop (v2sf);
	(v2sf) =	vpush v0, $0x8  }
0x4da: {  	s21 =	sshra.s32 s1, $0x2;
	s1 =	sand.u32 $0x1FFFFFF0, s22;
	s22 =	spop (v2sf)  }
0x4db: {  	s23 =	sadd.s32 $0x480, s21;
	s1 =	sadd.s32 s3, s1;
	s24 =	spop (v2sf);
	(v2sf) =	vpush v0, $0x9  }
0x4dc: {  	s25 =	sadd.s32 $0x400, s21;
	s22 =	sand.u32 $0x1FFFFFF0, s22;
	s24 =	sand.u32 $0x1FFFFFF0, s24  }
0x4dd: {  	[tilespmem:s25], [sflag:$0x2] =	stream.strided.gather [hbm4b:s1+s19], $0x0, s15, s19, $0x38;
	(v2sf) =	vpush v0, $0xA;
	[tilespmem:$0x4400] =	vst v63  }
0x4de: {  	s26 =	spop (v2sf)  }
0x4df: {  	[tilespmem:s25], [sflag:$0x2] =	stream.linear.gather [hbm4b:s1+s2], $0x10, $0x38;
	(v2sf) =	vpush v0, $0xB;
	[tilespmem:$0x4400] =	vst v63  }
0x4e0: {  	s1 =	sadd.s32 s3, s22;
	s22 =	sand.u32 $0x1FFFFFF0, s26;
	s25 =	spop (v2sf)  }
0x4e1: {  	[tilespmem:s23], [sflag:$0x2] =	stream.strided.gather [hbm4b:s1+s19], $0x0, s15, s19, $0x38;
	(v2sf) =	vpush v0, $0xC;
	[tilespmem:$0x4400] =	vst v63  }
0x4e2: {  	s26 =	sadd.s32 $0x500, s21;
	s25 =	sand.u32 $0x1FFFFFF0, s25;
	s28 =	spop (v2sf)  }
0x4e3: {  	[tilespmem:s23], [sflag:$0x2] =	stream.linear.gather [hbm4b:s1+s2], $0x10, $0x38;
	[tilespmem:$0x4400] =	vst v63  }
0x4e4: {  	s1 =	sadd.s32 s3, s24;
	s23 =	sand.u32 $0x1FFFFFF0, s28;
	s24 =	spop (v2sf)  }
0x4e5: {  	[tilespmem:s26], [sflag:$0x2] =	stream.strided.gather [hbm4b:s1+s19], $0x0, s15, s19, $0x38;
	(v2sf) =	vpush v0, $0xD;
	[tilespmem:$0x4400] =	vst v63  }
0x4e6: {  	s28 =	sadd.s32 $0x580, s21;
	s24 =	sand.u32 $0x1FFFFFF0, s24;
	s29 =	spop (v2sf)  }
0x4e7: {  	[tilespmem:s26], [sflag:$0x2] =	stream.linear.gather [hbm4b:s1+s2], $0x10, $0x38;
	[tilespmem:$0x4400] =	vst v63  }
0x4e8: {  	s1 =	sadd.s32 s3, s22;
	s22 =	sand.u32 $0x1FFFFFF0, s29;
	s26 =	spop (v2sf)  }
0x4e9: {  	[tilespmem:s28], [sflag:$0x2] =	stream.strided.gather [hbm4b:s1+s19], $0x0, s15, s19, $0x38;
	(v2sf) =	vpush v0, $0xE;
	[tilespmem:$0x4400] =	vst v63  }
0x4ea: {  	s29 =	sadd.s32 $0x600, s21;
	s26 =	sand.u32 $0x1FFFFFF0, s26;
	s30 =	spop (v2sf)  }
0x4eb: {  	[tilespmem:s28], [sflag:$0x2] =	stream.linear.gather [hbm4b:s1+s2], $0x10, $0x38;
	[tilespmem:$0x4400] =	vst v63  }
0x4ec: {  	s1 =	sadd.s32 s3, s25;
	s25 =	sand.u32 $0x1FFFFFF0, s30;
	s28 =	spop (v2sf)  }
0x4ed: {  	[tilespmem:s29], [sflag:$0x2] =	stream.strided.gather [hbm4b:s1+s19], $0x0, s15, s19, $0x38;
	(v2sf) =	vpush v0, $0xF;
	[tilespmem:$0x4400] =	vst v63  }
0x4ee: {  	s30 =	sadd.s32 $0x680, s21;
	s28 =	sand.u32 $0x1FFFFFF0, s28;
	s31 =	spop (v2sf)  }
0x4ef: {  	[tilespmem:s29], [sflag:$0x2] =	stream.linear.gather [hbm4b:s1+s2], $0x10, $0x38;
	[tilespmem:$0x4400] =	vst v63  }
0x4f0: {  	s1 =	sadd.s32 s3, s23;
	s23 =	sand.u32 $0x1FFFFFF0, s31;
	s29 =	spop (v2sf)  }
0x4f1: {  	[tilespmem:s30], [sflag:$0x2] =	stream.strided.gather [hbm4b:s1+s19], $0x0, s15, s19, $0x38;
	[tilespmem:$0x4400] =	vst v63  }
0x4f2: {  	s24 =	sadd.s32 s3, s24;
	s31 =	sadd.s32 $0x700, s21;
	s29 =	sand.u32 $0x1FFFFFF0, s29  }
0x4f3: {  	[tilespmem:s30], [sflag:$0x2] =	stream.linear.gather [hbm4b:s1+s2], $0x10, $0x38;
	[tilespmem:$0x4400] =	vst v63  }
0x4f4: {  	s1 =	spop (v2sf)  }
0x4f5: {  	[tilespmem:s31], [sflag:$0x2] =	stream.strided.gather [hbm4b:s24+s19], $0x0, s15, s19, $0x38;
	[tilespmem:$0x4400] =	vst v63  }
0x4f6: {  	s22 =	sadd.s32 s3, s22;
	s30 =	sadd.s32 $0x780, s21;
	s1 =	sand.u32 $0x1FFFFFF0, s1  }
0x4f7: {  	[tilespmem:s31], [sflag:$0x2] =	stream.linear.gather [hbm4b:s24+s2], $0x10, $0x38;
	[tilespmem:$0x4400] =	vst v63  }
0x4f8: {  	s24 =	spop (v2sf)  }
0x4f9: {  	[tilespmem:s30], [sflag:$0x2] =	stream.strided.gather [hbm4b:s22+s19], $0x0, s15, s19, $0x38;
	[tilespmem:$0x4400] =	vst v63  }
0x4fa: {  	s26 =	sadd.s32 s3, s26;
	s31 =	sadd.s32 $0x800, s21;
	s24 =	sand.u32 $0x1FFFFFF0, s24  }
0x4fb: {  	[tilespmem:s30], [sflag:$0x2] =	stream.linear.gather [hbm4b:s22+s2], $0x10, $0x38;
	[tilespmem:$0x4400] =	vst v63  }
0x4fc: {  	s22 =	spop (v2sf)  }
0x4fd: {  	[tilespmem:s31], [sflag:$0x2] =	stream.strided.gather [hbm4b:s26+s19], $0x0, s15, s19, $0x38;
	[tilespmem:$0x4400] =	vst v63  }
0x4fe: {  	s25 =	sadd.s32 s3, s25;
	s30 =	sadd.s32 $0x880, s21;
	s22 =	sand.u32 $0x1FFFFFF0, s22  }
0x4ff: {  	[tilespmem:s31], [sflag:$0x2] =	stream.linear.gather [hbm4b:s26+s2], $0x10, $0x38;
	[tilespmem:$0x4400] =	vst v63  }
0x500: {  	_ = 	snop  }
0x501: {  	[tilespmem:s30], [sflag:$0x2] =	stream.strided.gather [hbm4b:s25+s19], $0x0, s15, s19, $0x38;
	[tilespmem:$0x4400] =	vst v63  }
0x502: {  	s28 =	sadd.s32 s3, s28;
	s26 =	sadd.s32 $0x900, s21  }
0x503: {  	[tilespmem:s30], [sflag:$0x2] =	stream.linear.gather [hbm4b:s25+s2], $0x10, $0x38;
	[tilespmem:$0x4400] =	vst v63  }
0x504: {  	_ = 	snop  }
0x505: {  	[tilespmem:s26], [sflag:$0x2] =	stream.strided.gather [hbm4b:s28+s19], $0x0, s15, s19, $0x38;
	[tilespmem:$0x4400] =	vst v63  }
0x506: {  	s23 =	sadd.s32 s3, s23;
	s25 =	sadd.s32 $0x980, s21  }
0x507: {  	[tilespmem:s26], [sflag:$0x2] =	stream.linear.gather [hbm4b:s28+s2], $0x10, $0x38;
	[tilespmem:$0x4400] =	vst v63  }
0x508: {  	_ = 	snop  }
0x509: {  	[tilespmem:s25], [sflag:$0x2] =	stream.strided.gather [hbm4b:s23+s19], $0x0, s15, s19, $0x38;
	[tilespmem:$0x4400] =	vst v63  }
0x50a: {  	s26 =	sadd.s32 $0xA00, s21;
	s28 =	sadd.s32 s3, s29  }
0x50b: {  	[tilespmem:s25], [sflag:$0x2] =	stream.linear.gather [hbm4b:s23+s2], $0x10, $0x38;
	[tilespmem:$0x4400] =	vst v63  }
0x50c: {  	_ = 	snop  }
0x50d: {  	[tilespmem:s26], [sflag:$0x2] =	stream.strided.gather [hbm4b:s28+s19], $0x0, s15, s19, $0x38;
	[tilespmem:$0x4400] =	vst v63  }
0x50e: {  	s1 =	sadd.s32 s3, s1;
	s23 =	sadd.s32 $0xA80, s21  }
0x50f: {  	[tilespmem:s26], [sflag:$0x2] =	stream.linear.gather [hbm4b:s28+s2], $0x10, $0x38;
	[tilespmem:$0x4400] =	vst v63  }
0x510: {  	_ = 	snop  }
0x511: {  	[tilespmem:s23], [sflag:$0x2] =	stream.strided.gather [hbm4b:s1+s19], $0x0, s15, s19, $0x38;
	[tilespmem:$0x4400] =	vst v63  }
0x512: {  	s24 =	sadd.s32 s3, s24;
	s25 =	sadd.s32 $0xB00, s21  }
0x513: {  	[tilespmem:s23], [sflag:$0x2] =	stream.linear.gather [hbm4b:s1+s2], $0x10, $0x38;
	[tilespmem:$0x4400] =	vst v63  }
0x514: {  	_ = 	snop  }
0x515: {  	[tilespmem:s25], [sflag:$0x2] =	stream.strided.gather [hbm4b:s24+s19], $0x0, s15, s19, $0x38;
	[tilespmem:$0x4400] =	vst v63  }
.Ltmp14:
0x516: {  	_ = 	snop;
	(pc) =	sbr.rel @p0 .LBB2_30-.Ltmp14, $4  }
0x517: {  	s22 =	sadd.s32 s3, s22;
	s21 =	sadd.s32 $0xB80, s21  }
0x518: {  	[tilespmem:s25], [sflag:$0x2] =	stream.linear.gather [hbm4b:s24+s2], $0x10, $0x38;
	[tilespmem:$0x4400] =	vst v63  }
0x519: {  	_ = 	snop  }
0x51a: {  	[tilespmem:s21], [sflag:$0x2] =	stream.strided.gather [hbm4b:s22+s19], $0x0, s15, s19, $0x38;
	[tilespmem:$0x4400] =	vst v63  }
0x51b: {  	[tilespmem:s21], [sflag:$0x2] =	stream.linear.gather [hbm4b:s22+s2], $0x10, $0x38;
	[tilespmem:$0x4400] =	vst v63  }
0x51c: {  	_ =	swait.ge [sflag:s16], $0x10  }
0x51d: {  	s18 =	simm.s32 $0x7F;
	[sflag:s16] =	ssyncset.done $0x0  }
.LBB2_32:
0x51e: {  	p0 =	sne.s32 s18, $0x1;
	s18 =	sadd.s32 $0xFFFFFFFF, s18;
	[sflag:s16] =	ssyncadd.s32 $0xFFFFFFF0  }
.Ltmp15:
0x51f: {  	(pc) =	sbr.rel @p0 .LBB2_32-.Ltmp15, $3  }
0x520: {  	_ =	sdelay $0x1  }
0x521: {  	_ =	swait.ge [sflag:s16], $0x10  }
0x522: {  	[sflag:s16] =	ssyncset.done $0x0  }
0x523: {  	s17 =	sadd.s32 $0x1, s17  }
0x524: {  	p0 =	sne.s32 s17, s13  }
.Ltmp16:
0x525: {  	[sflag:s16] =	ssyncadd.s32 $0xFFFFFFF0;
	(pc) =	sbr.rel @p0 .LBB2_1-.Ltmp16, $4  }
0x526: {  	[hbm4b:s12+s2] =	stream.linear.scatter [tilespmem:s15], [sflag:$0x1], $0x4000, $0x38;
	[tilespmem:$0x4400] =	vst v63  }
0x527: {  	_ =	swait.ge [sflag:s14], $0x4000  }
0x528: {  	[sflag:s14] =	ssyncset.done $0x0  }
0x529: {  	[sflag:s14] =	ssyncadd.s32 $0xFFFFC000  }
0x52a: {  	_ =	sfence.sel $0x180000  }
0x52b: {  	[bflag:$0x0] =	sbarrier.arrive $0xFFFF  }
0x52c: {  	_ =	strace $0x90000047  }
0x52d: {  	[bflag:$0x2] =	sbarrier.arrive $0xFFFF  }
0x52e: {  	p0 =	sne.s32 s0, $0x0;
	s0 =	rddreg [dreg:$0x2]  }
0x52f: {  	s0 =	sadd.s32 @!p0 $0x100000, s0  }
0x530: {  	[sflag:s0] =	ssyncadd.tile.s32 @!p0 $0x1;
	_ =	shalt  }
.Lfunc_end2:
_tile_overlayer_lowered:
.L_overlay_start_2:
0x531: {  	(tag) =	ssettag $0x2  }
0x532: {  	s0 =	rddreg [dreg:$0x0];
	s2 =	stileid.u32  }
0x533: {  	s1 =	rddreg [dreg:$0x1];
	p0 =	sne.s32 s2, $0x0  }
0x534: {  	s3 =	rddreg [dreg:$0x2];
	[bflag:$0x3] =	sbarrier.arrive $0xFFFF;
	s2 =	simm.s32 @!p0 $0x1C03  }
0x535: {  	[timem:s3], [sflag:s2] =	dma.local @!p0 [hbm:s0], s1  }
0x536: {  	s0 =	simm.s32 @!p0 $0x3  }
0x537: {  	_ =	swait.ge @!p0 [sflag:s0], s1  }
0x538: {  	s1 =	ssub.s32 @!p0 $0x0, s1;
	[sflag:s0] =	ssyncset.done @!p0 $0x0  }
0x539: {  	[sflag:s0] =	ssyncadd.s32 @!p0 s1  }
0x53a: {  	[bflag:$0x3] =	sbarrier.arrive $0xFFFF  }
0x53b: {  	_ =	shalt  }

</sc_bundles>
